<compile_context>
chip_gen: v7x
topology: tpu7x:2x2x1
jax: 0.10.2.dev20260603
libtpu: 0.0.44.dev20260713+nightly
codegen_flags: <defaults>
</compile_context>

<pallas_src>
import functools

import jax
import jax.numpy as jnp
from jax import lax
from jax.experimental import pallas as pl
from jax.experimental.pallas import tpu as pltpu
from jax.experimental.pallas import tpu_sc as plsc

_NUM_FILTERS = 128
_LANES = 16
_NUM_CORES = 2
_NUM_SUBCORES = 16
_NUM_WORKERS = _NUM_CORES * _NUM_SUBCORES
_BLKE = 32768
_SUB = 128


def _sc_dist2(pos_flat, ei_flat):
    num_edges = ei_flat.shape[0] // 2
    e_per = num_edges // _NUM_WORKERS
    mesh = plsc.VectorSubcoreMesh(core_axis_name="c", subcore_axis_name="s")

    @functools.partial(
        pl.kernel,
        out_type=jax.ShapeDtypeStruct((num_edges,), jnp.float32),
        mesh=mesh,
        scratch_types=[
            pltpu.VMEM((pos_flat.shape[0],), jnp.float32),
            pltpu.VMEM((e_per,), jnp.int32),
            pltpu.VMEM((e_per,), jnp.int32),
            pltpu.VMEM((e_per,), jnp.float32),
            pltpu.SemaphoreType.DMA,
            pltpu.SemaphoreType.DMA,
            pltpu.SemaphoreType.DMA,
        ],
        compiler_params=pltpu.CompilerParams(needs_layout_passes=False),
    )
    def sc_k(pos_hbm, ei_hbm, d2_hbm, pos_v, src_v, dst_v, d2_v,
             sem0, sem1, sem2):
        wid = lax.axis_index("s") * _NUM_CORES + lax.axis_index("c")
        base = wid * e_per
        cp0 = pltpu.async_copy(pos_hbm, pos_v, sem0)
        cp1 = pltpu.async_copy(ei_hbm.at[pl.ds(base, e_per)], src_v, sem1)
        cp2 = pltpu.async_copy(ei_hbm.at[pl.ds(num_edges + base, e_per)], dst_v,
                               sem2)
        cp1.wait()
        cp2.wait()
        cp0.wait()

        @plsc.parallel_loop(0, e_per // _LANES, unroll=16)
        def _body(i):
            off = pl.multiple_of(i * _LANES, _LANES)
            s4 = src_v[pl.ds(off, _LANES)] * 4
            t4 = dst_v[pl.ds(off, _LANES)] * 4
            dx = plsc.load_gather(pos_v, [s4]) - plsc.load_gather(pos_v, [t4])
            dy = plsc.load_gather(pos_v, [s4 + 1]) - plsc.load_gather(pos_v, [t4 + 1])
            dz = plsc.load_gather(pos_v, [s4 + 2]) - plsc.load_gather(pos_v, [t4 + 2])
            d2_v[pl.ds(off, _LANES)] = dx * dx + dy * dy + dz * dz

        pltpu.sync_copy(d2_v, d2_hbm.at[pl.ds(base, e_per)])

    return sc_k(pos_flat, ei_flat)


def _tc_expand_body(d2_ref, y_ref, out_ref):
    d2r = d2_ref[...]
    dr = jnp.sqrt(d2r)
    y = y_ref[...]
    mub = jnp.broadcast_to(lax.slice(y, (1, 0), (2, _NUM_FILTERS)),
                           (_SUB, _NUM_FILTERS))
    lb_ = jnp.broadcast_to(lax.slice(y, (0, 0), (1, _NUM_FILTERS)),
                           (_SUB, _NUM_FILTERS))
    for j in range(_BLKE // _SUB):
        row = lax.slice(dr, (j, 0), (j + 1, _SUB))
        bc = jnp.broadcast_to(row, (_SUB, _SUB))
        col = jnp.transpose(bc)
        t = col - mub
        out_ref[j * _SUB:(j + 1) * _SUB, :] = jnp.exp2(lb_ * t * t)


def _tc_expand(d2_rows, y_mat):
    num_rows = d2_rows.shape[0]
    rows_per_blk = _BLKE // _SUB
    num_edges = num_rows * _SUB
    return pl.pallas_call(
        _tc_expand_body,
        grid=(pl.cdiv(num_rows, rows_per_blk),),
        in_specs=[
            pl.BlockSpec((rows_per_blk, _SUB), lambda i: (i, 0)),
            pl.BlockSpec((2, _NUM_FILTERS), lambda i: (0, 0)),
        ],
        out_specs=pl.BlockSpec((_BLKE, _NUM_FILTERS), lambda i: (i, 0)),
        out_shape=jax.ShapeDtypeStruct((num_edges, _NUM_FILTERS), jnp.float32),
    )(d2_rows, y_mat)


def kernel(node_pos, edge_index, lower_bound, upper_bound, gamma):
    num_edges = edge_index.shape[1]
    pos_flat = jnp.pad(node_pos, ((0, 0), (0, 1))).reshape(-1)
    d2 = _sc_dist2(pos_flat, edge_index.reshape(-1))

    lb = jnp.asarray(lower_bound, jnp.float32)
    ub = jnp.asarray(upper_bound, jnp.float32)
    log2e = jnp.float32(1.4426950408889634)
    l = -jnp.asarray(gamma, jnp.float32) * log2e
    mu_row = jnp.linspace(lb, ub, _NUM_FILTERS)[None, :]
    y_mat = jnp.concatenate(
        [jnp.broadcast_to(l, (1, _NUM_FILTERS)), mu_row], axis=0)
    return _tc_expand(d2.reshape(num_edges // _SUB, _SUB), y_mat)

# --- scband reference (transcript-rebuilt; emitter-appended) ---
"""Pipeline reference for scband-filter-generating-networks-27994596835766 (READ-ONLY COPY).

The authoritative reference and input builder live on the scoring server;
editing this copy changes nothing except your own understanding.
"""

import jax, jax.numpy as jnp
import numpy as np

NUM_FILTERS = 128
N_NODES = 10000
N_EDGES = 320000


def setup_inputs(seed: int = 0) -> dict:
    key = jax.random.key(seed)
    k1, k2, k3 = jax.random.split(key, 3)
    node_pos = jax.random.uniform(k1, (N_NODES, 3), dtype=jnp.float32)
    # build edge_index with randint; avoid exact self-loops so the sqrt is
    # well-defined everywhere (distance > 0)
    source = jax.random.randint(k2, (N_EDGES,), 0, N_NODES, dtype=jnp.int32)
    offset = jax.random.randint(k3, (N_EDGES,), 1, N_NODES, dtype=jnp.int32)
    target = (source + offset) % N_NODES
    edge_index = jnp.stack([source, target], axis=0)
    return {
        "node_pos": node_pos,
        "edge_index": edge_index,
        "lower_bound": 0,
        "upper_bound": 2,
        "gamma": 10,
    }


def reference(node_pos, edge_index, lower_bound, upper_bound, gamma):
    source = edge_index[0]
    target = edge_index[1]
    # gather node positions for both endpoints of every edge
    diff = jnp.take(node_pos, source, axis=0) - jnp.take(node_pos, target, axis=0)
    distance = jnp.sum(diff ** 2, axis=-1) ** 0.5  # [E]
    num_edges = edge_index.shape[-1]
    distance_lifted = jnp.broadcast_to(distance[:, None], (num_edges, NUM_FILTERS))
    mu = jnp.linspace(
        jnp.asarray(lower_bound, jnp.float32),
        jnp.asarray(upper_bound, jnp.float32),
        NUM_FILTERS,
    )
    mu_lifted = jnp.broadcast_to(mu[None, :], (num_edges, NUM_FILTERS))
    expanded_distance = jnp.exp(-gamma * (distance_lifted - mu_lifted) ** 2)
    return expanded_distance

if __name__ == "__main__":
    import jax
    _d = setup_inputs()
    print(jax.jit(kernel)(*tuple(_d.values())))

</pallas_src>

<mosaic_0001>
#map = affine_map<(d0, d1) -> (0)>
module attributes {stable_mosaic.version = 14 : i64} {
  func.func @sc_k(%arg0: i32, %arg1: i32, %arg2: memref<40000xf32, #tpu.memory_space<hbm>>, %arg3: memref<640000xi32, #tpu.memory_space<hbm>>, %arg4: memref<320000xf32, #tpu.memory_space<hbm>>, %arg5: memref<40000xf32, #tpu.memory_space<vmem>>, %arg6: memref<10000xi32, #tpu.memory_space<vmem>>, %arg7: memref<10000xi32, #tpu.memory_space<vmem>>, %arg8: memref<10000xf32, #tpu.memory_space<vmem>>, %arg9: memref<!tpu.dma_semaphore, #tpu.memory_space<semaphore_mem>>, %arg10: memref<!tpu.dma_semaphore, #tpu.memory_space<semaphore_mem>>, %arg11: memref<!tpu.dma_semaphore, #tpu.memory_space<semaphore_mem>>) attributes {dimension_semantics = [#tpu.dimension_semantics<core_parallel>, #tpu.dimension_semantics<subcore_parallel>], iteration_bounds = array<i64: 2, 16>, scalar_prefetch = 0 : i64, scratch_operands = 7 : i64, tpu.core_type = #tpu.core_type<sc_vector_subcore>, window_params = [{transform_indices = #map}, {transform_indices = #map}, {transform_indices = #map}]} {
    %mul3A = arith.constant 2 : i32
    %mul3A_0 = arith.muli %arg1, %mul3A : i32
    %add3A = arith.addi %mul3A_0, %arg0 : i32
    %mul3A_1 = arith.constant 10000 : i32
    %mul3A_2 = arith.muli %add3A, %mul3A_1 : i32
    tpu.enqueue_dma source(%arg2 : memref<40000xf32, #tpu.memory_space<hbm>>) target(%arg5 : memref<40000xf32, #tpu.memory_space<vmem>>) target_semaphore(%arg9 : memref<!tpu.dma_semaphore, #tpu.memory_space<semaphore_mem>>)
    %dma_start3A = tpu.memref_slice %arg3[%mul3A_2] : memref<640000xi32, #tpu.memory_space<hbm>> -> memref<10000xi32, #tpu.memory_space<hbm>>
    %dma_start3A_3 = tpu.memref_slice %arg3[%mul3A_2] : memref<640000xi32, #tpu.memory_space<hbm>> -> memref<10000xi32, #tpu.memory_space<hbm>>
    tpu.enqueue_dma source(%dma_start3A_3 : memref<10000xi32, #tpu.memory_space<hbm>>) target(%arg6 : memref<10000xi32, #tpu.memory_space<vmem>>) target_semaphore(%arg10 : memref<!tpu.dma_semaphore, #tpu.memory_space<semaphore_mem>>)
    %add3A_4 = arith.constant 320000 : i32
    %add3A_5 = arith.addi %add3A_4, %mul3A_2 : i32
    %dma_start3A_6 = tpu.memref_slice %arg3[%add3A_5] : memref<640000xi32, #tpu.memory_space<hbm>> -> memref<10000xi32, #tpu.memory_space<hbm>>
    %dma_start3A_7 = tpu.memref_slice %arg3[%add3A_5] : memref<640000xi32, #tpu.memory_space<hbm>> -> memref<10000xi32, #tpu.memory_space<hbm>>
    tpu.enqueue_dma source(%dma_start3A_7 : memref<10000xi32, #tpu.memory_space<hbm>>) target(%arg7 : memref<10000xi32, #tpu.memory_space<vmem>>) target_semaphore(%arg11 : memref<!tpu.dma_semaphore, #tpu.memory_space<semaphore_mem>>)
    %dma_wait3A = tpu.memref_slice %arg3[%mul3A_2] : memref<640000xi32, #tpu.memory_space<hbm>> -> memref<10000xi32, #tpu.memory_space<hbm>>
    %dma_wait3A_8 = tpu.memref_slice %arg3[%mul3A_2] : memref<640000xi32, #tpu.memory_space<hbm>> -> memref<10000xi32, #tpu.memory_space<hbm>>
    tpu.wait_dma2 semaphore(%arg10 : memref<!tpu.dma_semaphore, #tpu.memory_space<semaphore_mem>>) src(%dma_wait3A_8 : memref<10000xi32, #tpu.memory_space<hbm>>) dst(%arg6 : memref<10000xi32, #tpu.memory_space<vmem>>)
    %dma_wait3A_9 = tpu.memref_slice %arg3[%add3A_5] : memref<640000xi32, #tpu.memory_space<hbm>> -> memref<10000xi32, #tpu.memory_space<hbm>>
    %dma_wait3A_10 = tpu.memref_slice %arg3[%add3A_5] : memref<640000xi32, #tpu.memory_space<hbm>> -> memref<10000xi32, #tpu.memory_space<hbm>>
    tpu.wait_dma2 semaphore(%arg11 : memref<!tpu.dma_semaphore, #tpu.memory_space<semaphore_mem>>) src(%dma_wait3A_10 : memref<10000xi32, #tpu.memory_space<hbm>>) dst(%arg7 : memref<10000xi32, #tpu.memory_space<vmem>>)
    tpu.wait_dma2 semaphore(%arg9 : memref<!tpu.dma_semaphore, #tpu.memory_space<semaphore_mem>>) src(%arg2 : memref<40000xf32, #tpu.memory_space<hbm>>) dst(%arg5 : memref<40000xf32, #tpu.memory_space<vmem>>)
    %parallel_loop3A = arith.constant 0 : i32
    %parallel_loop3A_11 = arith.constant 625 : i32
    %parallel_loop3A_12 = arith.constant 1 : i32
    scf.for %parallel_loop3A_13 = %parallel_loop3A to %parallel_loop3A_11 step %parallel_loop3A_12  : i32 {
      %parallel_loop3A_14 = arith.constant 16 : i32
      %parallel_loop3A_15 = arith.muli %parallel_loop3A_13, %parallel_loop3A_14 : i32
      %parallel_loop3A_16 = tpu.assume_multiple %parallel_loop3A_15, 16 : i32
      %parallel_loop3A_17 = arith.index_cast %parallel_loop3A_16 : i32 to index
      %parallel_loop3A_18 = tpu.vector_load %arg6[%parallel_loop3A_17] {strides = array<i32>} : memref<10000xi32, #tpu.memory_space<vmem>>, vector<16xi32>,
      %parallel_loop3A_19 = arith.constant 4 : i32
      %parallel_loop3A_20 = vector.broadcast %parallel_loop3A_19 : i32 to vector<16xi32>
      %parallel_loop3A_21 = arith.muli %parallel_loop3A_18, %parallel_loop3A_20 : vector<16xi32>
      %parallel_loop3A_22 = arith.index_cast %parallel_loop3A_16 : i32 to index
      %parallel_loop3A_23 = tpu.vector_load %arg7[%parallel_loop3A_22] {strides = array<i32>} : memref<10000xi32, #tpu.memory_space<vmem>>, vector<16xi32>,
      %parallel_loop3A_24 = arith.constant 4 : i32
      %parallel_loop3A_25 = vector.broadcast %parallel_loop3A_24 : i32 to vector<16xi32>
      %parallel_loop3A_26 = arith.muli %parallel_loop3A_23, %parallel_loop3A_25 : vector<16xi32>
      %parallel_loop3A_27 = tpu.vector_load_idx %arg5[%parallel_loop3A_21] : memref<40000xf32, #tpu.memory_space<vmem>>[vector<16xi32>], vector<16xf32>,
      %parallel_loop3A_28 = tpu.vector_load_idx %arg5[%parallel_loop3A_26] : memref<40000xf32, #tpu.memory_space<vmem>>[vector<16xi32>], vector<16xf32>,
      %parallel_loop3A_29 = arith.subf %parallel_loop3A_27, %parallel_loop3A_28 : vector<16xf32>
      %parallel_loop3A_30 = arith.constant 1 : i32
      %parallel_loop3A_31 = vector.broadcast %parallel_loop3A_30 : i32 to vector<16xi32>
      %parallel_loop3A_32 = arith.addi %parallel_loop3A_21, %parallel_loop3A_31 : vector<16xi32>
      %parallel_loop3A_33 = tpu.vector_load_idx %arg5[%parallel_loop3A_32] : memref<40000xf32, #tpu.memory_space<vmem>>[vector<16xi32>], vector<16xf32>,
      %parallel_loop3A_34 = arith.constant 1 : i32
      %parallel_loop3A_35 = vector.broadcast %parallel_loop3A_34 : i32 to vector<16xi32>
      %parallel_loop3A_36 = arith.addi %parallel_loop3A_26, %parallel_loop3A_35 : vector<16xi32>
      %parallel_loop3A_37 = tpu.vector_load_idx %arg5[%parallel_loop3A_36] : memref<40000xf32, #tpu.memory_space<vmem>>[vector<16xi32>], vector<16xf32>,
      %parallel_loop3A_38 = arith.subf %parallel_loop3A_33, %parallel_loop3A_37 : vector<16xf32>
      %parallel_loop3A_39 = arith.constant 2 : i32
      %parallel_loop3A_40 = vector.broadcast %parallel_loop3A_39 : i32 to vector<16xi32>
      %parallel_loop3A_41 = arith.addi %parallel_loop3A_21, %parallel_loop3A_40 : vector<16xi32>
      %parallel_loop3A_42 = tpu.vector_load_idx %arg5[%parallel_loop3A_41] : memref<40000xf32, #tpu.memory_space<vmem>>[vector<16xi32>], vector<16xf32>,
      %parallel_loop3A_43 = arith.constant 2 : i32
      %parallel_loop3A_44 = vector.broadcast %parallel_loop3A_43 : i32 to vector<16xi32>
      %parallel_loop3A_45 = arith.addi %parallel_loop3A_26, %parallel_loop3A_44 : vector<16xi32>
      %parallel_loop3A_46 = tpu.vector_load_idx %arg5[%parallel_loop3A_45] : memref<40000xf32, #tpu.memory_space<vmem>>[vector<16xi32>], vector<16xf32>,
      %parallel_loop3A_47 = arith.subf %parallel_loop3A_42, %parallel_loop3A_46 : vector<16xf32>
      %parallel_loop3A_48 = arith.mulf %parallel_loop3A_29, %parallel_loop3A_29 : vector<16xf32>
      %parallel_loop3A_49 = arith.mulf %parallel_loop3A_38, %parallel_loop3A_38 : vector<16xf32>
      %parallel_loop3A_50 = arith.addf %parallel_loop3A_48, %parallel_loop3A_49 : vector<16xf32>
      %parallel_loop3A_51 = arith.mulf %parallel_loop3A_47, %parallel_loop3A_47 : vector<16xf32>
      %parallel_loop3A_52 = arith.addf %parallel_loop3A_50, %parallel_loop3A_51 : vector<16xf32>
      %parallel_loop3A_53 = arith.index_cast %parallel_loop3A_16 : i32 to index
      %parallel_loop3A_54 = tpu.vector_load %arg8[%parallel_loop3A_53] {strides = array<i32>} : memref<10000xf32, #tpu.memory_space<vmem>>, vector<16xf32>,
      tpu.vector_store %arg8[%parallel_loop3A_53], %parallel_loop3A_52 {strides = array<i32>} : memref<10000xf32, #tpu.memory_space<vmem>>, vector<16xf32>,
    } {sc.loop_unroll_factor = 16 : i64, sc.parallel_access}
    "tpu.region"() ({
      %run_scoped3A = tpu.sem_alloc : memref<!tpu.dma_semaphore, #tpu.memory_space<semaphore_mem>>
      %dma_start3A_13 = tpu.memref_slice %arg4[%mul3A_2] : memref<320000xf32, #tpu.memory_space<hbm>> -> memref<10000xf32, #tpu.memory_space<hbm>>
      %dma_start3A_14 = tpu.memref_slice %arg4[%mul3A_2] : memref<320000xf32, #tpu.memory_space<hbm>> -> memref<10000xf32, #tpu.memory_space<hbm>>
      tpu.enqueue_dma source(%arg8 : memref<10000xf32, #tpu.memory_space<vmem>>) target(%dma_start3A_14 : memref<10000xf32, #tpu.memory_space<hbm>>) target_semaphore(%run_scoped3A : memref<!tpu.dma_semaphore, #tpu.memory_space<semaphore_mem>>)
      %dma_wait3A_15 = tpu.memref_slice %arg4[%mul3A_2] : memref<320000xf32, #tpu.memory_space<hbm>> -> memref<10000xf32, #tpu.memory_space<hbm>>
      %dma_wait3A_16 = tpu.memref_slice %arg4[%mul3A_2] : memref<320000xf32, #tpu.memory_space<hbm>> -> memref<10000xf32, #tpu.memory_space<hbm>>
      tpu.wait_dma2 semaphore(%run_scoped3A : memref<!tpu.dma_semaphore, #tpu.memory_space<semaphore_mem>>) src(%arg8 : memref<10000xf32, #tpu.memory_space<vmem>>) dst(%dma_wait3A_16 : memref<10000xf32, #tpu.memory_space<hbm>>)
      tpu.yield
    }) : () -> ()
    return
  }
}

module attributes {stable_mosaic.version = 14 : i64} {
  func.func @_tc_expand_body(%arg0: i32, %arg1: memref<256x128xf32, #tpu.memory_space<vmem>>, %arg2: memref<2x128xf32, #tpu.memory_space<vmem>>, %arg3: memref<32768x128xf32, #tpu.memory_space<vmem>>) attributes {dimension_semantics = [#tpu.dimension_semantics<arbitrary>], iteration_bounds = array<i64: 10>, scalar_prefetch = 0 : i64, scratch_operands = 0 : i64, tpu.core_type = #tpu.core_type<tc>, window_params = [{transform_indices = @transform_0, window_bounds = array<i64: 256, 128>}, {pipeline_mode = #tpu.pipeline_mode<synchronous>, transform_indices = @transform_1, window_bounds = array<i64: 2, 128>}, {transform_indices = @transform_2, window_bounds = array<i64: 32768, 128>}]} {
    %get3A = arith.constant 0 : index
    %get3A_0 = arith.constant 0 : index
    %get3A_1 = vector.load %arg1[%get3A, %get3A_0] : memref<256x128xf32, #tpu.memory_space<vmem>>, vector<256x128xf32>
    %sqrt3A = math.sqrt %get3A_1 : vector<256x128xf32>
    %get3A_2 = arith.constant 0 : index
    %get3A_3 = arith.constant 0 : index
    %get3A_4 = vector.load %arg2[%get3A_2, %get3A_3] : memref<2x128xf32, #tpu.memory_space<vmem>>, vector<2x128xf32>
    %slice3A = vector.extract_strided_slice %get3A_4 {offsets = [1, 0], sizes = [1, 128], strides = [1, 1]} : vector<2x128xf32> to vector<1x128xf32>
    %broadcast_in_dim3A = vector.shape_cast %slice3A : vector<1x128xf32> to vector<1x128xf32>
    %broadcast_in_dim3A_5 = vector.broadcast %broadcast_in_dim3A : vector<1x128xf32> to vector<128x128xf32>
    %slice3A_6 = vector.extract_strided_slice %get3A_4 {offsets = [0, 0], sizes = [1, 128], strides = [1, 1]} : vector<2x128xf32> to vector<1x128xf32>
    %broadcast_in_dim3A_7 = vector.shape_cast %slice3A_6 : vector<1x128xf32> to vector<1x128xf32>
    %broadcast_in_dim3A_8 = vector.broadcast %broadcast_in_dim3A_7 : vector<1x128xf32> to vector<128x128xf32>
    %slice3A_9 = vector.extract_strided_slice %sqrt3A {offsets = [0, 0], sizes = [1, 128], strides = [1, 1]} : vector<256x128xf32> to vector<1x128xf32>
    %broadcast_in_dim3A_10 = vector.shape_cast %slice3A_9 : vector<1x128xf32> to vector<1x128xf32>
    %broadcast_in_dim3A_11 = vector.broadcast %broadcast_in_dim3A_10 : vector<1x128xf32> to vector<128x128xf32>
    %transpose3A = tpu.transpose %broadcast_in_dim3A_11, [1, 0] : vector<128x128xf32> -> vector<128x128xf32>
    %sub3A = arith.subf %transpose3A, %broadcast_in_dim3A_5 : vector<128x128xf32>
    %mul3A = arith.mulf %broadcast_in_dim3A_8, %sub3A : vector<128x128xf32>
    %mul3A_12 = arith.mulf %mul3A, %sub3A : vector<128x128xf32>
    %exp23A = math.exp2 %mul3A_12 : vector<128x128xf32>
    %swap3A = arith.constant 0 : index
    %swap3A_13 = arith.constant 0 : index
    %swap3A_14 = vector.load %arg3[%swap3A, %swap3A_13] : memref<32768x128xf32, #tpu.memory_space<vmem>>, vector<128x128xf32>
    tpu.vector_store %arg3[%swap3A, %swap3A_13], %exp23A {strides = array<i32>} : memref<32768x128xf32, #tpu.memory_space<vmem>>, vector<128x128xf32>,
    %slice3A_15 = vector.extract_strided_slice %sqrt3A {offsets = [1, 0], sizes = [1, 128], strides = [1, 1]} : vector<256x128xf32> to vector<1x128xf32>
    %broadcast_in_dim3A_16 = vector.shape_cast %slice3A_15 : vector<1x128xf32> to vector<1x128xf32>
    %broadcast_in_dim3A_17 = vector.broadcast %broadcast_in_dim3A_16 : vector<1x128xf32> to vector<128x128xf32>
    %transpose3A_18 = tpu.transpose %broadcast_in_dim3A_17, [1, 0] : vector<128x128xf32> -> vector<128x128xf32>
    %sub3A_19 = arith.subf %transpose3A_18, %broadcast_in_dim3A_5 : vector<128x128xf32>
    %mul3A_20 = arith.mulf %broadcast_in_dim3A_8, %sub3A_19 : vector<128x128xf32>
    %mul3A_21 = arith.mulf %mul3A_20, %sub3A_19 : vector<128x128xf32>
    %exp23A_22 = math.exp2 %mul3A_21 : vector<128x128xf32>
    %swap3A_23 = arith.constant 128 : index
    %swap3A_24 = arith.constant 0 : index
    %swap3A_25 = vector.load %arg3[%swap3A_23, %swap3A_24] : memref<32768x128xf32, #tpu.memory_space<vmem>>, vector<128x128xf32>
    tpu.vector_store %arg3[%swap3A_23, %swap3A_24], %exp23A_22 {strides = array<i32>} : memref<32768x128xf32, #tpu.memory_space<vmem>>, vector<128x128xf32>,
    %slice3A_26 = vector.extract_strided_slice %sqrt3A {offsets = [2, 0], sizes = [1, 128], strides = [1, 1]} : vector<256x128xf32> to vector<1x128xf32>
    %broadcast_in_dim3A_27 = vector.shape_cast %slice3A_26 : vector<1x128xf32> to vector<1x128xf32>
    %broadcast_in_dim3A_28 = vector.broadcast %broadcast_in_dim3A_27 : vector<1x128xf32> to vector<128x128xf32>
    %transpose3A_29 = tpu.transpose %broadcast_in_dim3A_28, [1, 0] : vector<128x128xf32> -> vector<128x128xf32>
    %sub3A_30 = arith.subf %transpose3A_29, %broadcast_in_dim3A_5 : vector<128x128xf32>
    %mul3A_31 = arith.mulf %broadcast_in_dim3A_8, %sub3A_30 : vector<128x128xf32>
    %mul3A_32 = arith.mulf %mul3A_31, %sub3A_30 : vector<128x128xf32>
    %exp23A_33 = math.exp2 %mul3A_32 : vector<128x128xf32>
    %swap3A_34 = arith.constant 256 : index
    %swap3A_35 = arith.constant 0 : index
    %swap3A_36 = vector.load %arg3[%swap3A_34, %swap3A_35] : memref<32768x128xf32, #tpu.memory_space<vmem>>, vector<128x128xf32>
    tpu.vector_store %arg3[%swap3A_34, %swap3A_35], %exp23A_33 {strides = array<i32>} : memref<32768x128xf32, #tpu.memory_space<vmem>>, vector<128x128xf32>,
    %slice3A_37 = vector.extract_strided_slice %sqrt3A {offsets = [3, 0], sizes = [1, 128], strides = [1, 1]} : vector<256x128xf32> to vector<1x128xf32>
    %broadcast_in_dim3A_38 = vector.shape_cast %slice3A_37 : vector<1x128xf32> to vector<1x128xf32>
    %broadcast_in_dim3A_39 = vector.broadcast %broadcast_in_dim3A_38 : vector<1x128xf32> to vector<128x128xf32>
    %transpose3A_40 = tpu.transpose %broadcast_in_dim3A_39, [1, 0] : vector<128x128xf32> -> vector<128x128xf32>
    %sub3A_41 = arith.subf %transpose3A_40, %broadcast_in_dim3A_5 : vector<128x128xf32>
    %mul3A_42 = arith.mulf %broadcast_in_dim3A_8, %sub3A_41 : vector<128x128xf32>
    %mul3A_43 = arith.mulf %mul3A_42, %sub3A_41 : vector<128x128xf32>
    %exp23A_44 = math.exp2 %mul3A_43 : vector<128x128xf32>
    %swap3A_45 = arith.constant 384 : index
    %swap3A_46 = arith.constant 0 : index
    %swap3A_47 = vector.load %arg3[%swap3A_45, %swap3A_46] : memref<32768x128xf32, #tpu.memory_space<vmem>>, vector<128x128xf32>
    tpu.vector_store %arg3[%swap3A_45, %swap3A_46], %exp23A_44 {strides = array<i32>} : memref<32768x128xf32, #tpu.memory_space<vmem>>, vector<128x128xf32>,
    %slice3A_48 = vector.extract_strided_slice %sqrt3A {offsets = [4, 0], sizes = [1, 128], strides = [1, 1]} : vector<256x128xf32> to vector<1x128xf32>
    %broadcast_in_dim3A_49 = vector.shape_cast %slice3A_48 : vector<1x128xf32> to vector<1x128xf32>
    %broadcast_in_dim3A_50 = vector.broadcast %broadcast_in_dim3A_49 : vector<1x128xf32> to vector<128x128xf32>
    %transpose3A_51 = tpu.transpose %broadcast_in_dim3A_50, [1, 0] : vector<128x128xf32> -> vector<128x128xf32>
    %sub3A_52 = arith.subf %transpose3A_51, %broadcast_in_dim3A_5 : vector<128x128xf32>
    %mul3A_53 = arith.mulf %broadcast_in_dim3A_8, %sub3A_52 : vector<128x128xf32>
    %mul3A_54 = arith.mulf %mul3A_53, %sub3A_52 : vector<128x128xf32>
    %exp23A_55 = math.exp2 %mul3A_54 : vector<128x128xf32>
    %swap3A_56 = arith.constant 512 : index
    %swap3A_57 = arith.constant 0 : index
    %swap3A_58 = vector.load %arg3[%swap3A_56, %swap3A_57] : memref<32768x128xf32, #tpu.memory_space<vmem>>, vector<128x128xf32>
    tpu.vector_store %arg3[%swap3A_56, %swap3A_57], %exp23A_55 {strides = array<i32>} : memref<32768x128xf32, #tpu.memory_space<vmem>>, vector<128x128xf32>,
    %slice3A_59 = vector.extract_strided_slice %sqrt3A {offsets = [5, 0], sizes = [1, 128], strides = [1, 1]} : vector<256x128xf32> to vector<1x128xf32>
    %broadcast_in_dim3A_60 = vector.shape_cast %slice3A_59 : vector<1x128xf32> to vector<1x128xf32>
    %broadcast_in_dim3A_61 = vector.broadcast %broadcast_in_dim3A_60 : vector<1x128xf32> to vector<128x128xf32>
    %transpose3A_62 = tpu.transpose %broadcast_in_dim3A_61, [1, 0] : vector<128x128xf32> -> vector<128x128xf32>
    %sub3A_63 = arith.subf %transpose3A_62, %broadcast_in_dim3A_5 : vector<128x128xf32>
    %mul3A_64 = arith.mulf %broadcast_in_dim3A_8, %sub3A_63 : vector<128x128xf32>
    %mul3A_65 = arith.mulf %mul3A_64, %sub3A_63 : vector<128x128xf32>
    %exp23A_66 = math.exp2 %mul3A_65 : vector<128x128xf32>
    %swap3A_67 = arith.constant 640 : index
    %swap3A_68 = arith.constant 0 : index
    %swap3A_69 = vector.load %arg3[%swap3A_67, %swap3A_68] : memref<32768x128xf32, #tpu.memory_space<vmem>>, vector<128x128xf32>
    tpu.vector_store %arg3[%swap3A_67, %swap3A_68], %exp23A_66 {strides = array<i32>} : memref<32768x128xf32, #tpu.memory_space<vmem>>, vector<128x128xf32>,
    %slice3A_70 = vector.extract_strided_slice %sqrt3A {offsets = [6, 0], sizes = [1, 128], strides = [1, 1]} : vector<256x128xf32> to vector<1x128xf32>
    %broadcast_in_dim3A_71 = vector.shape_cast %slice3A_70 : vector<1x128xf32> to vector<1x128xf32>
    %broadcast_in_dim3A_72 = vector.broadcast %broadcast_in_dim3A_71 : vector<1x128xf32> to vector<128x128xf32>
    %transpose3A_73 = tpu.transpose %broadcast_in_dim3A_72, [1, 0] : vector<128x128xf32> -> vector<128x128xf32>
    %sub3A_74 = arith.subf %transpose3A_73, %broadcast_in_dim3A_5 : vector<128x128xf32>
    %mul3A_75 = arith.mulf %broadcast_in_dim3A_8, %sub3A_74 : vector<128x128xf32>
    %mul3A_76 = arith.mulf %mul3A_75, %sub3A_74 : vector<128x128xf32>
    %exp23A_77 = math.exp2 %mul3A_76 : vector<128x128xf32>
    %swap3A_78 = arith.constant 768 : index
    %swap3A_79 = arith.constant 0 : index
    %swap3A_80 = vector.load %arg3[%swap3A_78, %swap3A_79] : memref<32768x128xf32, #tpu.memory_space<vmem>>, vector<128x128xf32>
    tpu.vector_store %arg3[%swap3A_78, %swap3A_79], %exp23A_77 {strides = array<i32>} : memref<32768x128xf32, #tpu.memory_space<vmem>>, vector<128x128xf32>,
    %slice3A_81 = vector.extract_strided_slice %sqrt3A {offsets = [7, 0], sizes = [1, 128], strides = [1, 1]} : vector<256x128xf32> to vector<1x128xf32>
    %broadcast_in_dim3A_82 = vector.shape_cast %slice3A_81 : vector<1x128xf32> to vector<1x128xf32>
    %broadcast_in_dim3A_83 = vector.broadcast %broadcast_in_dim3A_82 : vector<1x128xf32> to vector<128x128xf32>
    %transpose3A_84 = tpu.transpose %broadcast_in_dim3A_83, [1, 0] : vector<128x128xf32> -> vector<128x128xf32>
    %sub3A_85 = arith.subf %transpose3A_84, %broadcast_in_dim3A_5 : vector<128x128xf32>
    %mul3A_86 = arith.mulf %broadcast_in_dim3A_8, %sub3A_85 : vector<128x128xf32>
    %mul3A_87 = arith.mulf %mul3A_86, %sub3A_85 : vector<128x128xf32>
    %exp23A_88 = math.exp2 %mul3A_87 : vector<128x128xf32>
    %swap3A_89 = arith.constant 896 : index
    %swap3A_90 = arith.constant 0 : index
    %swap3A_91 = vector.load %arg3[%swap3A_89, %swap3A_90] : memref<32768x128xf32, #tpu.memory_space<vmem>>, vector<128x128xf32>
    tpu.vector_store %arg3[%swap3A_89, %swap3A_90], %exp23A_88 {strides = array<i32>} : memref<32768x128xf32, #tpu.memory_space<vmem>>, vector<128x128xf32>,
    %slice3A_92 = vector.extract_strided_slice %sqrt3A {offsets = [8, 0], sizes = [1, 128], strides = [1, 1]} : vector<256x128xf32> to vector<1x128xf32>
    %broadcast_in_dim3A_93 = vector.shape_cast %slice3A_92 : vector<1x128xf32> to vector<1x128xf32>
    %broadcast_in_dim3A_94 = vector.broadcast %broadcast_in_dim3A_93 : vector<1x128xf32> to vector<128x128xf32>
    %transpose3A_95 = tpu.transpose %broadcast_in_dim3A_94, [1, 0] : vector<128x128xf32> -> vector<128x128xf32>
    %sub3A_96 = arith.subf %transpose3A_95, %broadcast_in_dim3A_5 : vector<128x128xf32>
    %mul3A_97 = arith.mulf %broadcast_in_dim3A_8, %sub3A_96 : vector<128x128xf32>
    %mul3A_98 = arith.mulf %mul3A_97, %sub3A_96 : vector<128x128xf32>
    %exp23A_99 = math.exp2 %mul3A_98 : vector<128x128xf32>
    %swap3A_100 = arith.constant 1024 : index
    %swap3A_101 = arith.constant 0 : index
    %swap3A_102 = vector.load %arg3[%swap3A_100, %swap3A_101] : memref<32768x128xf32, #tpu.memory_space<vmem>>, vector<128x128xf32>
    tpu.vector_store %arg3[%swap3A_100, %swap3A_101], %exp23A_99 {strides = array<i32>} : memref<32768x128xf32, #tpu.memory_space<vmem>>, vector<128x128xf32>,
    %slice3A_103 = vector.extract_strided_slice %sqrt3A {offsets = [9, 0], sizes = [1, 128], strides = [1, 1]} : vector<256x128xf32> to vector<1x128xf32>
    %broadcast_in_dim3A_104 = vector.shape_cast %slice3A_103 : vector<1x128xf32> to vector<1x128xf32>
    %broadcast_in_dim3A_105 = vector.broadcast %broadcast_in_dim3A_104 : vector<1x128xf32> to vector<128x128xf32>
    %transpose3A_106 = tpu.transpose %broadcast_in_dim3A_105, [1, 0] : vector<128x128xf32> -> vector<128x128xf32>
    %sub3A_107 = arith.subf %transpose3A_106, %broadcast_in_dim3A_5 : vector<128x128xf32>
    %mul3A_108 = arith.mulf %broadcast_in_dim3A_8, %sub3A_107 : vector<128x128xf32>
    %mul3A_109 = arith.mulf %mul3A_108, %sub3A_107 : vector<128x128xf32>
    %exp23A_110 = math.exp2 %mul3A_109 : vector<128x128xf32>
    %swap3A_111 = arith.constant 1152 : index
    %swap3A_112 = arith.constant 0 : index
    %swap3A_113 = vector.load %arg3[%swap3A_111, %swap3A_112] : memref<32768x128xf32, #tpu.memory_space<vmem>>, vector<128x128xf32>
    tpu.vector_store %arg3[%swap3A_111, %swap3A_112], %exp23A_110 {strides = array<i32>} : memref<32768x128xf32, #tpu.memory_space<vmem>>, vector<128x128xf32>,
    %slice3A_114 = vector.extract_strided_slice %sqrt3A {offsets = [10, 0], sizes = [1, 128], strides = [1, 1]} : vector<256x128xf32> to vector<1x128xf32>
    %broadcast_in_dim3A_115 = vector.shape_cast %slice3A_114 : vector<1x128xf32> to vector<1x128xf32>
    %broadcast_in_dim3A_116 = vector.broadcast %broadcast_in_dim3A_115 : vector<1x128xf32> to vector<128x128xf32>
    %transpose3A_117 = tpu.transpose %broadcast_in_dim3A_116, [1, 0] : vector<128x128xf32> -> vector<128x128xf32>
    %sub3A_118 = arith.subf %transpose3A_117, %broadcast_in_dim3A_5 : vector<128x128xf32>
    %mul3A_119 = arith.mulf %broadcast_in_dim3A_8, %sub3A_118 : vector<128x128xf32>
    %mul3A_120 = arith.mulf %mul3A_119, %sub3A_118 : vector<128x128xf32>
    %exp23A_121 = math.exp2 %mul3A_120 : vector<128x128xf32>
    %swap3A_122 = arith.constant 1280 : index
    %swap3A_123 = arith.constant 0 : index
    %swap3A_124 = vector.load %arg3[%swap3A_122, %swap3A_123] : memref<32768x128xf32, #tpu.memory_space<vmem>>, vector<128x128xf32>
    tpu.vector_store %arg3[%swap3A_122, %swap3A_123], %exp23A_121 {strides = array<i32>} : memref<32768x128xf32, #tpu.memory_space<vmem>>, vector<128x128xf32>,
    %slice3A_125 = vector.extract_strided_slice %sqrt3A {offsets = [11, 0], sizes = [1, 128], strides = [1, 1]} : vector<256x128xf32> to vector<1x128xf32>
    %broadcast_in_dim3A_126 = vector.shape_cast %slice3A_125 : vector<1x128xf32> to vector<1x128xf32>
    %broadcast_in_dim3A_127 = vector.broadcast %broadcast_in_dim3A_126 : vector<1x128xf32> to vector<128x128xf32>
    %transpose3A_128 = tpu.transpose %broadcast_in_dim3A_127, [1, 0] : vector<128x128xf32> -> vector<128x128xf32>
    %sub3A_129 = arith.subf %transpose3A_128, %broadcast_in_dim3A_5 : vector<128x128xf32>
    %mul3A_130 = arith.mulf %broadcast_in_dim3A_8, %sub3A_129 : vector<128x128xf32>
    %mul3A_131 = arith.mulf %mul3A_130, %sub3A_129 : vector<128x128xf32>
    %exp23A_132 = math.exp2 %mul3A_131 : vector<128x128xf32>
    %swap3A_133 = arith.constant 1408 : index
    %swap3A_134 = arith.constant 0 : index
    %swap3A_135 = vector.load %arg3[%swap3A_133, %swap3A_134] : memref<32768x128xf32, #tpu.memory_space<vmem>>, vector<128x128xf32>
    tpu.vector_store %arg3[%swap3A_133, %swap3A_134], %exp23A_132 {strides = array<i32>} : memref<32768x128xf32, #tpu.memory_space<vmem>>, vector<128x128xf32>,
    %slice3A_136 = vector.extract_strided_slice %sqrt3A {offsets = [12, 0], sizes = [1, 128], strides = [1, 1]} : vector<256x128xf32> to vector<1x128xf32>
    %broadcast_in_dim3A_137 = vector.shape_cast %slice3A_136 : vector<1x128xf32> to vector<1x128xf32>
    %broadcast_in_dim3A_138 = vector.broadcast %broadcast_in_dim3A_137 : vector<1x128xf32> to vector<128x128xf32>
    %transpose3A_139 = tpu.transpose %broadcast_in_dim3A_138, [1, 0] : vector<128x128xf32> -> vector<128x128xf32>
    %sub3A_140 = arith.subf %transpose3A_139, %broadcast_in_dim3A_5 : vector<128x128xf32>
    %mul3A_141 = arith.mulf %broadcast_in_dim3A_8, %sub3A_140 : vector<128x128xf32>
    %mul3A_142 = arith.mulf %mul3A_141, %sub3A_140 : vector<128x128xf32>
    %exp23A_143 = math.exp2 %mul3A_142 : vector<128x128xf32>
    %swap3A_144 = arith.constant 1536 : index
    %swap3A_145 = arith.constant 0 : index
    %swap3A_146 = vector.load %arg3[%swap3A_144, %swap3A_145] : memref<32768x128xf32, #tpu.memory_space<vmem>>, vector<128x128xf32>
    tpu.vector_store %arg3[%swap3A_144, %swap3A_145], %exp23A_143 {strides = array<i32>} : memref<32768x128xf32, #tpu.memory_space<vmem>>, vector<128x128xf32>,
    %slice3A_147 = vector.extract_strided_slice %sqrt3A {offsets = [13, 0], sizes = [1, 128], strides = [1, 1]} : vector<256x128xf32> to vector<1x128xf32>
    %broadcast_in_dim3A_148 = vector.shape_cast %slice3A_147 : vector<1x128xf32> to vector<1x128xf32>
    %broadcast_in_dim3A_149 = vector.broadcast %broadcast_in_dim3A_148 : vector<1x128xf32> to vector<128x128xf32>
    %transpose3A_150 = tpu.transpose %broadcast_in_dim3A_149, [1, 0] : vector<128x128xf32> -> vector<128x128xf32>
    %sub3A_151 = arith.subf %transpose3A_150, %broadcast_in_dim3A_5 : vector<128x128xf32>
    %mul3A_152 = arith.mulf %broadcast_in_dim3A_8, %sub3A_151 : vector<128x128xf32>
    %mul3A_153 = arith.mulf %mul3A_152, %sub3A_151 : vector<128x128xf32>
    %exp23A_154 = math.exp2 %mul3A_153 : vector<128x128xf32>
    %swap3A_155 = arith.constant 1664 : index
    %swap3A_156 = arith.constant 0 : index
    %swap3A_157 = vector.load %arg3[%swap3A_155, %swap3A_156] : memref<32768x128xf32, #tpu.memory_space<vmem>>, vector<128x128xf32>
    tpu.vector_store %arg3[%swap3A_155, %swap3A_156], %exp23A_154 {strides = array<i32>} : memref<32768x128xf32, #tpu.memory_space<vmem>>, vector<128x128xf32>,
    %slice3A_158 = vector.extract_strided_slice %sqrt3A {offsets = [14, 0], sizes = [1, 128], strides = [1, 1]} : vector<256x128xf32> to vector<1x128xf32>
    %broadcast_in_dim3A_159 = vector.shape_cast %slice3A_158 : vector<1x128xf32> to vector<1x128xf32>
    %broadcast_in_dim3A_160 = vector.broadcast %broadcast_in_dim3A_159 : vector<1x128xf32> to vector<128x128xf32>
    %transpose3A_161 = tpu.transpose %broadcast_in_dim3A_160, [1, 0] : vector<128x128xf32> -> vector<128x128xf32>
    %sub3A_162 = arith.subf %transpose3A_161, %broadcast_in_dim3A_5 : vector<128x128xf32>
    %mul3A_163 = arith.mulf %broadcast_in_dim3A_8, %sub3A_162 : vector<128x128xf32>
    %mul3A_164 = arith.mulf %mul3A_163, %sub3A_162 : vector<128x128xf32>
    %exp23A_165 = math.exp2 %mul3A_164 : vector<128x128xf32>
    %swap3A_166 = arith.constant 1792 : index
    %swap3A_167 = arith.constant 0 : index
    %swap3A_168 = vector.load %arg3[%swap3A_166, %swap3A_167] : memref<32768x128xf32, #tpu.memory_space<vmem>>, vector<128x128xf32>
    tpu.vector_store %arg3[%swap3A_166, %swap3A_167], %exp23A_165 {strides = array<i32>} : memref<32768x128xf32, #tpu.memory_space<vmem>>, vector<128x128xf32>,
    %slice3A_169 = vector.extract_strided_slice %sqrt3A {offsets = [15, 0], sizes = [1, 128], strides = [1, 1]} : vector<256x128xf32> to vector<1x128xf32>
    %broadcast_in_dim3A_170 = vector.shape_cast %slice3A_169 : vector<1x128xf32> to vector<1x128xf32>
    %broadcast_in_dim3A_171 = vector.broadcast %broadcast_in_dim3A_170 : vector<1x128xf32> to vector<128x128xf32>
    %transpose3A_172 = tpu.transpose %broadcast_in_dim3A_171, [1, 0] : vector<128x128xf32> -> vector<128x128xf32>
    %sub3A_173 = arith.subf %transpose3A_172, %broadcast_in_dim3A_5 : vector<128x128xf32>
    %mul3A_174 = arith.mulf %broadcast_in_dim3A_8, %sub3A_173 : vector<128x128xf32>
    %mul3A_175 = arith.mulf %mul3A_174, %sub3A_173 : vector<128x128xf32>
    %exp23A_176 = math.exp2 %mul3A_175 : vector<128x128xf32>
    %swap3A_177 = arith.constant 1920 : index
    %swap3A_178 = arith.constant 0 : index
    %swap3A_179 = vector.load %arg3[%swap3A_177, %swap3A_178] : memref<32768x128xf32, #tpu.memory_space<vmem>>, vector<128x128xf32>
    tpu.vector_store %arg3[%swap3A_177, %swap3A_178], %exp23A_176 {strides = array<i32>} : memref<32768x128xf32, #tpu.memory_space<vmem>>, vector<128x128xf32>,
    %slice3A_180 = vector.extract_strided_slice %sqrt3A {offsets = [16, 0], sizes = [1, 128], strides = [1, 1]} : vector<256x128xf32> to vector<1x128xf32>
    %broadcast_in_dim3A_181 = vector.shape_cast %slice3A_180 : vector<1x128xf32> to vector<1x128xf32>
    %broadcast_in_dim3A_182 = vector.broadcast %broadcast_in_dim3A_181 : vector<1x128xf32> to vector<128x128xf32>
    %transpose3A_183 = tpu.transpose %broadcast_in_dim3A_182, [1, 0] : vector<128x128xf32> -> vector<128x128xf32>
    %sub3A_184 = arith.subf %transpose3A_183, %broadcast_in_dim3A_5 : vector<128x128xf32>
    %mul3A_185 = arith.mulf %broadcast_in_dim3A_8, %sub3A_184 : vector<128x128xf32>
    %mul3A_186 = arith.mulf %mul3A_185, %sub3A_184 : vector<128x128xf32>
    %exp23A_187 = math.exp2 %mul3A_186 : vector<128x128xf32>
    %swap3A_188 = arith.constant 2048 : index
    %swap3A_189 = arith.constant 0 : index
    %swap3A_190 = vector.load %arg3[%swap3A_188, %swap3A_189] : memref<32768x128xf32, #tpu.memory_space<vmem>>, vector<128x128xf32>
    tpu.vector_store %arg3[%swap3A_188, %swap3A_189], %exp23A_187 {strides = array<i32>} : memref<32768x128xf32, #tpu.memory_space<vmem>>, vector<128x128xf32>,
    %slice3A_191 = vector.extract_strided_slice %sqrt3A {offsets = [17, 0], sizes = [1, 128], strides = [1, 1]} : vector<256x128xf32> to vector<1x128xf32>
    %broadcast_in_dim3A_192 = vector.shape_cast %slice3A_191 : vector<1x128xf32> to vector<1x128xf32>
    %broadcast_in_dim3A_193 = vector.broadcast %broadcast_in_dim3A_192 : vector<1x128xf32> to vector<128x128xf32>
    %transpose3A_194 = tpu.transpose %broadcast_in_dim3A_193, [1, 0] : vector<128x128xf32> -> vector<128x128xf32>
    %sub3A_195 = arith.subf %transpose3A_194, %broadcast_in_dim3A_5 : vector<128x128xf32>
    %mul3A_196 = arith.mulf %broadcast_in_dim3A_8, %sub3A_195 : vector<128x128xf32>
    %mul3A_197 = arith.mulf %mul3A_196, %sub3A_195 : vector<128x128xf32>
    %exp23A_198 = math.exp2 %mul3A_197 : vector<128x128xf32>
    %swap3A_199 = arith.constant 2176 : index
    %swap3A_200 = arith.constant 0 : index
    %swap3A_201 = vector.load %arg3[%swap3A_199, %swap3A_200] : memref<32768x128xf32, #tpu.memory_space<vmem>>, vector<128x128xf32>
    tpu.vector_store %arg3[%swap3A_199, %swap3A_200], %exp23A_198 {strides = array<i32>} : memref<32768x128xf32, #tpu.memory_space<vmem>>, vector<128x128xf32>,
    %slice3A_202 = vector.extract_strided_slice %sqrt3A {offsets = [18, 0], sizes = [1, 128], strides = [1, 1]} : vector<256x128xf32> to vector<1x128xf32>
    %broadcast_in_dim3A_203 = vector.shape_cast %slice3A_202 : vector<1x128xf32> to vector<1x128xf32>
    %broadcast_in_dim3A_204 = vector.broadcast %broadcast_in_dim3A_203 : vector<1x128xf32> to vector<128x128xf32>
    %transpose3A_205 = tpu.transpose %broadcast_in_dim3A_204, [1, 0] : vector<128x128xf32> -> vector<128x128xf32>
    %sub3A_206 = arith.subf %transpose3A_205, %broadcast_in_dim3A_5 : vector<128x128xf32>
    %mul3A_207 = arith.mulf %broadcast_in_dim3A_8, %sub3A_206 : vector<128x128xf32>
    %mul3A_208 = arith.mulf %mul3A_207, %sub3A_206 : vector<128x128xf32>
    %exp23A_209 = math.exp2 %mul3A_208 : vector<128x128xf32>
    %swap3A_210 = arith.constant 2304 : index
    %swap3A_211 = arith.constant 0 : index
    %swap3A_212 = vector.load %arg3[%swap3A_210, %swap3A_211] : memref<32768x128xf32, #tpu.memory_space<vmem>>, vector<128x128xf32>
    tpu.vector_store %arg3[%swap3A_210, %swap3A_211], %exp23A_209 {strides = array<i32>} : memref<32768x128xf32, #tpu.memory_space<vmem>>, vector<128x128xf32>,
    %slice3A_213 = vector.extract_strided_slice %sqrt3A {offsets = [19, 0], sizes = [1, 128], strides = [1, 1]} : vector<256x128xf32> to vector<1x128xf32>
    %broadcast_in_dim3A_214 = vector.shape_cast %slice3A_213 : vector<1x128xf32> to vector<1x128xf32>
    %broadcast_in_dim3A_215 = vector.broadcast %broadcast_in_dim3A_214 : vector<1x128xf32> to vector<128x128xf32>
    %transpose3A_216 = tpu.transpose %broadcast_in_dim3A_215, [1, 0] : vector<128x128xf32> -> vector<128x128xf32>
    %sub3A_217 = arith.subf %transpose3A_216, %broadcast_in_dim3A_5 : vector<128x128xf32>
    %mul3A_218 = arith.mulf %broadcast_in_dim3A_8, %sub3A_217 : vector<128x128xf32>
    %mul3A_219 = arith.mulf %mul3A_218, %sub3A_217 : vector<128x128xf32>
    %exp23A_220 = math.exp2 %mul3A_219 : vector<128x128xf32>
    %swap3A_221 = arith.constant 2432 : index
    %swap3A_222 = arith.constant 0 : index
    %swap3A_223 = vector.load %arg3[%swap3A_221, %swap3A_222] : memref<32768x128xf32, #tpu.memory_space<vmem>>, vector<128x128xf32>
    tpu.vector_store %arg3[%swap3A_221, %swap3A_222], %exp23A_220 {strides = array<i32>} : memref<32768x128xf32, #tpu.memory_space<vmem>>, vector<128x128xf32>,
    %slice3A_224 = vector.extract_strided_slice %sqrt3A {offsets = [20, 0], sizes = [1, 128], strides = [1, 1]} : vector<256x128xf32> to vector<1x128xf32>
    %broadcast_in_dim3A_225 = vector.shape_cast %slice3A_224 : vector<1x128xf32> to vector<1x128xf32>
    %broadcast_in_dim3A_226 = vector.broadcast %broadcast_in_dim3A_225 : vector<1x128xf32> to vector<128x128xf32>
    %transpose3A_227 = tpu.transpose %broadcast_in_dim3A_226, [1, 0] : vector<128x128xf32> -> vector<128x128xf32>
    %sub3A_228 = arith.subf %transpose3A_227, %broadcast_in_dim3A_5 : vector<128x128xf32>
    %mul3A_229 = arith.mulf %broadcast_in_dim3A_8, %sub3A_228 : vector<128x128xf32>
    %mul3A_230 = arith.mulf %mul3A_229, %sub3A_228 : vector<128x128xf32>
    %exp23A_231 = math.exp2 %mul3A_230 : vector<128x128xf32>
    %swap3A_232 = arith.constant 2560 : index
    %swap3A_233 = arith.constant 0 : index
    %swap3A_234 = vector.load %arg3[%swap3A_232, %swap3A_233] : memref<32768x128xf32, #tpu.memory_space<vmem>>, vector<128x128xf32>
    tpu.vector_store %arg3[%swap3A_232, %swap3A_233], %exp23A_231 {strides = array<i32>} : memref<32768x128xf32, #tpu.memory_space<vmem>>, vector<128x128xf32>,
    %slice3A_235 = vector.extract_strided_slice %sqrt3A {offsets = [21, 0], sizes = [1, 128], strides = [1, 1]} : vector<256x128xf32> to vector<1x128xf32>
    %broadcast_in_dim3A_236 = vector.shape_cast %slice3A_235 : vector<1x128xf32> to vector<1x128xf32>
    %broadcast_in_dim3A_237 = vector.broadcast %broadcast_in_dim3A_236 : vector<1x128xf32> to vector<128x128xf32>
    %transpose3A_238 = tpu.transpose %broadcast_in_dim3A_237, [1, 0] : vector<128x128xf32> -> vector<128x128xf32>
    %sub3A_239 = arith.subf %transpose3A_238, %broadcast_in_dim3A_5 : vector<128x128xf32>
    %mul3A_240 = arith.mulf %broadcast_in_dim3A_8, %sub3A_239 : vector<128x128xf32>
    %mul3A_241 = arith.mulf %mul3A_240, %sub3A_239 : vector<128x128xf32>
    %exp23A_242 = math.exp2 %mul3A_241 : vector<128x128xf32>
    %swap3A_243 = arith.constant 2688 : index
    %swap3A_244 = arith.constant 0 : index
    %swap3A_245 = vector.load %arg3[%swap3A_243, %swap3A_244] : memref<32768x128xf32, #tpu.memory_space<vmem>>, vector<128x128xf32>
    tpu.vector_store %arg3[%swap3A_243, %swap3A_244], %exp23A_242 {strides = array<i32>} : memref<32768x128xf32, #tpu.memory_space<vmem>>, vector<128x128xf32>,
    %slice3A_246 = vector.extract_strided_slice %sqrt3A {offsets = [22, 0], sizes = [1, 128], strides = [1, 1]} : vector<256x128xf32> to vector<1x128xf32>
    %broadcast_in_dim3A_247 = vector.shape_cast %slice3A_246 : vector<1x128xf32> to vector<1x128xf32>
    %broadcast_in_dim3A_248 = vector.broadcast %broadcast_in_dim3A_247 : vector<1x128xf32> to vector<128x128xf32>
    %transpose3A_249 = tpu.transpose %broadcast_in_dim3A_248, [1, 0] : vector<128x128xf32> -> vector<128x128xf32>
    %sub3A_250 = arith.subf %transpose3A_249, %broadcast_in_dim3A_5 : vector<128x128xf32>
    %mul3A_251 = arith.mulf %broadcast_in_dim3A_8, %sub3A_250 : vector<128x128xf32>
    %mul3A_252 = arith.mulf %mul3A_251, %sub3A_250 : vector<128x128xf32>
    %exp23A_253 = math.exp2 %mul3A_252 : vector<128x128xf32>
    %swap3A_254 = arith.constant 2816 : index
    %swap3A_255 = arith.constant 0 : index
    %swap3A_256 = vector.load %arg3[%swap3A_254, %swap3A_255] : memref<32768x128xf32, #tpu.memory_space<vmem>>, vector<128x128xf32>
    tpu.vector_store %arg3[%swap3A_254, %swap3A_255], %exp23A_253 {strides = array<i32>} : memref<32768x128xf32, #tpu.memory_space<vmem>>, vector<128x128xf32>,
    %slice3A_257 = vector.extract_strided_slice %sqrt3A {offsets = [23, 0], sizes = [1, 128], strides = [1, 1]} : vector<256x128xf32> to vector<1x128xf32>
    %broadcast_in_dim3A_258 = vector.shape_cast %slice3A_257 : vector<1x128xf32> to vector<1x128xf32>
    %broadcast_in_dim3A_259 = vector.broadcast %broadcast_in_dim3A_258 : vector<1x128xf32> to vector<128x128xf32>
    %transpose3A_260 = tpu.transpose %broadcast_in_dim3A_259, [1, 0] : vector<128x128xf32> -> vector<128x128xf32>
    %sub3A_261 = arith.subf %transpose3A_260, %broadcast_in_dim3A_5 : vector<128x128xf32>
    %mul3A_262 = arith.mulf %broadcast_in_dim3A_8, %sub3A_261 : vector<128x128xf32>
    %mul3A_263 = arith.mulf %mul3A_262, %sub3A_261 : vector<128x128xf32>
    %exp23A_264 = math.exp2 %mul3A_263 : vector<128x128xf32>
    %swap3A_265 = arith.constant 2944 : index
    %swap3A_266 = arith.constant 0 : index
    %swap3A_267 = vector.load %arg3[%swap3A_265, %swap3A_266] : memref<32768x128xf32, #tpu.memory_space<vmem>>, vector<128x128xf32>
    tpu.vector_store %arg3[%swap3A_265, %swap3A_266], %exp23A_264 {strides = array<i32>} : memref<32768x128xf32, #tpu.memory_space<vmem>>, vector<128x128xf32>,
    %slice3A_268 = vector.extract_strided_slice %sqrt3A {offsets = [24, 0], sizes = [1, 128], strides = [1, 1]} : vector<256x128xf32> to vector<1x128xf32>
    %broadcast_in_dim3A_269 = vector.shape_cast %slice3A_268 : vector<1x128xf32> to vector<1x128xf32>
    %broadcast_in_dim3A_270 = vector.broadcast %broadcast_in_dim3A_269 : vector<1x128xf32> to vector<128x128xf32>
    %transpose3A_271 = tpu.transpose %broadcast_in_dim3A_270, [1, 0] : vector<128x128xf32> -> vector<128x128xf32>
    %sub3A_272 = arith.subf %transpose3A_271, %broadcast_in_dim3A_5 : vector<128x128xf32>
    %mul3A_273 = arith.mulf %broadcast_in_dim3A_8, %sub3A_272 : vector<128x128xf32>
    %mul3A_274 = arith.mulf %mul3A_273, %sub3A_272 : vector<128x128xf32>
    %exp23A_275 = math.exp2 %mul3A_274 : vector<128x128xf32>
    %swap3A_276 = arith.constant 3072 : index
    %swap3A_277 = arith.constant 0 : index
    %swap3A_278 = vector.load %arg3[%swap3A_276, %swap3A_277] : memref<32768x128xf32, #tpu.memory_space<vmem>>, vector<128x128xf32>
    tpu.vector_store %arg3[%swap3A_276, %swap3A_277], %exp23A_275 {strides = array<i32>} : memref<32768x128xf32, #tpu.memory_space<vmem>>, vector<128x128xf32>,
    %slice3A_279 = vector.extract_strided_slice %sqrt3A {offsets = [25, 0], sizes = [1, 128], strides = [1, 1]} : vector<256x128xf32> to vector<1x128xf32>
    %broadcast_in_dim3A_280 = vector.shape_cast %slice3A_279 : vector<1x128xf32> to vector<1x128xf32>
    %broadcast_in_dim3A_281 = vector.broadcast %broadcast_in_dim3A_280 : vector<1x128xf32> to vector<128x128xf32>
    %transpose3A_282 = tpu.transpose %broadcast_in_dim3A_281, [1, 0] : vector<128x128xf32> -> vector<128x128xf32>
    %sub3A_283 = arith.subf %transpose3A_282, %broadcast_in_dim3A_5 : vector<128x128xf32>
    %mul3A_284 = arith.mulf %broadcast_in_dim3A_8, %sub3A_283 : vector<128x128xf32>
    %mul3A_285 = arith.mulf %mul3A_284, %sub3A_283 : vector<128x128xf32>
    %exp23A_286 = math.exp2 %mul3A_285 : vector<128x128xf32>
    %swap3A_287 = arith.constant 3200 : index
    %swap3A_288 = arith.constant 0 : index
    %swap3A_289 = vector.load %arg3[%swap3A_287, %swap3A_288] : memref<32768x128xf32, #tpu.memory_space<vmem>>, vector<128x128xf32>
    tpu.vector_store %arg3[%swap3A_287, %swap3A_288], %exp23A_286 {strides = array<i32>} : memref<32768x128xf32, #tpu.memory_space<vmem>>, vector<128x128xf32>,
    %slice3A_290 = vector.extract_strided_slice %sqrt3A {offsets = [26, 0], sizes = [1, 128], strides = [1, 1]} : vector<256x128xf32> to vector<1x128xf32>
    %broadcast_in_dim3A_291 = vector.shape_cast %slice3A_290 : vector<1x128xf32> to vector<1x128xf32>
    %broadcast_in_dim3A_292 = vector.broadcast %broadcast_in_dim3A_291 : vector<1x128xf32> to vector<128x128xf32>
    %transpose3A_293 = tpu.transpose %broadcast_in_dim3A_292, [1, 0] : vector<128x128xf32> -> vector<128x128xf32>
    %sub3A_294 = arith.subf %transpose3A_293, %broadcast_in_dim3A_5 : vector<128x128xf32>
    %mul3A_295 = arith.mulf %broadcast_in_dim3A_8, %sub3A_294 : vector<128x128xf32>
    %mul3A_296 = arith.mulf %mul3A_295, %sub3A_294 : vector<128x128xf32>
    %exp23A_297 = math.exp2 %mul3A_296 : vector<128x128xf32>
    %swap3A_298 = arith.constant 3328 : index
    %swap3A_299 = arith.constant 0 : index
    %swap3A_300 = vector.load %arg3[%swap3A_298, %swap3A_299] : memref<32768x128xf32, #tpu.memory_space<vmem>>, vector<128x128xf32>
    tpu.vector_store %arg3[%swap3A_298, %swap3A_299], %exp23A_297 {strides = array<i32>} : memref<32768x128xf32, #tpu.memory_space<vmem>>, vector<128x128xf32>,
    %slice3A_301 = vector.extract_strided_slice %sqrt3A {offsets = [27, 0], sizes = [1, 128], strides = [1, 1]} : vector<256x128xf32> to vector<1x128xf32>
    %broadcast_in_dim3A_302 = vector.shape_cast %slice3A_301 : vector<1x128xf32> to vector<1x128xf32>
    %broadcast_in_dim3A_303 = vector.broadcast %broadcast_in_dim3A_302 : vector<1x128xf32> to vector<128x128xf32>
    %transpose3A_304 = tpu.transpose %broadcast_in_dim3A_303, [1, 0] : vector<128x128xf32> -> vector<128x128xf32>
    %sub3A_305 = arith.subf %transpose3A_304, %broadcast_in_dim3A_5 : vector<128x128xf32>
    %mul3A_306 = arith.mulf %broadcast_in_dim3A_8, %sub3A_305 : vector<128x128xf32>
    %mul3A_307 = arith.mulf %mul3A_306, %sub3A_305 : vector<128x128xf32>
    %exp23A_308 = math.exp2 %mul3A_307 : vector<128x128xf32>
    %swap3A_309 = arith.constant 3456 : index
    %swap3A_310 = arith.constant 0 : index
    %swap3A_311 = vector.load %arg3[%swap3A_309, %swap3A_310] : memref<32768x128xf32, #tpu.memory_space<vmem>>, vector<128x128xf32>
    tpu.vector_store %arg3[%swap3A_309, %swap3A_310], %exp23A_308 {strides = array<i32>} : memref<32768x128xf32, #tpu.memory_space<vmem>>, vector<128x128xf32>,
    %slice3A_312 = vector.extract_strided_slice %sqrt3A {offsets = [28, 0], sizes = [1, 128], strides = [1, 1]} : vector<256x128xf32> to vector<1x128xf32>
    %broadcast_in_dim3A_313 = vector.shape_cast %slice3A_312 : vector<1x128xf32> to vector<1x128xf32>
    %broadcast_in_dim3A_314 = vector.broadcast %broadcast_in_dim3A_313 : vector<1x128xf32> to vector<128x128xf32>
    %transpose3A_315 = tpu.transpose %broadcast_in_dim3A_314, [1, 0] : vector<128x128xf32> -> vector<128x128xf32>
    %sub3A_316 = arith.subf %transpose3A_315, %broadcast_in_dim3A_5 : vector<128x128xf32>
    %mul3A_317 = arith.mulf %broadcast_in_dim3A_8, %sub3A_316 : vector<128x128xf32>
    %mul3A_318 = arith.mulf %mul3A_317, %sub3A_316 : vector<128x128xf32>
    %exp23A_319 = math.exp2 %mul3A_318 : vector<128x128xf32>
    %swap3A_320 = arith.constant 3584 : index
    %swap3A_321 = arith.constant 0 : index
    %swap3A_322 = vector.load %arg3[%swap3A_320, %swap3A_321] : memref<32768x128xf32, #tpu.memory_space<vmem>>, vector<128x128xf32>
    tpu.vector_store %arg3[%swap3A_320, %swap3A_321], %exp23A_319 {strides = array<i32>} : memref<32768x128xf32, #tpu.memory_space<vmem>>, vector<128x128xf32>,
    %slice3A_323 = vector.extract_strided_slice %sqrt3A {offsets = [29, 0], sizes = [1, 128], strides = [1, 1]} : vector<256x128xf32> to vector<1x128xf32>
    %broadcast_in_dim3A_324 = vector.shape_cast %slice3A_323 : vector<1x128xf32> to vector<1x128xf32>
    %broadcast_in_dim3A_325 = vector.broadcast %broadcast_in_dim3A_324 : vector<1x128xf32> to vector<128x128xf32>
    %transpose3A_326 = tpu.transpose %broadcast_in_dim3A_325, [1, 0] : vector<128x128xf32> -> vector<128x128xf32>
    %sub3A_327 = arith.subf %transpose3A_326, %broadcast_in_dim3A_5 : vector<128x128xf32>
    %mul3A_328 = arith.mulf %broadcast_in_dim3A_8, %sub3A_327 : vector<128x128xf32>
    %mul3A_329 = arith.mulf %mul3A_328, %sub3A_327 : vector<128x128xf32>
    %exp23A_330 = math.exp2 %mul3A_329 : vector<128x128xf32>
    %swap3A_331 = arith.constant 3712 : index
    %swap3A_332 = arith.constant 0 : index
    %swap3A_333 = vector.load %arg3[%swap3A_331, %swap3A_332] : memref<32768x128xf32, #tpu.memory_space<vmem>>, vector<128x128xf32>
    tpu.vector_store %arg3[%swap3A_331, %swap3A_332], %exp23A_330 {strides = array<i32>} : memref<32768x128xf32, #tpu.memory_space<vmem>>, vector<128x128xf32>,
    %slice3A_334 = vector.extract_strided_slice %sqrt3A {offsets = [30, 0], sizes = [1, 128], strides = [1, 1]} : vector<256x128xf32> to vector<1x128xf32>
    %broadcast_in_dim3A_335 = vector.shape_cast %slice3A_334 : vector<1x128xf32> to vector<1x128xf32>
    %broadcast_in_dim3A_336 = vector.broadcast %broadcast_in_dim3A_335 : vector<1x128xf32> to vector<128x128xf32>
    %transpose3A_337 = tpu.transpose %broadcast_in_dim3A_336, [1, 0] : vector<128x128xf32> -> vector<128x128xf32>
    %sub3A_338 = arith.subf %transpose3A_337, %broadcast_in_dim3A_5 : vector<128x128xf32>
    %mul3A_339 = arith.mulf %broadcast_in_dim3A_8, %sub3A_338 : vector<128x128xf32>
    %mul3A_340 = arith.mulf %mul3A_339, %sub3A_338 : vector<128x128xf32>
    %exp23A_341 = math.exp2 %mul3A_340 : vector<128x128xf32>
    %swap3A_342 = arith.constant 3840 : index
    %swap3A_343 = arith.constant 0 : index
    %swap3A_344 = vector.load %arg3[%swap3A_342, %swap3A_343] : memref<32768x128xf32, #tpu.memory_space<vmem>>, vector<128x128xf32>
    tpu.vector_store %arg3[%swap3A_342, %swap3A_343], %exp23A_341 {strides = array<i32>} : memref<32768x128xf32, #tpu.memory_space<vmem>>, vector<128x128xf32>,
    %slice3A_345 = vector.extract_strided_slice %sqrt3A {offsets = [31, 0], sizes = [1, 128], strides = [1, 1]} : vector<256x128xf32> to vector<1x128xf32>
    %broadcast_in_dim3A_346 = vector.shape_cast %slice3A_345 : vector<1x128xf32> to vector<1x128xf32>
    %broadcast_in_dim3A_347 = vector.broadcast %broadcast_in_dim3A_346 : vector<1x128xf32> to vector<128x128xf32>
    %transpose3A_348 = tpu.transpose %broadcast_in_dim3A_347, [1, 0] : vector<128x128xf32> -> vector<128x128xf32>
    %sub3A_349 = arith.subf %transpose3A_348, %broadcast_in_dim3A_5 : vector<128x128xf32>
    %mul3A_350 = arith.mulf %broadcast_in_dim3A_8, %sub3A_349 : vector<128x128xf32>
    %mul3A_351 = arith.mulf %mul3A_350, %sub3A_349 : vector<128x128xf32>
    %exp23A_352 = math.exp2 %mul3A_351 : vector<128x128xf32>
    %swap3A_353 = arith.constant 3968 : index
    %swap3A_354 = arith.constant 0 : index
    %swap3A_355 = vector.load %arg3[%swap3A_353, %swap3A_354] : memref<32768x128xf32, #tpu.memory_space<vmem>>, vector<128x128xf32>
    tpu.vector_store %arg3[%swap3A_353, %swap3A_354], %exp23A_352 {strides = array<i32>} : memref<32768x128xf32, #tpu.memory_space<vmem>>, vector<128x128xf32>,
    %slice3A_356 = vector.extract_strided_slice %sqrt3A {offsets = [32, 0], sizes = [1, 128], strides = [1, 1]} : vector<256x128xf32> to vector<1x128xf32>
    %broadcast_in_dim3A_357 = vector.shape_cast %slice3A_356 : vector<1x128xf32> to vector<1x128xf32>
    %broadcast_in_dim3A_358 = vector.broadcast %broadcast_in_dim3A_357 : vector<1x128xf32> to vector<128x128xf32>
    %transpose3A_359 = tpu.transpose %broadcast_in_dim3A_358, [1, 0] : vector<128x128xf32> -> vector<128x128xf32>
    %sub3A_360 = arith.subf %transpose3A_359, %broadcast_in_dim3A_5 : vector<128x128xf32>
    %mul3A_361 = arith.mulf %broadcast_in_dim3A_8, %sub3A_360 : vector<128x128xf32>
    %mul3A_362 = arith.mulf %mul3A_361, %sub3A_360 : vector<128x128xf32>
    %exp23A_363 = math.exp2 %mul3A_362 : vector<128x128xf32>
    %swap3A_364 = arith.constant 4096 : index
    %swap3A_365 = arith.constant 0 : index
    %swap3A_366 = vector.load %arg3[%swap3A_364, %swap3A_365] : memref<32768x128xf32, #tpu.memory_space<vmem>>, vector<128x128xf32>
    tpu.vector_store %arg3[%swap3A_364, %swap3A_365], %exp23A_363 {strides = array<i32>} : memref<32768x128xf32, #tpu.memory_space<vmem>>, vector<128x128xf32>,
    %slice3A_367 = vector.extract_strided_slice %sqrt3A {offsets = [33, 0], sizes = [1, 128], strides = [1, 1]} : vector<256x128xf32> to vector<1x128xf32>
    %broadcast_in_dim3A_368 = vector.shape_cast %slice3A_367 : vector<1x128xf32> to vector<1x128xf32>
    %broadcast_in_dim3A_369 = vector.broadcast %broadcast_in_dim3A_368 : vector<1x128xf32> to vector<128x128xf32>
    %transpose3A_370 = tpu.transpose %broadcast_in_dim3A_369, [1, 0] : vector<128x128xf32> -> vector<128x128xf32>
    %sub3A_371 = arith.subf %transpose3A_370, %broadcast_in_dim3A_5 : vector<128x128xf32>
    %mul3A_372 = arith.mulf %broadcast_in_dim3A_8, %sub3A_371 : vector<128x128xf32>
    %mul3A_373 = arith.mulf %mul3A_372, %sub3A_371 : vector<128x128xf32>
    %exp23A_374 = math.exp2 %mul3A_373 : vector<128x128xf32>
    %swap3A_375 = arith.constant 4224 : index
    %swap3A_376 = arith.constant 0 : index
    %swap3A_377 = vector.load %arg3[%swap3A_375, %swap3A_376] : memref<32768x128xf32, #tpu.memory_space<vmem>>, vector<128x128xf32>
    tpu.vector_store %arg3[%swap3A_375, %swap3A_376], %exp23A_374 {strides = array<i32>} : memref<32768x128xf32, #tpu.memory_space<vmem>>, vector<128x128xf32>,
    %slice3A_378 = vector.extract_strided_slice %sqrt3A {offsets = [34, 0], sizes = [1, 128], strides = [1, 1]} : vector<256x128xf32> to vector<1x128xf32>
    %broadcast_in_dim3A_379 = vector.shape_cast %slice3A_378 : vector<1x128xf32> to vector<1x128xf32>
    %broadcast_in_dim3A_380 = vector.broadcast %broadcast_in_dim3A_379 : vector<1x128xf32> to vector<128x128xf32>
    %transpose3A_381 = tpu.transpose %broadcast_in_dim3A_380, [1, 0] : vector<128x128xf32> -> vector<128x128xf32>
    %sub3A_382 = arith.subf %transpose3A_381, %broadcast_in_dim3A_5 : vector<128x128xf32>
    %mul3A_383 = arith.mulf %broadcast_in_dim3A_8, %sub3A_382 : vector<128x128xf32>
    %mul3A_384 = arith.mulf %mul3A_383, %sub3A_382 : vector<128x128xf32>
    %exp23A_385 = math.exp2 %mul3A_384 : vector<128x128xf32>
    %swap3A_386 = arith.constant 4352 : index
    %swap3A_387 = arith.constant 0 : index
    %swap3A_388 = vector.load %arg3[%swap3A_386, %swap3A_387] : memref<32768x128xf32, #tpu.memory_space<vmem>>, vector<128x128xf32>
    tpu.vector_store %arg3[%swap3A_386, %swap3A_387], %exp23A_385 {strides = array<i32>} : memref<32768x128xf32, #tpu.memory_space<vmem>>, vector<128x128xf32>,
    %slice3A_389 = vector.extract_strided_slice %sqrt3A {offsets = [35, 0], sizes = [1, 128], strides = [1, 1]} : vector<256x128xf32> to vector<1x128xf32>
    %broadcast_in_dim3A_390 = vector.shape_cast %slice3A_389 : vector<1x128xf32> to vector<1x128xf32>
    %broadcast_in_dim3A_391 = vector.broadcast %broadcast_in_dim3A_390 : vector<1x128xf32> to vector<128x128xf32>
    %transpose3A_392 = tpu.transpose %broadcast_in_dim3A_391, [1, 0] : vector<128x128xf32> -> vector<128x128xf32>
    %sub3A_393 = arith.subf %transpose3A_392, %broadcast_in_dim3A_5 : vector<128x128xf32>
    %mul3A_394 = arith.mulf %broadcast_in_dim3A_8, %sub3A_393 : vector<128x128xf32>
    %mul3A_395 = arith.mulf %mul3A_394, %sub3A_393 : vector<128x128xf32>
    %exp23A_396 = math.exp2 %mul3A_395 : vector<128x128xf32>
    %swap3A_397 = arith.constant 4480 : index
    %swap3A_398 = arith.constant 0 : index
    %swap3A_399 = vector.load %arg3[%swap3A_397, %swap3A_398] : memref<32768x128xf32, #tpu.memory_space<vmem>>, vector<128x128xf32>
    tpu.vector_store %arg3[%swap3A_397, %swap3A_398], %exp23A_396 {strides = array<i32>} : memref<32768x128xf32, #tpu.memory_space<vmem>>, vector<128x128xf32>,
    %slice3A_400 = vector.extract_strided_slice %sqrt3A {offsets = [36, 0], sizes = [1, 128], strides = [1, 1]} : vector<256x128xf32> to vector<1x128xf32>
    %broadcast_in_dim3A_401 = vector.shape_cast %slice3A_400 : vector<1x128xf32> to vector<1x128xf32>
    %broadcast_in_dim3A_402 = vector.broadcast %broadcast_in_dim3A_401 : vector<1x128xf32> to vector<128x128xf32>
    %transpose3A_403 = tpu.transpose %broadcast_in_dim3A_402, [1, 0] : vector<128x128xf32> -> vector<128x128xf32>
    %sub3A_404 = arith.subf %transpose3A_403, %broadcast_in_dim3A_5 : vector<128x128xf32>
    %mul3A_405 = arith.mulf %broadcast_in_dim3A_8, %sub3A_404 : vector<128x128xf32>
    %mul3A_406 = arith.mulf %mul3A_405, %sub3A_404 : vector<128x128xf32>
    %exp23A_407 = math.exp2 %mul3A_406 : vector<128x128xf32>
    %swap3A_408 = arith.constant 4608 : index
    %swap3A_409 = arith.constant 0 : index
    %swap3A_410 = vector.load %arg3[%swap3A_408, %swap3A_409] : memref<32768x128xf32, #tpu.memory_space<vmem>>, vector<128x128xf32>
    tpu.vector_store %arg3[%swap3A_408, %swap3A_409], %exp23A_407 {strides = array<i32>} : memref<32768x128xf32, #tpu.memory_space<vmem>>, vector<128x128xf32>,
    %slice3A_411 = vector.extract_strided_slice %sqrt3A {offsets = [37, 0], sizes = [1, 128], strides = [1, 1]} : vector<256x128xf32> to vector<1x128xf32>
    %broadcast_in_dim3A_412 = vector.shape_cast %slice3A_411 : vector<1x128xf32> to vector<1x128xf32>
    %broadcast_in_dim3A_413 = vector.broadcast %broadcast_in_dim3A_412 : vector<1x128xf32> to vector<128x128xf32>
    %transpose3A_414 = tpu.transpose %broadcast_in_dim3A_413, [1, 0] : vector<128x128xf32> -> vector<128x128xf32>
    %sub3A_415 = arith.subf %transpose3A_414, %broadcast_in_dim3A_5 : vector<128x128xf32>
    %mul3A_416 = arith.mulf %broadcast_in_dim3A_8, %sub3A_415 : vector<128x128xf32>
    %mul3A_417 = arith.mulf %mul3A_416, %sub3A_415 : vector<128x128xf32>
    %exp23A_418 = math.exp2 %mul3A_417 : vector<128x128xf32>
    %swap3A_419 = arith.constant 4736 : index
    %swap3A_420 = arith.constant 0 : index
    %swap3A_421 = vector.load %arg3[%swap3A_419, %swap3A_420] : memref<32768x128xf32, #tpu.memory_space<vmem>>, vector<128x128xf32>
    tpu.vector_store %arg3[%swap3A_419, %swap3A_420], %exp23A_418 {strides = array<i32>} : memref<32768x128xf32, #tpu.memory_space<vmem>>, vector<128x128xf32>,
    %slice3A_422 = vector.extract_strided_slice %sqrt3A {offsets = [38, 0], sizes = [1, 128], strides = [1, 1]} : vector<256x128xf32> to vector<1x128xf32>
    %broadcast_in_dim3A_423 = vector.shape_cast %slice3A_422 : vector<1x128xf32> to vector<1x128xf32>
    %broadcast_in_dim3A_424 = vector.broadcast %broadcast_in_dim3A_423 : vector<1x128xf32> to vector<128x128xf32>
    %transpose3A_425 = tpu.transpose %broadcast_in_dim3A_424, [1, 0] : vector<128x128xf32> -> vector<128x128xf32>
    %sub3A_426 = arith.subf %transpose3A_425, %broadcast_in_dim3A_5 : vector<128x128xf32>
    %mul3A_427 = arith.mulf %broadcast_in_dim3A_8, %sub3A_426 : vector<128x128xf32>
    %mul3A_428 = arith.mulf %mul3A_427, %sub3A_426 : vector<128x128xf32>
    %exp23A_429 = math.exp2 %mul3A_428 : vector<128x128xf32>
    %swap3A_430 = arith.constant 4864 : index
    %swap3A_431 = arith.constant 0 : index
    %swap3A_432 = vector.load %arg3[%swap3A_430, %swap3A_431] : memref<32768x128xf32, #tpu.memory_space<vmem>>, vector<128x128xf32>
    tpu.vector_store %arg3[%swap3A_430, %swap3A_431], %exp23A_429 {strides = array<i32>} : memref<32768x128xf32, #tpu.memory_space<vmem>>, vector<128x128xf32>,
    %slice3A_433 = vector.extract_strided_slice %sqrt3A {offsets = [39, 0], sizes = [1, 128], strides = [1, 1]} : vector<256x128xf32> to vector<1x128xf32>
    %broadcast_in_dim3A_434 = vector.shape_cast %slice3A_433 : vector<1x128xf32> to vector<1x128xf32>
    %broadcast_in_dim3A_435 = vector.broadcast %broadcast_in_dim3A_434 : vector<1x128xf32> to vector<128x128xf32>
    %transpose3A_436 = tpu.transpose %broadcast_in_dim3A_435, [1, 0] : vector<128x128xf32> -> vector<128x128xf32>
    %sub3A_437 = arith.subf %transpose3A_436, %broadcast_in_dim3A_5 : vector<128x128xf32>
    %mul3A_438 = arith.mulf %broadcast_in_dim3A_8, %sub3A_437 : vector<128x128xf32>
    %mul3A_439 = arith.mulf %mul3A_438, %sub3A_437 : vector<128x128xf32>
    %exp23A_440 = math.exp2 %mul3A_439 : vector<128x128xf32>
    %swap3A_441 = arith.constant 4992 : index
    %swap3A_442 = arith.constant 0 : index
    %swap3A_443 = vector.load %arg3[%swap3A_441, %swap3A_442] : memref<32768x128xf32, #tpu.memory_space<vmem>>, vector<128x128xf32>
    tpu.vector_store %arg3[%swap3A_441, %swap3A_442], %exp23A_440 {strides = array<i32>} : memref<32768x128xf32, #tpu.memory_space<vmem>>, vector<128x128xf32>,
    %slice3A_444 = vector.extract_strided_slice %sqrt3A {offsets = [40, 0], sizes = [1, 128], strides = [1, 1]} : vector<256x128xf32> to vector<1x128xf32>
    %broadcast_in_dim3A_445 = vector.shape_cast %slice3A_444 : vector<1x128xf32> to vector<1x128xf32>
    %broadcast_in_dim3A_446 = vector.broadcast %broadcast_in_dim3A_445 : vector<1x128xf32> to vector<128x128xf32>
    %transpose3A_447 = tpu.transpose %broadcast_in_dim3A_446, [1, 0] : vector<128x128xf32> -> vector<128x128xf32>
    %sub3A_448 = arith.subf %transpose3A_447, %broadcast_in_dim3A_5 : vector<128x128xf32>
    %mul3A_449 = arith.mulf %broadcast_in_dim3A_8, %sub3A_448 : vector<128x128xf32>
    %mul3A_450 = arith.mulf %mul3A_449, %sub3A_448 : vector<128x128xf32>
    %exp23A_451 = math.exp2 %mul3A_450 : vector<128x128xf32>
    %swap3A_452 = arith.constant 5120 : index
    %swap3A_453 = arith.constant 0 : index
    %swap3A_454 = vector.load %arg3[%swap3A_452, %swap3A_453] : memref<32768x128xf32, #tpu.memory_space<vmem>>, vector<128x128xf32>
    tpu.vector_store %arg3[%swap3A_452, %swap3A_453], %exp23A_451 {strides = array<i32>} : memref<32768x128xf32, #tpu.memory_space<vmem>>, vector<128x128xf32>,
    %slice3A_455 = vector.extract_strided_slice %sqrt3A {offsets = [41, 0], sizes = [1, 128], strides = [1, 1]} : vector<256x128xf32> to vector<1x128xf32>
    %broadcast_in_dim3A_456 = vector.shape_cast %slice3A_455 : vector<1x128xf32> to vector<1x128xf32>
    %broadcast_in_dim3A_457 = vector.broadcast %broadcast_in_dim3A_456 : vector<1x128xf32> to vector<128x128xf32>
    %transpose3A_458 = tpu.transpose %broadcast_in_dim3A_457, [1, 0] : vector<128x128xf32> -> vector<128x128xf32>
    %sub3A_459 = arith.subf %transpose3A_458, %broadcast_in_dim3A_5 : vector<128x128xf32>
    %mul3A_460 = arith.mulf %broadcast_in_dim3A_8, %sub3A_459 : vector<128x128xf32>
    %mul3A_461 = arith.mulf %mul3A_460, %sub3A_459 : vector<128x128xf32>
    %exp23A_462 = math.exp2 %mul3A_461 : vector<128x128xf32>
    %swap3A_463 = arith.constant 5248 : index
    %swap3A_464 = arith.constant 0 : index
    %swap3A_465 = vector.load %arg3[%swap3A_463, %swap3A_464] : memref<32768x128xf32, #tpu.memory_space<vmem>>, vector<128x128xf32>
    tpu.vector_store %arg3[%swap3A_463, %swap3A_464], %exp23A_462 {strides = array<i32>} : memref<32768x128xf32, #tpu.memory_space<vmem>>, vector<128x128xf32>,
    %slice3A_466 = vector.extract_strided_slice %sqrt3A {offsets = [42, 0], sizes = [1, 128], strides = [1, 1]} : vector<256x128xf32> to vector<1x128xf32>
    %broadcast_in_dim3A_467 = vector.shape_cast %slice3A_466 : vector<1x128xf32> to vector<1x128xf32>
    %broadcast_in_dim3A_468 = vector.broadcast %broadcast_in_dim3A_467 : vector<1x128xf32> to vector<128x128xf32>
    %transpose3A_469 = tpu.transpose %broadcast_in_dim3A_468, [1, 0] : vector<128x128xf32> -> vector<128x128xf32>
    %sub3A_470 = arith.subf %transpose3A_469, %broadcast_in_dim3A_5 : vector<128x128xf32>
    %mul3A_471 = arith.mulf %broadcast_in_dim3A_8, %sub3A_470 : vector<128x128xf32>
    %mul3A_472 = arith.mulf %mul3A_471, %sub3A_470 : vector<128x128xf32>
    %exp23A_473 = math.exp2 %mul3A_472 : vector<128x128xf32>
    %swap3A_474 = arith.constant 5376 : index
    %swap3A_475 = arith.constant 0 : index
    %swap3A_476 = vector.load %arg3[%swap3A_474, %swap3A_475] : memref<32768x128xf32, #tpu.memory_space<vmem>>, vector<128x128xf32>
    tpu.vector_store %arg3[%swap3A_474, %swap3A_475], %exp23A_473 {strides = array<i32>} : memref<32768x128xf32, #tpu.memory_space<vmem>>, vector<128x128xf32>,
    %slice3A_477 = vector.extract_strided_slice %sqrt3A {offsets = [43, 0], sizes = [1, 128], strides = [1, 1]} : vector<256x128xf32> to vector<1x128xf32>
    %broadcast_in_dim3A_478 = vector.shape_cast %slice3A_477 : vector<1x128xf32> to vector<1x128xf32>
    %broadcast_in_dim3A_479 = vector.broadcast %broadcast_in_dim3A_478 : vector<1x128xf32> to vector<128x128xf32>
    %transpose3A_480 = tpu.transpose %broadcast_in_dim3A_479, [1, 0] : vector<128x128xf32> -> vector<128x128xf32>
    %sub3A_481 = arith.subf %transpose3A_480, %broadcast_in_dim3A_5 : vector<128x128xf32>
    %mul3A_482 = arith.mulf %broadcast_in_dim3A_8, %sub3A_481 : vector<128x128xf32>
    %mul3A_483 = arith.mulf %mul3A_482, %sub3A_481 : vector<128x128xf32>
    %exp23A_484 = math.exp2 %mul3A_483 : vector<128x128xf32>
    %swap3A_485 = arith.constant 5504 : index
    %swap3A_486 = arith.constant 0 : index
    %swap3A_487 = vector.load %arg3[%swap3A_485, %swap3A_486] : memref<32768x128xf32, #tpu.memory_space<vmem>>, vector<128x128xf32>
    tpu.vector_store %arg3[%swap3A_485, %swap3A_486], %exp23A_484 {strides = array<i32>} : memref<32768x128xf32, #tpu.memory_space<vmem>>, vector<128x128xf32>,
    %slice3A_488 = vector.extract_strided_slice %sqrt3A {offsets = [44, 0], sizes = [1, 128], strides = [1, 1]} : vector<256x128xf32> to vector<1x128xf32>
    %broadcast_in_dim3A_489 = vector.shape_cast %slice3A_488 : vector<1x128xf32> to vector<1x128xf32>
    %broadcast_in_dim3A_490 = vector.broadcast %broadcast_in_dim3A_489 : vector<1x128xf32> to vector<128x128xf32>
    %transpose3A_491 = tpu.transpose %broadcast_in_dim3A_490, [1, 0] : vector<128x128xf32> -> vector<128x128xf32>
    %sub3A_492 = arith.subf %transpose3A_491, %broadcast_in_dim3A_5 : vector<128x128xf32>
    %mul3A_493 = arith.mulf %broadcast_in_dim3A_8, %sub3A_492 : vector<128x128xf32>
    %mul3A_494 = arith.mulf %mul3A_493, %sub3A_492 : vector<128x128xf32>
    %exp23A_495 = math.exp2 %mul3A_494 : vector<128x128xf32>
    %swap3A_496 = arith.constant 5632 : index
    %swap3A_497 = arith.constant 0 : index
    %swap3A_498 = vector.load %arg3[%swap3A_496, %swap3A_497] : memref<32768x128xf32, #tpu.memory_space<vmem>>, vector<128x128xf32>
    tpu.vector_store %arg3[%swap3A_496, %swap3A_497], %exp23A_495 {strides = array<i32>} : memref<32768x128xf32, #tpu.memory_space<vmem>>, vector<128x128xf32>,
    %slice3A_499 = vector.extract_strided_slice %sqrt3A {offsets = [45, 0], sizes = [1, 128], strides = [1, 1]} : vector<256x128xf32> to vector<1x128xf32>
    %broadcast_in_dim3A_500 = vector.shape_cast %slice3A_499 : vector<1x128xf32> to vector<1x128xf32>
    %broadcast_in_dim3A_501 = vector.broadcast %broadcast_in_dim3A_500 : vector<1x128xf32> to vector<128x128xf32>
    %transpose3A_502 = tpu.transpose %broadcast_in_dim3A_501, [1, 0] : vector<128x128xf32> -> vector<128x128xf32>
    %sub3A_503 = arith.subf %transpose3A_502, %broadcast_in_dim3A_5 : vector<128x128xf32>
    %mul3A_504 = arith.mulf %broadcast_in_dim3A_8, %sub3A_503 : vector<128x128xf32>
    %mul3A_505 = arith.mulf %mul3A_504, %sub3A_503 : vector<128x128xf32>
    %exp23A_506 = math.exp2 %mul3A_505 : vector<128x128xf32>
    %swap3A_507 = arith.constant 5760 : index
    %swap3A_508 = arith.constant 0 : index
    %swap3A_509 = vector.load %arg3[%swap3A_507, %swap3A_508] : memref<32768x128xf32, #tpu.memory_space<vmem>>, vector<128x128xf32>
    tpu.vector_store %arg3[%swap3A_507, %swap3A_508], %exp23A_506 {strides = array<i32>} : memref<32768x128xf32, #tpu.memory_space<vmem>>, vector<128x128xf32>,
    %slice3A_510 = vector.extract_strided_slice %sqrt3A {offsets = [46, 0], sizes = [1, 128], strides = [1, 1]} : vector<256x128xf32> to vector<1x128xf32>
    %broadcast_in_dim3A_511 = vector.shape_cast %slice3A_510 : vector<1x128xf32> to vector<1x128xf32>
    %broadcast_in_dim3A_512 = vector.broadcast %broadcast_in_dim3A_511 : vector<1x128xf32> to vector<128x128xf32>
    %transpose3A_513 = tpu.transpose %broadcast_in_dim3A_512, [1, 0] : vector<128x128xf32> -> vector<128x128xf32>
    %sub3A_514 = arith.subf %transpose3A_513, %broadcast_in_dim3A_5 : vector<128x128xf32>
    %mul3A_515 = arith.mulf %broadcast_in_dim3A_8, %sub3A_514 : vector<128x128xf32>
    %mul3A_516 = arith.mulf %mul3A_515, %sub3A_514 : vector<128x128xf32>
    %exp23A_517 = math.exp2 %mul3A_516 : vector<128x128xf32>
    %swap3A_518 = arith.constant 5888 : index
    %swap3A_519 = arith.constant 0 : index
    %swap3A_520 = vector.load %arg3[%swap3A_518, %swap3A_519] : memref<32768x128xf32, #tpu.memory_space<vmem>>, vector<128x128xf32>
    tpu.vector_store %arg3[%swap3A_518, %swap3A_519], %exp23A_517 {strides = array<i32>} : memref<32768x128xf32, #tpu.memory_space<vmem>>, vector<128x128xf32>,
    %slice3A_521 = vector.extract_strided_slice %sqrt3A {offsets = [47, 0], sizes = [1, 128], strides = [1, 1]} : vector<256x128xf32> to vector<1x128xf32>
    %broadcast_in_dim3A_522 = vector.shape_cast %slice3A_521 : vector<1x128xf32> to vector<1x128xf32>
    %broadcast_in_dim3A_523 = vector.broadcast %broadcast_in_dim3A_522 : vector<1x128xf32> to vector<128x128xf32>
    %transpose3A_524 = tpu.transpose %broadcast_in_dim3A_523, [1, 0] : vector<128x128xf32> -> vector<128x128xf32>
    %sub3A_525 = arith.subf %transpose3A_524, %broadcast_in_dim3A_5 : vector<128x128xf32>
    %mul3A_526 = arith.mulf %broadcast_in_dim3A_8, %sub3A_525 : vector<128x128xf32>
    %mul3A_527 = arith.mulf %mul3A_526, %sub3A_525 : vector<128x128xf32>
    %exp23A_528 = math.exp2 %mul3A_527 : vector<128x128xf32>
    %swap3A_529 = arith.constant 6016 : index
    %swap3A_530 = arith.constant 0 : index
    %swap3A_531 = vector.load %arg3[%swap3A_529, %swap3A_530] : memref<32768x128xf32, #tpu.memory_space<vmem>>, vector<128x128xf32>
    tpu.vector_store %arg3[%swap3A_529, %swap3A_530], %exp23A_528 {strides = array<i32>} : memref<32768x128xf32, #tpu.memory_space<vmem>>, vector<128x128xf32>,
    %slice3A_532 = vector.extract_strided_slice %sqrt3A {offsets = [48, 0], sizes = [1, 128], strides = [1, 1]} : vector<256x128xf32> to vector<1x128xf32>
    %broadcast_in_dim3A_533 = vector.shape_cast %slice3A_532 : vector<1x128xf32> to vector<1x128xf32>
    %broadcast_in_dim3A_534 = vector.broadcast %broadcast_in_dim3A_533 : vector<1x128xf32> to vector<128x128xf32>
    %transpose3A_535 = tpu.transpose %broadcast_in_dim3A_534, [1, 0] : vector<128x128xf32> -> vector<128x128xf32>
    %sub3A_536 = arith.subf %transpose3A_535, %broadcast_in_dim3A_5 : vector<128x128xf32>
    %mul3A_537 = arith.mulf %broadcast_in_dim3A_8, %sub3A_536 : vector<128x128xf32>
    %mul3A_538 = arith.mulf %mul3A_537, %sub3A_536 : vector<128x128xf32>
    %exp23A_539 = math.exp2 %mul3A_538 : vector<128x128xf32>
    %swap3A_540 = arith.constant 6144 : index
    %swap3A_541 = arith.constant 0 : index
    %swap3A_542 = vector.load %arg3[%swap3A_540, %swap3A_541] : memref<32768x128xf32, #tpu.memory_space<vmem>>, vector<128x128xf32>
    tpu.vector_store %arg3[%swap3A_540, %swap3A_541], %exp23A_539 {strides = array<i32>} : memref<32768x128xf32, #tpu.memory_space<vmem>>, vector<128x128xf32>,
    %slice3A_543 = vector.extract_strided_slice %sqrt3A {offsets = [49, 0], sizes = [1, 128], strides = [1, 1]} : vector<256x128xf32> to vector<1x128xf32>
    %broadcast_in_dim3A_544 = vector.shape_cast %slice3A_543 : vector<1x128xf32> to vector<1x128xf32>
    %broadcast_in_dim3A_545 = vector.broadcast %broadcast_in_dim3A_544 : vector<1x128xf32> to vector<128x128xf32>
    %transpose3A_546 = tpu.transpose %broadcast_in_dim3A_545, [1, 0] : vector<128x128xf32> -> vector<128x128xf32>
    %sub3A_547 = arith.subf %transpose3A_546, %broadcast_in_dim3A_5 : vector<128x128xf32>
    %mul3A_548 = arith.mulf %broadcast_in_dim3A_8, %sub3A_547 : vector<128x128xf32>
    %mul3A_549 = arith.mulf %mul3A_548, %sub3A_547 : vector<128x128xf32>
    %exp23A_550 = math.exp2 %mul3A_549 : vector<128x128xf32>
    %swap3A_551 = arith.constant 6272 : index
    %swap3A_552 = arith.constant 0 : index
    %swap3A_553 = vector.load %arg3[%swap3A_551, %swap3A_552] : memref<32768x128xf32, #tpu.memory_space<vmem>>, vector<128x128xf32>
    tpu.vector_store %arg3[%swap3A_551, %swap3A_552], %exp23A_550 {strides = array<i32>} : memref<32768x128xf32, #tpu.memory_space<vmem>>, vector<128x128xf32>,
    %slice3A_554 = vector.extract_strided_slice %sqrt3A {offsets = [50, 0], sizes = [1, 128], strides = [1, 1]} : vector<256x128xf32> to vector<1x128xf32>
    %broadcast_in_dim3A_555 = vector.shape_cast %slice3A_554 : vector<1x128xf32> to vector<1x128xf32>
    %broadcast_in_dim3A_556 = vector.broadcast %broadcast_in_dim3A_555 : vector<1x128xf32> to vector<128x128xf32>
    %transpose3A_557 = tpu.transpose %broadcast_in_dim3A_556, [1, 0] : vector<128x128xf32> -> vector<128x128xf32>
    %sub3A_558 = arith.subf %transpose3A_557, %broadcast_in_dim3A_5 : vector<128x128xf32>
    %mul3A_559 = arith.mulf %broadcast_in_dim3A_8, %sub3A_558 : vector<128x128xf32>
    %mul3A_560 = arith.mulf %mul3A_559, %sub3A_558 : vector<128x128xf32>
    %exp23A_561 = math.exp2 %mul3A_560 : vector<128x128xf32>
    %swap3A_562 = arith.constant 6400 : index
    %swap3A_563 = arith.constant 0 : index
    %swap3A_564 = vector.load %arg3[%swap3A_562, %swap3A_563] : memref<32768x128xf32, #tpu.memory_space<vmem>>, vector<128x128xf32>
    tpu.vector_store %arg3[%swap3A_562, %swap3A_563], %exp23A_561 {strides = array<i32>} : memref<32768x128xf32, #tpu.memory_space<vmem>>, vector<128x128xf32>,
    %slice3A_565 = vector.extract_strided_slice %sqrt3A {offsets = [51, 0], sizes = [1, 128], strides = [1, 1]} : vector<256x128xf32> to vector<1x128xf32>
    %broadcast_in_dim3A_566 = vector.shape_cast %slice3A_565 : vector<1x128xf32> to vector<1x128xf32>
    %broadcast_in_dim3A_567 = vector.broadcast %broadcast_in_dim3A_566 : vector<1x128xf32> to vector<128x128xf32>
    %transpose3A_568 = tpu.transpose %broadcast_in_dim3A_567, [1, 0] : vector<128x128xf32> -> vector<128x128xf32>
    %sub3A_569 = arith.subf %transpose3A_568, %broadcast_in_dim3A_5 : vector<128x128xf32>
    %mul3A_570 = arith.mulf %broadcast_in_dim3A_8, %sub3A_569 : vector<128x128xf32>
    %mul3A_571 = arith.mulf %mul3A_570, %sub3A_569 : vector<128x128xf32>
    %exp23A_572 = math.exp2 %mul3A_571 : vector<128x128xf32>
    %swap3A_573 = arith.constant 6528 : index
    %swap3A_574 = arith.constant 0 : index
    %swap3A_575 = vector.load %arg3[%swap3A_573, %swap3A_574] : memref<32768x128xf32, #tpu.memory_space<vmem>>, vector<128x128xf32>
    tpu.vector_store %arg3[%swap3A_573, %swap3A_574], %exp23A_572 {strides = array<i32>} : memref<32768x128xf32, #tpu.memory_space<vmem>>, vector<128x128xf32>,
    %slice3A_576 = vector.extract_strided_slice %sqrt3A {offsets = [52, 0], sizes = [1, 128], strides = [1, 1]} : vector<256x128xf32> to vector<1x128xf32>
    %broadcast_in_dim3A_577 = vector.shape_cast %slice3A_576 : vector<1x128xf32> to vector<1x128xf32>
    %broadcast_in_dim3A_578 = vector.broadcast %broadcast_in_dim3A_577 : vector<1x128xf32> to vector<128x128xf32>
    %transpose3A_579 = tpu.transpose %broadcast_in_dim3A_578, [1, 0] : vector<128x128xf32> -> vector<128x128xf32>
    %sub3A_580 = arith.subf %transpose3A_579, %broadcast_in_dim3A_5 : vector<128x128xf32>
    %mul3A_581 = arith.mulf %broadcast_in_dim3A_8, %sub3A_580 : vector<128x128xf32>
    %mul3A_582 = arith.mulf %mul3A_581, %sub3A_580 : vector<128x128xf32>
    %exp23A_583 = math.exp2 %mul3A_582 : vector<128x128xf32>
    %swap3A_584 = arith.constant 6656 : index
    %swap3A_585 = arith.constant 0 : index
    %swap3A_586 = vector.load %arg3[%swap3A_584, %swap3A_585] : memref<32768x128xf32, #tpu.memory_space<vmem>>, vector<128x128xf32>
    tpu.vector_store %arg3[%swap3A_584, %swap3A_585], %exp23A_583 {strides = array<i32>} : memref<32768x128xf32, #tpu.memory_space<vmem>>, vector<128x128xf32>,
    %slice3A_587 = vector.extract_strided_slice %sqrt3A {offsets = [53, 0], sizes = [1, 128], strides = [1, 1]} : vector<256x128xf32> to vector<1x128xf32>
    %broadcast_in_dim3A_588 = vector.shape_cast %slice3A_587 : vector<1x128xf32> to vector<1x128xf32>
    %broadcast_in_dim3A_589 = vector.broadcast %broadcast_in_dim3A_588 : vector<1x128xf32> to vector<128x128xf32>
    %transpose3A_590 = tpu.transpose %broadcast_in_dim3A_589, [1, 0] : vector<128x128xf32> -> vector<128x128xf32>
    %sub3A_591 = arith.subf %transpose3A_590, %broadcast_in_dim3A_5 : vector<128x128xf32>
    %mul3A_592 = arith.mulf %broadcast_in_dim3A_8, %sub3A_591 : vector<128x128xf32>
    %mul3A_593 = arith.mulf %mul3A_592, %sub3A_591 : vector<128x128xf32>
    %exp23A_594 = math.exp2 %mul3A_593 : vector<128x128xf32>
    %swap3A_595 = arith.constant 6784 : index
    %swap3A_596 = arith.constant 0 : index
    %swap3A_597 = vector.load %arg3[%swap3A_595, %swap3A_596] : memref<32768x128xf32, #tpu.memory_space<vmem>>, vector<128x128xf32>
    tpu.vector_store %arg3[%swap3A_595, %swap3A_596], %exp23A_594 {strides = array<i32>} : memref<32768x128xf32, #tpu.memory_space<vmem>>, vector<128x128xf32>,
    %slice3A_598 = vector.extract_strided_slice %sqrt3A {offsets = [54, 0], sizes = [1, 128], strides = [1, 1]} : vector<256x128xf32> to vector<1x128xf32>
    %broadcast_in_dim3A_599 = vector.shape_cast %slice3A_598 : vector<1x128xf32> to vector<1x128xf32>
    %broadcast_in_dim3A_600 = vector.broadcast %broadcast_in_dim3A_599 : vector<1x128xf32> to vector<128x128xf32>
    %transpose3A_601 = tpu.transpose %broadcast_in_dim3A_600, [1, 0] : vector<128x128xf32> -> vector<128x128xf32>
    %sub3A_602 = arith.subf %transpose3A_601, %broadcast_in_dim3A_5 : vector<128x128xf32>
    %mul3A_603 = arith.mulf %broadcast_in_dim3A_8, %sub3A_602 : vector<128x128xf32>
    %mul3A_604 = arith.mulf %mul3A_603, %sub3A_602 : vector<128x128xf32>
    %exp23A_605 = math.exp2 %mul3A_604 : vector<128x128xf32>
    %swap3A_606 = arith.constant 6912 : index
    %swap3A_607 = arith.constant 0 : index
    %swap3A_608 = vector.load %arg3[%swap3A_606, %swap3A_607] : memref<32768x128xf32, #tpu.memory_space<vmem>>, vector<128x128xf32>
    tpu.vector_store %arg3[%swap3A_606, %swap3A_607], %exp23A_605 {strides = array<i32>} : memref<32768x128xf32, #tpu.memory_space<vmem>>, vector<128x128xf32>,
    %slice3A_609 = vector.extract_strided_slice %sqrt3A {offsets = [55, 0], sizes = [1, 128], strides = [1, 1]} : vector<256x128xf32> to vector<1x128xf32>
    %broadcast_in_dim3A_610 = vector.shape_cast %slice3A_609 : vector<1x128xf32> to vector<1x128xf32>
    %broadcast_in_dim3A_611 = vector.broadcast %broadcast_in_dim3A_610 : vector<1x128xf32> to vector<128x128xf32>
    %transpose3A_612 = tpu.transpose %broadcast_in_dim3A_611, [1, 0] : vector<128x128xf32> -> vector<128x128xf32>
    %sub3A_613 = arith.subf %transpose3A_612, %broadcast_in_dim3A_5 : vector<128x128xf32>
    %mul3A_614 = arith.mulf %broadcast_in_dim3A_8, %sub3A_613 : vector<128x128xf32>
    %mul3A_615 = arith.mulf %mul3A_614, %sub3A_613 : vector<128x128xf32>
    %exp23A_616 = math.exp2 %mul3A_615 : vector<128x128xf32>
    %swap3A_617 = arith.constant 7040 : index
    %swap3A_618 = arith.constant 0 : index
    %swap3A_619 = vector.load %arg3[%swap3A_617, %swap3A_618] : memref<32768x128xf32, #tpu.memory_space<vmem>>, vector<128x128xf32>
    tpu.vector_store %arg3[%swap3A_617, %swap3A_618], %exp23A_616 {strides = array<i32>} : memref<32768x128xf32, #tpu.memory_space<vmem>>, vector<128x128xf32>,
    %slice3A_620 = vector.extract_strided_slice %sqrt3A {offsets = [56, 0], sizes = [1, 128], strides = [1, 1]} : vector<256x128xf32> to vector<1x128xf32>
    %broadcast_in_dim3A_621 = vector.shape_cast %slice3A_620 : vector<1x128xf32> to vector<1x128xf32>
    %broadcast_in_dim3A_622 = vector.broadcast %broadcast_in_dim3A_621 : vector<1x128xf32> to vector<128x128xf32>
    %transpose3A_623 = tpu.transpose %broadcast_in_dim3A_622, [1, 0] : vector<128x128xf32> -> vector<128x128xf32>
    %sub3A_624 = arith.subf %transpose3A_623, %broadcast_in_dim3A_5 : vector<128x128xf32>
    %mul3A_625 = arith.mulf %broadcast_in_dim3A_8, %sub3A_624 : vector<128x128xf32>
    %mul3A_626 = arith.mulf %mul3A_625, %sub3A_624 : vector<128x128xf32>
    %exp23A_627 = math.exp2 %mul3A_626 : vector<128x128xf32>
    %swap3A_628 = arith.constant 7168 : index
    %swap3A_629 = arith.constant 0 : index
    %swap3A_630 = vector.load %arg3[%swap3A_628, %swap3A_629] : memref<32768x128xf32, #tpu.memory_space<vmem>>, vector<128x128xf32>
    tpu.vector_store %arg3[%swap3A_628, %swap3A_629], %exp23A_627 {strides = array<i32>} : memref<32768x128xf32, #tpu.memory_space<vmem>>, vector<128x128xf32>,
    %slice3A_631 = vector.extract_strided_slice %sqrt3A {offsets = [57, 0], sizes = [1, 128], strides = [1, 1]} : vector<256x128xf32> to vector<1x128xf32>
    %broadcast_in_dim3A_632 = vector.shape_cast %slice3A_631 : vector<1x128xf32> to vector<1x128xf32>
    %broadcast_in_dim3A_633 = vector.broadcast %broadcast_in_dim3A_632 : vector<1x128xf32> to vector<128x128xf32>
    %transpose3A_634 = tpu.transpose %broadcast_in_dim3A_633, [1, 0] : vector<128x128xf32> -> vector<128x128xf32>
    %sub3A_635 = arith.subf %transpose3A_634, %broadcast_in_dim3A_5 : vector<128x128xf32>
    %mul3A_636 = arith.mulf %broadcast_in_dim3A_8, %sub3A_635 : vector<128x128xf32>
    %mul3A_637 = arith.mulf %mul3A_636, %sub3A_635 : vector<128x128xf32>
    %exp23A_638 = math.exp2 %mul3A_637 : vector<128x128xf32>
    %swap3A_639 = arith.constant 7296 : index
    %swap3A_640 = arith.constant 0 : index
    %swap3A_641 = vector.load %arg3[%swap3A_639, %swap3A_640] : memref<32768x128xf32, #tpu.memory_space<vmem>>, vector<128x128xf32>
    tpu.vector_store %arg3[%swap3A_639, %swap3A_640], %exp23A_638 {strides = array<i32>} : memref<32768x128xf32, #tpu.memory_space<vmem>>, vector<128x128xf32>,
    %slice3A_642 = vector.extract_strided_slice %sqrt3A {offsets = [58, 0], sizes = [1, 128], strides = [1, 1]} : vector<256x128xf32> to vector<1x128xf32>
    %broadcast_in_dim3A_643 = vector.shape_cast %slice3A_642 : vector<1x128xf32> to vector<1x128xf32>
    %broadcast_in_dim3A_644 = vector.broadcast %broadcast_in_dim3A_643 : vector<1x128xf32> to vector<128x128xf32>
    %transpose3A_645 = tpu.transpose %broadcast_in_dim3A_644, [1, 0] : vector<128x128xf32> -> vector<128x128xf32>
    %sub3A_646 = arith.subf %transpose3A_645, %broadcast_in_dim3A_5 : vector<128x128xf32>
    %mul3A_647 = arith.mulf %broadcast_in_dim3A_8, %sub3A_646 : vector<128x128xf32>
    %mul3A_648 = arith.mulf %mul3A_647, %sub3A_646 : vector<128x128xf32>
    %exp23A_649 = math.exp2 %mul3A_648 : vector<128x128xf32>
    %swap3A_650 = arith.constant 7424 : index
    %swap3A_651 = arith.constant 0 : index
    %swap3A_652 = vector.load %arg3[%swap3A_650, %swap3A_651] : memref<32768x128xf32, #tpu.memory_space<vmem>>, vector<128x128xf32>
    tpu.vector_store %arg3[%swap3A_650, %swap3A_651], %exp23A_649 {strides = array<i32>} : memref<32768x128xf32, #tpu.memory_space<vmem>>, vector<128x128xf32>,
    %slice3A_653 = vector.extract_strided_slice %sqrt3A {offsets = [59, 0], sizes = [1, 128], strides = [1, 1]} : vector<256x128xf32> to vector<1x128xf32>
    %broadcast_in_dim3A_654 = vector.shape_cast %slice3A_653 : vector<1x128xf32> to vector<1x128xf32>
    %broadcast_in_dim3A_655 = vector.broadcast %broadcast_in_dim3A_654 : vector<1x128xf32> to vector<128x128xf32>
    %transpose3A_656 = tpu.transpose %broadcast_in_dim3A_655, [1, 0] : vector<128x128xf32> -> vector<128x128xf32>
    %sub3A_657 = arith.subf %transpose3A_656, %broadcast_in_dim3A_5 : vector<128x128xf32>
    %mul3A_658 = arith.mulf %broadcast_in_dim3A_8, %sub3A_657 : vector<128x128xf32>
    %mul3A_659 = arith.mulf %mul3A_658, %sub3A_657 : vector<128x128xf32>
    %exp23A_660 = math.exp2 %mul3A_659 : vector<128x128xf32>
    %swap3A_661 = arith.constant 7552 : index
    %swap3A_662 = arith.constant 0 : index
    %swap3A_663 = vector.load %arg3[%swap3A_661, %swap3A_662] : memref<32768x128xf32, #tpu.memory_space<vmem>>, vector<128x128xf32>
    tpu.vector_store %arg3[%swap3A_661, %swap3A_662], %exp23A_660 {strides = array<i32>} : memref<32768x128xf32, #tpu.memory_space<vmem>>, vector<128x128xf32>,
    %slice3A_664 = vector.extract_strided_slice %sqrt3A {offsets = [60, 0], sizes = [1, 128], strides = [1, 1]} : vector<256x128xf32> to vector<1x128xf32>
    %broadcast_in_dim3A_665 = vector.shape_cast %slice3A_664 : vector<1x128xf32> to vector<1x128xf32>
    %broadcast_in_dim3A_666 = vector.broadcast %broadcast_in_dim3A_665 : vector<1x128xf32> to vector<128x128xf32>
    %transpose3A_667 = tpu.transpose %broadcast_in_dim3A_666, [1, 0] : vector<128x128xf32> -> vector<128x128xf32>
    %sub3A_668 = arith.subf %transpose3A_667, %broadcast_in_dim3A_5 : vector<128x128xf32>
    %mul3A_669 = arith.mulf %broadcast_in_dim3A_8, %sub3A_668 : vector<128x128xf32>
    %mul3A_670 = arith.mulf %mul3A_669, %sub3A_668 : vector<128x128xf32>
    %exp23A_671 = math.exp2 %mul3A_670 : vector<128x128xf32>
    %swap3A_672 = arith.constant 7680 : index
    %swap3A_673 = arith.constant 0 : index
    %swap3A_674 = vector.load %arg3[%swap3A_672, %swap3A_673] : memref<32768x128xf32, #tpu.memory_space<vmem>>, vector<128x128xf32>
    tpu.vector_store %arg3[%swap3A_672, %swap3A_673], %exp23A_671 {strides = array<i32>} : memref<32768x128xf32, #tpu.memory_space<vmem>>, vector<128x128xf32>,
    %slice3A_675 = vector.extract_strided_slice %sqrt3A {offsets = [61, 0], sizes = [1, 128], strides = [1, 1]} : vector<256x128xf32> to vector<1x128xf32>
    %broadcast_in_dim3A_676 = vector.shape_cast %slice3A_675 : vector<1x128xf32> to vector<1x128xf32>
    %broadcast_in_dim3A_677 = vector.broadcast %broadcast_in_dim3A_676 : vector<1x128xf32> to vector<128x128xf32>
    %transpose3A_678 = tpu.transpose %broadcast_in_dim3A_677, [1, 0] : vector<128x128xf32> -> vector<128x128xf32>
    %sub3A_679 = arith.subf %transpose3A_678, %broadcast_in_dim3A_5 : vector<128x128xf32>
    %mul3A_680 = arith.mulf %broadcast_in_dim3A_8, %sub3A_679 : vector<128x128xf32>
    %mul3A_681 = arith.mulf %mul3A_680, %sub3A_679 : vector<128x128xf32>
    %exp23A_682 = math.exp2 %mul3A_681 : vector<128x128xf32>
    %swap3A_683 = arith.constant 7808 : index
    %swap3A_684 = arith.constant 0 : index
    %swap3A_685 = vector.load %arg3[%swap3A_683, %swap3A_684] : memref<32768x128xf32, #tpu.memory_space<vmem>>, vector<128x128xf32>
    tpu.vector_store %arg3[%swap3A_683, %swap3A_684], %exp23A_682 {strides = array<i32>} : memref<32768x128xf32, #tpu.memory_space<vmem>>, vector<128x128xf32>,
    %slice3A_686 = vector.extract_strided_slice %sqrt3A {offsets = [62, 0], sizes = [1, 128], strides = [1, 1]} : vector<256x128xf32> to vector<1x128xf32>
    %broadcast_in_dim3A_687 = vector.shape_cast %slice3A_686 : vector<1x128xf32> to vector<1x128xf32>
    %broadcast_in_dim3A_688 = vector.broadcast %broadcast_in_dim3A_687 : vector<1x128xf32> to vector<128x128xf32>
    %transpose3A_689 = tpu.transpose %broadcast_in_dim3A_688, [1, 0] : vector<128x128xf32> -> vector<128x128xf32>
    %sub3A_690 = arith.subf %transpose3A_689, %broadcast_in_dim3A_5 : vector<128x128xf32>
    %mul3A_691 = arith.mulf %broadcast_in_dim3A_8, %sub3A_690 : vector<128x128xf32>
    %mul3A_692 = arith.mulf %mul3A_691, %sub3A_690 : vector<128x128xf32>
    %exp23A_693 = math.exp2 %mul3A_692 : vector<128x128xf32>
    %swap3A_694 = arith.constant 7936 : index
    %swap3A_695 = arith.constant 0 : index
    %swap3A_696 = vector.load %arg3[%swap3A_694, %swap3A_695] : memref<32768x128xf32, #tpu.memory_space<vmem>>, vector<128x128xf32>
    tpu.vector_store %arg3[%swap3A_694, %swap3A_695], %exp23A_693 {strides = array<i32>} : memref<32768x128xf32, #tpu.memory_space<vmem>>, vector<128x128xf32>,
    %slice3A_697 = vector.extract_strided_slice %sqrt3A {offsets = [63, 0], sizes = [1, 128], strides = [1, 1]} : vector<256x128xf32> to vector<1x128xf32>
    %broadcast_in_dim3A_698 = vector.shape_cast %slice3A_697 : vector<1x128xf32> to vector<1x128xf32>
    %broadcast_in_dim3A_699 = vector.broadcast %broadcast_in_dim3A_698 : vector<1x128xf32> to vector<128x128xf32>
    %transpose3A_700 = tpu.transpose %broadcast_in_dim3A_699, [1, 0] : vector<128x128xf32> -> vector<128x128xf32>
    %sub3A_701 = arith.subf %transpose3A_700, %broadcast_in_dim3A_5 : vector<128x128xf32>
    %mul3A_702 = arith.mulf %broadcast_in_dim3A_8, %sub3A_701 : vector<128x128xf32>
    %mul3A_703 = arith.mulf %mul3A_702, %sub3A_701 : vector<128x128xf32>
    %exp23A_704 = math.exp2 %mul3A_703 : vector<128x128xf32>
    %swap3A_705 = arith.constant 8064 : index
    %swap3A_706 = arith.constant 0 : index
    %swap3A_707 = vector.load %arg3[%swap3A_705, %swap3A_706] : memref<32768x128xf32, #tpu.memory_space<vmem>>, vector<128x128xf32>
    tpu.vector_store %arg3[%swap3A_705, %swap3A_706], %exp23A_704 {strides = array<i32>} : memref<32768x128xf32, #tpu.memory_space<vmem>>, vector<128x128xf32>,
    %slice3A_708 = vector.extract_strided_slice %sqrt3A {offsets = [64, 0], sizes = [1, 128], strides = [1, 1]} : vector<256x128xf32> to vector<1x128xf32>
    %broadcast_in_dim3A_709 = vector.shape_cast %slice3A_708 : vector<1x128xf32> to vector<1x128xf32>
    %broadcast_in_dim3A_710 = vector.broadcast %broadcast_in_dim3A_709 : vector<1x128xf32> to vector<128x128xf32>
    %transpose3A_711 = tpu.transpose %broadcast_in_dim3A_710, [1, 0] : vector<128x128xf32> -> vector<128x128xf32>
    %sub3A_712 = arith.subf %transpose3A_711, %broadcast_in_dim3A_5 : vector<128x128xf32>
    %mul3A_713 = arith.mulf %broadcast_in_dim3A_8, %sub3A_712 : vector<128x128xf32>
    %mul3A_714 = arith.mulf %mul3A_713, %sub3A_712 : vector<128x128xf32>
    %exp23A_715 = math.exp2 %mul3A_714 : vector<128x128xf32>
    %swap3A_716 = arith.constant 8192 : index
    %swap3A_717 = arith.constant 0 : index
    %swap3A_718 = vector.load %arg3[%swap3A_716, %swap3A_717] : memref<32768x128xf32, #tpu.memory_space<vmem>>, vector<128x128xf32>
    tpu.vector_store %arg3[%swap3A_716, %swap3A_717], %exp23A_715 {strides = array<i32>} : memref<32768x128xf32, #tpu.memory_space<vmem>>, vector<128x128xf32>,
    %slice3A_719 = vector.extract_strided_slice %sqrt3A {offsets = [65, 0], sizes = [1, 128], strides = [1, 1]} : vector<256x128xf32> to vector<1x128xf32>
    %broadcast_in_dim3A_720 = vector.shape_cast %slice3A_719 : vector<1x128xf32> to vector<1x128xf32>
    %broadcast_in_dim3A_721 = vector.broadcast %broadcast_in_dim3A_720 : vector<1x128xf32> to vector<128x128xf32>
    %transpose3A_722 = tpu.transpose %broadcast_in_dim3A_721, [1, 0] : vector<128x128xf32> -> vector<128x128xf32>
    %sub3A_723 = arith.subf %transpose3A_722, %broadcast_in_dim3A_5 : vector<128x128xf32>
    %mul3A_724 = arith.mulf %broadcast_in_dim3A_8, %sub3A_723 : vector<128x128xf32>
    %mul3A_725 = arith.mulf %mul3A_724, %sub3A_723 : vector<128x128xf32>
    %exp23A_726 = math.exp2 %mul3A_725 : vector<128x128xf32>
    %swap3A_727 = arith.constant 8320 : index
    %swap3A_728 = arith.constant 0 : index
    %swap3A_729 = vector.load %arg3[%swap3A_727, %swap3A_728] : memref<32768x128xf32, #tpu.memory_space<vmem>>, vector<128x128xf32>
    tpu.vector_store %arg3[%swap3A_727, %swap3A_728], %exp23A_726 {strides = array<i32>} : memref<32768x128xf32, #tpu.memory_space<vmem>>, vector<128x128xf32>,
    %slice3A_730 = vector.extract_strided_slice %sqrt3A {offsets = [66, 0], sizes = [1, 128], strides = [1, 1]} : vector<256x128xf32> to vector<1x128xf32>
    %broadcast_in_dim3A_731 = vector.shape_cast %slice3A_730 : vector<1x128xf32> to vector<1x128xf32>
    %broadcast_in_dim3A_732 = vector.broadcast %broadcast_in_dim3A_731 : vector<1x128xf32> to vector<128x128xf32>
    %transpose3A_733 = tpu.transpose %broadcast_in_dim3A_732, [1, 0] : vector<128x128xf32> -> vector<128x128xf32>
    %sub3A_734 = arith.subf %transpose3A_733, %broadcast_in_dim3A_5 : vector<128x128xf32>
    %mul3A_735 = arith.mulf %broadcast_in_dim3A_8, %sub3A_734 : vector<128x128xf32>
    %mul3A_736 = arith.mulf %mul3A_735, %sub3A_734 : vector<128x128xf32>
    %exp23A_737 = math.exp2 %mul3A_736 : vector<128x128xf32>
    %swap3A_738 = arith.constant 8448 : index
    %swap3A_739 = arith.constant 0 : index
    %swap3A_740 = vector.load %arg3[%swap3A_738, %swap3A_739] : memref<32768x128xf32, #tpu.memory_space<vmem>>, vector<128x128xf32>
    tpu.vector_store %arg3[%swap3A_738, %swap3A_739], %exp23A_737 {strides = array<i32>} : memref<32768x128xf32, #tpu.memory_space<vmem>>, vector<128x128xf32>,
    %slice3A_741 = vector.extract_strided_slice %sqrt3A {offsets = [67, 0], sizes = [1, 128], strides = [1, 1]} : vector<256x128xf32> to vector<1x128xf32>
    %broadcast_in_dim3A_742 = vector.shape_cast %slice3A_741 : vector<1x128xf32> to vector<1x128xf32>
    %broadcast_in_dim3A_743 = vector.broadcast %broadcast_in_dim3A_742 : vector<1x128xf32> to vector<128x128xf32>
    %transpose3A_744 = tpu.transpose %broadcast_in_dim3A_743, [1, 0] : vector<128x128xf32> -> vector<128x128xf32>
    %sub3A_745 = arith.subf %transpose3A_744, %broadcast_in_dim3A_5 : vector<128x128xf32>
    %mul3A_746 = arith.mulf %broadcast_in_dim3A_8, %sub3A_745 : vector<128x128xf32>
    %mul3A_747 = arith.mulf %mul3A_746, %sub3A_745 : vector<128x128xf32>
    %exp23A_748 = math.exp2 %mul3A_747 : vector<128x128xf32>
    %swap3A_749 = arith.constant 8576 : index
    %swap3A_750 = arith.constant 0 : index
    %swap3A_751 = vector.load %arg3[%swap3A_749, %swap3A_750] : memref<32768x128xf32, #tpu.memory_space<vmem>>, vector<128x128xf32>
    tpu.vector_store %arg3[%swap3A_749, %swap3A_750], %exp23A_748 {strides = array<i32>} : memref<32768x128xf32, #tpu.memory_space<vmem>>, vector<128x128xf32>,
    %slice3A_752 = vector.extract_strided_slice %sqrt3A {offsets = [68, 0], sizes = [1, 128], strides = [1, 1]} : vector<256x128xf32> to vector<1x128xf32>
    %broadcast_in_dim3A_753 = vector.shape_cast %slice3A_752 : vector<1x128xf32> to vector<1x128xf32>
    %broadcast_in_dim3A_754 = vector.broadcast %broadcast_in_dim3A_753 : vector<1x128xf32> to vector<128x128xf32>
    %transpose3A_755 = tpu.transpose %broadcast_in_dim3A_754, [1, 0] : vector<128x128xf32> -> vector<128x128xf32>
    %sub3A_756 = arith.subf %transpose3A_755, %broadcast_in_dim3A_5 : vector<128x128xf32>
    %mul3A_757 = arith.mulf %broadcast_in_dim3A_8, %sub3A_756 : vector<128x128xf32>
    %mul3A_758 = arith.mulf %mul3A_757, %sub3A_756 : vector<128x128xf32>
    %exp23A_759 = math.exp2 %mul3A_758 : vector<128x128xf32>
    %swap3A_760 = arith.constant 8704 : index
    %swap3A_761 = arith.constant 0 : index
    %swap3A_762 = vector.load %arg3[%swap3A_760, %swap3A_761] : memref<32768x128xf32, #tpu.memory_space<vmem>>, vector<128x128xf32>
    tpu.vector_store %arg3[%swap3A_760, %swap3A_761], %exp23A_759 {strides = array<i32>} : memref<32768x128xf32, #tpu.memory_space<vmem>>, vector<128x128xf32>,
    %slice3A_763 = vector.extract_strided_slice %sqrt3A {offsets = [69, 0], sizes = [1, 128], strides = [1, 1]} : vector<256x128xf32> to vector<1x128xf32>
    %broadcast_in_dim3A_764 = vector.shape_cast %slice3A_763 : vector<1x128xf32> to vector<1x128xf32>
    %broadcast_in_dim3A_765 = vector.broadcast %broadcast_in_dim3A_764 : vector<1x128xf32> to vector<128x128xf32>
    %transpose3A_766 = tpu.transpose %broadcast_in_dim3A_765, [1, 0] : vector<128x128xf32> -> vector<128x128xf32>
    %sub3A_767 = arith.subf %transpose3A_766, %broadcast_in_dim3A_5 : vector<128x128xf32>
    %mul3A_768 = arith.mulf %broadcast_in_dim3A_8, %sub3A_767 : vector<128x128xf32>
    %mul3A_769 = arith.mulf %mul3A_768, %sub3A_767 : vector<128x128xf32>
    %exp23A_770 = math.exp2 %mul3A_769 : vector<128x128xf32>
    %swap3A_771 = arith.constant 8832 : index
    %swap3A_772 = arith.constant 0 : index
    %swap3A_773 = vector.load %arg3[%swap3A_771, %swap3A_772] : memref<32768x128xf32, #tpu.memory_space<vmem>>, vector<128x128xf32>
    tpu.vector_store %arg3[%swap3A_771, %swap3A_772], %exp23A_770 {strides = array<i32>} : memref<32768x128xf32, #tpu.memory_space<vmem>>, vector<128x128xf32>,
    %slice3A_774 = vector.extract_strided_slice %sqrt3A {offsets = [70, 0], sizes = [1, 128], strides = [1, 1]} : vector<256x128xf32> to vector<1x128xf32>
    %broadcast_in_dim3A_775 = vector.shape_cast %slice3A_774 : vector<1x128xf32> to vector<1x128xf32>
    %broadcast_in_dim3A_776 = vector.broadcast %broadcast_in_dim3A_775 : vector<1x128xf32> to vector<128x128xf32>
    %transpose3A_777 = tpu.transpose %broadcast_in_dim3A_776, [1, 0] : vector<128x128xf32> -> vector<128x128xf32>
    %sub3A_778 = arith.subf %transpose3A_777, %broadcast_in_dim3A_5 : vector<128x128xf32>
    %mul3A_779 = arith.mulf %broadcast_in_dim3A_8, %sub3A_778 : vector<128x128xf32>
    %mul3A_780 = arith.mulf %mul3A_779, %sub3A_778 : vector<128x128xf32>
    %exp23A_781 = math.exp2 %mul3A_780 : vector<128x128xf32>
    %swap3A_782 = arith.constant 8960 : index
    %swap3A_783 = arith.constant 0 : index
    %swap3A_784 = vector.load %arg3[%swap3A_782, %swap3A_783] : memref<32768x128xf32, #tpu.memory_space<vmem>>, vector<128x128xf32>
    tpu.vector_store %arg3[%swap3A_782, %swap3A_783], %exp23A_781 {strides = array<i32>} : memref<32768x128xf32, #tpu.memory_space<vmem>>, vector<128x128xf32>,
    %slice3A_785 = vector.extract_strided_slice %sqrt3A {offsets = [71, 0], sizes = [1, 128], strides = [1, 1]} : vector<256x128xf32> to vector<1x128xf32>
    %broadcast_in_dim3A_786 = vector.shape_cast %slice3A_785 : vector<1x128xf32> to vector<1x128xf32>
    %broadcast_in_dim3A_787 = vector.broadcast %broadcast_in_dim3A_786 : vector<1x128xf32> to vector<128x128xf32>
    %transpose3A_788 = tpu.transpose %broadcast_in_dim3A_787, [1, 0] : vector<128x128xf32> -> vector<128x128xf32>
    %sub3A_789 = arith.subf %transpose3A_788, %broadcast_in_dim3A_5 : vector<128x128xf32>
    %mul3A_790 = arith.mulf %broadcast_in_dim3A_8, %sub3A_789 : vector<128x128xf32>
    %mul3A_791 = arith.mulf %mul3A_790, %sub3A_789 : vector<128x128xf32>
    %exp23A_792 = math.exp2 %mul3A_791 : vector<128x128xf32>
    %swap3A_793 = arith.constant 9088 : index
    %swap3A_794 = arith.constant 0 : index
    %swap3A_795 = vector.load %arg3[%swap3A_793, %swap3A_794] : memref<32768x128xf32, #tpu.memory_space<vmem>>, vector<128x128xf32>
    tpu.vector_store %arg3[%swap3A_793, %swap3A_794], %exp23A_792 {strides = array<i32>} : memref<32768x128xf32, #tpu.memory_space<vmem>>, vector<128x128xf32>,
    %slice3A_796 = vector.extract_strided_slice %sqrt3A {offsets = [72, 0], sizes = [1, 128], strides = [1, 1]} : vector<256x128xf32> to vector<1x128xf32>
    %broadcast_in_dim3A_797 = vector.shape_cast %slice3A_796 : vector<1x128xf32> to vector<1x128xf32>
    %broadcast_in_dim3A_798 = vector.broadcast %broadcast_in_dim3A_797 : vector<1x128xf32> to vector<128x128xf32>
    %transpose3A_799 = tpu.transpose %broadcast_in_dim3A_798, [1, 0] : vector<128x128xf32> -> vector<128x128xf32>
    %sub3A_800 = arith.subf %transpose3A_799, %broadcast_in_dim3A_5 : vector<128x128xf32>
    %mul3A_801 = arith.mulf %broadcast_in_dim3A_8, %sub3A_800 : vector<128x128xf32>
    %mul3A_802 = arith.mulf %mul3A_801, %sub3A_800 : vector<128x128xf32>
    %exp23A_803 = math.exp2 %mul3A_802 : vector<128x128xf32>
    %swap3A_804 = arith.constant 9216 : index
    %swap3A_805 = arith.constant 0 : index
    %swap3A_806 = vector.load %arg3[%swap3A_804, %swap3A_805] : memref<32768x128xf32, #tpu.memory_space<vmem>>, vector<128x128xf32>
    tpu.vector_store %arg3[%swap3A_804, %swap3A_805], %exp23A_803 {strides = array<i32>} : memref<32768x128xf32, #tpu.memory_space<vmem>>, vector<128x128xf32>,
    %slice3A_807 = vector.extract_strided_slice %sqrt3A {offsets = [73, 0], sizes = [1, 128], strides = [1, 1]} : vector<256x128xf32> to vector<1x128xf32>
    %broadcast_in_dim3A_808 = vector.shape_cast %slice3A_807 : vector<1x128xf32> to vector<1x128xf32>
    %broadcast_in_dim3A_809 = vector.broadcast %broadcast_in_dim3A_808 : vector<1x128xf32> to vector<128x128xf32>
    %transpose3A_810 = tpu.transpose %broadcast_in_dim3A_809, [1, 0] : vector<128x128xf32> -> vector<128x128xf32>
    %sub3A_811 = arith.subf %transpose3A_810, %broadcast_in_dim3A_5 : vector<128x128xf32>
    %mul3A_812 = arith.mulf %broadcast_in_dim3A_8, %sub3A_811 : vector<128x128xf32>
    %mul3A_813 = arith.mulf %mul3A_812, %sub3A_811 : vector<128x128xf32>
    %exp23A_814 = math.exp2 %mul3A_813 : vector<128x128xf32>
    %swap3A_815 = arith.constant 9344 : index
    %swap3A_816 = arith.constant 0 : index
    %swap3A_817 = vector.load %arg3[%swap3A_815, %swap3A_816] : memref<32768x128xf32, #tpu.memory_space<vmem>>, vector<128x128xf32>
    tpu.vector_store %arg3[%swap3A_815, %swap3A_816], %exp23A_814 {strides = array<i32>} : memref<32768x128xf32, #tpu.memory_space<vmem>>, vector<128x128xf32>,
    %slice3A_818 = vector.extract_strided_slice %sqrt3A {offsets = [74, 0], sizes = [1, 128], strides = [1, 1]} : vector<256x128xf32> to vector<1x128xf32>
    %broadcast_in_dim3A_819 = vector.shape_cast %slice3A_818 : vector<1x128xf32> to vector<1x128xf32>
    %broadcast_in_dim3A_820 = vector.broadcast %broadcast_in_dim3A_819 : vector<1x128xf32> to vector<128x128xf32>
    %transpose3A_821 = tpu.transpose %broadcast_in_dim3A_820, [1, 0] : vector<128x128xf32> -> vector<128x128xf32>
    %sub3A_822 = arith.subf %transpose3A_821, %broadcast_in_dim3A_5 : vector<128x128xf32>
    %mul3A_823 = arith.mulf %broadcast_in_dim3A_8, %sub3A_822 : vector<128x128xf32>
    %mul3A_824 = arith.mulf %mul3A_823, %sub3A_822 : vector<128x128xf32>
    %exp23A_825 = math.exp2 %mul3A_824 : vector<128x128xf32>
    %swap3A_826 = arith.constant 9472 : index
    %swap3A_827 = arith.constant 0 : index
    %swap3A_828 = vector.load %arg3[%swap3A_826, %swap3A_827] : memref<32768x128xf32, #tpu.memory_space<vmem>>, vector<128x128xf32>
    tpu.vector_store %arg3[%swap3A_826, %swap3A_827], %exp23A_825 {strides = array<i32>} : memref<32768x128xf32, #tpu.memory_space<vmem>>, vector<128x128xf32>,
    %slice3A_829 = vector.extract_strided_slice %sqrt3A {offsets = [75, 0], sizes = [1, 128], strides = [1, 1]} : vector<256x128xf32> to vector<1x128xf32>
    %broadcast_in_dim3A_830 = vector.shape_cast %slice3A_829 : vector<1x128xf32> to vector<1x128xf32>
    %broadcast_in_dim3A_831 = vector.broadcast %broadcast_in_dim3A_830 : vector<1x128xf32> to vector<128x128xf32>
    %transpose3A_832 = tpu.transpose %broadcast_in_dim3A_831, [1, 0] : vector<128x128xf32> -> vector<128x128xf32>
    %sub3A_833 = arith.subf %transpose3A_832, %broadcast_in_dim3A_5 : vector<128x128xf32>
    %mul3A_834 = arith.mulf %broadcast_in_dim3A_8, %sub3A_833 : vector<128x128xf32>
    %mul3A_835 = arith.mulf %mul3A_834, %sub3A_833 : vector<128x128xf32>
    %exp23A_836 = math.exp2 %mul3A_835 : vector<128x128xf32>
    %swap3A_837 = arith.constant 9600 : index
    %swap3A_838 = arith.constant 0 : index
    %swap3A_839 = vector.load %arg3[%swap3A_837, %swap3A_838] : memref<32768x128xf32, #tpu.memory_space<vmem>>, vector<128x128xf32>
    tpu.vector_store %arg3[%swap3A_837, %swap3A_838], %exp23A_836 {strides = array<i32>} : memref<32768x128xf32, #tpu.memory_space<vmem>>, vector<128x128xf32>,
    %slice3A_840 = vector.extract_strided_slice %sqrt3A {offsets = [76, 0], sizes = [1, 128], strides = [1, 1]} : vector<256x128xf32> to vector<1x128xf32>
    %broadcast_in_dim3A_841 = vector.shape_cast %slice3A_840 : vector<1x128xf32> to vector<1x128xf32>
    %broadcast_in_dim3A_842 = vector.broadcast %broadcast_in_dim3A_841 : vector<1x128xf32> to vector<128x128xf32>
    %transpose3A_843 = tpu.transpose %broadcast_in_dim3A_842, [1, 0] : vector<128x128xf32> -> vector<128x128xf32>
    %sub3A_844 = arith.subf %transpose3A_843, %broadcast_in_dim3A_5 : vector<128x128xf32>
    %mul3A_845 = arith.mulf %broadcast_in_dim3A_8, %sub3A_844 : vector<128x128xf32>
    %mul3A_846 = arith.mulf %mul3A_845, %sub3A_844 : vector<128x128xf32>
    %exp23A_847 = math.exp2 %mul3A_846 : vector<128x128xf32>
    %swap3A_848 = arith.constant 9728 : index
    %swap3A_849 = arith.constant 0 : index
    %swap3A_850 = vector.load %arg3[%swap3A_848, %swap3A_849] : memref<32768x128xf32, #tpu.memory_space<vmem>>, vector<128x128xf32>
    tpu.vector_store %arg3[%swap3A_848, %swap3A_849], %exp23A_847 {strides = array<i32>} : memref<32768x128xf32, #tpu.memory_space<vmem>>, vector<128x128xf32>,
    %slice3A_851 = vector.extract_strided_slice %sqrt3A {offsets = [77, 0], sizes = [1, 128], strides = [1, 1]} : vector<256x128xf32> to vector<1x128xf32>
    %broadcast_in_dim3A_852 = vector.shape_cast %slice3A_851 : vector<1x128xf32> to vector<1x128xf32>
    %broadcast_in_dim3A_853 = vector.broadcast %broadcast_in_dim3A_852 : vector<1x128xf32> to vector<128x128xf32>
    %transpose3A_854 = tpu.transpose %broadcast_in_dim3A_853, [1, 0] : vector<128x128xf32> -> vector<128x128xf32>
    %sub3A_855 = arith.subf %transpose3A_854, %broadcast_in_dim3A_5 : vector<128x128xf32>
    %mul3A_856 = arith.mulf %broadcast_in_dim3A_8, %sub3A_855 : vector<128x128xf32>
    %mul3A_857 = arith.mulf %mul3A_856, %sub3A_855 : vector<128x128xf32>
    %exp23A_858 = math.exp2 %mul3A_857 : vector<128x128xf32>
    %swap3A_859 = arith.constant 9856 : index
    %swap3A_860 = arith.constant 0 : index
    %swap3A_861 = vector.load %arg3[%swap3A_859, %swap3A_860] : memref<32768x128xf32, #tpu.memory_space<vmem>>, vector<128x128xf32>
    tpu.vector_store %arg3[%swap3A_859, %swap3A_860], %exp23A_858 {strides = array<i32>} : memref<32768x128xf32, #tpu.memory_space<vmem>>, vector<128x128xf32>,
    %slice3A_862 = vector.extract_strided_slice %sqrt3A {offsets = [78, 0], sizes = [1, 128], strides = [1, 1]} : vector<256x128xf32> to vector<1x128xf32>
    %broadcast_in_dim3A_863 = vector.shape_cast %slice3A_862 : vector<1x128xf32> to vector<1x128xf32>
    %broadcast_in_dim3A_864 = vector.broadcast %broadcast_in_dim3A_863 : vector<1x128xf32> to vector<128x128xf32>
    %transpose3A_865 = tpu.transpose %broadcast_in_dim3A_864, [1, 0] : vector<128x128xf32> -> vector<128x128xf32>
    %sub3A_866 = arith.subf %transpose3A_865, %broadcast_in_dim3A_5 : vector<128x128xf32>
    %mul3A_867 = arith.mulf %broadcast_in_dim3A_8, %sub3A_866 : vector<128x128xf32>
    %mul3A_868 = arith.mulf %mul3A_867, %sub3A_866 : vector<128x128xf32>
    %exp23A_869 = math.exp2 %mul3A_868 : vector<128x128xf32>
    %swap3A_870 = arith.constant 9984 : index
    %swap3A_871 = arith.constant 0 : index
    %swap3A_872 = vector.load %arg3[%swap3A_870, %swap3A_871] : memref<32768x128xf32, #tpu.memory_space<vmem>>, vector<128x128xf32>
    tpu.vector_store %arg3[%swap3A_870, %swap3A_871], %exp23A_869 {strides = array<i32>} : memref<32768x128xf32, #tpu.memory_space<vmem>>, vector<128x128xf32>,
    %slice3A_873 = vector.extract_strided_slice %sqrt3A {offsets = [79, 0], sizes = [1, 128], strides = [1, 1]} : vector<256x128xf32> to vector<1x128xf32>
    %broadcast_in_dim3A_874 = vector.shape_cast %slice3A_873 : vector<1x128xf32> to vector<1x128xf32>
    %broadcast_in_dim3A_875 = vector.broadcast %broadcast_in_dim3A_874 : vector<1x128xf32> to vector<128x128xf32>
    %transpose3A_876 = tpu.transpose %broadcast_in_dim3A_875, [1, 0] : vector<128x128xf32> -> vector<128x128xf32>
    %sub3A_877 = arith.subf %transpose3A_876, %broadcast_in_dim3A_5 : vector<128x128xf32>
    %mul3A_878 = arith.mulf %broadcast_in_dim3A_8, %sub3A_877 : vector<128x128xf32>
    %mul3A_879 = arith.mulf %mul3A_878, %sub3A_877 : vector<128x128xf32>
    %exp23A_880 = math.exp2 %mul3A_879 : vector<128x128xf32>
    %swap3A_881 = arith.constant 10112 : index
    %swap3A_882 = arith.constant 0 : index
    %swap3A_883 = vector.load %arg3[%swap3A_881, %swap3A_882] : memref<32768x128xf32, #tpu.memory_space<vmem>>, vector<128x128xf32>
    tpu.vector_store %arg3[%swap3A_881, %swap3A_882], %exp23A_880 {strides = array<i32>} : memref<32768x128xf32, #tpu.memory_space<vmem>>, vector<128x128xf32>,
    %slice3A_884 = vector.extract_strided_slice %sqrt3A {offsets = [80, 0], sizes = [1, 128], strides = [1, 1]} : vector<256x128xf32> to vector<1x128xf32>
    %broadcast_in_dim3A_885 = vector.shape_cast %slice3A_884 : vector<1x128xf32> to vector<1x128xf32>
    %broadcast_in_dim3A_886 = vector.broadcast %broadcast_in_dim3A_885 : vector<1x128xf32> to vector<128x128xf32>
    %transpose3A_887 = tpu.transpose %broadcast_in_dim3A_886, [1, 0] : vector<128x128xf32> -> vector<128x128xf32>
    %sub3A_888 = arith.subf %transpose3A_887, %broadcast_in_dim3A_5 : vector<128x128xf32>
    %mul3A_889 = arith.mulf %broadcast_in_dim3A_8, %sub3A_888 : vector<128x128xf32>
    %mul3A_890 = arith.mulf %mul3A_889, %sub3A_888 : vector<128x128xf32>
    %exp23A_891 = math.exp2 %mul3A_890 : vector<128x128xf32>
    %swap3A_892 = arith.constant 10240 : index
    %swap3A_893 = arith.constant 0 : index
    %swap3A_894 = vector.load %arg3[%swap3A_892, %swap3A_893] : memref<32768x128xf32, #tpu.memory_space<vmem>>, vector<128x128xf32>
    tpu.vector_store %arg3[%swap3A_892, %swap3A_893], %exp23A_891 {strides = array<i32>} : memref<32768x128xf32, #tpu.memory_space<vmem>>, vector<128x128xf32>,
    %slice3A_895 = vector.extract_strided_slice %sqrt3A {offsets = [81, 0], sizes = [1, 128], strides = [1, 1]} : vector<256x128xf32> to vector<1x128xf32>
    %broadcast_in_dim3A_896 = vector.shape_cast %slice3A_895 : vector<1x128xf32> to vector<1x128xf32>
    %broadcast_in_dim3A_897 = vector.broadcast %broadcast_in_dim3A_896 : vector<1x128xf32> to vector<128x128xf32>
    %transpose3A_898 = tpu.transpose %broadcast_in_dim3A_897, [1, 0] : vector<128x128xf32> -> vector<128x128xf32>
    %sub3A_899 = arith.subf %transpose3A_898, %broadcast_in_dim3A_5 : vector<128x128xf32>
    %mul3A_900 = arith.mulf %broadcast_in_dim3A_8, %sub3A_899 : vector<128x128xf32>
    %mul3A_901 = arith.mulf %mul3A_900, %sub3A_899 : vector<128x128xf32>
    %exp23A_902 = math.exp2 %mul3A_901 : vector<128x128xf32>
    %swap3A_903 = arith.constant 10368 : index
    %swap3A_904 = arith.constant 0 : index
    %swap3A_905 = vector.load %arg3[%swap3A_903, %swap3A_904] : memref<32768x128xf32, #tpu.memory_space<vmem>>, vector<128x128xf32>
    tpu.vector_store %arg3[%swap3A_903, %swap3A_904], %exp23A_902 {strides = array<i32>} : memref<32768x128xf32, #tpu.memory_space<vmem>>, vector<128x128xf32>,
    %slice3A_906 = vector.extract_strided_slice %sqrt3A {offsets = [82, 0], sizes = [1, 128], strides = [1, 1]} : vector<256x128xf32> to vector<1x128xf32>
    %broadcast_in_dim3A_907 = vector.shape_cast %slice3A_906 : vector<1x128xf32> to vector<1x128xf32>
    %broadcast_in_dim3A_908 = vector.broadcast %broadcast_in_dim3A_907 : vector<1x128xf32> to vector<128x128xf32>
    %transpose3A_909 = tpu.transpose %broadcast_in_dim3A_908, [1, 0] : vector<128x128xf32> -> vector<128x128xf32>
    %sub3A_910 = arith.subf %transpose3A_909, %broadcast_in_dim3A_5 : vector<128x128xf32>
    %mul3A_911 = arith.mulf %broadcast_in_dim3A_8, %sub3A_910 : vector<128x128xf32>
    %mul3A_912 = arith.mulf %mul3A_911, %sub3A_910 : vector<128x128xf32>
    %exp23A_913 = math.exp2 %mul3A_912 : vector<128x128xf32>
    %swap3A_914 = arith.constant 10496 : index
    %swap3A_915 = arith.constant 0 : index
    %swap3A_916 = vector.load %arg3[%swap3A_914, %swap3A_915] : memref<32768x128xf32, #tpu.memory_space<vmem>>, vector<128x128xf32>
    tpu.vector_store %arg3[%swap3A_914, %swap3A_915], %exp23A_913 {strides = array<i32>} : memref<32768x128xf32, #tpu.memory_space<vmem>>, vector<128x128xf32>,
    %slice3A_917 = vector.extract_strided_slice %sqrt3A {offsets = [83, 0], sizes = [1, 128], strides = [1, 1]} : vector<256x128xf32> to vector<1x128xf32>
    %broadcast_in_dim3A_918 = vector.shape_cast %slice3A_917 : vector<1x128xf32> to vector<1x128xf32>
    %broadcast_in_dim3A_919 = vector.broadcast %broadcast_in_dim3A_918 : vector<1x128xf32> to vector<128x128xf32>
    %transpose3A_920 = tpu.transpose %broadcast_in_dim3A_919, [1, 0] : vector<128x128xf32> -> vector<128x128xf32>
    %sub3A_921 = arith.subf %transpose3A_920, %broadcast_in_dim3A_5 : vector<128x128xf32>
    %mul3A_922 = arith.mulf %broadcast_in_dim3A_8, %sub3A_921 : vector<128x128xf32>
    %mul3A_923 = arith.mulf %mul3A_922, %sub3A_921 : vector<128x128xf32>
    %exp23A_924 = math.exp2 %mul3A_923 : vector<128x128xf32>
    %swap3A_925 = arith.constant 10624 : index
    %swap3A_926 = arith.constant 0 : index
    %swap3A_927 = vector.load %arg3[%swap3A_925, %swap3A_926] : memref<32768x128xf32, #tpu.memory_space<vmem>>, vector<128x128xf32>
    tpu.vector_store %arg3[%swap3A_925, %swap3A_926], %exp23A_924 {strides = array<i32>} : memref<32768x128xf32, #tpu.memory_space<vmem>>, vector<128x128xf32>,
    %slice3A_928 = vector.extract_strided_slice %sqrt3A {offsets = [84, 0], sizes = [1, 128], strides = [1, 1]} : vector<256x128xf32> to vector<1x128xf32>
    %broadcast_in_dim3A_929 = vector.shape_cast %slice3A_928 : vector<1x128xf32> to vector<1x128xf32>
    %broadcast_in_dim3A_930 = vector.broadcast %broadcast_in_dim3A_929 : vector<1x128xf32> to vector<128x128xf32>
    %transpose3A_931 = tpu.transpose %broadcast_in_dim3A_930, [1, 0] : vector<128x128xf32> -> vector<128x128xf32>
    %sub3A_932 = arith.subf %transpose3A_931, %broadcast_in_dim3A_5 : vector<128x128xf32>
    %mul3A_933 = arith.mulf %broadcast_in_dim3A_8, %sub3A_932 : vector<128x128xf32>
    %mul3A_934 = arith.mulf %mul3A_933, %sub3A_932 : vector<128x128xf32>
    %exp23A_935 = math.exp2 %mul3A_934 : vector<128x128xf32>
    %swap3A_936 = arith.constant 10752 : index
    %swap3A_937 = arith.constant 0 : index
    %swap3A_938 = vector.load %arg3[%swap3A_936, %swap3A_937] : memref<32768x128xf32, #tpu.memory_space<vmem>>, vector<128x128xf32>
    tpu.vector_store %arg3[%swap3A_936, %swap3A_937], %exp23A_935 {strides = array<i32>} : memref<32768x128xf32, #tpu.memory_space<vmem>>, vector<128x128xf32>,
    %slice3A_939 = vector.extract_strided_slice %sqrt3A {offsets = [85, 0], sizes = [1, 128], strides = [1, 1]} : vector<256x128xf32> to vector<1x128xf32>
    %broadcast_in_dim3A_940 = vector.shape_cast %slice3A_939 : vector<1x128xf32> to vector<1x128xf32>
    %broadcast_in_dim3A_941 = vector.broadcast %broadcast_in_dim3A_940 : vector<1x128xf32> to vector<128x128xf32>
    %transpose3A_942 = tpu.transpose %broadcast_in_dim3A_941, [1, 0] : vector<128x128xf32> -> vector<128x128xf32>
    %sub3A_943 = arith.subf %transpose3A_942, %broadcast_in_dim3A_5 : vector<128x128xf32>
    %mul3A_944 = arith.mulf %broadcast_in_dim3A_8, %sub3A_943 : vector<128x128xf32>
    %mul3A_945 = arith.mulf %mul3A_944, %sub3A_943 : vector<128x128xf32>
    %exp23A_946 = math.exp2 %mul3A_945 : vector<128x128xf32>
    %swap3A_947 = arith.constant 10880 : index
    %swap3A_948 = arith.constant 0 : index
    %swap3A_949 = vector.load %arg3[%swap3A_947, %swap3A_948] : memref<32768x128xf32, #tpu.memory_space<vmem>>, vector<128x128xf32>
    tpu.vector_store %arg3[%swap3A_947, %swap3A_948], %exp23A_946 {strides = array<i32>} : memref<32768x128xf32, #tpu.memory_space<vmem>>, vector<128x128xf32>,
    %slice3A_950 = vector.extract_strided_slice %sqrt3A {offsets = [86, 0], sizes = [1, 128], strides = [1, 1]} : vector<256x128xf32> to vector<1x128xf32>
    %broadcast_in_dim3A_951 = vector.shape_cast %slice3A_950 : vector<1x128xf32> to vector<1x128xf32>
    %broadcast_in_dim3A_952 = vector.broadcast %broadcast_in_dim3A_951 : vector<1x128xf32> to vector<128x128xf32>
    %transpose3A_953 = tpu.transpose %broadcast_in_dim3A_952, [1, 0] : vector<128x128xf32> -> vector<128x128xf32>
    %sub3A_954 = arith.subf %transpose3A_953, %broadcast_in_dim3A_5 : vector<128x128xf32>
    %mul3A_955 = arith.mulf %broadcast_in_dim3A_8, %sub3A_954 : vector<128x128xf32>
    %mul3A_956 = arith.mulf %mul3A_955, %sub3A_954 : vector<128x128xf32>
    %exp23A_957 = math.exp2 %mul3A_956 : vector<128x128xf32>
    %swap3A_958 = arith.constant 11008 : index
    %swap3A_959 = arith.constant 0 : index
    %swap3A_960 = vector.load %arg3[%swap3A_958, %swap3A_959] : memref<32768x128xf32, #tpu.memory_space<vmem>>, vector<128x128xf32>
    tpu.vector_store %arg3[%swap3A_958, %swap3A_959], %exp23A_957 {strides = array<i32>} : memref<32768x128xf32, #tpu.memory_space<vmem>>, vector<128x128xf32>,
    %slice3A_961 = vector.extract_strided_slice %sqrt3A {offsets = [87, 0], sizes = [1, 128], strides = [1, 1]} : vector<256x128xf32> to vector<1x128xf32>
    %broadcast_in_dim3A_962 = vector.shape_cast %slice3A_961 : vector<1x128xf32> to vector<1x128xf32>
    %broadcast_in_dim3A_963 = vector.broadcast %broadcast_in_dim3A_962 : vector<1x128xf32> to vector<128x128xf32>
    %transpose3A_964 = tpu.transpose %broadcast_in_dim3A_963, [1, 0] : vector<128x128xf32> -> vector<128x128xf32>
    %sub3A_965 = arith.subf %transpose3A_964, %broadcast_in_dim3A_5 : vector<128x128xf32>
    %mul3A_966 = arith.mulf %broadcast_in_dim3A_8, %sub3A_965 : vector<128x128xf32>
    %mul3A_967 = arith.mulf %mul3A_966, %sub3A_965 : vector<128x128xf32>
    %exp23A_968 = math.exp2 %mul3A_967 : vector<128x128xf32>
    %swap3A_969 = arith.constant 11136 : index
    %swap3A_970 = arith.constant 0 : index
    %swap3A_971 = vector.load %arg3[%swap3A_969, %swap3A_970] : memref<32768x128xf32, #tpu.memory_space<vmem>>, vector<128x128xf32>
    tpu.vector_store %arg3[%swap3A_969, %swap3A_970], %exp23A_968 {strides = array<i32>} : memref<32768x128xf32, #tpu.memory_space<vmem>>, vector<128x128xf32>,
    %slice3A_972 = vector.extract_strided_slice %sqrt3A {offsets = [88, 0], sizes = [1, 128], strides = [1, 1]} : vector<256x128xf32> to vector<1x128xf32>
    %broadcast_in_dim3A_973 = vector.shape_cast %slice3A_972 : vector<1x128xf32> to vector<1x128xf32>
    %broadcast_in_dim3A_974 = vector.broadcast %broadcast_in_dim3A_973 : vector<1x128xf32> to vector<128x128xf32>
    %transpose3A_975 = tpu.transpose %broadcast_in_dim3A_974, [1, 0] : vector<128x128xf32> -> vector<128x128xf32>
    %sub3A_976 = arith.subf %transpose3A_975, %broadcast_in_dim3A_5 : vector<128x128xf32>
    %mul3A_977 = arith.mulf %broadcast_in_dim3A_8, %sub3A_976 : vector<128x128xf32>
    %mul3A_978 = arith.mulf %mul3A_977, %sub3A_976 : vector<128x128xf32>
    %exp23A_979 = math.exp2 %mul3A_978 : vector<128x128xf32>
    %swap3A_980 = arith.constant 11264 : index
    %swap3A_981 = arith.constant 0 : index
    %swap3A_982 = vector.load %arg3[%swap3A_980, %swap3A_981] : memref<32768x128xf32, #tpu.memory_space<vmem>>, vector<128x128xf32>
    tpu.vector_store %arg3[%swap3A_980, %swap3A_981], %exp23A_979 {strides = array<i32>} : memref<32768x128xf32, #tpu.memory_space<vmem>>, vector<128x128xf32>,
    %slice3A_983 = vector.extract_strided_slice %sqrt3A {offsets = [89, 0], sizes = [1, 128], strides = [1, 1]} : vector<256x128xf32> to vector<1x128xf32>
    %broadcast_in_dim3A_984 = vector.shape_cast %slice3A_983 : vector<1x128xf32> to vector<1x128xf32>
    %broadcast_in_dim3A_985 = vector.broadcast %broadcast_in_dim3A_984 : vector<1x128xf32> to vector<128x128xf32>
    %transpose3A_986 = tpu.transpose %broadcast_in_dim3A_985, [1, 0] : vector<128x128xf32> -> vector<128x128xf32>
    %sub3A_987 = arith.subf %transpose3A_986, %broadcast_in_dim3A_5 : vector<128x128xf32>
    %mul3A_988 = arith.mulf %broadcast_in_dim3A_8, %sub3A_987 : vector<128x128xf32>
    %mul3A_989 = arith.mulf %mul3A_988, %sub3A_987 : vector<128x128xf32>
    %exp23A_990 = math.exp2 %mul3A_989 : vector<128x128xf32>
    %swap3A_991 = arith.constant 11392 : index
    %swap3A_992 = arith.constant 0 : index
    %swap3A_993 = vector.load %arg3[%swap3A_991, %swap3A_992] : memref<32768x128xf32, #tpu.memory_space<vmem>>, vector<128x128xf32>
    tpu.vector_store %arg3[%swap3A_991, %swap3A_992], %exp23A_990 {strides = array<i32>} : memref<32768x128xf32, #tpu.memory_space<vmem>>, vector<128x128xf32>,
    %slice3A_994 = vector.extract_strided_slice %sqrt3A {offsets = [90, 0], sizes = [1, 128], strides = [1, 1]} : vector<256x128xf32> to vector<1x128xf32>
    %broadcast_in_dim3A_995 = vector.shape_cast %slice3A_994 : vector<1x128xf32> to vector<1x128xf32>
    %broadcast_in_dim3A_996 = vector.broadcast %broadcast_in_dim3A_995 : vector<1x128xf32> to vector<128x128xf32>
    %transpose3A_997 = tpu.transpose %broadcast_in_dim3A_996, [1, 0] : vector<128x128xf32> -> vector<128x128xf32>
    %sub3A_998 = arith.subf %transpose3A_997, %broadcast_in_dim3A_5 : vector<128x128xf32>
    %mul3A_999 = arith.mulf %broadcast_in_dim3A_8, %sub3A_998 : vector<128x128xf32>
    %mul3A_1000 = arith.mulf %mul3A_999, %sub3A_998 : vector<128x128xf32>
    %exp23A_1001 = math.exp2 %mul3A_1000 : vector<128x128xf32>
    %swap3A_1002 = arith.constant 11520 : index
    %swap3A_1003 = arith.constant 0 : index
    %swap3A_1004 = vector.load %arg3[%swap3A_1002, %swap3A_1003] : memref<32768x128xf32, #tpu.memory_space<vmem>>, vector<128x128xf32>
    tpu.vector_store %arg3[%swap3A_1002, %swap3A_1003], %exp23A_1001 {strides = array<i32>} : memref<32768x128xf32, #tpu.memory_space<vmem>>, vector<128x128xf32>,
    %slice3A_1005 = vector.extract_strided_slice %sqrt3A {offsets = [91, 0], sizes = [1, 128], strides = [1, 1]} : vector<256x128xf32> to vector<1x128xf32>
    %broadcast_in_dim3A_1006 = vector.shape_cast %slice3A_1005 : vector<1x128xf32> to vector<1x128xf32>
    %broadcast_in_dim3A_1007 = vector.broadcast %broadcast_in_dim3A_1006 : vector<1x128xf32> to vector<128x128xf32>
    %transpose3A_1008 = tpu.transpose %broadcast_in_dim3A_1007, [1, 0] : vector<128x128xf32> -> vector<128x128xf32>
    %sub3A_1009 = arith.subf %transpose3A_1008, %broadcast_in_dim3A_5 : vector<128x128xf32>
    %mul3A_1010 = arith.mulf %broadcast_in_dim3A_8, %sub3A_1009 : vector<128x128xf32>
    %mul3A_1011 = arith.mulf %mul3A_1010, %sub3A_1009 : vector<128x128xf32>
    %exp23A_1012 = math.exp2 %mul3A_1011 : vector<128x128xf32>
    %swap3A_1013 = arith.constant 11648 : index
    %swap3A_1014 = arith.constant 0 : index
    %swap3A_1015 = vector.load %arg3[%swap3A_1013, %swap3A_1014] : memref<32768x128xf32, #tpu.memory_space<vmem>>, vector<128x128xf32>
    tpu.vector_store %arg3[%swap3A_1013, %swap3A_1014], %exp23A_1012 {strides = array<i32>} : memref<32768x128xf32, #tpu.memory_space<vmem>>, vector<128x128xf32>,
    %slice3A_1016 = vector.extract_strided_slice %sqrt3A {offsets = [92, 0], sizes = [1, 128], strides = [1, 1]} : vector<256x128xf32> to vector<1x128xf32>
    %broadcast_in_dim3A_1017 = vector.shape_cast %slice3A_1016 : vector<1x128xf32> to vector<1x128xf32>
    %broadcast_in_dim3A_1018 = vector.broadcast %broadcast_in_dim3A_1017 : vector<1x128xf32> to vector<128x128xf32>
    %transpose3A_1019 = tpu.transpose %broadcast_in_dim3A_1018, [1, 0] : vector<128x128xf32> -> vector<128x128xf32>
    %sub3A_1020 = arith.subf %transpose3A_1019, %broadcast_in_dim3A_5 : vector<128x128xf32>
    %mul3A_1021 = arith.mulf %broadcast_in_dim3A_8, %sub3A_1020 : vector<128x128xf32>
    %mul3A_1022 = arith.mulf %mul3A_1021, %sub3A_1020 : vector<128x128xf32>
    %exp23A_1023 = math.exp2 %mul3A_1022 : vector<128x128xf32>
    %swap3A_1024 = arith.constant 11776 : index
    %swap3A_1025 = arith.constant 0 : index
    %swap3A_1026 = vector.load %arg3[%swap3A_1024, %swap3A_1025] : memref<32768x128xf32, #tpu.memory_space<vmem>>, vector<128x128xf32>
    tpu.vector_store %arg3[%swap3A_1024, %swap3A_1025], %exp23A_1023 {strides = array<i32>} : memref<32768x128xf32, #tpu.memory_space<vmem>>, vector<128x128xf32>,
    %slice3A_1027 = vector.extract_strided_slice %sqrt3A {offsets = [93, 0], sizes = [1, 128], strides = [1, 1]} : vector<256x128xf32> to vector<1x128xf32>
    %broadcast_in_dim3A_1028 = vector.shape_cast %slice3A_1027 : vector<1x128xf32> to vector<1x128xf32>
    %broadcast_in_dim3A_1029 = vector.broadcast %broadcast_in_dim3A_1028 : vector<1x128xf32> to vector<128x128xf32>
    %transpose3A_1030 = tpu.transpose %broadcast_in_dim3A_1029, [1, 0] : vector<128x128xf32> -> vector<128x128xf32>
    %sub3A_1031 = arith.subf %transpose3A_1030, %broadcast_in_dim3A_5 : vector<128x128xf32>
    %mul3A_1032 = arith.mulf %broadcast_in_dim3A_8, %sub3A_1031 : vector<128x128xf32>
    %mul3A_1033 = arith.mulf %mul3A_1032, %sub3A_1031 : vector<128x128xf32>
    %exp23A_1034 = math.exp2 %mul3A_1033 : vector<128x128xf32>
    %swap3A_1035 = arith.constant 11904 : index
    %swap3A_1036 = arith.constant 0 : index
    %swap3A_1037 = vector.load %arg3[%swap3A_1035, %swap3A_1036] : memref<32768x128xf32, #tpu.memory_space<vmem>>, vector<128x128xf32>
    tpu.vector_store %arg3[%swap3A_1035, %swap3A_1036], %exp23A_1034 {strides = array<i32>} : memref<32768x128xf32, #tpu.memory_space<vmem>>, vector<128x128xf32>,
    %slice3A_1038 = vector.extract_strided_slice %sqrt3A {offsets = [94, 0], sizes = [1, 128], strides = [1, 1]} : vector<256x128xf32> to vector<1x128xf32>
    %broadcast_in_dim3A_1039 = vector.shape_cast %slice3A_1038 : vector<1x128xf32> to vector<1x128xf32>
    %broadcast_in_dim3A_1040 = vector.broadcast %broadcast_in_dim3A_1039 : vector<1x128xf32> to vector<128x128xf32>
    %transpose3A_1041 = tpu.transpose %broadcast_in_dim3A_1040, [1, 0] : vector<128x128xf32> -> vector<128x128xf32>
    %sub3A_1042 = arith.subf %transpose3A_1041, %broadcast_in_dim3A_5 : vector<128x128xf32>
    %mul3A_1043 = arith.mulf %broadcast_in_dim3A_8, %sub3A_1042 : vector<128x128xf32>
    %mul3A_1044 = arith.mulf %mul3A_1043, %sub3A_1042 : vector<128x128xf32>
    %exp23A_1045 = math.exp2 %mul3A_1044 : vector<128x128xf32>
    %swap3A_1046 = arith.constant 12032 : index
    %swap3A_1047 = arith.constant 0 : index
    %swap3A_1048 = vector.load %arg3[%swap3A_1046, %swap3A_1047] : memref<32768x128xf32, #tpu.memory_space<vmem>>, vector<128x128xf32>
    tpu.vector_store %arg3[%swap3A_1046, %swap3A_1047], %exp23A_1045 {strides = array<i32>} : memref<32768x128xf32, #tpu.memory_space<vmem>>, vector<128x128xf32>,
    %slice3A_1049 = vector.extract_strided_slice %sqrt3A {offsets = [95, 0], sizes = [1, 128], strides = [1, 1]} : vector<256x128xf32> to vector<1x128xf32>
    %broadcast_in_dim3A_1050 = vector.shape_cast %slice3A_1049 : vector<1x128xf32> to vector<1x128xf32>
    %broadcast_in_dim3A_1051 = vector.broadcast %broadcast_in_dim3A_1050 : vector<1x128xf32> to vector<128x128xf32>
    %transpose3A_1052 = tpu.transpose %broadcast_in_dim3A_1051, [1, 0] : vector<128x128xf32> -> vector<128x128xf32>
    %sub3A_1053 = arith.subf %transpose3A_1052, %broadcast_in_dim3A_5 : vector<128x128xf32>
    %mul3A_1054 = arith.mulf %broadcast_in_dim3A_8, %sub3A_1053 : vector<128x128xf32>
    %mul3A_1055 = arith.mulf %mul3A_1054, %sub3A_1053 : vector<128x128xf32>
    %exp23A_1056 = math.exp2 %mul3A_1055 : vector<128x128xf32>
    %swap3A_1057 = arith.constant 12160 : index
    %swap3A_1058 = arith.constant 0 : index
    %swap3A_1059 = vector.load %arg3[%swap3A_1057, %swap3A_1058] : memref<32768x128xf32, #tpu.memory_space<vmem>>, vector<128x128xf32>
    tpu.vector_store %arg3[%swap3A_1057, %swap3A_1058], %exp23A_1056 {strides = array<i32>} : memref<32768x128xf32, #tpu.memory_space<vmem>>, vector<128x128xf32>,
    %slice3A_1060 = vector.extract_strided_slice %sqrt3A {offsets = [96, 0], sizes = [1, 128], strides = [1, 1]} : vector<256x128xf32> to vector<1x128xf32>
    %broadcast_in_dim3A_1061 = vector.shape_cast %slice3A_1060 : vector<1x128xf32> to vector<1x128xf32>
    %broadcast_in_dim3A_1062 = vector.broadcast %broadcast_in_dim3A_1061 : vector<1x128xf32> to vector<128x128xf32>
    %transpose3A_1063 = tpu.transpose %broadcast_in_dim3A_1062, [1, 0] : vector<128x128xf32> -> vector<128x128xf32>
    %sub3A_1064 = arith.subf %transpose3A_1063, %broadcast_in_dim3A_5 : vector<128x128xf32>
    %mul3A_1065 = arith.mulf %broadcast_in_dim3A_8, %sub3A_1064 : vector<128x128xf32>
    %mul3A_1066 = arith.mulf %mul3A_1065, %sub3A_1064 : vector<128x128xf32>
    %exp23A_1067 = math.exp2 %mul3A_1066 : vector<128x128xf32>
    %swap3A_1068 = arith.constant 12288 : index
    %swap3A_1069 = arith.constant 0 : index
    %swap3A_1070 = vector.load %arg3[%swap3A_1068, %swap3A_1069] : memref<32768x128xf32, #tpu.memory_space<vmem>>, vector<128x128xf32>
    tpu.vector_store %arg3[%swap3A_1068, %swap3A_1069], %exp23A_1067 {strides = array<i32>} : memref<32768x128xf32, #tpu.memory_space<vmem>>, vector<128x128xf32>,
    %slice3A_1071 = vector.extract_strided_slice %sqrt3A {offsets = [97, 0], sizes = [1, 128], strides = [1, 1]} : vector<256x128xf32> to vector<1x128xf32>
    %broadcast_in_dim3A_1072 = vector.shape_cast %slice3A_1071 : vector<1x128xf32> to vector<1x128xf32>
    %broadcast_in_dim3A_1073 = vector.broadcast %broadcast_in_dim3A_1072 : vector<1x128xf32> to vector<128x128xf32>
    %transpose3A_1074 = tpu.transpose %broadcast_in_dim3A_1073, [1, 0] : vector<128x128xf32> -> vector<128x128xf32>
    %sub3A_1075 = arith.subf %transpose3A_1074, %broadcast_in_dim3A_5 : vector<128x128xf32>
    %mul3A_1076 = arith.mulf %broadcast_in_dim3A_8, %sub3A_1075 : vector<128x128xf32>
    %mul3A_1077 = arith.mulf %mul3A_1076, %sub3A_1075 : vector<128x128xf32>
    %exp23A_1078 = math.exp2 %mul3A_1077 : vector<128x128xf32>
    %swap3A_1079 = arith.constant 12416 : index
    %swap3A_1080 = arith.constant 0 : index
    %swap3A_1081 = vector.load %arg3[%swap3A_1079, %swap3A_1080] : memref<32768x128xf32, #tpu.memory_space<vmem>>, vector<128x128xf32>
    tpu.vector_store %arg3[%swap3A_1079, %swap3A_1080], %exp23A_1078 {strides = array<i32>} : memref<32768x128xf32, #tpu.memory_space<vmem>>, vector<128x128xf32>,
    %slice3A_1082 = vector.extract_strided_slice %sqrt3A {offsets = [98, 0], sizes = [1, 128], strides = [1, 1]} : vector<256x128xf32> to vector<1x128xf32>
    %broadcast_in_dim3A_1083 = vector.shape_cast %slice3A_1082 : vector<1x128xf32> to vector<1x128xf32>
    %broadcast_in_dim3A_1084 = vector.broadcast %broadcast_in_dim3A_1083 : vector<1x128xf32> to vector<128x128xf32>
    %transpose3A_1085 = tpu.transpose %broadcast_in_dim3A_1084, [1, 0] : vector<128x128xf32> -> vector<128x128xf32>
    %sub3A_1086 = arith.subf %transpose3A_1085, %broadcast_in_dim3A_5 : vector<128x128xf32>
    %mul3A_1087 = arith.mulf %broadcast_in_dim3A_8, %sub3A_1086 : vector<128x128xf32>
    %mul3A_1088 = arith.mulf %mul3A_1087, %sub3A_1086 : vector<128x128xf32>
    %exp23A_1089 = math.exp2 %mul3A_1088 : vector<128x128xf32>
    %swap3A_1090 = arith.constant 12544 : index
    %swap3A_1091 = arith.constant 0 : index
    %swap3A_1092 = vector.load %arg3[%swap3A_1090, %swap3A_1091] : memref<32768x128xf32, #tpu.memory_space<vmem>>, vector<128x128xf32>
    tpu.vector_store %arg3[%swap3A_1090, %swap3A_1091], %exp23A_1089 {strides = array<i32>} : memref<32768x128xf32, #tpu.memory_space<vmem>>, vector<128x128xf32>,
    %slice3A_1093 = vector.extract_strided_slice %sqrt3A {offsets = [99, 0], sizes = [1, 128], strides = [1, 1]} : vector<256x128xf32> to vector<1x128xf32>
    %broadcast_in_dim3A_1094 = vector.shape_cast %slice3A_1093 : vector<1x128xf32> to vector<1x128xf32>
    %broadcast_in_dim3A_1095 = vector.broadcast %broadcast_in_dim3A_1094 : vector<1x128xf32> to vector<128x128xf32>
    %transpose3A_1096 = tpu.transpose %broadcast_in_dim3A_1095, [1, 0] : vector<128x128xf32> -> vector<128x128xf32>
    %sub3A_1097 = arith.subf %transpose3A_1096, %broadcast_in_dim3A_5 : vector<128x128xf32>
    %mul3A_1098 = arith.mulf %broadcast_in_dim3A_8, %sub3A_1097 : vector<128x128xf32>
    %mul3A_1099 = arith.mulf %mul3A_1098, %sub3A_1097 : vector<128x128xf32>
    %exp23A_1100 = math.exp2 %mul3A_1099 : vector<128x128xf32>
    %swap3A_1101 = arith.constant 12672 : index
    %swap3A_1102 = arith.constant 0 : index
    %swap3A_1103 = vector.load %arg3[%swap3A_1101, %swap3A_1102] : memref<32768x128xf32, #tpu.memory_space<vmem>>, vector<128x128xf32>
    tpu.vector_store %arg3[%swap3A_1101, %swap3A_1102], %exp23A_1100 {strides = array<i32>} : memref<32768x128xf32, #tpu.memory_space<vmem>>, vector<128x128xf32>,
    %slice3A_1104 = vector.extract_strided_slice %sqrt3A {offsets = [100, 0], sizes = [1, 128], strides = [1, 1]} : vector<256x128xf32> to vector<1x128xf32>
    %broadcast_in_dim3A_1105 = vector.shape_cast %slice3A_1104 : vector<1x128xf32> to vector<1x128xf32>
    %broadcast_in_dim3A_1106 = vector.broadcast %broadcast_in_dim3A_1105 : vector<1x128xf32> to vector<128x128xf32>
    %transpose3A_1107 = tpu.transpose %broadcast_in_dim3A_1106, [1, 0] : vector<128x128xf32> -> vector<128x128xf32>
    %sub3A_1108 = arith.subf %transpose3A_1107, %broadcast_in_dim3A_5 : vector<128x128xf32>
    %mul3A_1109 = arith.mulf %broadcast_in_dim3A_8, %sub3A_1108 : vector<128x128xf32>
    %mul3A_1110 = arith.mulf %mul3A_1109, %sub3A_1108 : vector<128x128xf32>
    %exp23A_1111 = math.exp2 %mul3A_1110 : vector<128x128xf32>
    %swap3A_1112 = arith.constant 12800 : index
    %swap3A_1113 = arith.constant 0 : index
    %swap3A_1114 = vector.load %arg3[%swap3A_1112, %swap3A_1113] : memref<32768x128xf32, #tpu.memory_space<vmem>>, vector<128x128xf32>
    tpu.vector_store %arg3[%swap3A_1112, %swap3A_1113], %exp23A_1111 {strides = array<i32>} : memref<32768x128xf32, #tpu.memory_space<vmem>>, vector<128x128xf32>,
    %slice3A_1115 = vector.extract_strided_slice %sqrt3A {offsets = [101, 0], sizes = [1, 128], strides = [1, 1]} : vector<256x128xf32> to vector<1x128xf32>
    %broadcast_in_dim3A_1116 = vector.shape_cast %slice3A_1115 : vector<1x128xf32> to vector<1x128xf32>
    %broadcast_in_dim3A_1117 = vector.broadcast %broadcast_in_dim3A_1116 : vector<1x128xf32> to vector<128x128xf32>
    %transpose3A_1118 = tpu.transpose %broadcast_in_dim3A_1117, [1, 0] : vector<128x128xf32> -> vector<128x128xf32>
    %sub3A_1119 = arith.subf %transpose3A_1118, %broadcast_in_dim3A_5 : vector<128x128xf32>
    %mul3A_1120 = arith.mulf %broadcast_in_dim3A_8, %sub3A_1119 : vector<128x128xf32>
    %mul3A_1121 = arith.mulf %mul3A_1120, %sub3A_1119 : vector<128x128xf32>
    %exp23A_1122 = math.exp2 %mul3A_1121 : vector<128x128xf32>
    %swap3A_1123 = arith.constant 12928 : index
    %swap3A_1124 = arith.constant 0 : index
    %swap3A_1125 = vector.load %arg3[%swap3A_1123, %swap3A_1124] : memref<32768x128xf32, #tpu.memory_space<vmem>>, vector<128x128xf32>
    tpu.vector_store %arg3[%swap3A_1123, %swap3A_1124], %exp23A_1122 {strides = array<i32>} : memref<32768x128xf32, #tpu.memory_space<vmem>>, vector<128x128xf32>,
    %slice3A_1126 = vector.extract_strided_slice %sqrt3A {offsets = [102, 0], sizes = [1, 128], strides = [1, 1]} : vector<256x128xf32> to vector<1x128xf32>
    %broadcast_in_dim3A_1127 = vector.shape_cast %slice3A_1126 : vector<1x128xf32> to vector<1x128xf32>
    %broadcast_in_dim3A_1128 = vector.broadcast %broadcast_in_dim3A_1127 : vector<1x128xf32> to vector<128x128xf32>
    %transpose3A_1129 = tpu.transpose %broadcast_in_dim3A_1128, [1, 0] : vector<128x128xf32> -> vector<128x128xf32>
    %sub3A_1130 = arith.subf %transpose3A_1129, %broadcast_in_dim3A_5 : vector<128x128xf32>
    %mul3A_1131 = arith.mulf %broadcast_in_dim3A_8, %sub3A_1130 : vector<128x128xf32>
    %mul3A_1132 = arith.mulf %mul3A_1131, %sub3A_1130 : vector<128x128xf32>
    %exp23A_1133 = math.exp2 %mul3A_1132 : vector<128x128xf32>
    %swap3A_1134 = arith.constant 13056 : index
    %swap3A_1135 = arith.constant 0 : index
    %swap3A_1136 = vector.load %arg3[%swap3A_1134, %swap3A_1135] : memref<32768x128xf32, #tpu.memory_space<vmem>>, vector<128x128xf32>
    tpu.vector_store %arg3[%swap3A_1134, %swap3A_1135], %exp23A_1133 {strides = array<i32>} : memref<32768x128xf32, #tpu.memory_space<vmem>>, vector<128x128xf32>,
    %slice3A_1137 = vector.extract_strided_slice %sqrt3A {offsets = [103, 0], sizes = [1, 128], strides = [1, 1]} : vector<256x128xf32> to vector<1x128xf32>
    %broadcast_in_dim3A_1138 = vector.shape_cast %slice3A_1137 : vector<1x128xf32> to vector<1x128xf32>
    %broadcast_in_dim3A_1139 = vector.broadcast %broadcast_in_dim3A_1138 : vector<1x128xf32> to vector<128x128xf32>
    %transpose3A_1140 = tpu.transpose %broadcast_in_dim3A_1139, [1, 0] : vector<128x128xf32> -> vector<128x128xf32>
    %sub3A_1141 = arith.subf %transpose3A_1140, %broadcast_in_dim3A_5 : vector<128x128xf32>
    %mul3A_1142 = arith.mulf %broadcast_in_dim3A_8, %sub3A_1141 : vector<128x128xf32>
    %mul3A_1143 = arith.mulf %mul3A_1142, %sub3A_1141 : vector<128x128xf32>
    %exp23A_1144 = math.exp2 %mul3A_1143 : vector<128x128xf32>
    %swap3A_1145 = arith.constant 13184 : index
    %swap3A_1146 = arith.constant 0 : index
    %swap3A_1147 = vector.load %arg3[%swap3A_1145, %swap3A_1146] : memref<32768x128xf32, #tpu.memory_space<vmem>>, vector<128x128xf32>
    tpu.vector_store %arg3[%swap3A_1145, %swap3A_1146], %exp23A_1144 {strides = array<i32>} : memref<32768x128xf32, #tpu.memory_space<vmem>>, vector<128x128xf32>,
    %slice3A_1148 = vector.extract_strided_slice %sqrt3A {offsets = [104, 0], sizes = [1, 128], strides = [1, 1]} : vector<256x128xf32> to vector<1x128xf32>
    %broadcast_in_dim3A_1149 = vector.shape_cast %slice3A_1148 : vector<1x128xf32> to vector<1x128xf32>
    %broadcast_in_dim3A_1150 = vector.broadcast %broadcast_in_dim3A_1149 : vector<1x128xf32> to vector<128x128xf32>
    %transpose3A_1151 = tpu.transpose %broadcast_in_dim3A_1150, [1, 0] : vector<128x128xf32> -> vector<128x128xf32>
    %sub3A_1152 = arith.subf %transpose3A_1151, %broadcast_in_dim3A_5 : vector<128x128xf32>
    %mul3A_1153 = arith.mulf %broadcast_in_dim3A_8, %sub3A_1152 : vector<128x128xf32>
    %mul3A_1154 = arith.mulf %mul3A_1153, %sub3A_1152 : vector<128x128xf32>
    %exp23A_1155 = math.exp2 %mul3A_1154 : vector<128x128xf32>
    %swap3A_1156 = arith.constant 13312 : index
    %swap3A_1157 = arith.constant 0 : index
    %swap3A_1158 = vector.load %arg3[%swap3A_1156, %swap3A_1157] : memref<32768x128xf32, #tpu.memory_space<vmem>>, vector<128x128xf32>
    tpu.vector_store %arg3[%swap3A_1156, %swap3A_1157], %exp23A_1155 {strides = array<i32>} : memref<32768x128xf32, #tpu.memory_space<vmem>>, vector<128x128xf32>,
    %slice3A_1159 = vector.extract_strided_slice %sqrt3A {offsets = [105, 0], sizes = [1, 128], strides = [1, 1]} : vector<256x128xf32> to vector<1x128xf32>
    %broadcast_in_dim3A_1160 = vector.shape_cast %slice3A_1159 : vector<1x128xf32> to vector<1x128xf32>
    %broadcast_in_dim3A_1161 = vector.broadcast %broadcast_in_dim3A_1160 : vector<1x128xf32> to vector<128x128xf32>
    %transpose3A_1162 = tpu.transpose %broadcast_in_dim3A_1161, [1, 0] : vector<128x128xf32> -> vector<128x128xf32>
    %sub3A_1163 = arith.subf %transpose3A_1162, %broadcast_in_dim3A_5 : vector<128x128xf32>
    %mul3A_1164 = arith.mulf %broadcast_in_dim3A_8, %sub3A_1163 : vector<128x128xf32>
    %mul3A_1165 = arith.mulf %mul3A_1164, %sub3A_1163 : vector<128x128xf32>
    %exp23A_1166 = math.exp2 %mul3A_1165 : vector<128x128xf32>
    %swap3A_1167 = arith.constant 13440 : index
    %swap3A_1168 = arith.constant 0 : index
    %swap3A_1169 = vector.load %arg3[%swap3A_1167, %swap3A_1168] : memref<32768x128xf32, #tpu.memory_space<vmem>>, vector<128x128xf32>
    tpu.vector_store %arg3[%swap3A_1167, %swap3A_1168], %exp23A_1166 {strides = array<i32>} : memref<32768x128xf32, #tpu.memory_space<vmem>>, vector<128x128xf32>,
    %slice3A_1170 = vector.extract_strided_slice %sqrt3A {offsets = [106, 0], sizes = [1, 128], strides = [1, 1]} : vector<256x128xf32> to vector<1x128xf32>
    %broadcast_in_dim3A_1171 = vector.shape_cast %slice3A_1170 : vector<1x128xf32> to vector<1x128xf32>
    %broadcast_in_dim3A_1172 = vector.broadcast %broadcast_in_dim3A_1171 : vector<1x128xf32> to vector<128x128xf32>
    %transpose3A_1173 = tpu.transpose %broadcast_in_dim3A_1172, [1, 0] : vector<128x128xf32> -> vector<128x128xf32>
    %sub3A_1174 = arith.subf %transpose3A_1173, %broadcast_in_dim3A_5 : vector<128x128xf32>
    %mul3A_1175 = arith.mulf %broadcast_in_dim3A_8, %sub3A_1174 : vector<128x128xf32>
    %mul3A_1176 = arith.mulf %mul3A_1175, %sub3A_1174 : vector<128x128xf32>
    %exp23A_1177 = math.exp2 %mul3A_1176 : vector<128x128xf32>
    %swap3A_1178 = arith.constant 13568 : index
    %swap3A_1179 = arith.constant 0 : index
    %swap3A_1180 = vector.load %arg3[%swap3A_1178, %swap3A_1179] : memref<32768x128xf32, #tpu.memory_space<vmem>>, vector<128x128xf32>
    tpu.vector_store %arg3[%swap3A_1178, %swap3A_1179], %exp23A_1177 {strides = array<i32>} : memref<32768x128xf32, #tpu.memory_space<vmem>>, vector<128x128xf32>,
    %slice3A_1181 = vector.extract_strided_slice %sqrt3A {offsets = [107, 0], sizes = [1, 128], strides = [1, 1]} : vector<256x128xf32> to vector<1x128xf32>
    %broadcast_in_dim3A_1182 = vector.shape_cast %slice3A_1181 : vector<1x128xf32> to vector<1x128xf32>
    %broadcast_in_dim3A_1183 = vector.broadcast %broadcast_in_dim3A_1182 : vector<1x128xf32> to vector<128x128xf32>
    %transpose3A_1184 = tpu.transpose %broadcast_in_dim3A_1183, [1, 0] : vector<128x128xf32> -> vector<128x128xf32>
    %sub3A_1185 = arith.subf %transpose3A_1184, %broadcast_in_dim3A_5 : vector<128x128xf32>
    %mul3A_1186 = arith.mulf %broadcast_in_dim3A_8, %sub3A_1185 : vector<128x128xf32>
    %mul3A_1187 = arith.mulf %mul3A_1186, %sub3A_1185 : vector<128x128xf32>
    %exp23A_1188 = math.exp2 %mul3A_1187 : vector<128x128xf32>
    %swap3A_1189 = arith.constant 13696 : index
    %swap3A_1190 = arith.constant 0 : index
    %swap3A_1191 = vector.load %arg3[%swap3A_1189, %swap3A_1190] : memref<32768x128xf32, #tpu.memory_space<vmem>>, vector<128x128xf32>
    tpu.vector_store %arg3[%swap3A_1189, %swap3A_1190], %exp23A_1188 {strides = array<i32>} : memref<32768x128xf32, #tpu.memory_space<vmem>>, vector<128x128xf32>,
    %slice3A_1192 = vector.extract_strided_slice %sqrt3A {offsets = [108, 0], sizes = [1, 128], strides = [1, 1]} : vector<256x128xf32> to vector<1x128xf32>
    %broadcast_in_dim3A_1193 = vector.shape_cast %slice3A_1192 : vector<1x128xf32> to vector<1x128xf32>
    %broadcast_in_dim3A_1194 = vector.broadcast %broadcast_in_dim3A_1193 : vector<1x128xf32> to vector<128x128xf32>
    %transpose3A_1195 = tpu.transpose %broadcast_in_dim3A_1194, [1, 0] : vector<128x128xf32> -> vector<128x128xf32>
    %sub3A_1196 = arith.subf %transpose3A_1195, %broadcast_in_dim3A_5 : vector<128x128xf32>
    %mul3A_1197 = arith.mulf %broadcast_in_dim3A_8, %sub3A_1196 : vector<128x128xf32>
    %mul3A_1198 = arith.mulf %mul3A_1197, %sub3A_1196 : vector<128x128xf32>
    %exp23A_1199 = math.exp2 %mul3A_1198 : vector<128x128xf32>
    %swap3A_1200 = arith.constant 13824 : index
    %swap3A_1201 = arith.constant 0 : index
    %swap3A_1202 = vector.load %arg3[%swap3A_1200, %swap3A_1201] : memref<32768x128xf32, #tpu.memory_space<vmem>>, vector<128x128xf32>
    tpu.vector_store %arg3[%swap3A_1200, %swap3A_1201], %exp23A_1199 {strides = array<i32>} : memref<32768x128xf32, #tpu.memory_space<vmem>>, vector<128x128xf32>,
    %slice3A_1203 = vector.extract_strided_slice %sqrt3A {offsets = [109, 0], sizes = [1, 128], strides = [1, 1]} : vector<256x128xf32> to vector<1x128xf32>
    %broadcast_in_dim3A_1204 = vector.shape_cast %slice3A_1203 : vector<1x128xf32> to vector<1x128xf32>
    %broadcast_in_dim3A_1205 = vector.broadcast %broadcast_in_dim3A_1204 : vector<1x128xf32> to vector<128x128xf32>
    %transpose3A_1206 = tpu.transpose %broadcast_in_dim3A_1205, [1, 0] : vector<128x128xf32> -> vector<128x128xf32>
    %sub3A_1207 = arith.subf %transpose3A_1206, %broadcast_in_dim3A_5 : vector<128x128xf32>
    %mul3A_1208 = arith.mulf %broadcast_in_dim3A_8, %sub3A_1207 : vector<128x128xf32>
    %mul3A_1209 = arith.mulf %mul3A_1208, %sub3A_1207 : vector<128x128xf32>
    %exp23A_1210 = math.exp2 %mul3A_1209 : vector<128x128xf32>
    %swap3A_1211 = arith.constant 13952 : index
    %swap3A_1212 = arith.constant 0 : index
    %swap3A_1213 = vector.load %arg3[%swap3A_1211, %swap3A_1212] : memref<32768x128xf32, #tpu.memory_space<vmem>>, vector<128x128xf32>
    tpu.vector_store %arg3[%swap3A_1211, %swap3A_1212], %exp23A_1210 {strides = array<i32>} : memref<32768x128xf32, #tpu.memory_space<vmem>>, vector<128x128xf32>,
    %slice3A_1214 = vector.extract_strided_slice %sqrt3A {offsets = [110, 0], sizes = [1, 128], strides = [1, 1]} : vector<256x128xf32> to vector<1x128xf32>
    %broadcast_in_dim3A_1215 = vector.shape_cast %slice3A_1214 : vector<1x128xf32> to vector<1x128xf32>
    %broadcast_in_dim3A_1216 = vector.broadcast %broadcast_in_dim3A_1215 : vector<1x128xf32> to vector<128x128xf32>
    %transpose3A_1217 = tpu.transpose %broadcast_in_dim3A_1216, [1, 0] : vector<128x128xf32> -> vector<128x128xf32>
    %sub3A_1218 = arith.subf %transpose3A_1217, %broadcast_in_dim3A_5 : vector<128x128xf32>
    %mul3A_1219 = arith.mulf %broadcast_in_dim3A_8, %sub3A_1218 : vector<128x128xf32>
    %mul3A_1220 = arith.mulf %mul3A_1219, %sub3A_1218 : vector<128x128xf32>
    %exp23A_1221 = math.exp2 %mul3A_1220 : vector<128x128xf32>
    %swap3A_1222 = arith.constant 14080 : index
    %swap3A_1223 = arith.constant 0 : index
    %swap3A_1224 = vector.load %arg3[%swap3A_1222, %swap3A_1223] : memref<32768x128xf32, #tpu.memory_space<vmem>>, vector<128x128xf32>
    tpu.vector_store %arg3[%swap3A_1222, %swap3A_1223], %exp23A_1221 {strides = array<i32>} : memref<32768x128xf32, #tpu.memory_space<vmem>>, vector<128x128xf32>,
    %slice3A_1225 = vector.extract_strided_slice %sqrt3A {offsets = [111, 0], sizes = [1, 128], strides = [1, 1]} : vector<256x128xf32> to vector<1x128xf32>
    %broadcast_in_dim3A_1226 = vector.shape_cast %slice3A_1225 : vector<1x128xf32> to vector<1x128xf32>
    %broadcast_in_dim3A_1227 = vector.broadcast %broadcast_in_dim3A_1226 : vector<1x128xf32> to vector<128x128xf32>
    %transpose3A_1228 = tpu.transpose %broadcast_in_dim3A_1227, [1, 0] : vector<128x128xf32> -> vector<128x128xf32>
    %sub3A_1229 = arith.subf %transpose3A_1228, %broadcast_in_dim3A_5 : vector<128x128xf32>
    %mul3A_1230 = arith.mulf %broadcast_in_dim3A_8, %sub3A_1229 : vector<128x128xf32>
    %mul3A_1231 = arith.mulf %mul3A_1230, %sub3A_1229 : vector<128x128xf32>
    %exp23A_1232 = math.exp2 %mul3A_1231 : vector<128x128xf32>
    %swap3A_1233 = arith.constant 14208 : index
    %swap3A_1234 = arith.constant 0 : index
    %swap3A_1235 = vector.load %arg3[%swap3A_1233, %swap3A_1234] : memref<32768x128xf32, #tpu.memory_space<vmem>>, vector<128x128xf32>
    tpu.vector_store %arg3[%swap3A_1233, %swap3A_1234], %exp23A_1232 {strides = array<i32>} : memref<32768x128xf32, #tpu.memory_space<vmem>>, vector<128x128xf32>,
    %slice3A_1236 = vector.extract_strided_slice %sqrt3A {offsets = [112, 0], sizes = [1, 128], strides = [1, 1]} : vector<256x128xf32> to vector<1x128xf32>
    %broadcast_in_dim3A_1237 = vector.shape_cast %slice3A_1236 : vector<1x128xf32> to vector<1x128xf32>
    %broadcast_in_dim3A_1238 = vector.broadcast %broadcast_in_dim3A_1237 : vector<1x128xf32> to vector<128x128xf32>
    %transpose3A_1239 = tpu.transpose %broadcast_in_dim3A_1238, [1, 0] : vector<128x128xf32> -> vector<128x128xf32>
    %sub3A_1240 = arith.subf %transpose3A_1239, %broadcast_in_dim3A_5 : vector<128x128xf32>
    %mul3A_1241 = arith.mulf %broadcast_in_dim3A_8, %sub3A_1240 : vector<128x128xf32>
    %mul3A_1242 = arith.mulf %mul3A_1241, %sub3A_1240 : vector<128x128xf32>
    %exp23A_1243 = math.exp2 %mul3A_1242 : vector<128x128xf32>
    %swap3A_1244 = arith.constant 14336 : index
    %swap3A_1245 = arith.constant 0 : index
    %swap3A_1246 = vector.load %arg3[%swap3A_1244, %swap3A_1245] : memref<32768x128xf32, #tpu.memory_space<vmem>>, vector<128x128xf32>
    tpu.vector_store %arg3[%swap3A_1244, %swap3A_1245], %exp23A_1243 {strides = array<i32>} : memref<32768x128xf32, #tpu.memory_space<vmem>>, vector<128x128xf32>,
    %slice3A_1247 = vector.extract_strided_slice %sqrt3A {offsets = [113, 0], sizes = [1, 128], strides = [1, 1]} : vector<256x128xf32> to vector<1x128xf32>
    %broadcast_in_dim3A_1248 = vector.shape_cast %slice3A_1247 : vector<1x128xf32> to vector<1x128xf32>
    %broadcast_in_dim3A_1249 = vector.broadcast %broadcast_in_dim3A_1248 : vector<1x128xf32> to vector<128x128xf32>
    %transpose3A_1250 = tpu.transpose %broadcast_in_dim3A_1249, [1, 0] : vector<128x128xf32> -> vector<128x128xf32>
    %sub3A_1251 = arith.subf %transpose3A_1250, %broadcast_in_dim3A_5 : vector<128x128xf32>
    %mul3A_1252 = arith.mulf %broadcast_in_dim3A_8, %sub3A_1251 : vector<128x128xf32>
    %mul3A_1253 = arith.mulf %mul3A_1252, %sub3A_1251 : vector<128x128xf32>
    %exp23A_1254 = math.exp2 %mul3A_1253 : vector<128x128xf32>
    %swap3A_1255 = arith.constant 14464 : index
    %swap3A_1256 = arith.constant 0 : index
    %swap3A_1257 = vector.load %arg3[%swap3A_1255, %swap3A_1256] : memref<32768x128xf32, #tpu.memory_space<vmem>>, vector<128x128xf32>
    tpu.vector_store %arg3[%swap3A_1255, %swap3A_1256], %exp23A_1254 {strides = array<i32>} : memref<32768x128xf32, #tpu.memory_space<vmem>>, vector<128x128xf32>,
    %slice3A_1258 = vector.extract_strided_slice %sqrt3A {offsets = [114, 0], sizes = [1, 128], strides = [1, 1]} : vector<256x128xf32> to vector<1x128xf32>
    %broadcast_in_dim3A_1259 = vector.shape_cast %slice3A_1258 : vector<1x128xf32> to vector<1x128xf32>
    %broadcast_in_dim3A_1260 = vector.broadcast %broadcast_in_dim3A_1259 : vector<1x128xf32> to vector<128x128xf32>
    %transpose3A_1261 = tpu.transpose %broadcast_in_dim3A_1260, [1, 0] : vector<128x128xf32> -> vector<128x128xf32>
    %sub3A_1262 = arith.subf %transpose3A_1261, %broadcast_in_dim3A_5 : vector<128x128xf32>
    %mul3A_1263 = arith.mulf %broadcast_in_dim3A_8, %sub3A_1262 : vector<128x128xf32>
    %mul3A_1264 = arith.mulf %mul3A_1263, %sub3A_1262 : vector<128x128xf32>
    %exp23A_1265 = math.exp2 %mul3A_1264 : vector<128x128xf32>
    %swap3A_1266 = arith.constant 14592 : index
    %swap3A_1267 = arith.constant 0 : index
    %swap3A_1268 = vector.load %arg3[%swap3A_1266, %swap3A_1267] : memref<32768x128xf32, #tpu.memory_space<vmem>>, vector<128x128xf32>
    tpu.vector_store %arg3[%swap3A_1266, %swap3A_1267], %exp23A_1265 {strides = array<i32>} : memref<32768x128xf32, #tpu.memory_space<vmem>>, vector<128x128xf32>,
    %slice3A_1269 = vector.extract_strided_slice %sqrt3A {offsets = [115, 0], sizes = [1, 128], strides = [1, 1]} : vector<256x128xf32> to vector<1x128xf32>
    %broadcast_in_dim3A_1270 = vector.shape_cast %slice3A_1269 : vector<1x128xf32> to vector<1x128xf32>
    %broadcast_in_dim3A_1271 = vector.broadcast %broadcast_in_dim3A_1270 : vector<1x128xf32> to vector<128x128xf32>
    %transpose3A_1272 = tpu.transpose %broadcast_in_dim3A_1271, [1, 0] : vector<128x128xf32> -> vector<128x128xf32>
    %sub3A_1273 = arith.subf %transpose3A_1272, %broadcast_in_dim3A_5 : vector<128x128xf32>
    %mul3A_1274 = arith.mulf %broadcast_in_dim3A_8, %sub3A_1273 : vector<128x128xf32>
    %mul3A_1275 = arith.mulf %mul3A_1274, %sub3A_1273 : vector<128x128xf32>
    %exp23A_1276 = math.exp2 %mul3A_1275 : vector<128x128xf32>
    %swap3A_1277 = arith.constant 14720 : index
    %swap3A_1278 = arith.constant 0 : index
    %swap3A_1279 = vector.load %arg3[%swap3A_1277, %swap3A_1278] : memref<32768x128xf32, #tpu.memory_space<vmem>>, vector<128x128xf32>
    tpu.vector_store %arg3[%swap3A_1277, %swap3A_1278], %exp23A_1276 {strides = array<i32>} : memref<32768x128xf32, #tpu.memory_space<vmem>>, vector<128x128xf32>,
    %slice3A_1280 = vector.extract_strided_slice %sqrt3A {offsets = [116, 0], sizes = [1, 128], strides = [1, 1]} : vector<256x128xf32> to vector<1x128xf32>
    %broadcast_in_dim3A_1281 = vector.shape_cast %slice3A_1280 : vector<1x128xf32> to vector<1x128xf32>
    %broadcast_in_dim3A_1282 = vector.broadcast %broadcast_in_dim3A_1281 : vector<1x128xf32> to vector<128x128xf32>
    %transpose3A_1283 = tpu.transpose %broadcast_in_dim3A_1282, [1, 0] : vector<128x128xf32> -> vector<128x128xf32>
    %sub3A_1284 = arith.subf %transpose3A_1283, %broadcast_in_dim3A_5 : vector<128x128xf32>
    %mul3A_1285 = arith.mulf %broadcast_in_dim3A_8, %sub3A_1284 : vector<128x128xf32>
    %mul3A_1286 = arith.mulf %mul3A_1285, %sub3A_1284 : vector<128x128xf32>
    %exp23A_1287 = math.exp2 %mul3A_1286 : vector<128x128xf32>
    %swap3A_1288 = arith.constant 14848 : index
    %swap3A_1289 = arith.constant 0 : index
    %swap3A_1290 = vector.load %arg3[%swap3A_1288, %swap3A_1289] : memref<32768x128xf32, #tpu.memory_space<vmem>>, vector<128x128xf32>
    tpu.vector_store %arg3[%swap3A_1288, %swap3A_1289], %exp23A_1287 {strides = array<i32>} : memref<32768x128xf32, #tpu.memory_space<vmem>>, vector<128x128xf32>,
    %slice3A_1291 = vector.extract_strided_slice %sqrt3A {offsets = [117, 0], sizes = [1, 128], strides = [1, 1]} : vector<256x128xf32> to vector<1x128xf32>
    %broadcast_in_dim3A_1292 = vector.shape_cast %slice3A_1291 : vector<1x128xf32> to vector<1x128xf32>
    %broadcast_in_dim3A_1293 = vector.broadcast %broadcast_in_dim3A_1292 : vector<1x128xf32> to vector<128x128xf32>
    %transpose3A_1294 = tpu.transpose %broadcast_in_dim3A_1293, [1, 0] : vector<128x128xf32> -> vector<128x128xf32>
    %sub3A_1295 = arith.subf %transpose3A_1294, %broadcast_in_dim3A_5 : vector<128x128xf32>
    %mul3A_1296 = arith.mulf %broadcast_in_dim3A_8, %sub3A_1295 : vector<128x128xf32>
    %mul3A_1297 = arith.mulf %mul3A_1296, %sub3A_1295 : vector<128x128xf32>
    %exp23A_1298 = math.exp2 %mul3A_1297 : vector<128x128xf32>
    %swap3A_1299 = arith.constant 14976 : index
    %swap3A_1300 = arith.constant 0 : index
    %swap3A_1301 = vector.load %arg3[%swap3A_1299, %swap3A_1300] : memref<32768x128xf32, #tpu.memory_space<vmem>>, vector<128x128xf32>
    tpu.vector_store %arg3[%swap3A_1299, %swap3A_1300], %exp23A_1298 {strides = array<i32>} : memref<32768x128xf32, #tpu.memory_space<vmem>>, vector<128x128xf32>,
    %slice3A_1302 = vector.extract_strided_slice %sqrt3A {offsets = [118, 0], sizes = [1, 128], strides = [1, 1]} : vector<256x128xf32> to vector<1x128xf32>
    %broadcast_in_dim3A_1303 = vector.shape_cast %slice3A_1302 : vector<1x128xf32> to vector<1x128xf32>
    %broadcast_in_dim3A_1304 = vector.broadcast %broadcast_in_dim3A_1303 : vector<1x128xf32> to vector<128x128xf32>
    %transpose3A_1305 = tpu.transpose %broadcast_in_dim3A_1304, [1, 0] : vector<128x128xf32> -> vector<128x128xf32>
    %sub3A_1306 = arith.subf %transpose3A_1305, %broadcast_in_dim3A_5 : vector<128x128xf32>
    %mul3A_1307 = arith.mulf %broadcast_in_dim3A_8, %sub3A_1306 : vector<128x128xf32>
    %mul3A_1308 = arith.mulf %mul3A_1307, %sub3A_1306 : vector<128x128xf32>
    %exp23A_1309 = math.exp2 %mul3A_1308 : vector<128x128xf32>
    %swap3A_1310 = arith.constant 15104 : index
    %swap3A_1311 = arith.constant 0 : index
    %swap3A_1312 = vector.load %arg3[%swap3A_1310, %swap3A_1311] : memref<32768x128xf32, #tpu.memory_space<vmem>>, vector<128x128xf32>
    tpu.vector_store %arg3[%swap3A_1310, %swap3A_1311], %exp23A_1309 {strides = array<i32>} : memref<32768x128xf32, #tpu.memory_space<vmem>>, vector<128x128xf32>,
    %slice3A_1313 = vector.extract_strided_slice %sqrt3A {offsets = [119, 0], sizes = [1, 128], strides = [1, 1]} : vector<256x128xf32> to vector<1x128xf32>
    %broadcast_in_dim3A_1314 = vector.shape_cast %slice3A_1313 : vector<1x128xf32> to vector<1x128xf32>
    %broadcast_in_dim3A_1315 = vector.broadcast %broadcast_in_dim3A_1314 : vector<1x128xf32> to vector<128x128xf32>
    %transpose3A_1316 = tpu.transpose %broadcast_in_dim3A_1315, [1, 0] : vector<128x128xf32> -> vector<128x128xf32>
    %sub3A_1317 = arith.subf %transpose3A_1316, %broadcast_in_dim3A_5 : vector<128x128xf32>
    %mul3A_1318 = arith.mulf %broadcast_in_dim3A_8, %sub3A_1317 : vector<128x128xf32>
    %mul3A_1319 = arith.mulf %mul3A_1318, %sub3A_1317 : vector<128x128xf32>
    %exp23A_1320 = math.exp2 %mul3A_1319 : vector<128x128xf32>
    %swap3A_1321 = arith.constant 15232 : index
    %swap3A_1322 = arith.constant 0 : index
    %swap3A_1323 = vector.load %arg3[%swap3A_1321, %swap3A_1322] : memref<32768x128xf32, #tpu.memory_space<vmem>>, vector<128x128xf32>
    tpu.vector_store %arg3[%swap3A_1321, %swap3A_1322], %exp23A_1320 {strides = array<i32>} : memref<32768x128xf32, #tpu.memory_space<vmem>>, vector<128x128xf32>,
    %slice3A_1324 = vector.extract_strided_slice %sqrt3A {offsets = [120, 0], sizes = [1, 128], strides = [1, 1]} : vector<256x128xf32> to vector<1x128xf32>
    %broadcast_in_dim3A_1325 = vector.shape_cast %slice3A_1324 : vector<1x128xf32> to vector<1x128xf32>
    %broadcast_in_dim3A_1326 = vector.broadcast %broadcast_in_dim3A_1325 : vector<1x128xf32> to vector<128x128xf32>
    %transpose3A_1327 = tpu.transpose %broadcast_in_dim3A_1326, [1, 0] : vector<128x128xf32> -> vector<128x128xf32>
    %sub3A_1328 = arith.subf %transpose3A_1327, %broadcast_in_dim3A_5 : vector<128x128xf32>
    %mul3A_1329 = arith.mulf %broadcast_in_dim3A_8, %sub3A_1328 : vector<128x128xf32>
    %mul3A_1330 = arith.mulf %mul3A_1329, %sub3A_1328 : vector<128x128xf32>
    %exp23A_1331 = math.exp2 %mul3A_1330 : vector<128x128xf32>
    %swap3A_1332 = arith.constant 15360 : index
    %swap3A_1333 = arith.constant 0 : index
    %swap3A_1334 = vector.load %arg3[%swap3A_1332, %swap3A_1333] : memref<32768x128xf32, #tpu.memory_space<vmem>>, vector<128x128xf32>
    tpu.vector_store %arg3[%swap3A_1332, %swap3A_1333], %exp23A_1331 {strides = array<i32>} : memref<32768x128xf32, #tpu.memory_space<vmem>>, vector<128x128xf32>,
    %slice3A_1335 = vector.extract_strided_slice %sqrt3A {offsets = [121, 0], sizes = [1, 128], strides = [1, 1]} : vector<256x128xf32> to vector<1x128xf32>
    %broadcast_in_dim3A_1336 = vector.shape_cast %slice3A_1335 : vector<1x128xf32> to vector<1x128xf32>
    %broadcast_in_dim3A_1337 = vector.broadcast %broadcast_in_dim3A_1336 : vector<1x128xf32> to vector<128x128xf32>
    %transpose3A_1338 = tpu.transpose %broadcast_in_dim3A_1337, [1, 0] : vector<128x128xf32> -> vector<128x128xf32>
    %sub3A_1339 = arith.subf %transpose3A_1338, %broadcast_in_dim3A_5 : vector<128x128xf32>
    %mul3A_1340 = arith.mulf %broadcast_in_dim3A_8, %sub3A_1339 : vector<128x128xf32>
    %mul3A_1341 = arith.mulf %mul3A_1340, %sub3A_1339 : vector<128x128xf32>
    %exp23A_1342 = math.exp2 %mul3A_1341 : vector<128x128xf32>
    %swap3A_1343 = arith.constant 15488 : index
    %swap3A_1344 = arith.constant 0 : index
    %swap3A_1345 = vector.load %arg3[%swap3A_1343, %swap3A_1344] : memref<32768x128xf32, #tpu.memory_space<vmem>>, vector<128x128xf32>
    tpu.vector_store %arg3[%swap3A_1343, %swap3A_1344], %exp23A_1342 {strides = array<i32>} : memref<32768x128xf32, #tpu.memory_space<vmem>>, vector<128x128xf32>,
    %slice3A_1346 = vector.extract_strided_slice %sqrt3A {offsets = [122, 0], sizes = [1, 128], strides = [1, 1]} : vector<256x128xf32> to vector<1x128xf32>
    %broadcast_in_dim3A_1347 = vector.shape_cast %slice3A_1346 : vector<1x128xf32> to vector<1x128xf32>
    %broadcast_in_dim3A_1348 = vector.broadcast %broadcast_in_dim3A_1347 : vector<1x128xf32> to vector<128x128xf32>
    %transpose3A_1349 = tpu.transpose %broadcast_in_dim3A_1348, [1, 0] : vector<128x128xf32> -> vector<128x128xf32>
    %sub3A_1350 = arith.subf %transpose3A_1349, %broadcast_in_dim3A_5 : vector<128x128xf32>
    %mul3A_1351 = arith.mulf %broadcast_in_dim3A_8, %sub3A_1350 : vector<128x128xf32>
    %mul3A_1352 = arith.mulf %mul3A_1351, %sub3A_1350 : vector<128x128xf32>
    %exp23A_1353 = math.exp2 %mul3A_1352 : vector<128x128xf32>
    %swap3A_1354 = arith.constant 15616 : index
    %swap3A_1355 = arith.constant 0 : index
    %swap3A_1356 = vector.load %arg3[%swap3A_1354, %swap3A_1355] : memref<32768x128xf32, #tpu.memory_space<vmem>>, vector<128x128xf32>
    tpu.vector_store %arg3[%swap3A_1354, %swap3A_1355], %exp23A_1353 {strides = array<i32>} : memref<32768x128xf32, #tpu.memory_space<vmem>>, vector<128x128xf32>,
    %slice3A_1357 = vector.extract_strided_slice %sqrt3A {offsets = [123, 0], sizes = [1, 128], strides = [1, 1]} : vector<256x128xf32> to vector<1x128xf32>
    %broadcast_in_dim3A_1358 = vector.shape_cast %slice3A_1357 : vector<1x128xf32> to vector<1x128xf32>
    %broadcast_in_dim3A_1359 = vector.broadcast %broadcast_in_dim3A_1358 : vector<1x128xf32> to vector<128x128xf32>
    %transpose3A_1360 = tpu.transpose %broadcast_in_dim3A_1359, [1, 0] : vector<128x128xf32> -> vector<128x128xf32>
    %sub3A_1361 = arith.subf %transpose3A_1360, %broadcast_in_dim3A_5 : vector<128x128xf32>
    %mul3A_1362 = arith.mulf %broadcast_in_dim3A_8, %sub3A_1361 : vector<128x128xf32>
    %mul3A_1363 = arith.mulf %mul3A_1362, %sub3A_1361 : vector<128x128xf32>
    %exp23A_1364 = math.exp2 %mul3A_1363 : vector<128x128xf32>
    %swap3A_1365 = arith.constant 15744 : index
    %swap3A_1366 = arith.constant 0 : index
    %swap3A_1367 = vector.load %arg3[%swap3A_1365, %swap3A_1366] : memref<32768x128xf32, #tpu.memory_space<vmem>>, vector<128x128xf32>
    tpu.vector_store %arg3[%swap3A_1365, %swap3A_1366], %exp23A_1364 {strides = array<i32>} : memref<32768x128xf32, #tpu.memory_space<vmem>>, vector<128x128xf32>,
    %slice3A_1368 = vector.extract_strided_slice %sqrt3A {offsets = [124, 0], sizes = [1, 128], strides = [1, 1]} : vector<256x128xf32> to vector<1x128xf32>
    %broadcast_in_dim3A_1369 = vector.shape_cast %slice3A_1368 : vector<1x128xf32> to vector<1x128xf32>
    %broadcast_in_dim3A_1370 = vector.broadcast %broadcast_in_dim3A_1369 : vector<1x128xf32> to vector<128x128xf32>
    %transpose3A_1371 = tpu.transpose %broadcast_in_dim3A_1370, [1, 0] : vector<128x128xf32> -> vector<128x128xf32>
    %sub3A_1372 = arith.subf %transpose3A_1371, %broadcast_in_dim3A_5 : vector<128x128xf32>
    %mul3A_1373 = arith.mulf %broadcast_in_dim3A_8, %sub3A_1372 : vector<128x128xf32>
    %mul3A_1374 = arith.mulf %mul3A_1373, %sub3A_1372 : vector<128x128xf32>
    %exp23A_1375 = math.exp2 %mul3A_1374 : vector<128x128xf32>
    %swap3A_1376 = arith.constant 15872 : index
    %swap3A_1377 = arith.constant 0 : index
    %swap3A_1378 = vector.load %arg3[%swap3A_1376, %swap3A_1377] : memref<32768x128xf32, #tpu.memory_space<vmem>>, vector<128x128xf32>
    tpu.vector_store %arg3[%swap3A_1376, %swap3A_1377], %exp23A_1375 {strides = array<i32>} : memref<32768x128xf32, #tpu.memory_space<vmem>>, vector<128x128xf32>,
    %slice3A_1379 = vector.extract_strided_slice %sqrt3A {offsets = [125, 0], sizes = [1, 128], strides = [1, 1]} : vector<256x128xf32> to vector<1x128xf32>
    %broadcast_in_dim3A_1380 = vector.shape_cast %slice3A_1379 : vector<1x128xf32> to vector<1x128xf32>
    %broadcast_in_dim3A_1381 = vector.broadcast %broadcast_in_dim3A_1380 : vector<1x128xf32> to vector<128x128xf32>
    %transpose3A_1382 = tpu.transpose %broadcast_in_dim3A_1381, [1, 0] : vector<128x128xf32> -> vector<128x128xf32>
    %sub3A_1383 = arith.subf %transpose3A_1382, %broadcast_in_dim3A_5 : vector<128x128xf32>
    %mul3A_1384 = arith.mulf %broadcast_in_dim3A_8, %sub3A_1383 : vector<128x128xf32>
    %mul3A_1385 = arith.mulf %mul3A_1384, %sub3A_1383 : vector<128x128xf32>
    %exp23A_1386 = math.exp2 %mul3A_1385 : vector<128x128xf32>
    %swap3A_1387 = arith.constant 16000 : index
    %swap3A_1388 = arith.constant 0 : index
    %swap3A_1389 = vector.load %arg3[%swap3A_1387, %swap3A_1388] : memref<32768x128xf32, #tpu.memory_space<vmem>>, vector<128x128xf32>
    tpu.vector_store %arg3[%swap3A_1387, %swap3A_1388], %exp23A_1386 {strides = array<i32>} : memref<32768x128xf32, #tpu.memory_space<vmem>>, vector<128x128xf32>,
    %slice3A_1390 = vector.extract_strided_slice %sqrt3A {offsets = [126, 0], sizes = [1, 128], strides = [1, 1]} : vector<256x128xf32> to vector<1x128xf32>
    %broadcast_in_dim3A_1391 = vector.shape_cast %slice3A_1390 : vector<1x128xf32> to vector<1x128xf32>
    %broadcast_in_dim3A_1392 = vector.broadcast %broadcast_in_dim3A_1391 : vector<1x128xf32> to vector<128x128xf32>
    %transpose3A_1393 = tpu.transpose %broadcast_in_dim3A_1392, [1, 0] : vector<128x128xf32> -> vector<128x128xf32>
    %sub3A_1394 = arith.subf %transpose3A_1393, %broadcast_in_dim3A_5 : vector<128x128xf32>
    %mul3A_1395 = arith.mulf %broadcast_in_dim3A_8, %sub3A_1394 : vector<128x128xf32>
    %mul3A_1396 = arith.mulf %mul3A_1395, %sub3A_1394 : vector<128x128xf32>
    %exp23A_1397 = math.exp2 %mul3A_1396 : vector<128x128xf32>
    %swap3A_1398 = arith.constant 16128 : index
    %swap3A_1399 = arith.constant 0 : index
    %swap3A_1400 = vector.load %arg3[%swap3A_1398, %swap3A_1399] : memref<32768x128xf32, #tpu.memory_space<vmem>>, vector<128x128xf32>
    tpu.vector_store %arg3[%swap3A_1398, %swap3A_1399], %exp23A_1397 {strides = array<i32>} : memref<32768x128xf32, #tpu.memory_space<vmem>>, vector<128x128xf32>,
    %slice3A_1401 = vector.extract_strided_slice %sqrt3A {offsets = [127, 0], sizes = [1, 128], strides = [1, 1]} : vector<256x128xf32> to vector<1x128xf32>
    %broadcast_in_dim3A_1402 = vector.shape_cast %slice3A_1401 : vector<1x128xf32> to vector<1x128xf32>
    %broadcast_in_dim3A_1403 = vector.broadcast %broadcast_in_dim3A_1402 : vector<1x128xf32> to vector<128x128xf32>
    %transpose3A_1404 = tpu.transpose %broadcast_in_dim3A_1403, [1, 0] : vector<128x128xf32> -> vector<128x128xf32>
    %sub3A_1405 = arith.subf %transpose3A_1404, %broadcast_in_dim3A_5 : vector<128x128xf32>
    %mul3A_1406 = arith.mulf %broadcast_in_dim3A_8, %sub3A_1405 : vector<128x128xf32>
    %mul3A_1407 = arith.mulf %mul3A_1406, %sub3A_1405 : vector<128x128xf32>
    %exp23A_1408 = math.exp2 %mul3A_1407 : vector<128x128xf32>
    %swap3A_1409 = arith.constant 16256 : index
    %swap3A_1410 = arith.constant 0 : index
    %swap3A_1411 = vector.load %arg3[%swap3A_1409, %swap3A_1410] : memref<32768x128xf32, #tpu.memory_space<vmem>>, vector<128x128xf32>
    tpu.vector_store %arg3[%swap3A_1409, %swap3A_1410], %exp23A_1408 {strides = array<i32>} : memref<32768x128xf32, #tpu.memory_space<vmem>>, vector<128x128xf32>,
    %slice3A_1412 = vector.extract_strided_slice %sqrt3A {offsets = [128, 0], sizes = [1, 128], strides = [1, 1]} : vector<256x128xf32> to vector<1x128xf32>
    %broadcast_in_dim3A_1413 = vector.shape_cast %slice3A_1412 : vector<1x128xf32> to vector<1x128xf32>
    %broadcast_in_dim3A_1414 = vector.broadcast %broadcast_in_dim3A_1413 : vector<1x128xf32> to vector<128x128xf32>
    %transpose3A_1415 = tpu.transpose %broadcast_in_dim3A_1414, [1, 0] : vector<128x128xf32> -> vector<128x128xf32>
    %sub3A_1416 = arith.subf %transpose3A_1415, %broadcast_in_dim3A_5 : vector<128x128xf32>
    %mul3A_1417 = arith.mulf %broadcast_in_dim3A_8, %sub3A_1416 : vector<128x128xf32>
    %mul3A_1418 = arith.mulf %mul3A_1417, %sub3A_1416 : vector<128x128xf32>
    %exp23A_1419 = math.exp2 %mul3A_1418 : vector<128x128xf32>
    %swap3A_1420 = arith.constant 16384 : index
    %swap3A_1421 = arith.constant 0 : index
    %swap3A_1422 = vector.load %arg3[%swap3A_1420, %swap3A_1421] : memref<32768x128xf32, #tpu.memory_space<vmem>>, vector<128x128xf32>
    tpu.vector_store %arg3[%swap3A_1420, %swap3A_1421], %exp23A_1419 {strides = array<i32>} : memref<32768x128xf32, #tpu.memory_space<vmem>>, vector<128x128xf32>,
    %slice3A_1423 = vector.extract_strided_slice %sqrt3A {offsets = [129, 0], sizes = [1, 128], strides = [1, 1]} : vector<256x128xf32> to vector<1x128xf32>
    %broadcast_in_dim3A_1424 = vector.shape_cast %slice3A_1423 : vector<1x128xf32> to vector<1x128xf32>
    %broadcast_in_dim3A_1425 = vector.broadcast %broadcast_in_dim3A_1424 : vector<1x128xf32> to vector<128x128xf32>
    %transpose3A_1426 = tpu.transpose %broadcast_in_dim3A_1425, [1, 0] : vector<128x128xf32> -> vector<128x128xf32>
    %sub3A_1427 = arith.subf %transpose3A_1426, %broadcast_in_dim3A_5 : vector<128x128xf32>
    %mul3A_1428 = arith.mulf %broadcast_in_dim3A_8, %sub3A_1427 : vector<128x128xf32>
    %mul3A_1429 = arith.mulf %mul3A_1428, %sub3A_1427 : vector<128x128xf32>
    %exp23A_1430 = math.exp2 %mul3A_1429 : vector<128x128xf32>
    %swap3A_1431 = arith.constant 16512 : index
    %swap3A_1432 = arith.constant 0 : index
    %swap3A_1433 = vector.load %arg3[%swap3A_1431, %swap3A_1432] : memref<32768x128xf32, #tpu.memory_space<vmem>>, vector<128x128xf32>
    tpu.vector_store %arg3[%swap3A_1431, %swap3A_1432], %exp23A_1430 {strides = array<i32>} : memref<32768x128xf32, #tpu.memory_space<vmem>>, vector<128x128xf32>,
    %slice3A_1434 = vector.extract_strided_slice %sqrt3A {offsets = [130, 0], sizes = [1, 128], strides = [1, 1]} : vector<256x128xf32> to vector<1x128xf32>
    %broadcast_in_dim3A_1435 = vector.shape_cast %slice3A_1434 : vector<1x128xf32> to vector<1x128xf32>
    %broadcast_in_dim3A_1436 = vector.broadcast %broadcast_in_dim3A_1435 : vector<1x128xf32> to vector<128x128xf32>
    %transpose3A_1437 = tpu.transpose %broadcast_in_dim3A_1436, [1, 0] : vector<128x128xf32> -> vector<128x128xf32>
    %sub3A_1438 = arith.subf %transpose3A_1437, %broadcast_in_dim3A_5 : vector<128x128xf32>
    %mul3A_1439 = arith.mulf %broadcast_in_dim3A_8, %sub3A_1438 : vector<128x128xf32>
    %mul3A_1440 = arith.mulf %mul3A_1439, %sub3A_1438 : vector<128x128xf32>
    %exp23A_1441 = math.exp2 %mul3A_1440 : vector<128x128xf32>
    %swap3A_1442 = arith.constant 16640 : index
    %swap3A_1443 = arith.constant 0 : index
    %swap3A_1444 = vector.load %arg3[%swap3A_1442, %swap3A_1443] : memref<32768x128xf32, #tpu.memory_space<vmem>>, vector<128x128xf32>
    tpu.vector_store %arg3[%swap3A_1442, %swap3A_1443], %exp23A_1441 {strides = array<i32>} : memref<32768x128xf32, #tpu.memory_space<vmem>>, vector<128x128xf32>,
    %slice3A_1445 = vector.extract_strided_slice %sqrt3A {offsets = [131, 0], sizes = [1, 128], strides = [1, 1]} : vector<256x128xf32> to vector<1x128xf32>
    %broadcast_in_dim3A_1446 = vector.shape_cast %slice3A_1445 : vector<1x128xf32> to vector<1x128xf32>
    %broadcast_in_dim3A_1447 = vector.broadcast %broadcast_in_dim3A_1446 : vector<1x128xf32> to vector<128x128xf32>
    %transpose3A_1448 = tpu.transpose %broadcast_in_dim3A_1447, [1, 0] : vector<128x128xf32> -> vector<128x128xf32>
    %sub3A_1449 = arith.subf %transpose3A_1448, %broadcast_in_dim3A_5 : vector<128x128xf32>
    %mul3A_1450 = arith.mulf %broadcast_in_dim3A_8, %sub3A_1449 : vector<128x128xf32>
    %mul3A_1451 = arith.mulf %mul3A_1450, %sub3A_1449 : vector<128x128xf32>
    %exp23A_1452 = math.exp2 %mul3A_1451 : vector<128x128xf32>
    %swap3A_1453 = arith.constant 16768 : index
    %swap3A_1454 = arith.constant 0 : index
    %swap3A_1455 = vector.load %arg3[%swap3A_1453, %swap3A_1454] : memref<32768x128xf32, #tpu.memory_space<vmem>>, vector<128x128xf32>
    tpu.vector_store %arg3[%swap3A_1453, %swap3A_1454], %exp23A_1452 {strides = array<i32>} : memref<32768x128xf32, #tpu.memory_space<vmem>>, vector<128x128xf32>,
    %slice3A_1456 = vector.extract_strided_slice %sqrt3A {offsets = [132, 0], sizes = [1, 128], strides = [1, 1]} : vector<256x128xf32> to vector<1x128xf32>
    %broadcast_in_dim3A_1457 = vector.shape_cast %slice3A_1456 : vector<1x128xf32> to vector<1x128xf32>
    %broadcast_in_dim3A_1458 = vector.broadcast %broadcast_in_dim3A_1457 : vector<1x128xf32> to vector<128x128xf32>
    %transpose3A_1459 = tpu.transpose %broadcast_in_dim3A_1458, [1, 0] : vector<128x128xf32> -> vector<128x128xf32>
    %sub3A_1460 = arith.subf %transpose3A_1459, %broadcast_in_dim3A_5 : vector<128x128xf32>
    %mul3A_1461 = arith.mulf %broadcast_in_dim3A_8, %sub3A_1460 : vector<128x128xf32>
    %mul3A_1462 = arith.mulf %mul3A_1461, %sub3A_1460 : vector<128x128xf32>
    %exp23A_1463 = math.exp2 %mul3A_1462 : vector<128x128xf32>
    %swap3A_1464 = arith.constant 16896 : index
    %swap3A_1465 = arith.constant 0 : index
    %swap3A_1466 = vector.load %arg3[%swap3A_1464, %swap3A_1465] : memref<32768x128xf32, #tpu.memory_space<vmem>>, vector<128x128xf32>
    tpu.vector_store %arg3[%swap3A_1464, %swap3A_1465], %exp23A_1463 {strides = array<i32>} : memref<32768x128xf32, #tpu.memory_space<vmem>>, vector<128x128xf32>,
    %slice3A_1467 = vector.extract_strided_slice %sqrt3A {offsets = [133, 0], sizes = [1, 128], strides = [1, 1]} : vector<256x128xf32> to vector<1x128xf32>
    %broadcast_in_dim3A_1468 = vector.shape_cast %slice3A_1467 : vector<1x128xf32> to vector<1x128xf32>
    %broadcast_in_dim3A_1469 = vector.broadcast %broadcast_in_dim3A_1468 : vector<1x128xf32> to vector<128x128xf32>
    %transpose3A_1470 = tpu.transpose %broadcast_in_dim3A_1469, [1, 0] : vector<128x128xf32> -> vector<128x128xf32>
    %sub3A_1471 = arith.subf %transpose3A_1470, %broadcast_in_dim3A_5 : vector<128x128xf32>
    %mul3A_1472 = arith.mulf %broadcast_in_dim3A_8, %sub3A_1471 : vector<128x128xf32>
    %mul3A_1473 = arith.mulf %mul3A_1472, %sub3A_1471 : vector<128x128xf32>
    %exp23A_1474 = math.exp2 %mul3A_1473 : vector<128x128xf32>
    %swap3A_1475 = arith.constant 17024 : index
    %swap3A_1476 = arith.constant 0 : index
    %swap3A_1477 = vector.load %arg3[%swap3A_1475, %swap3A_1476] : memref<32768x128xf32, #tpu.memory_space<vmem>>, vector<128x128xf32>
    tpu.vector_store %arg3[%swap3A_1475, %swap3A_1476], %exp23A_1474 {strides = array<i32>} : memref<32768x128xf32, #tpu.memory_space<vmem>>, vector<128x128xf32>,
    %slice3A_1478 = vector.extract_strided_slice %sqrt3A {offsets = [134, 0], sizes = [1, 128], strides = [1, 1]} : vector<256x128xf32> to vector<1x128xf32>
    %broadcast_in_dim3A_1479 = vector.shape_cast %slice3A_1478 : vector<1x128xf32> to vector<1x128xf32>
    %broadcast_in_dim3A_1480 = vector.broadcast %broadcast_in_dim3A_1479 : vector<1x128xf32> to vector<128x128xf32>
    %transpose3A_1481 = tpu.transpose %broadcast_in_dim3A_1480, [1, 0] : vector<128x128xf32> -> vector<128x128xf32>
    %sub3A_1482 = arith.subf %transpose3A_1481, %broadcast_in_dim3A_5 : vector<128x128xf32>
    %mul3A_1483 = arith.mulf %broadcast_in_dim3A_8, %sub3A_1482 : vector<128x128xf32>
    %mul3A_1484 = arith.mulf %mul3A_1483, %sub3A_1482 : vector<128x128xf32>
    %exp23A_1485 = math.exp2 %mul3A_1484 : vector<128x128xf32>
    %swap3A_1486 = arith.constant 17152 : index
    %swap3A_1487 = arith.constant 0 : index
    %swap3A_1488 = vector.load %arg3[%swap3A_1486, %swap3A_1487] : memref<32768x128xf32, #tpu.memory_space<vmem>>, vector<128x128xf32>
    tpu.vector_store %arg3[%swap3A_1486, %swap3A_1487], %exp23A_1485 {strides = array<i32>} : memref<32768x128xf32, #tpu.memory_space<vmem>>, vector<128x128xf32>,
    %slice3A_1489 = vector.extract_strided_slice %sqrt3A {offsets = [135, 0], sizes = [1, 128], strides = [1, 1]} : vector<256x128xf32> to vector<1x128xf32>
    %broadcast_in_dim3A_1490 = vector.shape_cast %slice3A_1489 : vector<1x128xf32> to vector<1x128xf32>
    %broadcast_in_dim3A_1491 = vector.broadcast %broadcast_in_dim3A_1490 : vector<1x128xf32> to vector<128x128xf32>
    %transpose3A_1492 = tpu.transpose %broadcast_in_dim3A_1491, [1, 0] : vector<128x128xf32> -> vector<128x128xf32>
    %sub3A_1493 = arith.subf %transpose3A_1492, %broadcast_in_dim3A_5 : vector<128x128xf32>
    %mul3A_1494 = arith.mulf %broadcast_in_dim3A_8, %sub3A_1493 : vector<128x128xf32>
    %mul3A_1495 = arith.mulf %mul3A_1494, %sub3A_1493 : vector<128x128xf32>
    %exp23A_1496 = math.exp2 %mul3A_1495 : vector<128x128xf32>
    %swap3A_1497 = arith.constant 17280 : index
    %swap3A_1498 = arith.constant 0 : index
    %swap3A_1499 = vector.load %arg3[%swap3A_1497, %swap3A_1498] : memref<32768x128xf32, #tpu.memory_space<vmem>>, vector<128x128xf32>
    tpu.vector_store %arg3[%swap3A_1497, %swap3A_1498], %exp23A_1496 {strides = array<i32>} : memref<32768x128xf32, #tpu.memory_space<vmem>>, vector<128x128xf32>,
    %slice3A_1500 = vector.extract_strided_slice %sqrt3A {offsets = [136, 0], sizes = [1, 128], strides = [1, 1]} : vector<256x128xf32> to vector<1x128xf32>
    %broadcast_in_dim3A_1501 = vector.shape_cast %slice3A_1500 : vector<1x128xf32> to vector<1x128xf32>
    %broadcast_in_dim3A_1502 = vector.broadcast %broadcast_in_dim3A_1501 : vector<1x128xf32> to vector<128x128xf32>
    %transpose3A_1503 = tpu.transpose %broadcast_in_dim3A_1502, [1, 0] : vector<128x128xf32> -> vector<128x128xf32>
    %sub3A_1504 = arith.subf %transpose3A_1503, %broadcast_in_dim3A_5 : vector<128x128xf32>
    %mul3A_1505 = arith.mulf %broadcast_in_dim3A_8, %sub3A_1504 : vector<128x128xf32>
    %mul3A_1506 = arith.mulf %mul3A_1505, %sub3A_1504 : vector<128x128xf32>
    %exp23A_1507 = math.exp2 %mul3A_1506 : vector<128x128xf32>
    %swap3A_1508 = arith.constant 17408 : index
    %swap3A_1509 = arith.constant 0 : index
    %swap3A_1510 = vector.load %arg3[%swap3A_1508, %swap3A_1509] : memref<32768x128xf32, #tpu.memory_space<vmem>>, vector<128x128xf32>
    tpu.vector_store %arg3[%swap3A_1508, %swap3A_1509], %exp23A_1507 {strides = array<i32>} : memref<32768x128xf32, #tpu.memory_space<vmem>>, vector<128x128xf32>,
    %slice3A_1511 = vector.extract_strided_slice %sqrt3A {offsets = [137, 0], sizes = [1, 128], strides = [1, 1]} : vector<256x128xf32> to vector<1x128xf32>
    %broadcast_in_dim3A_1512 = vector.shape_cast %slice3A_1511 : vector<1x128xf32> to vector<1x128xf32>
    %broadcast_in_dim3A_1513 = vector.broadcast %broadcast_in_dim3A_1512 : vector<1x128xf32> to vector<128x128xf32>
    %transpose3A_1514 = tpu.transpose %broadcast_in_dim3A_1513, [1, 0] : vector<128x128xf32> -> vector<128x128xf32>
    %sub3A_1515 = arith.subf %transpose3A_1514, %broadcast_in_dim3A_5 : vector<128x128xf32>
    %mul3A_1516 = arith.mulf %broadcast_in_dim3A_8, %sub3A_1515 : vector<128x128xf32>
    %mul3A_1517 = arith.mulf %mul3A_1516, %sub3A_1515 : vector<128x128xf32>
    %exp23A_1518 = math.exp2 %mul3A_1517 : vector<128x128xf32>
    %swap3A_1519 = arith.constant 17536 : index
    %swap3A_1520 = arith.constant 0 : index
    %swap3A_1521 = vector.load %arg3[%swap3A_1519, %swap3A_1520] : memref<32768x128xf32, #tpu.memory_space<vmem>>, vector<128x128xf32>
    tpu.vector_store %arg3[%swap3A_1519, %swap3A_1520], %exp23A_1518 {strides = array<i32>} : memref<32768x128xf32, #tpu.memory_space<vmem>>, vector<128x128xf32>,
    %slice3A_1522 = vector.extract_strided_slice %sqrt3A {offsets = [138, 0], sizes = [1, 128], strides = [1, 1]} : vector<256x128xf32> to vector<1x128xf32>
    %broadcast_in_dim3A_1523 = vector.shape_cast %slice3A_1522 : vector<1x128xf32> to vector<1x128xf32>
    %broadcast_in_dim3A_1524 = vector.broadcast %broadcast_in_dim3A_1523 : vector<1x128xf32> to vector<128x128xf32>
    %transpose3A_1525 = tpu.transpose %broadcast_in_dim3A_1524, [1, 0] : vector<128x128xf32> -> vector<128x128xf32>
    %sub3A_1526 = arith.subf %transpose3A_1525, %broadcast_in_dim3A_5 : vector<128x128xf32>
    %mul3A_1527 = arith.mulf %broadcast_in_dim3A_8, %sub3A_1526 : vector<128x128xf32>
    %mul3A_1528 = arith.mulf %mul3A_1527, %sub3A_1526 : vector<128x128xf32>
    %exp23A_1529 = math.exp2 %mul3A_1528 : vector<128x128xf32>
    %swap3A_1530 = arith.constant 17664 : index
    %swap3A_1531 = arith.constant 0 : index
    %swap3A_1532 = vector.load %arg3[%swap3A_1530, %swap3A_1531] : memref<32768x128xf32, #tpu.memory_space<vmem>>, vector<128x128xf32>
    tpu.vector_store %arg3[%swap3A_1530, %swap3A_1531], %exp23A_1529 {strides = array<i32>} : memref<32768x128xf32, #tpu.memory_space<vmem>>, vector<128x128xf32>,
    %slice3A_1533 = vector.extract_strided_slice %sqrt3A {offsets = [139, 0], sizes = [1, 128], strides = [1, 1]} : vector<256x128xf32> to vector<1x128xf32>
    %broadcast_in_dim3A_1534 = vector.shape_cast %slice3A_1533 : vector<1x128xf32> to vector<1x128xf32>
    %broadcast_in_dim3A_1535 = vector.broadcast %broadcast_in_dim3A_1534 : vector<1x128xf32> to vector<128x128xf32>
    %transpose3A_1536 = tpu.transpose %broadcast_in_dim3A_1535, [1, 0] : vector<128x128xf32> -> vector<128x128xf32>
    %sub3A_1537 = arith.subf %transpose3A_1536, %broadcast_in_dim3A_5 : vector<128x128xf32>
    %mul3A_1538 = arith.mulf %broadcast_in_dim3A_8, %sub3A_1537 : vector<128x128xf32>
    %mul3A_1539 = arith.mulf %mul3A_1538, %sub3A_1537 : vector<128x128xf32>
    %exp23A_1540 = math.exp2 %mul3A_1539 : vector<128x128xf32>
    %swap3A_1541 = arith.constant 17792 : index
    %swap3A_1542 = arith.constant 0 : index
    %swap3A_1543 = vector.load %arg3[%swap3A_1541, %swap3A_1542] : memref<32768x128xf32, #tpu.memory_space<vmem>>, vector<128x128xf32>
    tpu.vector_store %arg3[%swap3A_1541, %swap3A_1542], %exp23A_1540 {strides = array<i32>} : memref<32768x128xf32, #tpu.memory_space<vmem>>, vector<128x128xf32>,
    %slice3A_1544 = vector.extract_strided_slice %sqrt3A {offsets = [140, 0], sizes = [1, 128], strides = [1, 1]} : vector<256x128xf32> to vector<1x128xf32>
    %broadcast_in_dim3A_1545 = vector.shape_cast %slice3A_1544 : vector<1x128xf32> to vector<1x128xf32>
    %broadcast_in_dim3A_1546 = vector.broadcast %broadcast_in_dim3A_1545 : vector<1x128xf32> to vector<128x128xf32>
    %transpose3A_1547 = tpu.transpose %broadcast_in_dim3A_1546, [1, 0] : vector<128x128xf32> -> vector<128x128xf32>
    %sub3A_1548 = arith.subf %transpose3A_1547, %broadcast_in_dim3A_5 : vector<128x128xf32>
    %mul3A_1549 = arith.mulf %broadcast_in_dim3A_8, %sub3A_1548 : vector<128x128xf32>
    %mul3A_1550 = arith.mulf %mul3A_1549, %sub3A_1548 : vector<128x128xf32>
    %exp23A_1551 = math.exp2 %mul3A_1550 : vector<128x128xf32>
    %swap3A_1552 = arith.constant 17920 : index
    %swap3A_1553 = arith.constant 0 : index
    %swap3A_1554 = vector.load %arg3[%swap3A_1552, %swap3A_1553] : memref<32768x128xf32, #tpu.memory_space<vmem>>, vector<128x128xf32>
    tpu.vector_store %arg3[%swap3A_1552, %swap3A_1553], %exp23A_1551 {strides = array<i32>} : memref<32768x128xf32, #tpu.memory_space<vmem>>, vector<128x128xf32>,
    %slice3A_1555 = vector.extract_strided_slice %sqrt3A {offsets = [141, 0], sizes = [1, 128], strides = [1, 1]} : vector<256x128xf32> to vector<1x128xf32>
    %broadcast_in_dim3A_1556 = vector.shape_cast %slice3A_1555 : vector<1x128xf32> to vector<1x128xf32>
    %broadcast_in_dim3A_1557 = vector.broadcast %broadcast_in_dim3A_1556 : vector<1x128xf32> to vector<128x128xf32>
    %transpose3A_1558 = tpu.transpose %broadcast_in_dim3A_1557, [1, 0] : vector<128x128xf32> -> vector<128x128xf32>
    %sub3A_1559 = arith.subf %transpose3A_1558, %broadcast_in_dim3A_5 : vector<128x128xf32>
    %mul3A_1560 = arith.mulf %broadcast_in_dim3A_8, %sub3A_1559 : vector<128x128xf32>
    %mul3A_1561 = arith.mulf %mul3A_1560, %sub3A_1559 : vector<128x128xf32>
    %exp23A_1562 = math.exp2 %mul3A_1561 : vector<128x128xf32>
    %swap3A_1563 = arith.constant 18048 : index
    %swap3A_1564 = arith.constant 0 : index
    %swap3A_1565 = vector.load %arg3[%swap3A_1563, %swap3A_1564] : memref<32768x128xf32, #tpu.memory_space<vmem>>, vector<128x128xf32>
    tpu.vector_store %arg3[%swap3A_1563, %swap3A_1564], %exp23A_1562 {strides = array<i32>} : memref<32768x128xf32, #tpu.memory_space<vmem>>, vector<128x128xf32>,
    %slice3A_1566 = vector.extract_strided_slice %sqrt3A {offsets = [142, 0], sizes = [1, 128], strides = [1, 1]} : vector<256x128xf32> to vector<1x128xf32>
    %broadcast_in_dim3A_1567 = vector.shape_cast %slice3A_1566 : vector<1x128xf32> to vector<1x128xf32>
    %broadcast_in_dim3A_1568 = vector.broadcast %broadcast_in_dim3A_1567 : vector<1x128xf32> to vector<128x128xf32>
    %transpose3A_1569 = tpu.transpose %broadcast_in_dim3A_1568, [1, 0] : vector<128x128xf32> -> vector<128x128xf32>
    %sub3A_1570 = arith.subf %transpose3A_1569, %broadcast_in_dim3A_5 : vector<128x128xf32>
    %mul3A_1571 = arith.mulf %broadcast_in_dim3A_8, %sub3A_1570 : vector<128x128xf32>
    %mul3A_1572 = arith.mulf %mul3A_1571, %sub3A_1570 : vector<128x128xf32>
    %exp23A_1573 = math.exp2 %mul3A_1572 : vector<128x128xf32>
    %swap3A_1574 = arith.constant 18176 : index
    %swap3A_1575 = arith.constant 0 : index
    %swap3A_1576 = vector.load %arg3[%swap3A_1574, %swap3A_1575] : memref<32768x128xf32, #tpu.memory_space<vmem>>, vector<128x128xf32>
    tpu.vector_store %arg3[%swap3A_1574, %swap3A_1575], %exp23A_1573 {strides = array<i32>} : memref<32768x128xf32, #tpu.memory_space<vmem>>, vector<128x128xf32>,
    %slice3A_1577 = vector.extract_strided_slice %sqrt3A {offsets = [143, 0], sizes = [1, 128], strides = [1, 1]} : vector<256x128xf32> to vector<1x128xf32>
    %broadcast_in_dim3A_1578 = vector.shape_cast %slice3A_1577 : vector<1x128xf32> to vector<1x128xf32>
    %broadcast_in_dim3A_1579 = vector.broadcast %broadcast_in_dim3A_1578 : vector<1x128xf32> to vector<128x128xf32>
    %transpose3A_1580 = tpu.transpose %broadcast_in_dim3A_1579, [1, 0] : vector<128x128xf32> -> vector<128x128xf32>
    %sub3A_1581 = arith.subf %transpose3A_1580, %broadcast_in_dim3A_5 : vector<128x128xf32>
    %mul3A_1582 = arith.mulf %broadcast_in_dim3A_8, %sub3A_1581 : vector<128x128xf32>
    %mul3A_1583 = arith.mulf %mul3A_1582, %sub3A_1581 : vector<128x128xf32>
    %exp23A_1584 = math.exp2 %mul3A_1583 : vector<128x128xf32>
    %swap3A_1585 = arith.constant 18304 : index
    %swap3A_1586 = arith.constant 0 : index
    %swap3A_1587 = vector.load %arg3[%swap3A_1585, %swap3A_1586] : memref<32768x128xf32, #tpu.memory_space<vmem>>, vector<128x128xf32>
    tpu.vector_store %arg3[%swap3A_1585, %swap3A_1586], %exp23A_1584 {strides = array<i32>} : memref<32768x128xf32, #tpu.memory_space<vmem>>, vector<128x128xf32>,
    %slice3A_1588 = vector.extract_strided_slice %sqrt3A {offsets = [144, 0], sizes = [1, 128], strides = [1, 1]} : vector<256x128xf32> to vector<1x128xf32>
    %broadcast_in_dim3A_1589 = vector.shape_cast %slice3A_1588 : vector<1x128xf32> to vector<1x128xf32>
    %broadcast_in_dim3A_1590 = vector.broadcast %broadcast_in_dim3A_1589 : vector<1x128xf32> to vector<128x128xf32>
    %transpose3A_1591 = tpu.transpose %broadcast_in_dim3A_1590, [1, 0] : vector<128x128xf32> -> vector<128x128xf32>
    %sub3A_1592 = arith.subf %transpose3A_1591, %broadcast_in_dim3A_5 : vector<128x128xf32>
    %mul3A_1593 = arith.mulf %broadcast_in_dim3A_8, %sub3A_1592 : vector<128x128xf32>
    %mul3A_1594 = arith.mulf %mul3A_1593, %sub3A_1592 : vector<128x128xf32>
    %exp23A_1595 = math.exp2 %mul3A_1594 : vector<128x128xf32>
    %swap3A_1596 = arith.constant 18432 : index
    %swap3A_1597 = arith.constant 0 : index
    %swap3A_1598 = vector.load %arg3[%swap3A_1596, %swap3A_1597] : memref<32768x128xf32, #tpu.memory_space<vmem>>, vector<128x128xf32>
    tpu.vector_store %arg3[%swap3A_1596, %swap3A_1597], %exp23A_1595 {strides = array<i32>} : memref<32768x128xf32, #tpu.memory_space<vmem>>, vector<128x128xf32>,
    %slice3A_1599 = vector.extract_strided_slice %sqrt3A {offsets = [145, 0], sizes = [1, 128], strides = [1, 1]} : vector<256x128xf32> to vector<1x128xf32>
    %broadcast_in_dim3A_1600 = vector.shape_cast %slice3A_1599 : vector<1x128xf32> to vector<1x128xf32>
    %broadcast_in_dim3A_1601 = vector.broadcast %broadcast_in_dim3A_1600 : vector<1x128xf32> to vector<128x128xf32>
    %transpose3A_1602 = tpu.transpose %broadcast_in_dim3A_1601, [1, 0] : vector<128x128xf32> -> vector<128x128xf32>
    %sub3A_1603 = arith.subf %transpose3A_1602, %broadcast_in_dim3A_5 : vector<128x128xf32>
    %mul3A_1604 = arith.mulf %broadcast_in_dim3A_8, %sub3A_1603 : vector<128x128xf32>
    %mul3A_1605 = arith.mulf %mul3A_1604, %sub3A_1603 : vector<128x128xf32>
    %exp23A_1606 = math.exp2 %mul3A_1605 : vector<128x128xf32>
    %swap3A_1607 = arith.constant 18560 : index
    %swap3A_1608 = arith.constant 0 : index
    %swap3A_1609 = vector.load %arg3[%swap3A_1607, %swap3A_1608] : memref<32768x128xf32, #tpu.memory_space<vmem>>, vector<128x128xf32>
    tpu.vector_store %arg3[%swap3A_1607, %swap3A_1608], %exp23A_1606 {strides = array<i32>} : memref<32768x128xf32, #tpu.memory_space<vmem>>, vector<128x128xf32>,
    %slice3A_1610 = vector.extract_strided_slice %sqrt3A {offsets = [146, 0], sizes = [1, 128], strides = [1, 1]} : vector<256x128xf32> to vector<1x128xf32>
    %broadcast_in_dim3A_1611 = vector.shape_cast %slice3A_1610 : vector<1x128xf32> to vector<1x128xf32>
    %broadcast_in_dim3A_1612 = vector.broadcast %broadcast_in_dim3A_1611 : vector<1x128xf32> to vector<128x128xf32>
    %transpose3A_1613 = tpu.transpose %broadcast_in_dim3A_1612, [1, 0] : vector<128x128xf32> -> vector<128x128xf32>
    %sub3A_1614 = arith.subf %transpose3A_1613, %broadcast_in_dim3A_5 : vector<128x128xf32>
    %mul3A_1615 = arith.mulf %broadcast_in_dim3A_8, %sub3A_1614 : vector<128x128xf32>
    %mul3A_1616 = arith.mulf %mul3A_1615, %sub3A_1614 : vector<128x128xf32>
    %exp23A_1617 = math.exp2 %mul3A_1616 : vector<128x128xf32>
    %swap3A_1618 = arith.constant 18688 : index
    %swap3A_1619 = arith.constant 0 : index
    %swap3A_1620 = vector.load %arg3[%swap3A_1618, %swap3A_1619] : memref<32768x128xf32, #tpu.memory_space<vmem>>, vector<128x128xf32>
    tpu.vector_store %arg3[%swap3A_1618, %swap3A_1619], %exp23A_1617 {strides = array<i32>} : memref<32768x128xf32, #tpu.memory_space<vmem>>, vector<128x128xf32>,
    %slice3A_1621 = vector.extract_strided_slice %sqrt3A {offsets = [147, 0], sizes = [1, 128], strides = [1, 1]} : vector<256x128xf32> to vector<1x128xf32>
    %broadcast_in_dim3A_1622 = vector.shape_cast %slice3A_1621 : vector<1x128xf32> to vector<1x128xf32>
    %broadcast_in_dim3A_1623 = vector.broadcast %broadcast_in_dim3A_1622 : vector<1x128xf32> to vector<128x128xf32>
    %transpose3A_1624 = tpu.transpose %broadcast_in_dim3A_1623, [1, 0] : vector<128x128xf32> -> vector<128x128xf32>
    %sub3A_1625 = arith.subf %transpose3A_1624, %broadcast_in_dim3A_5 : vector<128x128xf32>
    %mul3A_1626 = arith.mulf %broadcast_in_dim3A_8, %sub3A_1625 : vector<128x128xf32>
    %mul3A_1627 = arith.mulf %mul3A_1626, %sub3A_1625 : vector<128x128xf32>
    %exp23A_1628 = math.exp2 %mul3A_1627 : vector<128x128xf32>
    %swap3A_1629 = arith.constant 18816 : index
    %swap3A_1630 = arith.constant 0 : index
    %swap3A_1631 = vector.load %arg3[%swap3A_1629, %swap3A_1630] : memref<32768x128xf32, #tpu.memory_space<vmem>>, vector<128x128xf32>
    tpu.vector_store %arg3[%swap3A_1629, %swap3A_1630], %exp23A_1628 {strides = array<i32>} : memref<32768x128xf32, #tpu.memory_space<vmem>>, vector<128x128xf32>,
    %slice3A_1632 = vector.extract_strided_slice %sqrt3A {offsets = [148, 0], sizes = [1, 128], strides = [1, 1]} : vector<256x128xf32> to vector<1x128xf32>
    %broadcast_in_dim3A_1633 = vector.shape_cast %slice3A_1632 : vector<1x128xf32> to vector<1x128xf32>
    %broadcast_in_dim3A_1634 = vector.broadcast %broadcast_in_dim3A_1633 : vector<1x128xf32> to vector<128x128xf32>
    %transpose3A_1635 = tpu.transpose %broadcast_in_dim3A_1634, [1, 0] : vector<128x128xf32> -> vector<128x128xf32>
    %sub3A_1636 = arith.subf %transpose3A_1635, %broadcast_in_dim3A_5 : vector<128x128xf32>
    %mul3A_1637 = arith.mulf %broadcast_in_dim3A_8, %sub3A_1636 : vector<128x128xf32>
    %mul3A_1638 = arith.mulf %mul3A_1637, %sub3A_1636 : vector<128x128xf32>
    %exp23A_1639 = math.exp2 %mul3A_1638 : vector<128x128xf32>
    %swap3A_1640 = arith.constant 18944 : index
    %swap3A_1641 = arith.constant 0 : index
    %swap3A_1642 = vector.load %arg3[%swap3A_1640, %swap3A_1641] : memref<32768x128xf32, #tpu.memory_space<vmem>>, vector<128x128xf32>
    tpu.vector_store %arg3[%swap3A_1640, %swap3A_1641], %exp23A_1639 {strides = array<i32>} : memref<32768x128xf32, #tpu.memory_space<vmem>>, vector<128x128xf32>,
    %slice3A_1643 = vector.extract_strided_slice %sqrt3A {offsets = [149, 0], sizes = [1, 128], strides = [1, 1]} : vector<256x128xf32> to vector<1x128xf32>
    %broadcast_in_dim3A_1644 = vector.shape_cast %slice3A_1643 : vector<1x128xf32> to vector<1x128xf32>
    %broadcast_in_dim3A_1645 = vector.broadcast %broadcast_in_dim3A_1644 : vector<1x128xf32> to vector<128x128xf32>
    %transpose3A_1646 = tpu.transpose %broadcast_in_dim3A_1645, [1, 0] : vector<128x128xf32> -> vector<128x128xf32>
    %sub3A_1647 = arith.subf %transpose3A_1646, %broadcast_in_dim3A_5 : vector<128x128xf32>
    %mul3A_1648 = arith.mulf %broadcast_in_dim3A_8, %sub3A_1647 : vector<128x128xf32>
    %mul3A_1649 = arith.mulf %mul3A_1648, %sub3A_1647 : vector<128x128xf32>
    %exp23A_1650 = math.exp2 %mul3A_1649 : vector<128x128xf32>
    %swap3A_1651 = arith.constant 19072 : index
    %swap3A_1652 = arith.constant 0 : index
    %swap3A_1653 = vector.load %arg3[%swap3A_1651, %swap3A_1652] : memref<32768x128xf32, #tpu.memory_space<vmem>>, vector<128x128xf32>
    tpu.vector_store %arg3[%swap3A_1651, %swap3A_1652], %exp23A_1650 {strides = array<i32>} : memref<32768x128xf32, #tpu.memory_space<vmem>>, vector<128x128xf32>,
    %slice3A_1654 = vector.extract_strided_slice %sqrt3A {offsets = [150, 0], sizes = [1, 128], strides = [1, 1]} : vector<256x128xf32> to vector<1x128xf32>
    %broadcast_in_dim3A_1655 = vector.shape_cast %slice3A_1654 : vector<1x128xf32> to vector<1x128xf32>
    %broadcast_in_dim3A_1656 = vector.broadcast %broadcast_in_dim3A_1655 : vector<1x128xf32> to vector<128x128xf32>
    %transpose3A_1657 = tpu.transpose %broadcast_in_dim3A_1656, [1, 0] : vector<128x128xf32> -> vector<128x128xf32>
    %sub3A_1658 = arith.subf %transpose3A_1657, %broadcast_in_dim3A_5 : vector<128x128xf32>
    %mul3A_1659 = arith.mulf %broadcast_in_dim3A_8, %sub3A_1658 : vector<128x128xf32>
    %mul3A_1660 = arith.mulf %mul3A_1659, %sub3A_1658 : vector<128x128xf32>
    %exp23A_1661 = math.exp2 %mul3A_1660 : vector<128x128xf32>
    %swap3A_1662 = arith.constant 19200 : index
    %swap3A_1663 = arith.constant 0 : index
    %swap3A_1664 = vector.load %arg3[%swap3A_1662, %swap3A_1663] : memref<32768x128xf32, #tpu.memory_space<vmem>>, vector<128x128xf32>
    tpu.vector_store %arg3[%swap3A_1662, %swap3A_1663], %exp23A_1661 {strides = array<i32>} : memref<32768x128xf32, #tpu.memory_space<vmem>>, vector<128x128xf32>,
    %slice3A_1665 = vector.extract_strided_slice %sqrt3A {offsets = [151, 0], sizes = [1, 128], strides = [1, 1]} : vector<256x128xf32> to vector<1x128xf32>
    %broadcast_in_dim3A_1666 = vector.shape_cast %slice3A_1665 : vector<1x128xf32> to vector<1x128xf32>
    %broadcast_in_dim3A_1667 = vector.broadcast %broadcast_in_dim3A_1666 : vector<1x128xf32> to vector<128x128xf32>
    %transpose3A_1668 = tpu.transpose %broadcast_in_dim3A_1667, [1, 0] : vector<128x128xf32> -> vector<128x128xf32>
    %sub3A_1669 = arith.subf %transpose3A_1668, %broadcast_in_dim3A_5 : vector<128x128xf32>
    %mul3A_1670 = arith.mulf %broadcast_in_dim3A_8, %sub3A_1669 : vector<128x128xf32>
    %mul3A_1671 = arith.mulf %mul3A_1670, %sub3A_1669 : vector<128x128xf32>
    %exp23A_1672 = math.exp2 %mul3A_1671 : vector<128x128xf32>
    %swap3A_1673 = arith.constant 19328 : index
    %swap3A_1674 = arith.constant 0 : index
    %swap3A_1675 = vector.load %arg3[%swap3A_1673, %swap3A_1674] : memref<32768x128xf32, #tpu.memory_space<vmem>>, vector<128x128xf32>
    tpu.vector_store %arg3[%swap3A_1673, %swap3A_1674], %exp23A_1672 {strides = array<i32>} : memref<32768x128xf32, #tpu.memory_space<vmem>>, vector<128x128xf32>,
    %slice3A_1676 = vector.extract_strided_slice %sqrt3A {offsets = [152, 0], sizes = [1, 128], strides = [1, 1]} : vector<256x128xf32> to vector<1x128xf32>
    %broadcast_in_dim3A_1677 = vector.shape_cast %slice3A_1676 : vector<1x128xf32> to vector<1x128xf32>
    %broadcast_in_dim3A_1678 = vector.broadcast %broadcast_in_dim3A_1677 : vector<1x128xf32> to vector<128x128xf32>
    %transpose3A_1679 = tpu.transpose %broadcast_in_dim3A_1678, [1, 0] : vector<128x128xf32> -> vector<128x128xf32>
    %sub3A_1680 = arith.subf %transpose3A_1679, %broadcast_in_dim3A_5 : vector<128x128xf32>
    %mul3A_1681 = arith.mulf %broadcast_in_dim3A_8, %sub3A_1680 : vector<128x128xf32>
    %mul3A_1682 = arith.mulf %mul3A_1681, %sub3A_1680 : vector<128x128xf32>
    %exp23A_1683 = math.exp2 %mul3A_1682 : vector<128x128xf32>
    %swap3A_1684 = arith.constant 19456 : index
    %swap3A_1685 = arith.constant 0 : index
    %swap3A_1686 = vector.load %arg3[%swap3A_1684, %swap3A_1685] : memref<32768x128xf32, #tpu.memory_space<vmem>>, vector<128x128xf32>
    tpu.vector_store %arg3[%swap3A_1684, %swap3A_1685], %exp23A_1683 {strides = array<i32>} : memref<32768x128xf32, #tpu.memory_space<vmem>>, vector<128x128xf32>,
    %slice3A_1687 = vector.extract_strided_slice %sqrt3A {offsets = [153, 0], sizes = [1, 128], strides = [1, 1]} : vector<256x128xf32> to vector<1x128xf32>
    %broadcast_in_dim3A_1688 = vector.shape_cast %slice3A_1687 : vector<1x128xf32> to vector<1x128xf32>
    %broadcast_in_dim3A_1689 = vector.broadcast %broadcast_in_dim3A_1688 : vector<1x128xf32> to vector<128x128xf32>
    %transpose3A_1690 = tpu.transpose %broadcast_in_dim3A_1689, [1, 0] : vector<128x128xf32> -> vector<128x128xf32>
    %sub3A_1691 = arith.subf %transpose3A_1690, %broadcast_in_dim3A_5 : vector<128x128xf32>
    %mul3A_1692 = arith.mulf %broadcast_in_dim3A_8, %sub3A_1691 : vector<128x128xf32>
    %mul3A_1693 = arith.mulf %mul3A_1692, %sub3A_1691 : vector<128x128xf32>
    %exp23A_1694 = math.exp2 %mul3A_1693 : vector<128x128xf32>
    %swap3A_1695 = arith.constant 19584 : index
    %swap3A_1696 = arith.constant 0 : index
    %swap3A_1697 = vector.load %arg3[%swap3A_1695, %swap3A_1696] : memref<32768x128xf32, #tpu.memory_space<vmem>>, vector<128x128xf32>
    tpu.vector_store %arg3[%swap3A_1695, %swap3A_1696], %exp23A_1694 {strides = array<i32>} : memref<32768x128xf32, #tpu.memory_space<vmem>>, vector<128x128xf32>,
    %slice3A_1698 = vector.extract_strided_slice %sqrt3A {offsets = [154, 0], sizes = [1, 128], strides = [1, 1]} : vector<256x128xf32> to vector<1x128xf32>
    %broadcast_in_dim3A_1699 = vector.shape_cast %slice3A_1698 : vector<1x128xf32> to vector<1x128xf32>
    %broadcast_in_dim3A_1700 = vector.broadcast %broadcast_in_dim3A_1699 : vector<1x128xf32> to vector<128x128xf32>
    %transpose3A_1701 = tpu.transpose %broadcast_in_dim3A_1700, [1, 0] : vector<128x128xf32> -> vector<128x128xf32>
    %sub3A_1702 = arith.subf %transpose3A_1701, %broadcast_in_dim3A_5 : vector<128x128xf32>
    %mul3A_1703 = arith.mulf %broadcast_in_dim3A_8, %sub3A_1702 : vector<128x128xf32>
    %mul3A_1704 = arith.mulf %mul3A_1703, %sub3A_1702 : vector<128x128xf32>
    %exp23A_1705 = math.exp2 %mul3A_1704 : vector<128x128xf32>
    %swap3A_1706 = arith.constant 19712 : index
    %swap3A_1707 = arith.constant 0 : index
    %swap3A_1708 = vector.load %arg3[%swap3A_1706, %swap3A_1707] : memref<32768x128xf32, #tpu.memory_space<vmem>>, vector<128x128xf32>
    tpu.vector_store %arg3[%swap3A_1706, %swap3A_1707], %exp23A_1705 {strides = array<i32>} : memref<32768x128xf32, #tpu.memory_space<vmem>>, vector<128x128xf32>,
    %slice3A_1709 = vector.extract_strided_slice %sqrt3A {offsets = [155, 0], sizes = [1, 128], strides = [1, 1]} : vector<256x128xf32> to vector<1x128xf32>
    %broadcast_in_dim3A_1710 = vector.shape_cast %slice3A_1709 : vector<1x128xf32> to vector<1x128xf32>
    %broadcast_in_dim3A_1711 = vector.broadcast %broadcast_in_dim3A_1710 : vector<1x128xf32> to vector<128x128xf32>
    %transpose3A_1712 = tpu.transpose %broadcast_in_dim3A_1711, [1, 0] : vector<128x128xf32> -> vector<128x128xf32>
    %sub3A_1713 = arith.subf %transpose3A_1712, %broadcast_in_dim3A_5 : vector<128x128xf32>
    %mul3A_1714 = arith.mulf %broadcast_in_dim3A_8, %sub3A_1713 : vector<128x128xf32>
    %mul3A_1715 = arith.mulf %mul3A_1714, %sub3A_1713 : vector<128x128xf32>
    %exp23A_1716 = math.exp2 %mul3A_1715 : vector<128x128xf32>
    %swap3A_1717 = arith.constant 19840 : index
    %swap3A_1718 = arith.constant 0 : index
    %swap3A_1719 = vector.load %arg3[%swap3A_1717, %swap3A_1718] : memref<32768x128xf32, #tpu.memory_space<vmem>>, vector<128x128xf32>
    tpu.vector_store %arg3[%swap3A_1717, %swap3A_1718], %exp23A_1716 {strides = array<i32>} : memref<32768x128xf32, #tpu.memory_space<vmem>>, vector<128x128xf32>,
    %slice3A_1720 = vector.extract_strided_slice %sqrt3A {offsets = [156, 0], sizes = [1, 128], strides = [1, 1]} : vector<256x128xf32> to vector<1x128xf32>
    %broadcast_in_dim3A_1721 = vector.shape_cast %slice3A_1720 : vector<1x128xf32> to vector<1x128xf32>
    %broadcast_in_dim3A_1722 = vector.broadcast %broadcast_in_dim3A_1721 : vector<1x128xf32> to vector<128x128xf32>
    %transpose3A_1723 = tpu.transpose %broadcast_in_dim3A_1722, [1, 0] : vector<128x128xf32> -> vector<128x128xf32>
    %sub3A_1724 = arith.subf %transpose3A_1723, %broadcast_in_dim3A_5 : vector<128x128xf32>
    %mul3A_1725 = arith.mulf %broadcast_in_dim3A_8, %sub3A_1724 : vector<128x128xf32>
    %mul3A_1726 = arith.mulf %mul3A_1725, %sub3A_1724 : vector<128x128xf32>
    %exp23A_1727 = math.exp2 %mul3A_1726 : vector<128x128xf32>
    %swap3A_1728 = arith.constant 19968 : index
    %swap3A_1729 = arith.constant 0 : index
    %swap3A_1730 = vector.load %arg3[%swap3A_1728, %swap3A_1729] : memref<32768x128xf32, #tpu.memory_space<vmem>>, vector<128x128xf32>
    tpu.vector_store %arg3[%swap3A_1728, %swap3A_1729], %exp23A_1727 {strides = array<i32>} : memref<32768x128xf32, #tpu.memory_space<vmem>>, vector<128x128xf32>,
    %slice3A_1731 = vector.extract_strided_slice %sqrt3A {offsets = [157, 0], sizes = [1, 128], strides = [1, 1]} : vector<256x128xf32> to vector<1x128xf32>
    %broadcast_in_dim3A_1732 = vector.shape_cast %slice3A_1731 : vector<1x128xf32> to vector<1x128xf32>
    %broadcast_in_dim3A_1733 = vector.broadcast %broadcast_in_dim3A_1732 : vector<1x128xf32> to vector<128x128xf32>
    %transpose3A_1734 = tpu.transpose %broadcast_in_dim3A_1733, [1, 0] : vector<128x128xf32> -> vector<128x128xf32>
    %sub3A_1735 = arith.subf %transpose3A_1734, %broadcast_in_dim3A_5 : vector<128x128xf32>
    %mul3A_1736 = arith.mulf %broadcast_in_dim3A_8, %sub3A_1735 : vector<128x128xf32>
    %mul3A_1737 = arith.mulf %mul3A_1736, %sub3A_1735 : vector<128x128xf32>
    %exp23A_1738 = math.exp2 %mul3A_1737 : vector<128x128xf32>
    %swap3A_1739 = arith.constant 20096 : index
    %swap3A_1740 = arith.constant 0 : index
    %swap3A_1741 = vector.load %arg3[%swap3A_1739, %swap3A_1740] : memref<32768x128xf32, #tpu.memory_space<vmem>>, vector<128x128xf32>
    tpu.vector_store %arg3[%swap3A_1739, %swap3A_1740], %exp23A_1738 {strides = array<i32>} : memref<32768x128xf32, #tpu.memory_space<vmem>>, vector<128x128xf32>,
    %slice3A_1742 = vector.extract_strided_slice %sqrt3A {offsets = [158, 0], sizes = [1, 128], strides = [1, 1]} : vector<256x128xf32> to vector<1x128xf32>
    %broadcast_in_dim3A_1743 = vector.shape_cast %slice3A_1742 : vector<1x128xf32> to vector<1x128xf32>
    %broadcast_in_dim3A_1744 = vector.broadcast %broadcast_in_dim3A_1743 : vector<1x128xf32> to vector<128x128xf32>
    %transpose3A_1745 = tpu.transpose %broadcast_in_dim3A_1744, [1, 0] : vector<128x128xf32> -> vector<128x128xf32>
    %sub3A_1746 = arith.subf %transpose3A_1745, %broadcast_in_dim3A_5 : vector<128x128xf32>
    %mul3A_1747 = arith.mulf %broadcast_in_dim3A_8, %sub3A_1746 : vector<128x128xf32>
    %mul3A_1748 = arith.mulf %mul3A_1747, %sub3A_1746 : vector<128x128xf32>
    %exp23A_1749 = math.exp2 %mul3A_1748 : vector<128x128xf32>
    %swap3A_1750 = arith.constant 20224 : index
    %swap3A_1751 = arith.constant 0 : index
    %swap3A_1752 = vector.load %arg3[%swap3A_1750, %swap3A_1751] : memref<32768x128xf32, #tpu.memory_space<vmem>>, vector<128x128xf32>
    tpu.vector_store %arg3[%swap3A_1750, %swap3A_1751], %exp23A_1749 {strides = array<i32>} : memref<32768x128xf32, #tpu.memory_space<vmem>>, vector<128x128xf32>,
    %slice3A_1753 = vector.extract_strided_slice %sqrt3A {offsets = [159, 0], sizes = [1, 128], strides = [1, 1]} : vector<256x128xf32> to vector<1x128xf32>
    %broadcast_in_dim3A_1754 = vector.shape_cast %slice3A_1753 : vector<1x128xf32> to vector<1x128xf32>
    %broadcast_in_dim3A_1755 = vector.broadcast %broadcast_in_dim3A_1754 : vector<1x128xf32> to vector<128x128xf32>
    %transpose3A_1756 = tpu.transpose %broadcast_in_dim3A_1755, [1, 0] : vector<128x128xf32> -> vector<128x128xf32>
    %sub3A_1757 = arith.subf %transpose3A_1756, %broadcast_in_dim3A_5 : vector<128x128xf32>
    %mul3A_1758 = arith.mulf %broadcast_in_dim3A_8, %sub3A_1757 : vector<128x128xf32>
    %mul3A_1759 = arith.mulf %mul3A_1758, %sub3A_1757 : vector<128x128xf32>
    %exp23A_1760 = math.exp2 %mul3A_1759 : vector<128x128xf32>
    %swap3A_1761 = arith.constant 20352 : index
    %swap3A_1762 = arith.constant 0 : index
    %swap3A_1763 = vector.load %arg3[%swap3A_1761, %swap3A_1762] : memref<32768x128xf32, #tpu.memory_space<vmem>>, vector<128x128xf32>
    tpu.vector_store %arg3[%swap3A_1761, %swap3A_1762], %exp23A_1760 {strides = array<i32>} : memref<32768x128xf32, #tpu.memory_space<vmem>>, vector<128x128xf32>,
    %slice3A_1764 = vector.extract_strided_slice %sqrt3A {offsets = [160, 0], sizes = [1, 128], strides = [1, 1]} : vector<256x128xf32> to vector<1x128xf32>
    %broadcast_in_dim3A_1765 = vector.shape_cast %slice3A_1764 : vector<1x128xf32> to vector<1x128xf32>
    %broadcast_in_dim3A_1766 = vector.broadcast %broadcast_in_dim3A_1765 : vector<1x128xf32> to vector<128x128xf32>
    %transpose3A_1767 = tpu.transpose %broadcast_in_dim3A_1766, [1, 0] : vector<128x128xf32> -> vector<128x128xf32>
    %sub3A_1768 = arith.subf %transpose3A_1767, %broadcast_in_dim3A_5 : vector<128x128xf32>
    %mul3A_1769 = arith.mulf %broadcast_in_dim3A_8, %sub3A_1768 : vector<128x128xf32>
    %mul3A_1770 = arith.mulf %mul3A_1769, %sub3A_1768 : vector<128x128xf32>
    %exp23A_1771 = math.exp2 %mul3A_1770 : vector<128x128xf32>
    %swap3A_1772 = arith.constant 20480 : index
    %swap3A_1773 = arith.constant 0 : index
    %swap3A_1774 = vector.load %arg3[%swap3A_1772, %swap3A_1773] : memref<32768x128xf32, #tpu.memory_space<vmem>>, vector<128x128xf32>
    tpu.vector_store %arg3[%swap3A_1772, %swap3A_1773], %exp23A_1771 {strides = array<i32>} : memref<32768x128xf32, #tpu.memory_space<vmem>>, vector<128x128xf32>,
    %slice3A_1775 = vector.extract_strided_slice %sqrt3A {offsets = [161, 0], sizes = [1, 128], strides = [1, 1]} : vector<256x128xf32> to vector<1x128xf32>
    %broadcast_in_dim3A_1776 = vector.shape_cast %slice3A_1775 : vector<1x128xf32> to vector<1x128xf32>
    %broadcast_in_dim3A_1777 = vector.broadcast %broadcast_in_dim3A_1776 : vector<1x128xf32> to vector<128x128xf32>
    %transpose3A_1778 = tpu.transpose %broadcast_in_dim3A_1777, [1, 0] : vector<128x128xf32> -> vector<128x128xf32>
    %sub3A_1779 = arith.subf %transpose3A_1778, %broadcast_in_dim3A_5 : vector<128x128xf32>
    %mul3A_1780 = arith.mulf %broadcast_in_dim3A_8, %sub3A_1779 : vector<128x128xf32>
    %mul3A_1781 = arith.mulf %mul3A_1780, %sub3A_1779 : vector<128x128xf32>
    %exp23A_1782 = math.exp2 %mul3A_1781 : vector<128x128xf32>
    %swap3A_1783 = arith.constant 20608 : index
    %swap3A_1784 = arith.constant 0 : index
    %swap3A_1785 = vector.load %arg3[%swap3A_1783, %swap3A_1784] : memref<32768x128xf32, #tpu.memory_space<vmem>>, vector<128x128xf32>
    tpu.vector_store %arg3[%swap3A_1783, %swap3A_1784], %exp23A_1782 {strides = array<i32>} : memref<32768x128xf32, #tpu.memory_space<vmem>>, vector<128x128xf32>,
    %slice3A_1786 = vector.extract_strided_slice %sqrt3A {offsets = [162, 0], sizes = [1, 128], strides = [1, 1]} : vector<256x128xf32> to vector<1x128xf32>
    %broadcast_in_dim3A_1787 = vector.shape_cast %slice3A_1786 : vector<1x128xf32> to vector<1x128xf32>
    %broadcast_in_dim3A_1788 = vector.broadcast %broadcast_in_dim3A_1787 : vector<1x128xf32> to vector<128x128xf32>
    %transpose3A_1789 = tpu.transpose %broadcast_in_dim3A_1788, [1, 0] : vector<128x128xf32> -> vector<128x128xf32>
    %sub3A_1790 = arith.subf %transpose3A_1789, %broadcast_in_dim3A_5 : vector<128x128xf32>
    %mul3A_1791 = arith.mulf %broadcast_in_dim3A_8, %sub3A_1790 : vector<128x128xf32>
    %mul3A_1792 = arith.mulf %mul3A_1791, %sub3A_1790 : vector<128x128xf32>
    %exp23A_1793 = math.exp2 %mul3A_1792 : vector<128x128xf32>
    %swap3A_1794 = arith.constant 20736 : index
    %swap3A_1795 = arith.constant 0 : index
    %swap3A_1796 = vector.load %arg3[%swap3A_1794, %swap3A_1795] : memref<32768x128xf32, #tpu.memory_space<vmem>>, vector<128x128xf32>
    tpu.vector_store %arg3[%swap3A_1794, %swap3A_1795], %exp23A_1793 {strides = array<i32>} : memref<32768x128xf32, #tpu.memory_space<vmem>>, vector<128x128xf32>,
    %slice3A_1797 = vector.extract_strided_slice %sqrt3A {offsets = [163, 0], sizes = [1, 128], strides = [1, 1]} : vector<256x128xf32> to vector<1x128xf32>
    %broadcast_in_dim3A_1798 = vector.shape_cast %slice3A_1797 : vector<1x128xf32> to vector<1x128xf32>
    %broadcast_in_dim3A_1799 = vector.broadcast %broadcast_in_dim3A_1798 : vector<1x128xf32> to vector<128x128xf32>
    %transpose3A_1800 = tpu.transpose %broadcast_in_dim3A_1799, [1, 0] : vector<128x128xf32> -> vector<128x128xf32>
    %sub3A_1801 = arith.subf %transpose3A_1800, %broadcast_in_dim3A_5 : vector<128x128xf32>
    %mul3A_1802 = arith.mulf %broadcast_in_dim3A_8, %sub3A_1801 : vector<128x128xf32>
    %mul3A_1803 = arith.mulf %mul3A_1802, %sub3A_1801 : vector<128x128xf32>
    %exp23A_1804 = math.exp2 %mul3A_1803 : vector<128x128xf32>
    %swap3A_1805 = arith.constant 20864 : index
    %swap3A_1806 = arith.constant 0 : index
    %swap3A_1807 = vector.load %arg3[%swap3A_1805, %swap3A_1806] : memref<32768x128xf32, #tpu.memory_space<vmem>>, vector<128x128xf32>
    tpu.vector_store %arg3[%swap3A_1805, %swap3A_1806], %exp23A_1804 {strides = array<i32>} : memref<32768x128xf32, #tpu.memory_space<vmem>>, vector<128x128xf32>,
    %slice3A_1808 = vector.extract_strided_slice %sqrt3A {offsets = [164, 0], sizes = [1, 128], strides = [1, 1]} : vector<256x128xf32> to vector<1x128xf32>
    %broadcast_in_dim3A_1809 = vector.shape_cast %slice3A_1808 : vector<1x128xf32> to vector<1x128xf32>
    %broadcast_in_dim3A_1810 = vector.broadcast %broadcast_in_dim3A_1809 : vector<1x128xf32> to vector<128x128xf32>
    %transpose3A_1811 = tpu.transpose %broadcast_in_dim3A_1810, [1, 0] : vector<128x128xf32> -> vector<128x128xf32>
    %sub3A_1812 = arith.subf %transpose3A_1811, %broadcast_in_dim3A_5 : vector<128x128xf32>
    %mul3A_1813 = arith.mulf %broadcast_in_dim3A_8, %sub3A_1812 : vector<128x128xf32>
    %mul3A_1814 = arith.mulf %mul3A_1813, %sub3A_1812 : vector<128x128xf32>
    %exp23A_1815 = math.exp2 %mul3A_1814 : vector<128x128xf32>
    %swap3A_1816 = arith.constant 20992 : index
    %swap3A_1817 = arith.constant 0 : index
    %swap3A_1818 = vector.load %arg3[%swap3A_1816, %swap3A_1817] : memref<32768x128xf32, #tpu.memory_space<vmem>>, vector<128x128xf32>
    tpu.vector_store %arg3[%swap3A_1816, %swap3A_1817], %exp23A_1815 {strides = array<i32>} : memref<32768x128xf32, #tpu.memory_space<vmem>>, vector<128x128xf32>,
    %slice3A_1819 = vector.extract_strided_slice %sqrt3A {offsets = [165, 0], sizes = [1, 128], strides = [1, 1]} : vector<256x128xf32> to vector<1x128xf32>
    %broadcast_in_dim3A_1820 = vector.shape_cast %slice3A_1819 : vector<1x128xf32> to vector<1x128xf32>
    %broadcast_in_dim3A_1821 = vector.broadcast %broadcast_in_dim3A_1820 : vector<1x128xf32> to vector<128x128xf32>
    %transpose3A_1822 = tpu.transpose %broadcast_in_dim3A_1821, [1, 0] : vector<128x128xf32> -> vector<128x128xf32>
    %sub3A_1823 = arith.subf %transpose3A_1822, %broadcast_in_dim3A_5 : vector<128x128xf32>
    %mul3A_1824 = arith.mulf %broadcast_in_dim3A_8, %sub3A_1823 : vector<128x128xf32>
    %mul3A_1825 = arith.mulf %mul3A_1824, %sub3A_1823 : vector<128x128xf32>
    %exp23A_1826 = math.exp2 %mul3A_1825 : vector<128x128xf32>
    %swap3A_1827 = arith.constant 21120 : index
    %swap3A_1828 = arith.constant 0 : index
    %swap3A_1829 = vector.load %arg3[%swap3A_1827, %swap3A_1828] : memref<32768x128xf32, #tpu.memory_space<vmem>>, vector<128x128xf32>
    tpu.vector_store %arg3[%swap3A_1827, %swap3A_1828], %exp23A_1826 {strides = array<i32>} : memref<32768x128xf32, #tpu.memory_space<vmem>>, vector<128x128xf32>,
    %slice3A_1830 = vector.extract_strided_slice %sqrt3A {offsets = [166, 0], sizes = [1, 128], strides = [1, 1]} : vector<256x128xf32> to vector<1x128xf32>
    %broadcast_in_dim3A_1831 = vector.shape_cast %slice3A_1830 : vector<1x128xf32> to vector<1x128xf32>
    %broadcast_in_dim3A_1832 = vector.broadcast %broadcast_in_dim3A_1831 : vector<1x128xf32> to vector<128x128xf32>
    %transpose3A_1833 = tpu.transpose %broadcast_in_dim3A_1832, [1, 0] : vector<128x128xf32> -> vector<128x128xf32>
    %sub3A_1834 = arith.subf %transpose3A_1833, %broadcast_in_dim3A_5 : vector<128x128xf32>
    %mul3A_1835 = arith.mulf %broadcast_in_dim3A_8, %sub3A_1834 : vector<128x128xf32>
    %mul3A_1836 = arith.mulf %mul3A_1835, %sub3A_1834 : vector<128x128xf32>
    %exp23A_1837 = math.exp2 %mul3A_1836 : vector<128x128xf32>
    %swap3A_1838 = arith.constant 21248 : index
    %swap3A_1839 = arith.constant 0 : index
    %swap3A_1840 = vector.load %arg3[%swap3A_1838, %swap3A_1839] : memref<32768x128xf32, #tpu.memory_space<vmem>>, vector<128x128xf32>
    tpu.vector_store %arg3[%swap3A_1838, %swap3A_1839], %exp23A_1837 {strides = array<i32>} : memref<32768x128xf32, #tpu.memory_space<vmem>>, vector<128x128xf32>,
    %slice3A_1841 = vector.extract_strided_slice %sqrt3A {offsets = [167, 0], sizes = [1, 128], strides = [1, 1]} : vector<256x128xf32> to vector<1x128xf32>
    %broadcast_in_dim3A_1842 = vector.shape_cast %slice3A_1841 : vector<1x128xf32> to vector<1x128xf32>
    %broadcast_in_dim3A_1843 = vector.broadcast %broadcast_in_dim3A_1842 : vector<1x128xf32> to vector<128x128xf32>
    %transpose3A_1844 = tpu.transpose %broadcast_in_dim3A_1843, [1, 0] : vector<128x128xf32> -> vector<128x128xf32>
    %sub3A_1845 = arith.subf %transpose3A_1844, %broadcast_in_dim3A_5 : vector<128x128xf32>
    %mul3A_1846 = arith.mulf %broadcast_in_dim3A_8, %sub3A_1845 : vector<128x128xf32>
    %mul3A_1847 = arith.mulf %mul3A_1846, %sub3A_1845 : vector<128x128xf32>
    %exp23A_1848 = math.exp2 %mul3A_1847 : vector<128x128xf32>
    %swap3A_1849 = arith.constant 21376 : index
    %swap3A_1850 = arith.constant 0 : index
    %swap3A_1851 = vector.load %arg3[%swap3A_1849, %swap3A_1850] : memref<32768x128xf32, #tpu.memory_space<vmem>>, vector<128x128xf32>
    tpu.vector_store %arg3[%swap3A_1849, %swap3A_1850], %exp23A_1848 {strides = array<i32>} : memref<32768x128xf32, #tpu.memory_space<vmem>>, vector<128x128xf32>,
    %slice3A_1852 = vector.extract_strided_slice %sqrt3A {offsets = [168, 0], sizes = [1, 128], strides = [1, 1]} : vector<256x128xf32> to vector<1x128xf32>
    %broadcast_in_dim3A_1853 = vector.shape_cast %slice3A_1852 : vector<1x128xf32> to vector<1x128xf32>
    %broadcast_in_dim3A_1854 = vector.broadcast %broadcast_in_dim3A_1853 : vector<1x128xf32> to vector<128x128xf32>
    %transpose3A_1855 = tpu.transpose %broadcast_in_dim3A_1854, [1, 0] : vector<128x128xf32> -> vector<128x128xf32>
    %sub3A_1856 = arith.subf %transpose3A_1855, %broadcast_in_dim3A_5 : vector<128x128xf32>
    %mul3A_1857 = arith.mulf %broadcast_in_dim3A_8, %sub3A_1856 : vector<128x128xf32>
    %mul3A_1858 = arith.mulf %mul3A_1857, %sub3A_1856 : vector<128x128xf32>
    %exp23A_1859 = math.exp2 %mul3A_1858 : vector<128x128xf32>
    %swap3A_1860 = arith.constant 21504 : index
    %swap3A_1861 = arith.constant 0 : index
    %swap3A_1862 = vector.load %arg3[%swap3A_1860, %swap3A_1861] : memref<32768x128xf32, #tpu.memory_space<vmem>>, vector<128x128xf32>
    tpu.vector_store %arg3[%swap3A_1860, %swap3A_1861], %exp23A_1859 {strides = array<i32>} : memref<32768x128xf32, #tpu.memory_space<vmem>>, vector<128x128xf32>,
    %slice3A_1863 = vector.extract_strided_slice %sqrt3A {offsets = [169, 0], sizes = [1, 128], strides = [1, 1]} : vector<256x128xf32> to vector<1x128xf32>
    %broadcast_in_dim3A_1864 = vector.shape_cast %slice3A_1863 : vector<1x128xf32> to vector<1x128xf32>
    %broadcast_in_dim3A_1865 = vector.broadcast %broadcast_in_dim3A_1864 : vector<1x128xf32> to vector<128x128xf32>
    %transpose3A_1866 = tpu.transpose %broadcast_in_dim3A_1865, [1, 0] : vector<128x128xf32> -> vector<128x128xf32>
    %sub3A_1867 = arith.subf %transpose3A_1866, %broadcast_in_dim3A_5 : vector<128x128xf32>
    %mul3A_1868 = arith.mulf %broadcast_in_dim3A_8, %sub3A_1867 : vector<128x128xf32>
    %mul3A_1869 = arith.mulf %mul3A_1868, %sub3A_1867 : vector<128x128xf32>
    %exp23A_1870 = math.exp2 %mul3A_1869 : vector<128x128xf32>
    %swap3A_1871 = arith.constant 21632 : index
    %swap3A_1872 = arith.constant 0 : index
    %swap3A_1873 = vector.load %arg3[%swap3A_1871, %swap3A_1872] : memref<32768x128xf32, #tpu.memory_space<vmem>>, vector<128x128xf32>
    tpu.vector_store %arg3[%swap3A_1871, %swap3A_1872], %exp23A_1870 {strides = array<i32>} : memref<32768x128xf32, #tpu.memory_space<vmem>>, vector<128x128xf32>,
    %slice3A_1874 = vector.extract_strided_slice %sqrt3A {offsets = [170, 0], sizes = [1, 128], strides = [1, 1]} : vector<256x128xf32> to vector<1x128xf32>
    %broadcast_in_dim3A_1875 = vector.shape_cast %slice3A_1874 : vector<1x128xf32> to vector<1x128xf32>
    %broadcast_in_dim3A_1876 = vector.broadcast %broadcast_in_dim3A_1875 : vector<1x128xf32> to vector<128x128xf32>
    %transpose3A_1877 = tpu.transpose %broadcast_in_dim3A_1876, [1, 0] : vector<128x128xf32> -> vector<128x128xf32>
    %sub3A_1878 = arith.subf %transpose3A_1877, %broadcast_in_dim3A_5 : vector<128x128xf32>
    %mul3A_1879 = arith.mulf %broadcast_in_dim3A_8, %sub3A_1878 : vector<128x128xf32>
    %mul3A_1880 = arith.mulf %mul3A_1879, %sub3A_1878 : vector<128x128xf32>
    %exp23A_1881 = math.exp2 %mul3A_1880 : vector<128x128xf32>
    %swap3A_1882 = arith.constant 21760 : index
    %swap3A_1883 = arith.constant 0 : index
    %swap3A_1884 = vector.load %arg3[%swap3A_1882, %swap3A_1883] : memref<32768x128xf32, #tpu.memory_space<vmem>>, vector<128x128xf32>
    tpu.vector_store %arg3[%swap3A_1882, %swap3A_1883], %exp23A_1881 {strides = array<i32>} : memref<32768x128xf32, #tpu.memory_space<vmem>>, vector<128x128xf32>,
    %slice3A_1885 = vector.extract_strided_slice %sqrt3A {offsets = [171, 0], sizes = [1, 128], strides = [1, 1]} : vector<256x128xf32> to vector<1x128xf32>
    %broadcast_in_dim3A_1886 = vector.shape_cast %slice3A_1885 : vector<1x128xf32> to vector<1x128xf32>
    %broadcast_in_dim3A_1887 = vector.broadcast %broadcast_in_dim3A_1886 : vector<1x128xf32> to vector<128x128xf32>
    %transpose3A_1888 = tpu.transpose %broadcast_in_dim3A_1887, [1, 0] : vector<128x128xf32> -> vector<128x128xf32>
    %sub3A_1889 = arith.subf %transpose3A_1888, %broadcast_in_dim3A_5 : vector<128x128xf32>
    %mul3A_1890 = arith.mulf %broadcast_in_dim3A_8, %sub3A_1889 : vector<128x128xf32>
    %mul3A_1891 = arith.mulf %mul3A_1890, %sub3A_1889 : vector<128x128xf32>
    %exp23A_1892 = math.exp2 %mul3A_1891 : vector<128x128xf32>
    %swap3A_1893 = arith.constant 21888 : index
    %swap3A_1894 = arith.constant 0 : index
    %swap3A_1895 = vector.load %arg3[%swap3A_1893, %swap3A_1894] : memref<32768x128xf32, #tpu.memory_space<vmem>>, vector<128x128xf32>
    tpu.vector_store %arg3[%swap3A_1893, %swap3A_1894], %exp23A_1892 {strides = array<i32>} : memref<32768x128xf32, #tpu.memory_space<vmem>>, vector<128x128xf32>,
    %slice3A_1896 = vector.extract_strided_slice %sqrt3A {offsets = [172, 0], sizes = [1, 128], strides = [1, 1]} : vector<256x128xf32> to vector<1x128xf32>
    %broadcast_in_dim3A_1897 = vector.shape_cast %slice3A_1896 : vector<1x128xf32> to vector<1x128xf32>
    %broadcast_in_dim3A_1898 = vector.broadcast %broadcast_in_dim3A_1897 : vector<1x128xf32> to vector<128x128xf32>
    %transpose3A_1899 = tpu.transpose %broadcast_in_dim3A_1898, [1, 0] : vector<128x128xf32> -> vector<128x128xf32>
    %sub3A_1900 = arith.subf %transpose3A_1899, %broadcast_in_dim3A_5 : vector<128x128xf32>
    %mul3A_1901 = arith.mulf %broadcast_in_dim3A_8, %sub3A_1900 : vector<128x128xf32>
    %mul3A_1902 = arith.mulf %mul3A_1901, %sub3A_1900 : vector<128x128xf32>
    %exp23A_1903 = math.exp2 %mul3A_1902 : vector<128x128xf32>
    %swap3A_1904 = arith.constant 22016 : index
    %swap3A_1905 = arith.constant 0 : index
    %swap3A_1906 = vector.load %arg3[%swap3A_1904, %swap3A_1905] : memref<32768x128xf32, #tpu.memory_space<vmem>>, vector<128x128xf32>
    tpu.vector_store %arg3[%swap3A_1904, %swap3A_1905], %exp23A_1903 {strides = array<i32>} : memref<32768x128xf32, #tpu.memory_space<vmem>>, vector<128x128xf32>,
    %slice3A_1907 = vector.extract_strided_slice %sqrt3A {offsets = [173, 0], sizes = [1, 128], strides = [1, 1]} : vector<256x128xf32> to vector<1x128xf32>
    %broadcast_in_dim3A_1908 = vector.shape_cast %slice3A_1907 : vector<1x128xf32> to vector<1x128xf32>
    %broadcast_in_dim3A_1909 = vector.broadcast %broadcast_in_dim3A_1908 : vector<1x128xf32> to vector<128x128xf32>
    %transpose3A_1910 = tpu.transpose %broadcast_in_dim3A_1909, [1, 0] : vector<128x128xf32> -> vector<128x128xf32>
    %sub3A_1911 = arith.subf %transpose3A_1910, %broadcast_in_dim3A_5 : vector<128x128xf32>
    %mul3A_1912 = arith.mulf %broadcast_in_dim3A_8, %sub3A_1911 : vector<128x128xf32>
    %mul3A_1913 = arith.mulf %mul3A_1912, %sub3A_1911 : vector<128x128xf32>
    %exp23A_1914 = math.exp2 %mul3A_1913 : vector<128x128xf32>
    %swap3A_1915 = arith.constant 22144 : index
    %swap3A_1916 = arith.constant 0 : index
    %swap3A_1917 = vector.load %arg3[%swap3A_1915, %swap3A_1916] : memref<32768x128xf32, #tpu.memory_space<vmem>>, vector<128x128xf32>
    tpu.vector_store %arg3[%swap3A_1915, %swap3A_1916], %exp23A_1914 {strides = array<i32>} : memref<32768x128xf32, #tpu.memory_space<vmem>>, vector<128x128xf32>,
    %slice3A_1918 = vector.extract_strided_slice %sqrt3A {offsets = [174, 0], sizes = [1, 128], strides = [1, 1]} : vector<256x128xf32> to vector<1x128xf32>
    %broadcast_in_dim3A_1919 = vector.shape_cast %slice3A_1918 : vector<1x128xf32> to vector<1x128xf32>
    %broadcast_in_dim3A_1920 = vector.broadcast %broadcast_in_dim3A_1919 : vector<1x128xf32> to vector<128x128xf32>
    %transpose3A_1921 = tpu.transpose %broadcast_in_dim3A_1920, [1, 0] : vector<128x128xf32> -> vector<128x128xf32>
    %sub3A_1922 = arith.subf %transpose3A_1921, %broadcast_in_dim3A_5 : vector<128x128xf32>
    %mul3A_1923 = arith.mulf %broadcast_in_dim3A_8, %sub3A_1922 : vector<128x128xf32>
    %mul3A_1924 = arith.mulf %mul3A_1923, %sub3A_1922 : vector<128x128xf32>
    %exp23A_1925 = math.exp2 %mul3A_1924 : vector<128x128xf32>
    %swap3A_1926 = arith.constant 22272 : index
    %swap3A_1927 = arith.constant 0 : index
    %swap3A_1928 = vector.load %arg3[%swap3A_1926, %swap3A_1927] : memref<32768x128xf32, #tpu.memory_space<vmem>>, vector<128x128xf32>
    tpu.vector_store %arg3[%swap3A_1926, %swap3A_1927], %exp23A_1925 {strides = array<i32>} : memref<32768x128xf32, #tpu.memory_space<vmem>>, vector<128x128xf32>,
    %slice3A_1929 = vector.extract_strided_slice %sqrt3A {offsets = [175, 0], sizes = [1, 128], strides = [1, 1]} : vector<256x128xf32> to vector<1x128xf32>
    %broadcast_in_dim3A_1930 = vector.shape_cast %slice3A_1929 : vector<1x128xf32> to vector<1x128xf32>
    %broadcast_in_dim3A_1931 = vector.broadcast %broadcast_in_dim3A_1930 : vector<1x128xf32> to vector<128x128xf32>
    %transpose3A_1932 = tpu.transpose %broadcast_in_dim3A_1931, [1, 0] : vector<128x128xf32> -> vector<128x128xf32>
    %sub3A_1933 = arith.subf %transpose3A_1932, %broadcast_in_dim3A_5 : vector<128x128xf32>
    %mul3A_1934 = arith.mulf %broadcast_in_dim3A_8, %sub3A_1933 : vector<128x128xf32>
    %mul3A_1935 = arith.mulf %mul3A_1934, %sub3A_1933 : vector<128x128xf32>
    %exp23A_1936 = math.exp2 %mul3A_1935 : vector<128x128xf32>
    %swap3A_1937 = arith.constant 22400 : index
    %swap3A_1938 = arith.constant 0 : index
    %swap3A_1939 = vector.load %arg3[%swap3A_1937, %swap3A_1938] : memref<32768x128xf32, #tpu.memory_space<vmem>>, vector<128x128xf32>
    tpu.vector_store %arg3[%swap3A_1937, %swap3A_1938], %exp23A_1936 {strides = array<i32>} : memref<32768x128xf32, #tpu.memory_space<vmem>>, vector<128x128xf32>,
    %slice3A_1940 = vector.extract_strided_slice %sqrt3A {offsets = [176, 0], sizes = [1, 128], strides = [1, 1]} : vector<256x128xf32> to vector<1x128xf32>
    %broadcast_in_dim3A_1941 = vector.shape_cast %slice3A_1940 : vector<1x128xf32> to vector<1x128xf32>
    %broadcast_in_dim3A_1942 = vector.broadcast %broadcast_in_dim3A_1941 : vector<1x128xf32> to vector<128x128xf32>
    %transpose3A_1943 = tpu.transpose %broadcast_in_dim3A_1942, [1, 0] : vector<128x128xf32> -> vector<128x128xf32>
    %sub3A_1944 = arith.subf %transpose3A_1943, %broadcast_in_dim3A_5 : vector<128x128xf32>
    %mul3A_1945 = arith.mulf %broadcast_in_dim3A_8, %sub3A_1944 : vector<128x128xf32>
    %mul3A_1946 = arith.mulf %mul3A_1945, %sub3A_1944 : vector<128x128xf32>
    %exp23A_1947 = math.exp2 %mul3A_1946 : vector<128x128xf32>
    %swap3A_1948 = arith.constant 22528 : index
    %swap3A_1949 = arith.constant 0 : index
    %swap3A_1950 = vector.load %arg3[%swap3A_1948, %swap3A_1949] : memref<32768x128xf32, #tpu.memory_space<vmem>>, vector<128x128xf32>
    tpu.vector_store %arg3[%swap3A_1948, %swap3A_1949], %exp23A_1947 {strides = array<i32>} : memref<32768x128xf32, #tpu.memory_space<vmem>>, vector<128x128xf32>,
    %slice3A_1951 = vector.extract_strided_slice %sqrt3A {offsets = [177, 0], sizes = [1, 128], strides = [1, 1]} : vector<256x128xf32> to vector<1x128xf32>
    %broadcast_in_dim3A_1952 = vector.shape_cast %slice3A_1951 : vector<1x128xf32> to vector<1x128xf32>
    %broadcast_in_dim3A_1953 = vector.broadcast %broadcast_in_dim3A_1952 : vector<1x128xf32> to vector<128x128xf32>
    %transpose3A_1954 = tpu.transpose %broadcast_in_dim3A_1953, [1, 0] : vector<128x128xf32> -> vector<128x128xf32>
    %sub3A_1955 = arith.subf %transpose3A_1954, %broadcast_in_dim3A_5 : vector<128x128xf32>
    %mul3A_1956 = arith.mulf %broadcast_in_dim3A_8, %sub3A_1955 : vector<128x128xf32>
    %mul3A_1957 = arith.mulf %mul3A_1956, %sub3A_1955 : vector<128x128xf32>
    %exp23A_1958 = math.exp2 %mul3A_1957 : vector<128x128xf32>
    %swap3A_1959 = arith.constant 22656 : index
    %swap3A_1960 = arith.constant 0 : index
    %swap3A_1961 = vector.load %arg3[%swap3A_1959, %swap3A_1960] : memref<32768x128xf32, #tpu.memory_space<vmem>>, vector<128x128xf32>
    tpu.vector_store %arg3[%swap3A_1959, %swap3A_1960], %exp23A_1958 {strides = array<i32>} : memref<32768x128xf32, #tpu.memory_space<vmem>>, vector<128x128xf32>,
    %slice3A_1962 = vector.extract_strided_slice %sqrt3A {offsets = [178, 0], sizes = [1, 128], strides = [1, 1]} : vector<256x128xf32> to vector<1x128xf32>
    %broadcast_in_dim3A_1963 = vector.shape_cast %slice3A_1962 : vector<1x128xf32> to vector<1x128xf32>
    %broadcast_in_dim3A_1964 = vector.broadcast %broadcast_in_dim3A_1963 : vector<1x128xf32> to vector<128x128xf32>
    %transpose3A_1965 = tpu.transpose %broadcast_in_dim3A_1964, [1, 0] : vector<128x128xf32> -> vector<128x128xf32>
    %sub3A_1966 = arith.subf %transpose3A_1965, %broadcast_in_dim3A_5 : vector<128x128xf32>
    %mul3A_1967 = arith.mulf %broadcast_in_dim3A_8, %sub3A_1966 : vector<128x128xf32>
    %mul3A_1968 = arith.mulf %mul3A_1967, %sub3A_1966 : vector<128x128xf32>
    %exp23A_1969 = math.exp2 %mul3A_1968 : vector<128x128xf32>
    %swap3A_1970 = arith.constant 22784 : index
    %swap3A_1971 = arith.constant 0 : index
    %swap3A_1972 = vector.load %arg3[%swap3A_1970, %swap3A_1971] : memref<32768x128xf32, #tpu.memory_space<vmem>>, vector<128x128xf32>
    tpu.vector_store %arg3[%swap3A_1970, %swap3A_1971], %exp23A_1969 {strides = array<i32>} : memref<32768x128xf32, #tpu.memory_space<vmem>>, vector<128x128xf32>,
    %slice3A_1973 = vector.extract_strided_slice %sqrt3A {offsets = [179, 0], sizes = [1, 128], strides = [1, 1]} : vector<256x128xf32> to vector<1x128xf32>
    %broadcast_in_dim3A_1974 = vector.shape_cast %slice3A_1973 : vector<1x128xf32> to vector<1x128xf32>
    %broadcast_in_dim3A_1975 = vector.broadcast %broadcast_in_dim3A_1974 : vector<1x128xf32> to vector<128x128xf32>
    %transpose3A_1976 = tpu.transpose %broadcast_in_dim3A_1975, [1, 0] : vector<128x128xf32> -> vector<128x128xf32>
    %sub3A_1977 = arith.subf %transpose3A_1976, %broadcast_in_dim3A_5 : vector<128x128xf32>
    %mul3A_1978 = arith.mulf %broadcast_in_dim3A_8, %sub3A_1977 : vector<128x128xf32>
    %mul3A_1979 = arith.mulf %mul3A_1978, %sub3A_1977 : vector<128x128xf32>
    %exp23A_1980 = math.exp2 %mul3A_1979 : vector<128x128xf32>
    %swap3A_1981 = arith.constant 22912 : index
    %swap3A_1982 = arith.constant 0 : index
    %swap3A_1983 = vector.load %arg3[%swap3A_1981, %swap3A_1982] : memref<32768x128xf32, #tpu.memory_space<vmem>>, vector<128x128xf32>
    tpu.vector_store %arg3[%swap3A_1981, %swap3A_1982], %exp23A_1980 {strides = array<i32>} : memref<32768x128xf32, #tpu.memory_space<vmem>>, vector<128x128xf32>,
    %slice3A_1984 = vector.extract_strided_slice %sqrt3A {offsets = [180, 0], sizes = [1, 128], strides = [1, 1]} : vector<256x128xf32> to vector<1x128xf32>
    %broadcast_in_dim3A_1985 = vector.shape_cast %slice3A_1984 : vector<1x128xf32> to vector<1x128xf32>
    %broadcast_in_dim3A_1986 = vector.broadcast %broadcast_in_dim3A_1985 : vector<1x128xf32> to vector<128x128xf32>
    %transpose3A_1987 = tpu.transpose %broadcast_in_dim3A_1986, [1, 0] : vector<128x128xf32> -> vector<128x128xf32>
    %sub3A_1988 = arith.subf %transpose3A_1987, %broadcast_in_dim3A_5 : vector<128x128xf32>
    %mul3A_1989 = arith.mulf %broadcast_in_dim3A_8, %sub3A_1988 : vector<128x128xf32>
    %mul3A_1990 = arith.mulf %mul3A_1989, %sub3A_1988 : vector<128x128xf32>
    %exp23A_1991 = math.exp2 %mul3A_1990 : vector<128x128xf32>
    %swap3A_1992 = arith.constant 23040 : index
    %swap3A_1993 = arith.constant 0 : index
    %swap3A_1994 = vector.load %arg3[%swap3A_1992, %swap3A_1993] : memref<32768x128xf32, #tpu.memory_space<vmem>>, vector<128x128xf32>
    tpu.vector_store %arg3[%swap3A_1992, %swap3A_1993], %exp23A_1991 {strides = array<i32>} : memref<32768x128xf32, #tpu.memory_space<vmem>>, vector<128x128xf32>,
    %slice3A_1995 = vector.extract_strided_slice %sqrt3A {offsets = [181, 0], sizes = [1, 128], strides = [1, 1]} : vector<256x128xf32> to vector<1x128xf32>
    %broadcast_in_dim3A_1996 = vector.shape_cast %slice3A_1995 : vector<1x128xf32> to vector<1x128xf32>
    %broadcast_in_dim3A_1997 = vector.broadcast %broadcast_in_dim3A_1996 : vector<1x128xf32> to vector<128x128xf32>
    %transpose3A_1998 = tpu.transpose %broadcast_in_dim3A_1997, [1, 0] : vector<128x128xf32> -> vector<128x128xf32>
    %sub3A_1999 = arith.subf %transpose3A_1998, %broadcast_in_dim3A_5 : vector<128x128xf32>
    %mul3A_2000 = arith.mulf %broadcast_in_dim3A_8, %sub3A_1999 : vector<128x128xf32>
    %mul3A_2001 = arith.mulf %mul3A_2000, %sub3A_1999 : vector<128x128xf32>
    %exp23A_2002 = math.exp2 %mul3A_2001 : vector<128x128xf32>
    %swap3A_2003 = arith.constant 23168 : index
    %swap3A_2004 = arith.constant 0 : index
    %swap3A_2005 = vector.load %arg3[%swap3A_2003, %swap3A_2004] : memref<32768x128xf32, #tpu.memory_space<vmem>>, vector<128x128xf32>
    tpu.vector_store %arg3[%swap3A_2003, %swap3A_2004], %exp23A_2002 {strides = array<i32>} : memref<32768x128xf32, #tpu.memory_space<vmem>>, vector<128x128xf32>,
    %slice3A_2006 = vector.extract_strided_slice %sqrt3A {offsets = [182, 0], sizes = [1, 128], strides = [1, 1]} : vector<256x128xf32> to vector<1x128xf32>
    %broadcast_in_dim3A_2007 = vector.shape_cast %slice3A_2006 : vector<1x128xf32> to vector<1x128xf32>
    %broadcast_in_dim3A_2008 = vector.broadcast %broadcast_in_dim3A_2007 : vector<1x128xf32> to vector<128x128xf32>
    %transpose3A_2009 = tpu.transpose %broadcast_in_dim3A_2008, [1, 0] : vector<128x128xf32> -> vector<128x128xf32>
    %sub3A_2010 = arith.subf %transpose3A_2009, %broadcast_in_dim3A_5 : vector<128x128xf32>
    %mul3A_2011 = arith.mulf %broadcast_in_dim3A_8, %sub3A_2010 : vector<128x128xf32>
    %mul3A_2012 = arith.mulf %mul3A_2011, %sub3A_2010 : vector<128x128xf32>
    %exp23A_2013 = math.exp2 %mul3A_2012 : vector<128x128xf32>
    %swap3A_2014 = arith.constant 23296 : index
    %swap3A_2015 = arith.constant 0 : index
    %swap3A_2016 = vector.load %arg3[%swap3A_2014, %swap3A_2015] : memref<32768x128xf32, #tpu.memory_space<vmem>>, vector<128x128xf32>
    tpu.vector_store %arg3[%swap3A_2014, %swap3A_2015], %exp23A_2013 {strides = array<i32>} : memref<32768x128xf32, #tpu.memory_space<vmem>>, vector<128x128xf32>,
    %slice3A_2017 = vector.extract_strided_slice %sqrt3A {offsets = [183, 0], sizes = [1, 128], strides = [1, 1]} : vector<256x128xf32> to vector<1x128xf32>
    %broadcast_in_dim3A_2018 = vector.shape_cast %slice3A_2017 : vector<1x128xf32> to vector<1x128xf32>
    %broadcast_in_dim3A_2019 = vector.broadcast %broadcast_in_dim3A_2018 : vector<1x128xf32> to vector<128x128xf32>
    %transpose3A_2020 = tpu.transpose %broadcast_in_dim3A_2019, [1, 0] : vector<128x128xf32> -> vector<128x128xf32>
    %sub3A_2021 = arith.subf %transpose3A_2020, %broadcast_in_dim3A_5 : vector<128x128xf32>
    %mul3A_2022 = arith.mulf %broadcast_in_dim3A_8, %sub3A_2021 : vector<128x128xf32>
    %mul3A_2023 = arith.mulf %mul3A_2022, %sub3A_2021 : vector<128x128xf32>
    %exp23A_2024 = math.exp2 %mul3A_2023 : vector<128x128xf32>
    %swap3A_2025 = arith.constant 23424 : index
    %swap3A_2026 = arith.constant 0 : index
    %swap3A_2027 = vector.load %arg3[%swap3A_2025, %swap3A_2026] : memref<32768x128xf32, #tpu.memory_space<vmem>>, vector<128x128xf32>
    tpu.vector_store %arg3[%swap3A_2025, %swap3A_2026], %exp23A_2024 {strides = array<i32>} : memref<32768x128xf32, #tpu.memory_space<vmem>>, vector<128x128xf32>,
    %slice3A_2028 = vector.extract_strided_slice %sqrt3A {offsets = [184, 0], sizes = [1, 128], strides = [1, 1]} : vector<256x128xf32> to vector<1x128xf32>
    %broadcast_in_dim3A_2029 = vector.shape_cast %slice3A_2028 : vector<1x128xf32> to vector<1x128xf32>
    %broadcast_in_dim3A_2030 = vector.broadcast %broadcast_in_dim3A_2029 : vector<1x128xf32> to vector<128x128xf32>
    %transpose3A_2031 = tpu.transpose %broadcast_in_dim3A_2030, [1, 0] : vector<128x128xf32> -> vector<128x128xf32>
    %sub3A_2032 = arith.subf %transpose3A_2031, %broadcast_in_dim3A_5 : vector<128x128xf32>
    %mul3A_2033 = arith.mulf %broadcast_in_dim3A_8, %sub3A_2032 : vector<128x128xf32>
    %mul3A_2034 = arith.mulf %mul3A_2033, %sub3A_2032 : vector<128x128xf32>
    %exp23A_2035 = math.exp2 %mul3A_2034 : vector<128x128xf32>
    %swap3A_2036 = arith.constant 23552 : index
    %swap3A_2037 = arith.constant 0 : index
    %swap3A_2038 = vector.load %arg3[%swap3A_2036, %swap3A_2037] : memref<32768x128xf32, #tpu.memory_space<vmem>>, vector<128x128xf32>
    tpu.vector_store %arg3[%swap3A_2036, %swap3A_2037], %exp23A_2035 {strides = array<i32>} : memref<32768x128xf32, #tpu.memory_space<vmem>>, vector<128x128xf32>,
    %slice3A_2039 = vector.extract_strided_slice %sqrt3A {offsets = [185, 0], sizes = [1, 128], strides = [1, 1]} : vector<256x128xf32> to vector<1x128xf32>
    %broadcast_in_dim3A_2040 = vector.shape_cast %slice3A_2039 : vector<1x128xf32> to vector<1x128xf32>
    %broadcast_in_dim3A_2041 = vector.broadcast %broadcast_in_dim3A_2040 : vector<1x128xf32> to vector<128x128xf32>
    %transpose3A_2042 = tpu.transpose %broadcast_in_dim3A_2041, [1, 0] : vector<128x128xf32> -> vector<128x128xf32>
    %sub3A_2043 = arith.subf %transpose3A_2042, %broadcast_in_dim3A_5 : vector<128x128xf32>
    %mul3A_2044 = arith.mulf %broadcast_in_dim3A_8, %sub3A_2043 : vector<128x128xf32>
    %mul3A_2045 = arith.mulf %mul3A_2044, %sub3A_2043 : vector<128x128xf32>
    %exp23A_2046 = math.exp2 %mul3A_2045 : vector<128x128xf32>
    %swap3A_2047 = arith.constant 23680 : index
    %swap3A_2048 = arith.constant 0 : index
    %swap3A_2049 = vector.load %arg3[%swap3A_2047, %swap3A_2048] : memref<32768x128xf32, #tpu.memory_space<vmem>>, vector<128x128xf32>
    tpu.vector_store %arg3[%swap3A_2047, %swap3A_2048], %exp23A_2046 {strides = array<i32>} : memref<32768x128xf32, #tpu.memory_space<vmem>>, vector<128x128xf32>,
    %slice3A_2050 = vector.extract_strided_slice %sqrt3A {offsets = [186, 0], sizes = [1, 128], strides = [1, 1]} : vector<256x128xf32> to vector<1x128xf32>
    %broadcast_in_dim3A_2051 = vector.shape_cast %slice3A_2050 : vector<1x128xf32> to vector<1x128xf32>
    %broadcast_in_dim3A_2052 = vector.broadcast %broadcast_in_dim3A_2051 : vector<1x128xf32> to vector<128x128xf32>
    %transpose3A_2053 = tpu.transpose %broadcast_in_dim3A_2052, [1, 0] : vector<128x128xf32> -> vector<128x128xf32>
    %sub3A_2054 = arith.subf %transpose3A_2053, %broadcast_in_dim3A_5 : vector<128x128xf32>
    %mul3A_2055 = arith.mulf %broadcast_in_dim3A_8, %sub3A_2054 : vector<128x128xf32>
    %mul3A_2056 = arith.mulf %mul3A_2055, %sub3A_2054 : vector<128x128xf32>
    %exp23A_2057 = math.exp2 %mul3A_2056 : vector<128x128xf32>
    %swap3A_2058 = arith.constant 23808 : index
    %swap3A_2059 = arith.constant 0 : index
    %swap3A_2060 = vector.load %arg3[%swap3A_2058, %swap3A_2059] : memref<32768x128xf32, #tpu.memory_space<vmem>>, vector<128x128xf32>
    tpu.vector_store %arg3[%swap3A_2058, %swap3A_2059], %exp23A_2057 {strides = array<i32>} : memref<32768x128xf32, #tpu.memory_space<vmem>>, vector<128x128xf32>,
    %slice3A_2061 = vector.extract_strided_slice %sqrt3A {offsets = [187, 0], sizes = [1, 128], strides = [1, 1]} : vector<256x128xf32> to vector<1x128xf32>
    %broadcast_in_dim3A_2062 = vector.shape_cast %slice3A_2061 : vector<1x128xf32> to vector<1x128xf32>
    %broadcast_in_dim3A_2063 = vector.broadcast %broadcast_in_dim3A_2062 : vector<1x128xf32> to vector<128x128xf32>
    %transpose3A_2064 = tpu.transpose %broadcast_in_dim3A_2063, [1, 0] : vector<128x128xf32> -> vector<128x128xf32>
    %sub3A_2065 = arith.subf %transpose3A_2064, %broadcast_in_dim3A_5 : vector<128x128xf32>
    %mul3A_2066 = arith.mulf %broadcast_in_dim3A_8, %sub3A_2065 : vector<128x128xf32>
    %mul3A_2067 = arith.mulf %mul3A_2066, %sub3A_2065 : vector<128x128xf32>
    %exp23A_2068 = math.exp2 %mul3A_2067 : vector<128x128xf32>
    %swap3A_2069 = arith.constant 23936 : index
    %swap3A_2070 = arith.constant 0 : index
    %swap3A_2071 = vector.load %arg3[%swap3A_2069, %swap3A_2070] : memref<32768x128xf32, #tpu.memory_space<vmem>>, vector<128x128xf32>
    tpu.vector_store %arg3[%swap3A_2069, %swap3A_2070], %exp23A_2068 {strides = array<i32>} : memref<32768x128xf32, #tpu.memory_space<vmem>>, vector<128x128xf32>,
    %slice3A_2072 = vector.extract_strided_slice %sqrt3A {offsets = [188, 0], sizes = [1, 128], strides = [1, 1]} : vector<256x128xf32> to vector<1x128xf32>
    %broadcast_in_dim3A_2073 = vector.shape_cast %slice3A_2072 : vector<1x128xf32> to vector<1x128xf32>
    %broadcast_in_dim3A_2074 = vector.broadcast %broadcast_in_dim3A_2073 : vector<1x128xf32> to vector<128x128xf32>
    %transpose3A_2075 = tpu.transpose %broadcast_in_dim3A_2074, [1, 0] : vector<128x128xf32> -> vector<128x128xf32>
    %sub3A_2076 = arith.subf %transpose3A_2075, %broadcast_in_dim3A_5 : vector<128x128xf32>
    %mul3A_2077 = arith.mulf %broadcast_in_dim3A_8, %sub3A_2076 : vector<128x128xf32>
    %mul3A_2078 = arith.mulf %mul3A_2077, %sub3A_2076 : vector<128x128xf32>
    %exp23A_2079 = math.exp2 %mul3A_2078 : vector<128x128xf32>
    %swap3A_2080 = arith.constant 24064 : index
    %swap3A_2081 = arith.constant 0 : index
    %swap3A_2082 = vector.load %arg3[%swap3A_2080, %swap3A_2081] : memref<32768x128xf32, #tpu.memory_space<vmem>>, vector<128x128xf32>
    tpu.vector_store %arg3[%swap3A_2080, %swap3A_2081], %exp23A_2079 {strides = array<i32>} : memref<32768x128xf32, #tpu.memory_space<vmem>>, vector<128x128xf32>,
    %slice3A_2083 = vector.extract_strided_slice %sqrt3A {offsets = [189, 0], sizes = [1, 128], strides = [1, 1]} : vector<256x128xf32> to vector<1x128xf32>
    %broadcast_in_dim3A_2084 = vector.shape_cast %slice3A_2083 : vector<1x128xf32> to vector<1x128xf32>
    %broadcast_in_dim3A_2085 = vector.broadcast %broadcast_in_dim3A_2084 : vector<1x128xf32> to vector<128x128xf32>
    %transpose3A_2086 = tpu.transpose %broadcast_in_dim3A_2085, [1, 0] : vector<128x128xf32> -> vector<128x128xf32>
    %sub3A_2087 = arith.subf %transpose3A_2086, %broadcast_in_dim3A_5 : vector<128x128xf32>
    %mul3A_2088 = arith.mulf %broadcast_in_dim3A_8, %sub3A_2087 : vector<128x128xf32>
    %mul3A_2089 = arith.mulf %mul3A_2088, %sub3A_2087 : vector<128x128xf32>
    %exp23A_2090 = math.exp2 %mul3A_2089 : vector<128x128xf32>
    %swap3A_2091 = arith.constant 24192 : index
    %swap3A_2092 = arith.constant 0 : index
    %swap3A_2093 = vector.load %arg3[%swap3A_2091, %swap3A_2092] : memref<32768x128xf32, #tpu.memory_space<vmem>>, vector<128x128xf32>
    tpu.vector_store %arg3[%swap3A_2091, %swap3A_2092], %exp23A_2090 {strides = array<i32>} : memref<32768x128xf32, #tpu.memory_space<vmem>>, vector<128x128xf32>,
    %slice3A_2094 = vector.extract_strided_slice %sqrt3A {offsets = [190, 0], sizes = [1, 128], strides = [1, 1]} : vector<256x128xf32> to vector<1x128xf32>
    %broadcast_in_dim3A_2095 = vector.shape_cast %slice3A_2094 : vector<1x128xf32> to vector<1x128xf32>
    %broadcast_in_dim3A_2096 = vector.broadcast %broadcast_in_dim3A_2095 : vector<1x128xf32> to vector<128x128xf32>
    %transpose3A_2097 = tpu.transpose %broadcast_in_dim3A_2096, [1, 0] : vector<128x128xf32> -> vector<128x128xf32>
    %sub3A_2098 = arith.subf %transpose3A_2097, %broadcast_in_dim3A_5 : vector<128x128xf32>
    %mul3A_2099 = arith.mulf %broadcast_in_dim3A_8, %sub3A_2098 : vector<128x128xf32>
    %mul3A_2100 = arith.mulf %mul3A_2099, %sub3A_2098 : vector<128x128xf32>
    %exp23A_2101 = math.exp2 %mul3A_2100 : vector<128x128xf32>
    %swap3A_2102 = arith.constant 24320 : index
    %swap3A_2103 = arith.constant 0 : index
    %swap3A_2104 = vector.load %arg3[%swap3A_2102, %swap3A_2103] : memref<32768x128xf32, #tpu.memory_space<vmem>>, vector<128x128xf32>
    tpu.vector_store %arg3[%swap3A_2102, %swap3A_2103], %exp23A_2101 {strides = array<i32>} : memref<32768x128xf32, #tpu.memory_space<vmem>>, vector<128x128xf32>,
    %slice3A_2105 = vector.extract_strided_slice %sqrt3A {offsets = [191, 0], sizes = [1, 128], strides = [1, 1]} : vector<256x128xf32> to vector<1x128xf32>
    %broadcast_in_dim3A_2106 = vector.shape_cast %slice3A_2105 : vector<1x128xf32> to vector<1x128xf32>
    %broadcast_in_dim3A_2107 = vector.broadcast %broadcast_in_dim3A_2106 : vector<1x128xf32> to vector<128x128xf32>
    %transpose3A_2108 = tpu.transpose %broadcast_in_dim3A_2107, [1, 0] : vector<128x128xf32> -> vector<128x128xf32>
    %sub3A_2109 = arith.subf %transpose3A_2108, %broadcast_in_dim3A_5 : vector<128x128xf32>
    %mul3A_2110 = arith.mulf %broadcast_in_dim3A_8, %sub3A_2109 : vector<128x128xf32>
    %mul3A_2111 = arith.mulf %mul3A_2110, %sub3A_2109 : vector<128x128xf32>
    %exp23A_2112 = math.exp2 %mul3A_2111 : vector<128x128xf32>
    %swap3A_2113 = arith.constant 24448 : index
    %swap3A_2114 = arith.constant 0 : index
    %swap3A_2115 = vector.load %arg3[%swap3A_2113, %swap3A_2114] : memref<32768x128xf32, #tpu.memory_space<vmem>>, vector<128x128xf32>
    tpu.vector_store %arg3[%swap3A_2113, %swap3A_2114], %exp23A_2112 {strides = array<i32>} : memref<32768x128xf32, #tpu.memory_space<vmem>>, vector<128x128xf32>,
    %slice3A_2116 = vector.extract_strided_slice %sqrt3A {offsets = [192, 0], sizes = [1, 128], strides = [1, 1]} : vector<256x128xf32> to vector<1x128xf32>
    %broadcast_in_dim3A_2117 = vector.shape_cast %slice3A_2116 : vector<1x128xf32> to vector<1x128xf32>
    %broadcast_in_dim3A_2118 = vector.broadcast %broadcast_in_dim3A_2117 : vector<1x128xf32> to vector<128x128xf32>
    %transpose3A_2119 = tpu.transpose %broadcast_in_dim3A_2118, [1, 0] : vector<128x128xf32> -> vector<128x128xf32>
    %sub3A_2120 = arith.subf %transpose3A_2119, %broadcast_in_dim3A_5 : vector<128x128xf32>
    %mul3A_2121 = arith.mulf %broadcast_in_dim3A_8, %sub3A_2120 : vector<128x128xf32>
    %mul3A_2122 = arith.mulf %mul3A_2121, %sub3A_2120 : vector<128x128xf32>
    %exp23A_2123 = math.exp2 %mul3A_2122 : vector<128x128xf32>
    %swap3A_2124 = arith.constant 24576 : index
    %swap3A_2125 = arith.constant 0 : index
    %swap3A_2126 = vector.load %arg3[%swap3A_2124, %swap3A_2125] : memref<32768x128xf32, #tpu.memory_space<vmem>>, vector<128x128xf32>
    tpu.vector_store %arg3[%swap3A_2124, %swap3A_2125], %exp23A_2123 {strides = array<i32>} : memref<32768x128xf32, #tpu.memory_space<vmem>>, vector<128x128xf32>,
    %slice3A_2127 = vector.extract_strided_slice %sqrt3A {offsets = [193, 0], sizes = [1, 128], strides = [1, 1]} : vector<256x128xf32> to vector<1x128xf32>
    %broadcast_in_dim3A_2128 = vector.shape_cast %slice3A_2127 : vector<1x128xf32> to vector<1x128xf32>
    %broadcast_in_dim3A_2129 = vector.broadcast %broadcast_in_dim3A_2128 : vector<1x128xf32> to vector<128x128xf32>
    %transpose3A_2130 = tpu.transpose %broadcast_in_dim3A_2129, [1, 0] : vector<128x128xf32> -> vector<128x128xf32>
    %sub3A_2131 = arith.subf %transpose3A_2130, %broadcast_in_dim3A_5 : vector<128x128xf32>
    %mul3A_2132 = arith.mulf %broadcast_in_dim3A_8, %sub3A_2131 : vector<128x128xf32>
    %mul3A_2133 = arith.mulf %mul3A_2132, %sub3A_2131 : vector<128x128xf32>
    %exp23A_2134 = math.exp2 %mul3A_2133 : vector<128x128xf32>
    %swap3A_2135 = arith.constant 24704 : index
    %swap3A_2136 = arith.constant 0 : index
    %swap3A_2137 = vector.load %arg3[%swap3A_2135, %swap3A_2136] : memref<32768x128xf32, #tpu.memory_space<vmem>>, vector<128x128xf32>
    tpu.vector_store %arg3[%swap3A_2135, %swap3A_2136], %exp23A_2134 {strides = array<i32>} : memref<32768x128xf32, #tpu.memory_space<vmem>>, vector<128x128xf32>,
    %slice3A_2138 = vector.extract_strided_slice %sqrt3A {offsets = [194, 0], sizes = [1, 128], strides = [1, 1]} : vector<256x128xf32> to vector<1x128xf32>
    %broadcast_in_dim3A_2139 = vector.shape_cast %slice3A_2138 : vector<1x128xf32> to vector<1x128xf32>
    %broadcast_in_dim3A_2140 = vector.broadcast %broadcast_in_dim3A_2139 : vector<1x128xf32> to vector<128x128xf32>
    %transpose3A_2141 = tpu.transpose %broadcast_in_dim3A_2140, [1, 0] : vector<128x128xf32> -> vector<128x128xf32>
    %sub3A_2142 = arith.subf %transpose3A_2141, %broadcast_in_dim3A_5 : vector<128x128xf32>
    %mul3A_2143 = arith.mulf %broadcast_in_dim3A_8, %sub3A_2142 : vector<128x128xf32>
    %mul3A_2144 = arith.mulf %mul3A_2143, %sub3A_2142 : vector<128x128xf32>
    %exp23A_2145 = math.exp2 %mul3A_2144 : vector<128x128xf32>
    %swap3A_2146 = arith.constant 24832 : index
    %swap3A_2147 = arith.constant 0 : index
    %swap3A_2148 = vector.load %arg3[%swap3A_2146, %swap3A_2147] : memref<32768x128xf32, #tpu.memory_space<vmem>>, vector<128x128xf32>
    tpu.vector_store %arg3[%swap3A_2146, %swap3A_2147], %exp23A_2145 {strides = array<i32>} : memref<32768x128xf32, #tpu.memory_space<vmem>>, vector<128x128xf32>,
    %slice3A_2149 = vector.extract_strided_slice %sqrt3A {offsets = [195, 0], sizes = [1, 128], strides = [1, 1]} : vector<256x128xf32> to vector<1x128xf32>
    %broadcast_in_dim3A_2150 = vector.shape_cast %slice3A_2149 : vector<1x128xf32> to vector<1x128xf32>
    %broadcast_in_dim3A_2151 = vector.broadcast %broadcast_in_dim3A_2150 : vector<1x128xf32> to vector<128x128xf32>
    %transpose3A_2152 = tpu.transpose %broadcast_in_dim3A_2151, [1, 0] : vector<128x128xf32> -> vector<128x128xf32>
    %sub3A_2153 = arith.subf %transpose3A_2152, %broadcast_in_dim3A_5 : vector<128x128xf32>
    %mul3A_2154 = arith.mulf %broadcast_in_dim3A_8, %sub3A_2153 : vector<128x128xf32>
    %mul3A_2155 = arith.mulf %mul3A_2154, %sub3A_2153 : vector<128x128xf32>
    %exp23A_2156 = math.exp2 %mul3A_2155 : vector<128x128xf32>
    %swap3A_2157 = arith.constant 24960 : index
    %swap3A_2158 = arith.constant 0 : index
    %swap3A_2159 = vector.load %arg3[%swap3A_2157, %swap3A_2158] : memref<32768x128xf32, #tpu.memory_space<vmem>>, vector<128x128xf32>
    tpu.vector_store %arg3[%swap3A_2157, %swap3A_2158], %exp23A_2156 {strides = array<i32>} : memref<32768x128xf32, #tpu.memory_space<vmem>>, vector<128x128xf32>,
    %slice3A_2160 = vector.extract_strided_slice %sqrt3A {offsets = [196, 0], sizes = [1, 128], strides = [1, 1]} : vector<256x128xf32> to vector<1x128xf32>
    %broadcast_in_dim3A_2161 = vector.shape_cast %slice3A_2160 : vector<1x128xf32> to vector<1x128xf32>
    %broadcast_in_dim3A_2162 = vector.broadcast %broadcast_in_dim3A_2161 : vector<1x128xf32> to vector<128x128xf32>
    %transpose3A_2163 = tpu.transpose %broadcast_in_dim3A_2162, [1, 0] : vector<128x128xf32> -> vector<128x128xf32>
    %sub3A_2164 = arith.subf %transpose3A_2163, %broadcast_in_dim3A_5 : vector<128x128xf32>
    %mul3A_2165 = arith.mulf %broadcast_in_dim3A_8, %sub3A_2164 : vector<128x128xf32>
    %mul3A_2166 = arith.mulf %mul3A_2165, %sub3A_2164 : vector<128x128xf32>
    %exp23A_2167 = math.exp2 %mul3A_2166 : vector<128x128xf32>
    %swap3A_2168 = arith.constant 25088 : index
    %swap3A_2169 = arith.constant 0 : index
    %swap3A_2170 = vector.load %arg3[%swap3A_2168, %swap3A_2169] : memref<32768x128xf32, #tpu.memory_space<vmem>>, vector<128x128xf32>
    tpu.vector_store %arg3[%swap3A_2168, %swap3A_2169], %exp23A_2167 {strides = array<i32>} : memref<32768x128xf32, #tpu.memory_space<vmem>>, vector<128x128xf32>,
    %slice3A_2171 = vector.extract_strided_slice %sqrt3A {offsets = [197, 0], sizes = [1, 128], strides = [1, 1]} : vector<256x128xf32> to vector<1x128xf32>
    %broadcast_in_dim3A_2172 = vector.shape_cast %slice3A_2171 : vector<1x128xf32> to vector<1x128xf32>
    %broadcast_in_dim3A_2173 = vector.broadcast %broadcast_in_dim3A_2172 : vector<1x128xf32> to vector<128x128xf32>
    %transpose3A_2174 = tpu.transpose %broadcast_in_dim3A_2173, [1, 0] : vector<128x128xf32> -> vector<128x128xf32>
    %sub3A_2175 = arith.subf %transpose3A_2174, %broadcast_in_dim3A_5 : vector<128x128xf32>
    %mul3A_2176 = arith.mulf %broadcast_in_dim3A_8, %sub3A_2175 : vector<128x128xf32>
    %mul3A_2177 = arith.mulf %mul3A_2176, %sub3A_2175 : vector<128x128xf32>
    %exp23A_2178 = math.exp2 %mul3A_2177 : vector<128x128xf32>
    %swap3A_2179 = arith.constant 25216 : index
    %swap3A_2180 = arith.constant 0 : index
    %swap3A_2181 = vector.load %arg3[%swap3A_2179, %swap3A_2180] : memref<32768x128xf32, #tpu.memory_space<vmem>>, vector<128x128xf32>
    tpu.vector_store %arg3[%swap3A_2179, %swap3A_2180], %exp23A_2178 {strides = array<i32>} : memref<32768x128xf32, #tpu.memory_space<vmem>>, vector<128x128xf32>,
    %slice3A_2182 = vector.extract_strided_slice %sqrt3A {offsets = [198, 0], sizes = [1, 128], strides = [1, 1]} : vector<256x128xf32> to vector<1x128xf32>
    %broadcast_in_dim3A_2183 = vector.shape_cast %slice3A_2182 : vector<1x128xf32> to vector<1x128xf32>
    %broadcast_in_dim3A_2184 = vector.broadcast %broadcast_in_dim3A_2183 : vector<1x128xf32> to vector<128x128xf32>
    %transpose3A_2185 = tpu.transpose %broadcast_in_dim3A_2184, [1, 0] : vector<128x128xf32> -> vector<128x128xf32>
    %sub3A_2186 = arith.subf %transpose3A_2185, %broadcast_in_dim3A_5 : vector<128x128xf32>
    %mul3A_2187 = arith.mulf %broadcast_in_dim3A_8, %sub3A_2186 : vector<128x128xf32>
    %mul3A_2188 = arith.mulf %mul3A_2187, %sub3A_2186 : vector<128x128xf32>
    %exp23A_2189 = math.exp2 %mul3A_2188 : vector<128x128xf32>
    %swap3A_2190 = arith.constant 25344 : index
    %swap3A_2191 = arith.constant 0 : index
    %swap3A_2192 = vector.load %arg3[%swap3A_2190, %swap3A_2191] : memref<32768x128xf32, #tpu.memory_space<vmem>>, vector<128x128xf32>
    tpu.vector_store %arg3[%swap3A_2190, %swap3A_2191], %exp23A_2189 {strides = array<i32>} : memref<32768x128xf32, #tpu.memory_space<vmem>>, vector<128x128xf32>,
    %slice3A_2193 = vector.extract_strided_slice %sqrt3A {offsets = [199, 0], sizes = [1, 128], strides = [1, 1]} : vector<256x128xf32> to vector<1x128xf32>
    %broadcast_in_dim3A_2194 = vector.shape_cast %slice3A_2193 : vector<1x128xf32> to vector<1x128xf32>
    %broadcast_in_dim3A_2195 = vector.broadcast %broadcast_in_dim3A_2194 : vector<1x128xf32> to vector<128x128xf32>
    %transpose3A_2196 = tpu.transpose %broadcast_in_dim3A_2195, [1, 0] : vector<128x128xf32> -> vector<128x128xf32>
    %sub3A_2197 = arith.subf %transpose3A_2196, %broadcast_in_dim3A_5 : vector<128x128xf32>
    %mul3A_2198 = arith.mulf %broadcast_in_dim3A_8, %sub3A_2197 : vector<128x128xf32>
    %mul3A_2199 = arith.mulf %mul3A_2198, %sub3A_2197 : vector<128x128xf32>
    %exp23A_2200 = math.exp2 %mul3A_2199 : vector<128x128xf32>
    %swap3A_2201 = arith.constant 25472 : index
    %swap3A_2202 = arith.constant 0 : index
    %swap3A_2203 = vector.load %arg3[%swap3A_2201, %swap3A_2202] : memref<32768x128xf32, #tpu.memory_space<vmem>>, vector<128x128xf32>
    tpu.vector_store %arg3[%swap3A_2201, %swap3A_2202], %exp23A_2200 {strides = array<i32>} : memref<32768x128xf32, #tpu.memory_space<vmem>>, vector<128x128xf32>,
    %slice3A_2204 = vector.extract_strided_slice %sqrt3A {offsets = [200, 0], sizes = [1, 128], strides = [1, 1]} : vector<256x128xf32> to vector<1x128xf32>
    %broadcast_in_dim3A_2205 = vector.shape_cast %slice3A_2204 : vector<1x128xf32> to vector<1x128xf32>
    %broadcast_in_dim3A_2206 = vector.broadcast %broadcast_in_dim3A_2205 : vector<1x128xf32> to vector<128x128xf32>
    %transpose3A_2207 = tpu.transpose %broadcast_in_dim3A_2206, [1, 0] : vector<128x128xf32> -> vector<128x128xf32>
    %sub3A_2208 = arith.subf %transpose3A_2207, %broadcast_in_dim3A_5 : vector<128x128xf32>
    %mul3A_2209 = arith.mulf %broadcast_in_dim3A_8, %sub3A_2208 : vector<128x128xf32>
    %mul3A_2210 = arith.mulf %mul3A_2209, %sub3A_2208 : vector<128x128xf32>
    %exp23A_2211 = math.exp2 %mul3A_2210 : vector<128x128xf32>
    %swap3A_2212 = arith.constant 25600 : index
    %swap3A_2213 = arith.constant 0 : index
    %swap3A_2214 = vector.load %arg3[%swap3A_2212, %swap3A_2213] : memref<32768x128xf32, #tpu.memory_space<vmem>>, vector<128x128xf32>
    tpu.vector_store %arg3[%swap3A_2212, %swap3A_2213], %exp23A_2211 {strides = array<i32>} : memref<32768x128xf32, #tpu.memory_space<vmem>>, vector<128x128xf32>,
    %slice3A_2215 = vector.extract_strided_slice %sqrt3A {offsets = [201, 0], sizes = [1, 128], strides = [1, 1]} : vector<256x128xf32> to vector<1x128xf32>
    %broadcast_in_dim3A_2216 = vector.shape_cast %slice3A_2215 : vector<1x128xf32> to vector<1x128xf32>
    %broadcast_in_dim3A_2217 = vector.broadcast %broadcast_in_dim3A_2216 : vector<1x128xf32> to vector<128x128xf32>
    %transpose3A_2218 = tpu.transpose %broadcast_in_dim3A_2217, [1, 0] : vector<128x128xf32> -> vector<128x128xf32>
    %sub3A_2219 = arith.subf %transpose3A_2218, %broadcast_in_dim3A_5 : vector<128x128xf32>
    %mul3A_2220 = arith.mulf %broadcast_in_dim3A_8, %sub3A_2219 : vector<128x128xf32>
    %mul3A_2221 = arith.mulf %mul3A_2220, %sub3A_2219 : vector<128x128xf32>
    %exp23A_2222 = math.exp2 %mul3A_2221 : vector<128x128xf32>
    %swap3A_2223 = arith.constant 25728 : index
    %swap3A_2224 = arith.constant 0 : index
    %swap3A_2225 = vector.load %arg3[%swap3A_2223, %swap3A_2224] : memref<32768x128xf32, #tpu.memory_space<vmem>>, vector<128x128xf32>
    tpu.vector_store %arg3[%swap3A_2223, %swap3A_2224], %exp23A_2222 {strides = array<i32>} : memref<32768x128xf32, #tpu.memory_space<vmem>>, vector<128x128xf32>,
    %slice3A_2226 = vector.extract_strided_slice %sqrt3A {offsets = [202, 0], sizes = [1, 128], strides = [1, 1]} : vector<256x128xf32> to vector<1x128xf32>
    %broadcast_in_dim3A_2227 = vector.shape_cast %slice3A_2226 : vector<1x128xf32> to vector<1x128xf32>
    %broadcast_in_dim3A_2228 = vector.broadcast %broadcast_in_dim3A_2227 : vector<1x128xf32> to vector<128x128xf32>
    %transpose3A_2229 = tpu.transpose %broadcast_in_dim3A_2228, [1, 0] : vector<128x128xf32> -> vector<128x128xf32>
    %sub3A_2230 = arith.subf %transpose3A_2229, %broadcast_in_dim3A_5 : vector<128x128xf32>
    %mul3A_2231 = arith.mulf %broadcast_in_dim3A_8, %sub3A_2230 : vector<128x128xf32>
    %mul3A_2232 = arith.mulf %mul3A_2231, %sub3A_2230 : vector<128x128xf32>
    %exp23A_2233 = math.exp2 %mul3A_2232 : vector<128x128xf32>
    %swap3A_2234 = arith.constant 25856 : index
    %swap3A_2235 = arith.constant 0 : index
    %swap3A_2236 = vector.load %arg3[%swap3A_2234, %swap3A_2235] : memref<32768x128xf32, #tpu.memory_space<vmem>>, vector<128x128xf32>
    tpu.vector_store %arg3[%swap3A_2234, %swap3A_2235], %exp23A_2233 {strides = array<i32>} : memref<32768x128xf32, #tpu.memory_space<vmem>>, vector<128x128xf32>,
    %slice3A_2237 = vector.extract_strided_slice %sqrt3A {offsets = [203, 0], sizes = [1, 128], strides = [1, 1]} : vector<256x128xf32> to vector<1x128xf32>
    %broadcast_in_dim3A_2238 = vector.shape_cast %slice3A_2237 : vector<1x128xf32> to vector<1x128xf32>
    %broadcast_in_dim3A_2239 = vector.broadcast %broadcast_in_dim3A_2238 : vector<1x128xf32> to vector<128x128xf32>
    %transpose3A_2240 = tpu.transpose %broadcast_in_dim3A_2239, [1, 0] : vector<128x128xf32> -> vector<128x128xf32>
    %sub3A_2241 = arith.subf %transpose3A_2240, %broadcast_in_dim3A_5 : vector<128x128xf32>
    %mul3A_2242 = arith.mulf %broadcast_in_dim3A_8, %sub3A_2241 : vector<128x128xf32>
    %mul3A_2243 = arith.mulf %mul3A_2242, %sub3A_2241 : vector<128x128xf32>
    %exp23A_2244 = math.exp2 %mul3A_2243 : vector<128x128xf32>
    %swap3A_2245 = arith.constant 25984 : index
    %swap3A_2246 = arith.constant 0 : index
    %swap3A_2247 = vector.load %arg3[%swap3A_2245, %swap3A_2246] : memref<32768x128xf32, #tpu.memory_space<vmem>>, vector<128x128xf32>
    tpu.vector_store %arg3[%swap3A_2245, %swap3A_2246], %exp23A_2244 {strides = array<i32>} : memref<32768x128xf32, #tpu.memory_space<vmem>>, vector<128x128xf32>,
    %slice3A_2248 = vector.extract_strided_slice %sqrt3A {offsets = [204, 0], sizes = [1, 128], strides = [1, 1]} : vector<256x128xf32> to vector<1x128xf32>
    %broadcast_in_dim3A_2249 = vector.shape_cast %slice3A_2248 : vector<1x128xf32> to vector<1x128xf32>
    %broadcast_in_dim3A_2250 = vector.broadcast %broadcast_in_dim3A_2249 : vector<1x128xf32> to vector<128x128xf32>
    %transpose3A_2251 = tpu.transpose %broadcast_in_dim3A_2250, [1, 0] : vector<128x128xf32> -> vector<128x128xf32>
    %sub3A_2252 = arith.subf %transpose3A_2251, %broadcast_in_dim3A_5 : vector<128x128xf32>
    %mul3A_2253 = arith.mulf %broadcast_in_dim3A_8, %sub3A_2252 : vector<128x128xf32>
    %mul3A_2254 = arith.mulf %mul3A_2253, %sub3A_2252 : vector<128x128xf32>
    %exp23A_2255 = math.exp2 %mul3A_2254 : vector<128x128xf32>
    %swap3A_2256 = arith.constant 26112 : index
    %swap3A_2257 = arith.constant 0 : index
    %swap3A_2258 = vector.load %arg3[%swap3A_2256, %swap3A_2257] : memref<32768x128xf32, #tpu.memory_space<vmem>>, vector<128x128xf32>
    tpu.vector_store %arg3[%swap3A_2256, %swap3A_2257], %exp23A_2255 {strides = array<i32>} : memref<32768x128xf32, #tpu.memory_space<vmem>>, vector<128x128xf32>,
    %slice3A_2259 = vector.extract_strided_slice %sqrt3A {offsets = [205, 0], sizes = [1, 128], strides = [1, 1]} : vector<256x128xf32> to vector<1x128xf32>
    %broadcast_in_dim3A_2260 = vector.shape_cast %slice3A_2259 : vector<1x128xf32> to vector<1x128xf32>
    %broadcast_in_dim3A_2261 = vector.broadcast %broadcast_in_dim3A_2260 : vector<1x128xf32> to vector<128x128xf32>
    %transpose3A_2262 = tpu.transpose %broadcast_in_dim3A_2261, [1, 0] : vector<128x128xf32> -> vector<128x128xf32>
    %sub3A_2263 = arith.subf %transpose3A_2262, %broadcast_in_dim3A_5 : vector<128x128xf32>
    %mul3A_2264 = arith.mulf %broadcast_in_dim3A_8, %sub3A_2263 : vector<128x128xf32>
    %mul3A_2265 = arith.mulf %mul3A_2264, %sub3A_2263 : vector<128x128xf32>
    %exp23A_2266 = math.exp2 %mul3A_2265 : vector<128x128xf32>
    %swap3A_2267 = arith.constant 26240 : index
    %swap3A_2268 = arith.constant 0 : index
    %swap3A_2269 = vector.load %arg3[%swap3A_2267, %swap3A_2268] : memref<32768x128xf32, #tpu.memory_space<vmem>>, vector<128x128xf32>
    tpu.vector_store %arg3[%swap3A_2267, %swap3A_2268], %exp23A_2266 {strides = array<i32>} : memref<32768x128xf32, #tpu.memory_space<vmem>>, vector<128x128xf32>,
    %slice3A_2270 = vector.extract_strided_slice %sqrt3A {offsets = [206, 0], sizes = [1, 128], strides = [1, 1]} : vector<256x128xf32> to vector<1x128xf32>
    %broadcast_in_dim3A_2271 = vector.shape_cast %slice3A_2270 : vector<1x128xf32> to vector<1x128xf32>
    %broadcast_in_dim3A_2272 = vector.broadcast %broadcast_in_dim3A_2271 : vector<1x128xf32> to vector<128x128xf32>
    %transpose3A_2273 = tpu.transpose %broadcast_in_dim3A_2272, [1, 0] : vector<128x128xf32> -> vector<128x128xf32>
    %sub3A_2274 = arith.subf %transpose3A_2273, %broadcast_in_dim3A_5 : vector<128x128xf32>
    %mul3A_2275 = arith.mulf %broadcast_in_dim3A_8, %sub3A_2274 : vector<128x128xf32>
    %mul3A_2276 = arith.mulf %mul3A_2275, %sub3A_2274 : vector<128x128xf32>
    %exp23A_2277 = math.exp2 %mul3A_2276 : vector<128x128xf32>
    %swap3A_2278 = arith.constant 26368 : index
    %swap3A_2279 = arith.constant 0 : index
    %swap3A_2280 = vector.load %arg3[%swap3A_2278, %swap3A_2279] : memref<32768x128xf32, #tpu.memory_space<vmem>>, vector<128x128xf32>
    tpu.vector_store %arg3[%swap3A_2278, %swap3A_2279], %exp23A_2277 {strides = array<i32>} : memref<32768x128xf32, #tpu.memory_space<vmem>>, vector<128x128xf32>,
    %slice3A_2281 = vector.extract_strided_slice %sqrt3A {offsets = [207, 0], sizes = [1, 128], strides = [1, 1]} : vector<256x128xf32> to vector<1x128xf32>
    %broadcast_in_dim3A_2282 = vector.shape_cast %slice3A_2281 : vector<1x128xf32> to vector<1x128xf32>
    %broadcast_in_dim3A_2283 = vector.broadcast %broadcast_in_dim3A_2282 : vector<1x128xf32> to vector<128x128xf32>
    %transpose3A_2284 = tpu.transpose %broadcast_in_dim3A_2283, [1, 0] : vector<128x128xf32> -> vector<128x128xf32>
    %sub3A_2285 = arith.subf %transpose3A_2284, %broadcast_in_dim3A_5 : vector<128x128xf32>
    %mul3A_2286 = arith.mulf %broadcast_in_dim3A_8, %sub3A_2285 : vector<128x128xf32>
    %mul3A_2287 = arith.mulf %mul3A_2286, %sub3A_2285 : vector<128x128xf32>
    %exp23A_2288 = math.exp2 %mul3A_2287 : vector<128x128xf32>
    %swap3A_2289 = arith.constant 26496 : index
    %swap3A_2290 = arith.constant 0 : index
    %swap3A_2291 = vector.load %arg3[%swap3A_2289, %swap3A_2290] : memref<32768x128xf32, #tpu.memory_space<vmem>>, vector<128x128xf32>
    tpu.vector_store %arg3[%swap3A_2289, %swap3A_2290], %exp23A_2288 {strides = array<i32>} : memref<32768x128xf32, #tpu.memory_space<vmem>>, vector<128x128xf32>,
    %slice3A_2292 = vector.extract_strided_slice %sqrt3A {offsets = [208, 0], sizes = [1, 128], strides = [1, 1]} : vector<256x128xf32> to vector<1x128xf32>
    %broadcast_in_dim3A_2293 = vector.shape_cast %slice3A_2292 : vector<1x128xf32> to vector<1x128xf32>
    %broadcast_in_dim3A_2294 = vector.broadcast %broadcast_in_dim3A_2293 : vector<1x128xf32> to vector<128x128xf32>
    %transpose3A_2295 = tpu.transpose %broadcast_in_dim3A_2294, [1, 0] : vector<128x128xf32> -> vector<128x128xf32>
    %sub3A_2296 = arith.subf %transpose3A_2295, %broadcast_in_dim3A_5 : vector<128x128xf32>
    %mul3A_2297 = arith.mulf %broadcast_in_dim3A_8, %sub3A_2296 : vector<128x128xf32>
    %mul3A_2298 = arith.mulf %mul3A_2297, %sub3A_2296 : vector<128x128xf32>
    %exp23A_2299 = math.exp2 %mul3A_2298 : vector<128x128xf32>
    %swap3A_2300 = arith.constant 26624 : index
    %swap3A_2301 = arith.constant 0 : index
    %swap3A_2302 = vector.load %arg3[%swap3A_2300, %swap3A_2301] : memref<32768x128xf32, #tpu.memory_space<vmem>>, vector<128x128xf32>
    tpu.vector_store %arg3[%swap3A_2300, %swap3A_2301], %exp23A_2299 {strides = array<i32>} : memref<32768x128xf32, #tpu.memory_space<vmem>>, vector<128x128xf32>,
    %slice3A_2303 = vector.extract_strided_slice %sqrt3A {offsets = [209, 0], sizes = [1, 128], strides = [1, 1]} : vector<256x128xf32> to vector<1x128xf32>
    %broadcast_in_dim3A_2304 = vector.shape_cast %slice3A_2303 : vector<1x128xf32> to vector<1x128xf32>
    %broadcast_in_dim3A_2305 = vector.broadcast %broadcast_in_dim3A_2304 : vector<1x128xf32> to vector<128x128xf32>
    %transpose3A_2306 = tpu.transpose %broadcast_in_dim3A_2305, [1, 0] : vector<128x128xf32> -> vector<128x128xf32>
    %sub3A_2307 = arith.subf %transpose3A_2306, %broadcast_in_dim3A_5 : vector<128x128xf32>
    %mul3A_2308 = arith.mulf %broadcast_in_dim3A_8, %sub3A_2307 : vector<128x128xf32>
    %mul3A_2309 = arith.mulf %mul3A_2308, %sub3A_2307 : vector<128x128xf32>
    %exp23A_2310 = math.exp2 %mul3A_2309 : vector<128x128xf32>
    %swap3A_2311 = arith.constant 26752 : index
    %swap3A_2312 = arith.constant 0 : index
    %swap3A_2313 = vector.load %arg3[%swap3A_2311, %swap3A_2312] : memref<32768x128xf32, #tpu.memory_space<vmem>>, vector<128x128xf32>
    tpu.vector_store %arg3[%swap3A_2311, %swap3A_2312], %exp23A_2310 {strides = array<i32>} : memref<32768x128xf32, #tpu.memory_space<vmem>>, vector<128x128xf32>,
    %slice3A_2314 = vector.extract_strided_slice %sqrt3A {offsets = [210, 0], sizes = [1, 128], strides = [1, 1]} : vector<256x128xf32> to vector<1x128xf32>
    %broadcast_in_dim3A_2315 = vector.shape_cast %slice3A_2314 : vector<1x128xf32> to vector<1x128xf32>
    %broadcast_in_dim3A_2316 = vector.broadcast %broadcast_in_dim3A_2315 : vector<1x128xf32> to vector<128x128xf32>
    %transpose3A_2317 = tpu.transpose %broadcast_in_dim3A_2316, [1, 0] : vector<128x128xf32> -> vector<128x128xf32>
    %sub3A_2318 = arith.subf %transpose3A_2317, %broadcast_in_dim3A_5 : vector<128x128xf32>
    %mul3A_2319 = arith.mulf %broadcast_in_dim3A_8, %sub3A_2318 : vector<128x128xf32>
    %mul3A_2320 = arith.mulf %mul3A_2319, %sub3A_2318 : vector<128x128xf32>
    %exp23A_2321 = math.exp2 %mul3A_2320 : vector<128x128xf32>
    %swap3A_2322 = arith.constant 26880 : index
    %swap3A_2323 = arith.constant 0 : index
    %swap3A_2324 = vector.load %arg3[%swap3A_2322, %swap3A_2323] : memref<32768x128xf32, #tpu.memory_space<vmem>>, vector<128x128xf32>
    tpu.vector_store %arg3[%swap3A_2322, %swap3A_2323], %exp23A_2321 {strides = array<i32>} : memref<32768x128xf32, #tpu.memory_space<vmem>>, vector<128x128xf32>,
    %slice3A_2325 = vector.extract_strided_slice %sqrt3A {offsets = [211, 0], sizes = [1, 128], strides = [1, 1]} : vector<256x128xf32> to vector<1x128xf32>
    %broadcast_in_dim3A_2326 = vector.shape_cast %slice3A_2325 : vector<1x128xf32> to vector<1x128xf32>
    %broadcast_in_dim3A_2327 = vector.broadcast %broadcast_in_dim3A_2326 : vector<1x128xf32> to vector<128x128xf32>
    %transpose3A_2328 = tpu.transpose %broadcast_in_dim3A_2327, [1, 0] : vector<128x128xf32> -> vector<128x128xf32>
    %sub3A_2329 = arith.subf %transpose3A_2328, %broadcast_in_dim3A_5 : vector<128x128xf32>
    %mul3A_2330 = arith.mulf %broadcast_in_dim3A_8, %sub3A_2329 : vector<128x128xf32>
    %mul3A_2331 = arith.mulf %mul3A_2330, %sub3A_2329 : vector<128x128xf32>
    %exp23A_2332 = math.exp2 %mul3A_2331 : vector<128x128xf32>
    %swap3A_2333 = arith.constant 27008 : index
    %swap3A_2334 = arith.constant 0 : index
    %swap3A_2335 = vector.load %arg3[%swap3A_2333, %swap3A_2334] : memref<32768x128xf32, #tpu.memory_space<vmem>>, vector<128x128xf32>
    tpu.vector_store %arg3[%swap3A_2333, %swap3A_2334], %exp23A_2332 {strides = array<i32>} : memref<32768x128xf32, #tpu.memory_space<vmem>>, vector<128x128xf32>,
    %slice3A_2336 = vector.extract_strided_slice %sqrt3A {offsets = [212, 0], sizes = [1, 128], strides = [1, 1]} : vector<256x128xf32> to vector<1x128xf32>
    %broadcast_in_dim3A_2337 = vector.shape_cast %slice3A_2336 : vector<1x128xf32> to vector<1x128xf32>
    %broadcast_in_dim3A_2338 = vector.broadcast %broadcast_in_dim3A_2337 : vector<1x128xf32> to vector<128x128xf32>
    %transpose3A_2339 = tpu.transpose %broadcast_in_dim3A_2338, [1, 0] : vector<128x128xf32> -> vector<128x128xf32>
    %sub3A_2340 = arith.subf %transpose3A_2339, %broadcast_in_dim3A_5 : vector<128x128xf32>
    %mul3A_2341 = arith.mulf %broadcast_in_dim3A_8, %sub3A_2340 : vector<128x128xf32>
    %mul3A_2342 = arith.mulf %mul3A_2341, %sub3A_2340 : vector<128x128xf32>
    %exp23A_2343 = math.exp2 %mul3A_2342 : vector<128x128xf32>
    %swap3A_2344 = arith.constant 27136 : index
    %swap3A_2345 = arith.constant 0 : index
    %swap3A_2346 = vector.load %arg3[%swap3A_2344, %swap3A_2345] : memref<32768x128xf32, #tpu.memory_space<vmem>>, vector<128x128xf32>
    tpu.vector_store %arg3[%swap3A_2344, %swap3A_2345], %exp23A_2343 {strides = array<i32>} : memref<32768x128xf32, #tpu.memory_space<vmem>>, vector<128x128xf32>,
    %slice3A_2347 = vector.extract_strided_slice %sqrt3A {offsets = [213, 0], sizes = [1, 128], strides = [1, 1]} : vector<256x128xf32> to vector<1x128xf32>
    %broadcast_in_dim3A_2348 = vector.shape_cast %slice3A_2347 : vector<1x128xf32> to vector<1x128xf32>
    %broadcast_in_dim3A_2349 = vector.broadcast %broadcast_in_dim3A_2348 : vector<1x128xf32> to vector<128x128xf32>
    %transpose3A_2350 = tpu.transpose %broadcast_in_dim3A_2349, [1, 0] : vector<128x128xf32> -> vector<128x128xf32>
    %sub3A_2351 = arith.subf %transpose3A_2350, %broadcast_in_dim3A_5 : vector<128x128xf32>
    %mul3A_2352 = arith.mulf %broadcast_in_dim3A_8, %sub3A_2351 : vector<128x128xf32>
    %mul3A_2353 = arith.mulf %mul3A_2352, %sub3A_2351 : vector<128x128xf32>
    %exp23A_2354 = math.exp2 %mul3A_2353 : vector<128x128xf32>
    %swap3A_2355 = arith.constant 27264 : index
    %swap3A_2356 = arith.constant 0 : index
    %swap3A_2357 = vector.load %arg3[%swap3A_2355, %swap3A_2356] : memref<32768x128xf32, #tpu.memory_space<vmem>>, vector<128x128xf32>
    tpu.vector_store %arg3[%swap3A_2355, %swap3A_2356], %exp23A_2354 {strides = array<i32>} : memref<32768x128xf32, #tpu.memory_space<vmem>>, vector<128x128xf32>,
    %slice3A_2358 = vector.extract_strided_slice %sqrt3A {offsets = [214, 0], sizes = [1, 128], strides = [1, 1]} : vector<256x128xf32> to vector<1x128xf32>
    %broadcast_in_dim3A_2359 = vector.shape_cast %slice3A_2358 : vector<1x128xf32> to vector<1x128xf32>
    %broadcast_in_dim3A_2360 = vector.broadcast %broadcast_in_dim3A_2359 : vector<1x128xf32> to vector<128x128xf32>
    %transpose3A_2361 = tpu.transpose %broadcast_in_dim3A_2360, [1, 0] : vector<128x128xf32> -> vector<128x128xf32>
    %sub3A_2362 = arith.subf %transpose3A_2361, %broadcast_in_dim3A_5 : vector<128x128xf32>
    %mul3A_2363 = arith.mulf %broadcast_in_dim3A_8, %sub3A_2362 : vector<128x128xf32>
    %mul3A_2364 = arith.mulf %mul3A_2363, %sub3A_2362 : vector<128x128xf32>
    %exp23A_2365 = math.exp2 %mul3A_2364 : vector<128x128xf32>
    %swap3A_2366 = arith.constant 27392 : index
    %swap3A_2367 = arith.constant 0 : index
    %swap3A_2368 = vector.load %arg3[%swap3A_2366, %swap3A_2367] : memref<32768x128xf32, #tpu.memory_space<vmem>>, vector<128x128xf32>
    tpu.vector_store %arg3[%swap3A_2366, %swap3A_2367], %exp23A_2365 {strides = array<i32>} : memref<32768x128xf32, #tpu.memory_space<vmem>>, vector<128x128xf32>,
    %slice3A_2369 = vector.extract_strided_slice %sqrt3A {offsets = [215, 0], sizes = [1, 128], strides = [1, 1]} : vector<256x128xf32> to vector<1x128xf32>
    %broadcast_in_dim3A_2370 = vector.shape_cast %slice3A_2369 : vector<1x128xf32> to vector<1x128xf32>
    %broadcast_in_dim3A_2371 = vector.broadcast %broadcast_in_dim3A_2370 : vector<1x128xf32> to vector<128x128xf32>
    %transpose3A_2372 = tpu.transpose %broadcast_in_dim3A_2371, [1, 0] : vector<128x128xf32> -> vector<128x128xf32>
    %sub3A_2373 = arith.subf %transpose3A_2372, %broadcast_in_dim3A_5 : vector<128x128xf32>
    %mul3A_2374 = arith.mulf %broadcast_in_dim3A_8, %sub3A_2373 : vector<128x128xf32>
    %mul3A_2375 = arith.mulf %mul3A_2374, %sub3A_2373 : vector<128x128xf32>
    %exp23A_2376 = math.exp2 %mul3A_2375 : vector<128x128xf32>
    %swap3A_2377 = arith.constant 27520 : index
    %swap3A_2378 = arith.constant 0 : index
    %swap3A_2379 = vector.load %arg3[%swap3A_2377, %swap3A_2378] : memref<32768x128xf32, #tpu.memory_space<vmem>>, vector<128x128xf32>
    tpu.vector_store %arg3[%swap3A_2377, %swap3A_2378], %exp23A_2376 {strides = array<i32>} : memref<32768x128xf32, #tpu.memory_space<vmem>>, vector<128x128xf32>,
    %slice3A_2380 = vector.extract_strided_slice %sqrt3A {offsets = [216, 0], sizes = [1, 128], strides = [1, 1]} : vector<256x128xf32> to vector<1x128xf32>
    %broadcast_in_dim3A_2381 = vector.shape_cast %slice3A_2380 : vector<1x128xf32> to vector<1x128xf32>
    %broadcast_in_dim3A_2382 = vector.broadcast %broadcast_in_dim3A_2381 : vector<1x128xf32> to vector<128x128xf32>
    %transpose3A_2383 = tpu.transpose %broadcast_in_dim3A_2382, [1, 0] : vector<128x128xf32> -> vector<128x128xf32>
    %sub3A_2384 = arith.subf %transpose3A_2383, %broadcast_in_dim3A_5 : vector<128x128xf32>
    %mul3A_2385 = arith.mulf %broadcast_in_dim3A_8, %sub3A_2384 : vector<128x128xf32>
    %mul3A_2386 = arith.mulf %mul3A_2385, %sub3A_2384 : vector<128x128xf32>
    %exp23A_2387 = math.exp2 %mul3A_2386 : vector<128x128xf32>
    %swap3A_2388 = arith.constant 27648 : index
    %swap3A_2389 = arith.constant 0 : index
    %swap3A_2390 = vector.load %arg3[%swap3A_2388, %swap3A_2389] : memref<32768x128xf32, #tpu.memory_space<vmem>>, vector<128x128xf32>
    tpu.vector_store %arg3[%swap3A_2388, %swap3A_2389], %exp23A_2387 {strides = array<i32>} : memref<32768x128xf32, #tpu.memory_space<vmem>>, vector<128x128xf32>,
    %slice3A_2391 = vector.extract_strided_slice %sqrt3A {offsets = [217, 0], sizes = [1, 128], strides = [1, 1]} : vector<256x128xf32> to vector<1x128xf32>
    %broadcast_in_dim3A_2392 = vector.shape_cast %slice3A_2391 : vector<1x128xf32> to vector<1x128xf32>
    %broadcast_in_dim3A_2393 = vector.broadcast %broadcast_in_dim3A_2392 : vector<1x128xf32> to vector<128x128xf32>
    %transpose3A_2394 = tpu.transpose %broadcast_in_dim3A_2393, [1, 0] : vector<128x128xf32> -> vector<128x128xf32>
    %sub3A_2395 = arith.subf %transpose3A_2394, %broadcast_in_dim3A_5 : vector<128x128xf32>
    %mul3A_2396 = arith.mulf %broadcast_in_dim3A_8, %sub3A_2395 : vector<128x128xf32>
    %mul3A_2397 = arith.mulf %mul3A_2396, %sub3A_2395 : vector<128x128xf32>
    %exp23A_2398 = math.exp2 %mul3A_2397 : vector<128x128xf32>
    %swap3A_2399 = arith.constant 27776 : index
    %swap3A_2400 = arith.constant 0 : index
    %swap3A_2401 = vector.load %arg3[%swap3A_2399, %swap3A_2400] : memref<32768x128xf32, #tpu.memory_space<vmem>>, vector<128x128xf32>
    tpu.vector_store %arg3[%swap3A_2399, %swap3A_2400], %exp23A_2398 {strides = array<i32>} : memref<32768x128xf32, #tpu.memory_space<vmem>>, vector<128x128xf32>,
    %slice3A_2402 = vector.extract_strided_slice %sqrt3A {offsets = [218, 0], sizes = [1, 128], strides = [1, 1]} : vector<256x128xf32> to vector<1x128xf32>
    %broadcast_in_dim3A_2403 = vector.shape_cast %slice3A_2402 : vector<1x128xf32> to vector<1x128xf32>
    %broadcast_in_dim3A_2404 = vector.broadcast %broadcast_in_dim3A_2403 : vector<1x128xf32> to vector<128x128xf32>
    %transpose3A_2405 = tpu.transpose %broadcast_in_dim3A_2404, [1, 0] : vector<128x128xf32> -> vector<128x128xf32>
    %sub3A_2406 = arith.subf %transpose3A_2405, %broadcast_in_dim3A_5 : vector<128x128xf32>
    %mul3A_2407 = arith.mulf %broadcast_in_dim3A_8, %sub3A_2406 : vector<128x128xf32>
    %mul3A_2408 = arith.mulf %mul3A_2407, %sub3A_2406 : vector<128x128xf32>
    %exp23A_2409 = math.exp2 %mul3A_2408 : vector<128x128xf32>
    %swap3A_2410 = arith.constant 27904 : index
    %swap3A_2411 = arith.constant 0 : index
    %swap3A_2412 = vector.load %arg3[%swap3A_2410, %swap3A_2411] : memref<32768x128xf32, #tpu.memory_space<vmem>>, vector<128x128xf32>
    tpu.vector_store %arg3[%swap3A_2410, %swap3A_2411], %exp23A_2409 {strides = array<i32>} : memref<32768x128xf32, #tpu.memory_space<vmem>>, vector<128x128xf32>,
    %slice3A_2413 = vector.extract_strided_slice %sqrt3A {offsets = [219, 0], sizes = [1, 128], strides = [1, 1]} : vector<256x128xf32> to vector<1x128xf32>
    %broadcast_in_dim3A_2414 = vector.shape_cast %slice3A_2413 : vector<1x128xf32> to vector<1x128xf32>
    %broadcast_in_dim3A_2415 = vector.broadcast %broadcast_in_dim3A_2414 : vector<1x128xf32> to vector<128x128xf32>
    %transpose3A_2416 = tpu.transpose %broadcast_in_dim3A_2415, [1, 0] : vector<128x128xf32> -> vector<128x128xf32>
    %sub3A_2417 = arith.subf %transpose3A_2416, %broadcast_in_dim3A_5 : vector<128x128xf32>
    %mul3A_2418 = arith.mulf %broadcast_in_dim3A_8, %sub3A_2417 : vector<128x128xf32>
    %mul3A_2419 = arith.mulf %mul3A_2418, %sub3A_2417 : vector<128x128xf32>
    %exp23A_2420 = math.exp2 %mul3A_2419 : vector<128x128xf32>
    %swap3A_2421 = arith.constant 28032 : index
    %swap3A_2422 = arith.constant 0 : index
    %swap3A_2423 = vector.load %arg3[%swap3A_2421, %swap3A_2422] : memref<32768x128xf32, #tpu.memory_space<vmem>>, vector<128x128xf32>
    tpu.vector_store %arg3[%swap3A_2421, %swap3A_2422], %exp23A_2420 {strides = array<i32>} : memref<32768x128xf32, #tpu.memory_space<vmem>>, vector<128x128xf32>,
    %slice3A_2424 = vector.extract_strided_slice %sqrt3A {offsets = [220, 0], sizes = [1, 128], strides = [1, 1]} : vector<256x128xf32> to vector<1x128xf32>
    %broadcast_in_dim3A_2425 = vector.shape_cast %slice3A_2424 : vector<1x128xf32> to vector<1x128xf32>
    %broadcast_in_dim3A_2426 = vector.broadcast %broadcast_in_dim3A_2425 : vector<1x128xf32> to vector<128x128xf32>
    %transpose3A_2427 = tpu.transpose %broadcast_in_dim3A_2426, [1, 0] : vector<128x128xf32> -> vector<128x128xf32>
    %sub3A_2428 = arith.subf %transpose3A_2427, %broadcast_in_dim3A_5 : vector<128x128xf32>
    %mul3A_2429 = arith.mulf %broadcast_in_dim3A_8, %sub3A_2428 : vector<128x128xf32>
    %mul3A_2430 = arith.mulf %mul3A_2429, %sub3A_2428 : vector<128x128xf32>
    %exp23A_2431 = math.exp2 %mul3A_2430 : vector<128x128xf32>
    %swap3A_2432 = arith.constant 28160 : index
    %swap3A_2433 = arith.constant 0 : index
    %swap3A_2434 = vector.load %arg3[%swap3A_2432, %swap3A_2433] : memref<32768x128xf32, #tpu.memory_space<vmem>>, vector<128x128xf32>
    tpu.vector_store %arg3[%swap3A_2432, %swap3A_2433], %exp23A_2431 {strides = array<i32>} : memref<32768x128xf32, #tpu.memory_space<vmem>>, vector<128x128xf32>,
    %slice3A_2435 = vector.extract_strided_slice %sqrt3A {offsets = [221, 0], sizes = [1, 128], strides = [1, 1]} : vector<256x128xf32> to vector<1x128xf32>
    %broadcast_in_dim3A_2436 = vector.shape_cast %slice3A_2435 : vector<1x128xf32> to vector<1x128xf32>
    %broadcast_in_dim3A_2437 = vector.broadcast %broadcast_in_dim3A_2436 : vector<1x128xf32> to vector<128x128xf32>
    %transpose3A_2438 = tpu.transpose %broadcast_in_dim3A_2437, [1, 0] : vector<128x128xf32> -> vector<128x128xf32>
    %sub3A_2439 = arith.subf %transpose3A_2438, %broadcast_in_dim3A_5 : vector<128x128xf32>
    %mul3A_2440 = arith.mulf %broadcast_in_dim3A_8, %sub3A_2439 : vector<128x128xf32>
    %mul3A_2441 = arith.mulf %mul3A_2440, %sub3A_2439 : vector<128x128xf32>
    %exp23A_2442 = math.exp2 %mul3A_2441 : vector<128x128xf32>
    %swap3A_2443 = arith.constant 28288 : index
    %swap3A_2444 = arith.constant 0 : index
    %swap3A_2445 = vector.load %arg3[%swap3A_2443, %swap3A_2444] : memref<32768x128xf32, #tpu.memory_space<vmem>>, vector<128x128xf32>
    tpu.vector_store %arg3[%swap3A_2443, %swap3A_2444], %exp23A_2442 {strides = array<i32>} : memref<32768x128xf32, #tpu.memory_space<vmem>>, vector<128x128xf32>,
    %slice3A_2446 = vector.extract_strided_slice %sqrt3A {offsets = [222, 0], sizes = [1, 128], strides = [1, 1]} : vector<256x128xf32> to vector<1x128xf32>
    %broadcast_in_dim3A_2447 = vector.shape_cast %slice3A_2446 : vector<1x128xf32> to vector<1x128xf32>
    %broadcast_in_dim3A_2448 = vector.broadcast %broadcast_in_dim3A_2447 : vector<1x128xf32> to vector<128x128xf32>
    %transpose3A_2449 = tpu.transpose %broadcast_in_dim3A_2448, [1, 0] : vector<128x128xf32> -> vector<128x128xf32>
    %sub3A_2450 = arith.subf %transpose3A_2449, %broadcast_in_dim3A_5 : vector<128x128xf32>
    %mul3A_2451 = arith.mulf %broadcast_in_dim3A_8, %sub3A_2450 : vector<128x128xf32>
    %mul3A_2452 = arith.mulf %mul3A_2451, %sub3A_2450 : vector<128x128xf32>
    %exp23A_2453 = math.exp2 %mul3A_2452 : vector<128x128xf32>
    %swap3A_2454 = arith.constant 28416 : index
    %swap3A_2455 = arith.constant 0 : index
    %swap3A_2456 = vector.load %arg3[%swap3A_2454, %swap3A_2455] : memref<32768x128xf32, #tpu.memory_space<vmem>>, vector<128x128xf32>
    tpu.vector_store %arg3[%swap3A_2454, %swap3A_2455], %exp23A_2453 {strides = array<i32>} : memref<32768x128xf32, #tpu.memory_space<vmem>>, vector<128x128xf32>,
    %slice3A_2457 = vector.extract_strided_slice %sqrt3A {offsets = [223, 0], sizes = [1, 128], strides = [1, 1]} : vector<256x128xf32> to vector<1x128xf32>
    %broadcast_in_dim3A_2458 = vector.shape_cast %slice3A_2457 : vector<1x128xf32> to vector<1x128xf32>
    %broadcast_in_dim3A_2459 = vector.broadcast %broadcast_in_dim3A_2458 : vector<1x128xf32> to vector<128x128xf32>
    %transpose3A_2460 = tpu.transpose %broadcast_in_dim3A_2459, [1, 0] : vector<128x128xf32> -> vector<128x128xf32>
    %sub3A_2461 = arith.subf %transpose3A_2460, %broadcast_in_dim3A_5 : vector<128x128xf32>
    %mul3A_2462 = arith.mulf %broadcast_in_dim3A_8, %sub3A_2461 : vector<128x128xf32>
    %mul3A_2463 = arith.mulf %mul3A_2462, %sub3A_2461 : vector<128x128xf32>
    %exp23A_2464 = math.exp2 %mul3A_2463 : vector<128x128xf32>
    %swap3A_2465 = arith.constant 28544 : index
    %swap3A_2466 = arith.constant 0 : index
    %swap3A_2467 = vector.load %arg3[%swap3A_2465, %swap3A_2466] : memref<32768x128xf32, #tpu.memory_space<vmem>>, vector<128x128xf32>
    tpu.vector_store %arg3[%swap3A_2465, %swap3A_2466], %exp23A_2464 {strides = array<i32>} : memref<32768x128xf32, #tpu.memory_space<vmem>>, vector<128x128xf32>,
    %slice3A_2468 = vector.extract_strided_slice %sqrt3A {offsets = [224, 0], sizes = [1, 128], strides = [1, 1]} : vector<256x128xf32> to vector<1x128xf32>
    %broadcast_in_dim3A_2469 = vector.shape_cast %slice3A_2468 : vector<1x128xf32> to vector<1x128xf32>
    %broadcast_in_dim3A_2470 = vector.broadcast %broadcast_in_dim3A_2469 : vector<1x128xf32> to vector<128x128xf32>
    %transpose3A_2471 = tpu.transpose %broadcast_in_dim3A_2470, [1, 0] : vector<128x128xf32> -> vector<128x128xf32>
    %sub3A_2472 = arith.subf %transpose3A_2471, %broadcast_in_dim3A_5 : vector<128x128xf32>
    %mul3A_2473 = arith.mulf %broadcast_in_dim3A_8, %sub3A_2472 : vector<128x128xf32>
    %mul3A_2474 = arith.mulf %mul3A_2473, %sub3A_2472 : vector<128x128xf32>
    %exp23A_2475 = math.exp2 %mul3A_2474 : vector<128x128xf32>
    %swap3A_2476 = arith.constant 28672 : index
    %swap3A_2477 = arith.constant 0 : index
    %swap3A_2478 = vector.load %arg3[%swap3A_2476, %swap3A_2477] : memref<32768x128xf32, #tpu.memory_space<vmem>>, vector<128x128xf32>
    tpu.vector_store %arg3[%swap3A_2476, %swap3A_2477], %exp23A_2475 {strides = array<i32>} : memref<32768x128xf32, #tpu.memory_space<vmem>>, vector<128x128xf32>,
    %slice3A_2479 = vector.extract_strided_slice %sqrt3A {offsets = [225, 0], sizes = [1, 128], strides = [1, 1]} : vector<256x128xf32> to vector<1x128xf32>
    %broadcast_in_dim3A_2480 = vector.shape_cast %slice3A_2479 : vector<1x128xf32> to vector<1x128xf32>
    %broadcast_in_dim3A_2481 = vector.broadcast %broadcast_in_dim3A_2480 : vector<1x128xf32> to vector<128x128xf32>
    %transpose3A_2482 = tpu.transpose %broadcast_in_dim3A_2481, [1, 0] : vector<128x128xf32> -> vector<128x128xf32>
    %sub3A_2483 = arith.subf %transpose3A_2482, %broadcast_in_dim3A_5 : vector<128x128xf32>
    %mul3A_2484 = arith.mulf %broadcast_in_dim3A_8, %sub3A_2483 : vector<128x128xf32>
    %mul3A_2485 = arith.mulf %mul3A_2484, %sub3A_2483 : vector<128x128xf32>
    %exp23A_2486 = math.exp2 %mul3A_2485 : vector<128x128xf32>
    %swap3A_2487 = arith.constant 28800 : index
    %swap3A_2488 = arith.constant 0 : index
    %swap3A_2489 = vector.load %arg3[%swap3A_2487, %swap3A_2488] : memref<32768x128xf32, #tpu.memory_space<vmem>>, vector<128x128xf32>
    tpu.vector_store %arg3[%swap3A_2487, %swap3A_2488], %exp23A_2486 {strides = array<i32>} : memref<32768x128xf32, #tpu.memory_space<vmem>>, vector<128x128xf32>,
    %slice3A_2490 = vector.extract_strided_slice %sqrt3A {offsets = [226, 0], sizes = [1, 128], strides = [1, 1]} : vector<256x128xf32> to vector<1x128xf32>
    %broadcast_in_dim3A_2491 = vector.shape_cast %slice3A_2490 : vector<1x128xf32> to vector<1x128xf32>
    %broadcast_in_dim3A_2492 = vector.broadcast %broadcast_in_dim3A_2491 : vector<1x128xf32> to vector<128x128xf32>
    %transpose3A_2493 = tpu.transpose %broadcast_in_dim3A_2492, [1, 0] : vector<128x128xf32> -> vector<128x128xf32>
    %sub3A_2494 = arith.subf %transpose3A_2493, %broadcast_in_dim3A_5 : vector<128x128xf32>
    %mul3A_2495 = arith.mulf %broadcast_in_dim3A_8, %sub3A_2494 : vector<128x128xf32>
    %mul3A_2496 = arith.mulf %mul3A_2495, %sub3A_2494 : vector<128x128xf32>
    %exp23A_2497 = math.exp2 %mul3A_2496 : vector<128x128xf32>
    %swap3A_2498 = arith.constant 28928 : index
    %swap3A_2499 = arith.constant 0 : index
    %swap3A_2500 = vector.load %arg3[%swap3A_2498, %swap3A_2499] : memref<32768x128xf32, #tpu.memory_space<vmem>>, vector<128x128xf32>
    tpu.vector_store %arg3[%swap3A_2498, %swap3A_2499], %exp23A_2497 {strides = array<i32>} : memref<32768x128xf32, #tpu.memory_space<vmem>>, vector<128x128xf32>,
    %slice3A_2501 = vector.extract_strided_slice %sqrt3A {offsets = [227, 0], sizes = [1, 128], strides = [1, 1]} : vector<256x128xf32> to vector<1x128xf32>
    %broadcast_in_dim3A_2502 = vector.shape_cast %slice3A_2501 : vector<1x128xf32> to vector<1x128xf32>
    %broadcast_in_dim3A_2503 = vector.broadcast %broadcast_in_dim3A_2502 : vector<1x128xf32> to vector<128x128xf32>
    %transpose3A_2504 = tpu.transpose %broadcast_in_dim3A_2503, [1, 0] : vector<128x128xf32> -> vector<128x128xf32>
    %sub3A_2505 = arith.subf %transpose3A_2504, %broadcast_in_dim3A_5 : vector<128x128xf32>
    %mul3A_2506 = arith.mulf %broadcast_in_dim3A_8, %sub3A_2505 : vector<128x128xf32>
    %mul3A_2507 = arith.mulf %mul3A_2506, %sub3A_2505 : vector<128x128xf32>
    %exp23A_2508 = math.exp2 %mul3A_2507 : vector<128x128xf32>
    %swap3A_2509 = arith.constant 29056 : index
    %swap3A_2510 = arith.constant 0 : index
    %swap3A_2511 = vector.load %arg3[%swap3A_2509, %swap3A_2510] : memref<32768x128xf32, #tpu.memory_space<vmem>>, vector<128x128xf32>
    tpu.vector_store %arg3[%swap3A_2509, %swap3A_2510], %exp23A_2508 {strides = array<i32>} : memref<32768x128xf32, #tpu.memory_space<vmem>>, vector<128x128xf32>,
    %slice3A_2512 = vector.extract_strided_slice %sqrt3A {offsets = [228, 0], sizes = [1, 128], strides = [1, 1]} : vector<256x128xf32> to vector<1x128xf32>
    %broadcast_in_dim3A_2513 = vector.shape_cast %slice3A_2512 : vector<1x128xf32> to vector<1x128xf32>
    %broadcast_in_dim3A_2514 = vector.broadcast %broadcast_in_dim3A_2513 : vector<1x128xf32> to vector<128x128xf32>
    %transpose3A_2515 = tpu.transpose %broadcast_in_dim3A_2514, [1, 0] : vector<128x128xf32> -> vector<128x128xf32>
    %sub3A_2516 = arith.subf %transpose3A_2515, %broadcast_in_dim3A_5 : vector<128x128xf32>
    %mul3A_2517 = arith.mulf %broadcast_in_dim3A_8, %sub3A_2516 : vector<128x128xf32>
    %mul3A_2518 = arith.mulf %mul3A_2517, %sub3A_2516 : vector<128x128xf32>
    %exp23A_2519 = math.exp2 %mul3A_2518 : vector<128x128xf32>
    %swap3A_2520 = arith.constant 29184 : index
    %swap3A_2521 = arith.constant 0 : index
    %swap3A_2522 = vector.load %arg3[%swap3A_2520, %swap3A_2521] : memref<32768x128xf32, #tpu.memory_space<vmem>>, vector<128x128xf32>
    tpu.vector_store %arg3[%swap3A_2520, %swap3A_2521], %exp23A_2519 {strides = array<i32>} : memref<32768x128xf32, #tpu.memory_space<vmem>>, vector<128x128xf32>,
    %slice3A_2523 = vector.extract_strided_slice %sqrt3A {offsets = [229, 0], sizes = [1, 128], strides = [1, 1]} : vector<256x128xf32> to vector<1x128xf32>
    %broadcast_in_dim3A_2524 = vector.shape_cast %slice3A_2523 : vector<1x128xf32> to vector<1x128xf32>
    %broadcast_in_dim3A_2525 = vector.broadcast %broadcast_in_dim3A_2524 : vector<1x128xf32> to vector<128x128xf32>
    %transpose3A_2526 = tpu.transpose %broadcast_in_dim3A_2525, [1, 0] : vector<128x128xf32> -> vector<128x128xf32>
    %sub3A_2527 = arith.subf %transpose3A_2526, %broadcast_in_dim3A_5 : vector<128x128xf32>
    %mul3A_2528 = arith.mulf %broadcast_in_dim3A_8, %sub3A_2527 : vector<128x128xf32>
    %mul3A_2529 = arith.mulf %mul3A_2528, %sub3A_2527 : vector<128x128xf32>
    %exp23A_2530 = math.exp2 %mul3A_2529 : vector<128x128xf32>
    %swap3A_2531 = arith.constant 29312 : index
    %swap3A_2532 = arith.constant 0 : index
    %swap3A_2533 = vector.load %arg3[%swap3A_2531, %swap3A_2532] : memref<32768x128xf32, #tpu.memory_space<vmem>>, vector<128x128xf32>
    tpu.vector_store %arg3[%swap3A_2531, %swap3A_2532], %exp23A_2530 {strides = array<i32>} : memref<32768x128xf32, #tpu.memory_space<vmem>>, vector<128x128xf32>,
    %slice3A_2534 = vector.extract_strided_slice %sqrt3A {offsets = [230, 0], sizes = [1, 128], strides = [1, 1]} : vector<256x128xf32> to vector<1x128xf32>
    %broadcast_in_dim3A_2535 = vector.shape_cast %slice3A_2534 : vector<1x128xf32> to vector<1x128xf32>
    %broadcast_in_dim3A_2536 = vector.broadcast %broadcast_in_dim3A_2535 : vector<1x128xf32> to vector<128x128xf32>
    %transpose3A_2537 = tpu.transpose %broadcast_in_dim3A_2536, [1, 0] : vector<128x128xf32> -> vector<128x128xf32>
    %sub3A_2538 = arith.subf %transpose3A_2537, %broadcast_in_dim3A_5 : vector<128x128xf32>
    %mul3A_2539 = arith.mulf %broadcast_in_dim3A_8, %sub3A_2538 : vector<128x128xf32>
    %mul3A_2540 = arith.mulf %mul3A_2539, %sub3A_2538 : vector<128x128xf32>
    %exp23A_2541 = math.exp2 %mul3A_2540 : vector<128x128xf32>
    %swap3A_2542 = arith.constant 29440 : index
    %swap3A_2543 = arith.constant 0 : index
    %swap3A_2544 = vector.load %arg3[%swap3A_2542, %swap3A_2543] : memref<32768x128xf32, #tpu.memory_space<vmem>>, vector<128x128xf32>
    tpu.vector_store %arg3[%swap3A_2542, %swap3A_2543], %exp23A_2541 {strides = array<i32>} : memref<32768x128xf32, #tpu.memory_space<vmem>>, vector<128x128xf32>,
    %slice3A_2545 = vector.extract_strided_slice %sqrt3A {offsets = [231, 0], sizes = [1, 128], strides = [1, 1]} : vector<256x128xf32> to vector<1x128xf32>
    %broadcast_in_dim3A_2546 = vector.shape_cast %slice3A_2545 : vector<1x128xf32> to vector<1x128xf32>
    %broadcast_in_dim3A_2547 = vector.broadcast %broadcast_in_dim3A_2546 : vector<1x128xf32> to vector<128x128xf32>
    %transpose3A_2548 = tpu.transpose %broadcast_in_dim3A_2547, [1, 0] : vector<128x128xf32> -> vector<128x128xf32>
    %sub3A_2549 = arith.subf %transpose3A_2548, %broadcast_in_dim3A_5 : vector<128x128xf32>
    %mul3A_2550 = arith.mulf %broadcast_in_dim3A_8, %sub3A_2549 : vector<128x128xf32>
    %mul3A_2551 = arith.mulf %mul3A_2550, %sub3A_2549 : vector<128x128xf32>
    %exp23A_2552 = math.exp2 %mul3A_2551 : vector<128x128xf32>
    %swap3A_2553 = arith.constant 29568 : index
    %swap3A_2554 = arith.constant 0 : index
    %swap3A_2555 = vector.load %arg3[%swap3A_2553, %swap3A_2554] : memref<32768x128xf32, #tpu.memory_space<vmem>>, vector<128x128xf32>
    tpu.vector_store %arg3[%swap3A_2553, %swap3A_2554], %exp23A_2552 {strides = array<i32>} : memref<32768x128xf32, #tpu.memory_space<vmem>>, vector<128x128xf32>,
    %slice3A_2556 = vector.extract_strided_slice %sqrt3A {offsets = [232, 0], sizes = [1, 128], strides = [1, 1]} : vector<256x128xf32> to vector<1x128xf32>
    %broadcast_in_dim3A_2557 = vector.shape_cast %slice3A_2556 : vector<1x128xf32> to vector<1x128xf32>
    %broadcast_in_dim3A_2558 = vector.broadcast %broadcast_in_dim3A_2557 : vector<1x128xf32> to vector<128x128xf32>
    %transpose3A_2559 = tpu.transpose %broadcast_in_dim3A_2558, [1, 0] : vector<128x128xf32> -> vector<128x128xf32>
    %sub3A_2560 = arith.subf %transpose3A_2559, %broadcast_in_dim3A_5 : vector<128x128xf32>
    %mul3A_2561 = arith.mulf %broadcast_in_dim3A_8, %sub3A_2560 : vector<128x128xf32>
    %mul3A_2562 = arith.mulf %mul3A_2561, %sub3A_2560 : vector<128x128xf32>
    %exp23A_2563 = math.exp2 %mul3A_2562 : vector<128x128xf32>
    %swap3A_2564 = arith.constant 29696 : index
    %swap3A_2565 = arith.constant 0 : index
    %swap3A_2566 = vector.load %arg3[%swap3A_2564, %swap3A_2565] : memref<32768x128xf32, #tpu.memory_space<vmem>>, vector<128x128xf32>
    tpu.vector_store %arg3[%swap3A_2564, %swap3A_2565], %exp23A_2563 {strides = array<i32>} : memref<32768x128xf32, #tpu.memory_space<vmem>>, vector<128x128xf32>,
    %slice3A_2567 = vector.extract_strided_slice %sqrt3A {offsets = [233, 0], sizes = [1, 128], strides = [1, 1]} : vector<256x128xf32> to vector<1x128xf32>
    %broadcast_in_dim3A_2568 = vector.shape_cast %slice3A_2567 : vector<1x128xf32> to vector<1x128xf32>
    %broadcast_in_dim3A_2569 = vector.broadcast %broadcast_in_dim3A_2568 : vector<1x128xf32> to vector<128x128xf32>
    %transpose3A_2570 = tpu.transpose %broadcast_in_dim3A_2569, [1, 0] : vector<128x128xf32> -> vector<128x128xf32>
    %sub3A_2571 = arith.subf %transpose3A_2570, %broadcast_in_dim3A_5 : vector<128x128xf32>
    %mul3A_2572 = arith.mulf %broadcast_in_dim3A_8, %sub3A_2571 : vector<128x128xf32>
    %mul3A_2573 = arith.mulf %mul3A_2572, %sub3A_2571 : vector<128x128xf32>
    %exp23A_2574 = math.exp2 %mul3A_2573 : vector<128x128xf32>
    %swap3A_2575 = arith.constant 29824 : index
    %swap3A_2576 = arith.constant 0 : index
    %swap3A_2577 = vector.load %arg3[%swap3A_2575, %swap3A_2576] : memref<32768x128xf32, #tpu.memory_space<vmem>>, vector<128x128xf32>
    tpu.vector_store %arg3[%swap3A_2575, %swap3A_2576], %exp23A_2574 {strides = array<i32>} : memref<32768x128xf32, #tpu.memory_space<vmem>>, vector<128x128xf32>,
    %slice3A_2578 = vector.extract_strided_slice %sqrt3A {offsets = [234, 0], sizes = [1, 128], strides = [1, 1]} : vector<256x128xf32> to vector<1x128xf32>
    %broadcast_in_dim3A_2579 = vector.shape_cast %slice3A_2578 : vector<1x128xf32> to vector<1x128xf32>
    %broadcast_in_dim3A_2580 = vector.broadcast %broadcast_in_dim3A_2579 : vector<1x128xf32> to vector<128x128xf32>
    %transpose3A_2581 = tpu.transpose %broadcast_in_dim3A_2580, [1, 0] : vector<128x128xf32> -> vector<128x128xf32>
    %sub3A_2582 = arith.subf %transpose3A_2581, %broadcast_in_dim3A_5 : vector<128x128xf32>
    %mul3A_2583 = arith.mulf %broadcast_in_dim3A_8, %sub3A_2582 : vector<128x128xf32>
    %mul3A_2584 = arith.mulf %mul3A_2583, %sub3A_2582 : vector<128x128xf32>
    %exp23A_2585 = math.exp2 %mul3A_2584 : vector<128x128xf32>
    %swap3A_2586 = arith.constant 29952 : index
    %swap3A_2587 = arith.constant 0 : index
    %swap3A_2588 = vector.load %arg3[%swap3A_2586, %swap3A_2587] : memref<32768x128xf32, #tpu.memory_space<vmem>>, vector<128x128xf32>
    tpu.vector_store %arg3[%swap3A_2586, %swap3A_2587], %exp23A_2585 {strides = array<i32>} : memref<32768x128xf32, #tpu.memory_space<vmem>>, vector<128x128xf32>,
    %slice3A_2589 = vector.extract_strided_slice %sqrt3A {offsets = [235, 0], sizes = [1, 128], strides = [1, 1]} : vector<256x128xf32> to vector<1x128xf32>
    %broadcast_in_dim3A_2590 = vector.shape_cast %slice3A_2589 : vector<1x128xf32> to vector<1x128xf32>
    %broadcast_in_dim3A_2591 = vector.broadcast %broadcast_in_dim3A_2590 : vector<1x128xf32> to vector<128x128xf32>
    %transpose3A_2592 = tpu.transpose %broadcast_in_dim3A_2591, [1, 0] : vector<128x128xf32> -> vector<128x128xf32>
    %sub3A_2593 = arith.subf %transpose3A_2592, %broadcast_in_dim3A_5 : vector<128x128xf32>
    %mul3A_2594 = arith.mulf %broadcast_in_dim3A_8, %sub3A_2593 : vector<128x128xf32>
    %mul3A_2595 = arith.mulf %mul3A_2594, %sub3A_2593 : vector<128x128xf32>
    %exp23A_2596 = math.exp2 %mul3A_2595 : vector<128x128xf32>
    %swap3A_2597 = arith.constant 30080 : index
    %swap3A_2598 = arith.constant 0 : index
    %swap3A_2599 = vector.load %arg3[%swap3A_2597, %swap3A_2598] : memref<32768x128xf32, #tpu.memory_space<vmem>>, vector<128x128xf32>
    tpu.vector_store %arg3[%swap3A_2597, %swap3A_2598], %exp23A_2596 {strides = array<i32>} : memref<32768x128xf32, #tpu.memory_space<vmem>>, vector<128x128xf32>,
    %slice3A_2600 = vector.extract_strided_slice %sqrt3A {offsets = [236, 0], sizes = [1, 128], strides = [1, 1]} : vector<256x128xf32> to vector<1x128xf32>
    %broadcast_in_dim3A_2601 = vector.shape_cast %slice3A_2600 : vector<1x128xf32> to vector<1x128xf32>
    %broadcast_in_dim3A_2602 = vector.broadcast %broadcast_in_dim3A_2601 : vector<1x128xf32> to vector<128x128xf32>
    %transpose3A_2603 = tpu.transpose %broadcast_in_dim3A_2602, [1, 0] : vector<128x128xf32> -> vector<128x128xf32>
    %sub3A_2604 = arith.subf %transpose3A_2603, %broadcast_in_dim3A_5 : vector<128x128xf32>
    %mul3A_2605 = arith.mulf %broadcast_in_dim3A_8, %sub3A_2604 : vector<128x128xf32>
    %mul3A_2606 = arith.mulf %mul3A_2605, %sub3A_2604 : vector<128x128xf32>
    %exp23A_2607 = math.exp2 %mul3A_2606 : vector<128x128xf32>
    %swap3A_2608 = arith.constant 30208 : index
    %swap3A_2609 = arith.constant 0 : index
    %swap3A_2610 = vector.load %arg3[%swap3A_2608, %swap3A_2609] : memref<32768x128xf32, #tpu.memory_space<vmem>>, vector<128x128xf32>
    tpu.vector_store %arg3[%swap3A_2608, %swap3A_2609], %exp23A_2607 {strides = array<i32>} : memref<32768x128xf32, #tpu.memory_space<vmem>>, vector<128x128xf32>,
    %slice3A_2611 = vector.extract_strided_slice %sqrt3A {offsets = [237, 0], sizes = [1, 128], strides = [1, 1]} : vector<256x128xf32> to vector<1x128xf32>
    %broadcast_in_dim3A_2612 = vector.shape_cast %slice3A_2611 : vector<1x128xf32> to vector<1x128xf32>
    %broadcast_in_dim3A_2613 = vector.broadcast %broadcast_in_dim3A_2612 : vector<1x128xf32> to vector<128x128xf32>
    %transpose3A_2614 = tpu.transpose %broadcast_in_dim3A_2613, [1, 0] : vector<128x128xf32> -> vector<128x128xf32>
    %sub3A_2615 = arith.subf %transpose3A_2614, %broadcast_in_dim3A_5 : vector<128x128xf32>
    %mul3A_2616 = arith.mulf %broadcast_in_dim3A_8, %sub3A_2615 : vector<128x128xf32>
    %mul3A_2617 = arith.mulf %mul3A_2616, %sub3A_2615 : vector<128x128xf32>
    %exp23A_2618 = math.exp2 %mul3A_2617 : vector<128x128xf32>
    %swap3A_2619 = arith.constant 30336 : index
    %swap3A_2620 = arith.constant 0 : index
    %swap3A_2621 = vector.load %arg3[%swap3A_2619, %swap3A_2620] : memref<32768x128xf32, #tpu.memory_space<vmem>>, vector<128x128xf32>
    tpu.vector_store %arg3[%swap3A_2619, %swap3A_2620], %exp23A_2618 {strides = array<i32>} : memref<32768x128xf32, #tpu.memory_space<vmem>>, vector<128x128xf32>,
    %slice3A_2622 = vector.extract_strided_slice %sqrt3A {offsets = [238, 0], sizes = [1, 128], strides = [1, 1]} : vector<256x128xf32> to vector<1x128xf32>
    %broadcast_in_dim3A_2623 = vector.shape_cast %slice3A_2622 : vector<1x128xf32> to vector<1x128xf32>
    %broadcast_in_dim3A_2624 = vector.broadcast %broadcast_in_dim3A_2623 : vector<1x128xf32> to vector<128x128xf32>
    %transpose3A_2625 = tpu.transpose %broadcast_in_dim3A_2624, [1, 0] : vector<128x128xf32> -> vector<128x128xf32>
    %sub3A_2626 = arith.subf %transpose3A_2625, %broadcast_in_dim3A_5 : vector<128x128xf32>
    %mul3A_2627 = arith.mulf %broadcast_in_dim3A_8, %sub3A_2626 : vector<128x128xf32>
    %mul3A_2628 = arith.mulf %mul3A_2627, %sub3A_2626 : vector<128x128xf32>
    %exp23A_2629 = math.exp2 %mul3A_2628 : vector<128x128xf32>
    %swap3A_2630 = arith.constant 30464 : index
    %swap3A_2631 = arith.constant 0 : index
    %swap3A_2632 = vector.load %arg3[%swap3A_2630, %swap3A_2631] : memref<32768x128xf32, #tpu.memory_space<vmem>>, vector<128x128xf32>
    tpu.vector_store %arg3[%swap3A_2630, %swap3A_2631], %exp23A_2629 {strides = array<i32>} : memref<32768x128xf32, #tpu.memory_space<vmem>>, vector<128x128xf32>,
    %slice3A_2633 = vector.extract_strided_slice %sqrt3A {offsets = [239, 0], sizes = [1, 128], strides = [1, 1]} : vector<256x128xf32> to vector<1x128xf32>
    %broadcast_in_dim3A_2634 = vector.shape_cast %slice3A_2633 : vector<1x128xf32> to vector<1x128xf32>
    %broadcast_in_dim3A_2635 = vector.broadcast %broadcast_in_dim3A_2634 : vector<1x128xf32> to vector<128x128xf32>
    %transpose3A_2636 = tpu.transpose %broadcast_in_dim3A_2635, [1, 0] : vector<128x128xf32> -> vector<128x128xf32>
    %sub3A_2637 = arith.subf %transpose3A_2636, %broadcast_in_dim3A_5 : vector<128x128xf32>
    %mul3A_2638 = arith.mulf %broadcast_in_dim3A_8, %sub3A_2637 : vector<128x128xf32>
    %mul3A_2639 = arith.mulf %mul3A_2638, %sub3A_2637 : vector<128x128xf32>
    %exp23A_2640 = math.exp2 %mul3A_2639 : vector<128x128xf32>
    %swap3A_2641 = arith.constant 30592 : index
    %swap3A_2642 = arith.constant 0 : index
    %swap3A_2643 = vector.load %arg3[%swap3A_2641, %swap3A_2642] : memref<32768x128xf32, #tpu.memory_space<vmem>>, vector<128x128xf32>
    tpu.vector_store %arg3[%swap3A_2641, %swap3A_2642], %exp23A_2640 {strides = array<i32>} : memref<32768x128xf32, #tpu.memory_space<vmem>>, vector<128x128xf32>,
    %slice3A_2644 = vector.extract_strided_slice %sqrt3A {offsets = [240, 0], sizes = [1, 128], strides = [1, 1]} : vector<256x128xf32> to vector<1x128xf32>
    %broadcast_in_dim3A_2645 = vector.shape_cast %slice3A_2644 : vector<1x128xf32> to vector<1x128xf32>
    %broadcast_in_dim3A_2646 = vector.broadcast %broadcast_in_dim3A_2645 : vector<1x128xf32> to vector<128x128xf32>
    %transpose3A_2647 = tpu.transpose %broadcast_in_dim3A_2646, [1, 0] : vector<128x128xf32> -> vector<128x128xf32>
    %sub3A_2648 = arith.subf %transpose3A_2647, %broadcast_in_dim3A_5 : vector<128x128xf32>
    %mul3A_2649 = arith.mulf %broadcast_in_dim3A_8, %sub3A_2648 : vector<128x128xf32>
    %mul3A_2650 = arith.mulf %mul3A_2649, %sub3A_2648 : vector<128x128xf32>
    %exp23A_2651 = math.exp2 %mul3A_2650 : vector<128x128xf32>
    %swap3A_2652 = arith.constant 30720 : index
    %swap3A_2653 = arith.constant 0 : index
    %swap3A_2654 = vector.load %arg3[%swap3A_2652, %swap3A_2653] : memref<32768x128xf32, #tpu.memory_space<vmem>>, vector<128x128xf32>
    tpu.vector_store %arg3[%swap3A_2652, %swap3A_2653], %exp23A_2651 {strides = array<i32>} : memref<32768x128xf32, #tpu.memory_space<vmem>>, vector<128x128xf32>,
    %slice3A_2655 = vector.extract_strided_slice %sqrt3A {offsets = [241, 0], sizes = [1, 128], strides = [1, 1]} : vector<256x128xf32> to vector<1x128xf32>
    %broadcast_in_dim3A_2656 = vector.shape_cast %slice3A_2655 : vector<1x128xf32> to vector<1x128xf32>
    %broadcast_in_dim3A_2657 = vector.broadcast %broadcast_in_dim3A_2656 : vector<1x128xf32> to vector<128x128xf32>
    %transpose3A_2658 = tpu.transpose %broadcast_in_dim3A_2657, [1, 0] : vector<128x128xf32> -> vector<128x128xf32>
    %sub3A_2659 = arith.subf %transpose3A_2658, %broadcast_in_dim3A_5 : vector<128x128xf32>
    %mul3A_2660 = arith.mulf %broadcast_in_dim3A_8, %sub3A_2659 : vector<128x128xf32>
    %mul3A_2661 = arith.mulf %mul3A_2660, %sub3A_2659 : vector<128x128xf32>
    %exp23A_2662 = math.exp2 %mul3A_2661 : vector<128x128xf32>
    %swap3A_2663 = arith.constant 30848 : index
    %swap3A_2664 = arith.constant 0 : index
    %swap3A_2665 = vector.load %arg3[%swap3A_2663, %swap3A_2664] : memref<32768x128xf32, #tpu.memory_space<vmem>>, vector<128x128xf32>
    tpu.vector_store %arg3[%swap3A_2663, %swap3A_2664], %exp23A_2662 {strides = array<i32>} : memref<32768x128xf32, #tpu.memory_space<vmem>>, vector<128x128xf32>,
    %slice3A_2666 = vector.extract_strided_slice %sqrt3A {offsets = [242, 0], sizes = [1, 128], strides = [1, 1]} : vector<256x128xf32> to vector<1x128xf32>
    %broadcast_in_dim3A_2667 = vector.shape_cast %slice3A_2666 : vector<1x128xf32> to vector<1x128xf32>
    %broadcast_in_dim3A_2668 = vector.broadcast %broadcast_in_dim3A_2667 : vector<1x128xf32> to vector<128x128xf32>
    %transpose3A_2669 = tpu.transpose %broadcast_in_dim3A_2668, [1, 0] : vector<128x128xf32> -> vector<128x128xf32>
    %sub3A_2670 = arith.subf %transpose3A_2669, %broadcast_in_dim3A_5 : vector<128x128xf32>
    %mul3A_2671 = arith.mulf %broadcast_in_dim3A_8, %sub3A_2670 : vector<128x128xf32>
    %mul3A_2672 = arith.mulf %mul3A_2671, %sub3A_2670 : vector<128x128xf32>
    %exp23A_2673 = math.exp2 %mul3A_2672 : vector<128x128xf32>
    %swap3A_2674 = arith.constant 30976 : index
    %swap3A_2675 = arith.constant 0 : index
    %swap3A_2676 = vector.load %arg3[%swap3A_2674, %swap3A_2675] : memref<32768x128xf32, #tpu.memory_space<vmem>>, vector<128x128xf32>
    tpu.vector_store %arg3[%swap3A_2674, %swap3A_2675], %exp23A_2673 {strides = array<i32>} : memref<32768x128xf32, #tpu.memory_space<vmem>>, vector<128x128xf32>,
    %slice3A_2677 = vector.extract_strided_slice %sqrt3A {offsets = [243, 0], sizes = [1, 128], strides = [1, 1]} : vector<256x128xf32> to vector<1x128xf32>
    %broadcast_in_dim3A_2678 = vector.shape_cast %slice3A_2677 : vector<1x128xf32> to vector<1x128xf32>
    %broadcast_in_dim3A_2679 = vector.broadcast %broadcast_in_dim3A_2678 : vector<1x128xf32> to vector<128x128xf32>
    %transpose3A_2680 = tpu.transpose %broadcast_in_dim3A_2679, [1, 0] : vector<128x128xf32> -> vector<128x128xf32>
    %sub3A_2681 = arith.subf %transpose3A_2680, %broadcast_in_dim3A_5 : vector<128x128xf32>
    %mul3A_2682 = arith.mulf %broadcast_in_dim3A_8, %sub3A_2681 : vector<128x128xf32>
    %mul3A_2683 = arith.mulf %mul3A_2682, %sub3A_2681 : vector<128x128xf32>
    %exp23A_2684 = math.exp2 %mul3A_2683 : vector<128x128xf32>
    %swap3A_2685 = arith.constant 31104 : index
    %swap3A_2686 = arith.constant 0 : index
    %swap3A_2687 = vector.load %arg3[%swap3A_2685, %swap3A_2686] : memref<32768x128xf32, #tpu.memory_space<vmem>>, vector<128x128xf32>
    tpu.vector_store %arg3[%swap3A_2685, %swap3A_2686], %exp23A_2684 {strides = array<i32>} : memref<32768x128xf32, #tpu.memory_space<vmem>>, vector<128x128xf32>,
    %slice3A_2688 = vector.extract_strided_slice %sqrt3A {offsets = [244, 0], sizes = [1, 128], strides = [1, 1]} : vector<256x128xf32> to vector<1x128xf32>
    %broadcast_in_dim3A_2689 = vector.shape_cast %slice3A_2688 : vector<1x128xf32> to vector<1x128xf32>
    %broadcast_in_dim3A_2690 = vector.broadcast %broadcast_in_dim3A_2689 : vector<1x128xf32> to vector<128x128xf32>
    %transpose3A_2691 = tpu.transpose %broadcast_in_dim3A_2690, [1, 0] : vector<128x128xf32> -> vector<128x128xf32>
    %sub3A_2692 = arith.subf %transpose3A_2691, %broadcast_in_dim3A_5 : vector<128x128xf32>
    %mul3A_2693 = arith.mulf %broadcast_in_dim3A_8, %sub3A_2692 : vector<128x128xf32>
    %mul3A_2694 = arith.mulf %mul3A_2693, %sub3A_2692 : vector<128x128xf32>
    %exp23A_2695 = math.exp2 %mul3A_2694 : vector<128x128xf32>
    %swap3A_2696 = arith.constant 31232 : index
    %swap3A_2697 = arith.constant 0 : index
    %swap3A_2698 = vector.load %arg3[%swap3A_2696, %swap3A_2697] : memref<32768x128xf32, #tpu.memory_space<vmem>>, vector<128x128xf32>
    tpu.vector_store %arg3[%swap3A_2696, %swap3A_2697], %exp23A_2695 {strides = array<i32>} : memref<32768x128xf32, #tpu.memory_space<vmem>>, vector<128x128xf32>,
    %slice3A_2699 = vector.extract_strided_slice %sqrt3A {offsets = [245, 0], sizes = [1, 128], strides = [1, 1]} : vector<256x128xf32> to vector<1x128xf32>
    %broadcast_in_dim3A_2700 = vector.shape_cast %slice3A_2699 : vector<1x128xf32> to vector<1x128xf32>
    %broadcast_in_dim3A_2701 = vector.broadcast %broadcast_in_dim3A_2700 : vector<1x128xf32> to vector<128x128xf32>
    %transpose3A_2702 = tpu.transpose %broadcast_in_dim3A_2701, [1, 0] : vector<128x128xf32> -> vector<128x128xf32>
    %sub3A_2703 = arith.subf %transpose3A_2702, %broadcast_in_dim3A_5 : vector<128x128xf32>
    %mul3A_2704 = arith.mulf %broadcast_in_dim3A_8, %sub3A_2703 : vector<128x128xf32>
    %mul3A_2705 = arith.mulf %mul3A_2704, %sub3A_2703 : vector<128x128xf32>
    %exp23A_2706 = math.exp2 %mul3A_2705 : vector<128x128xf32>
    %swap3A_2707 = arith.constant 31360 : index
    %swap3A_2708 = arith.constant 0 : index
    %swap3A_2709 = vector.load %arg3[%swap3A_2707, %swap3A_2708] : memref<32768x128xf32, #tpu.memory_space<vmem>>, vector<128x128xf32>
    tpu.vector_store %arg3[%swap3A_2707, %swap3A_2708], %exp23A_2706 {strides = array<i32>} : memref<32768x128xf32, #tpu.memory_space<vmem>>, vector<128x128xf32>,
    %slice3A_2710 = vector.extract_strided_slice %sqrt3A {offsets = [246, 0], sizes = [1, 128], strides = [1, 1]} : vector<256x128xf32> to vector<1x128xf32>
    %broadcast_in_dim3A_2711 = vector.shape_cast %slice3A_2710 : vector<1x128xf32> to vector<1x128xf32>
    %broadcast_in_dim3A_2712 = vector.broadcast %broadcast_in_dim3A_2711 : vector<1x128xf32> to vector<128x128xf32>
    %transpose3A_2713 = tpu.transpose %broadcast_in_dim3A_2712, [1, 0] : vector<128x128xf32> -> vector<128x128xf32>
    %sub3A_2714 = arith.subf %transpose3A_2713, %broadcast_in_dim3A_5 : vector<128x128xf32>
    %mul3A_2715 = arith.mulf %broadcast_in_dim3A_8, %sub3A_2714 : vector<128x128xf32>
    %mul3A_2716 = arith.mulf %mul3A_2715, %sub3A_2714 : vector<128x128xf32>
    %exp23A_2717 = math.exp2 %mul3A_2716 : vector<128x128xf32>
    %swap3A_2718 = arith.constant 31488 : index
    %swap3A_2719 = arith.constant 0 : index
    %swap3A_2720 = vector.load %arg3[%swap3A_2718, %swap3A_2719] : memref<32768x128xf32, #tpu.memory_space<vmem>>, vector<128x128xf32>
    tpu.vector_store %arg3[%swap3A_2718, %swap3A_2719], %exp23A_2717 {strides = array<i32>} : memref<32768x128xf32, #tpu.memory_space<vmem>>, vector<128x128xf32>,
    %slice3A_2721 = vector.extract_strided_slice %sqrt3A {offsets = [247, 0], sizes = [1, 128], strides = [1, 1]} : vector<256x128xf32> to vector<1x128xf32>
    %broadcast_in_dim3A_2722 = vector.shape_cast %slice3A_2721 : vector<1x128xf32> to vector<1x128xf32>
    %broadcast_in_dim3A_2723 = vector.broadcast %broadcast_in_dim3A_2722 : vector<1x128xf32> to vector<128x128xf32>
    %transpose3A_2724 = tpu.transpose %broadcast_in_dim3A_2723, [1, 0] : vector<128x128xf32> -> vector<128x128xf32>
    %sub3A_2725 = arith.subf %transpose3A_2724, %broadcast_in_dim3A_5 : vector<128x128xf32>
    %mul3A_2726 = arith.mulf %broadcast_in_dim3A_8, %sub3A_2725 : vector<128x128xf32>
    %mul3A_2727 = arith.mulf %mul3A_2726, %sub3A_2725 : vector<128x128xf32>
    %exp23A_2728 = math.exp2 %mul3A_2727 : vector<128x128xf32>
    %swap3A_2729 = arith.constant 31616 : index
    %swap3A_2730 = arith.constant 0 : index
    %swap3A_2731 = vector.load %arg3[%swap3A_2729, %swap3A_2730] : memref<32768x128xf32, #tpu.memory_space<vmem>>, vector<128x128xf32>
    tpu.vector_store %arg3[%swap3A_2729, %swap3A_2730], %exp23A_2728 {strides = array<i32>} : memref<32768x128xf32, #tpu.memory_space<vmem>>, vector<128x128xf32>,
    %slice3A_2732 = vector.extract_strided_slice %sqrt3A {offsets = [248, 0], sizes = [1, 128], strides = [1, 1]} : vector<256x128xf32> to vector<1x128xf32>
    %broadcast_in_dim3A_2733 = vector.shape_cast %slice3A_2732 : vector<1x128xf32> to vector<1x128xf32>
    %broadcast_in_dim3A_2734 = vector.broadcast %broadcast_in_dim3A_2733 : vector<1x128xf32> to vector<128x128xf32>
    %transpose3A_2735 = tpu.transpose %broadcast_in_dim3A_2734, [1, 0] : vector<128x128xf32> -> vector<128x128xf32>
    %sub3A_2736 = arith.subf %transpose3A_2735, %broadcast_in_dim3A_5 : vector<128x128xf32>
    %mul3A_2737 = arith.mulf %broadcast_in_dim3A_8, %sub3A_2736 : vector<128x128xf32>
    %mul3A_2738 = arith.mulf %mul3A_2737, %sub3A_2736 : vector<128x128xf32>
    %exp23A_2739 = math.exp2 %mul3A_2738 : vector<128x128xf32>
    %swap3A_2740 = arith.constant 31744 : index
    %swap3A_2741 = arith.constant 0 : index
    %swap3A_2742 = vector.load %arg3[%swap3A_2740, %swap3A_2741] : memref<32768x128xf32, #tpu.memory_space<vmem>>, vector<128x128xf32>
    tpu.vector_store %arg3[%swap3A_2740, %swap3A_2741], %exp23A_2739 {strides = array<i32>} : memref<32768x128xf32, #tpu.memory_space<vmem>>, vector<128x128xf32>,
    %slice3A_2743 = vector.extract_strided_slice %sqrt3A {offsets = [249, 0], sizes = [1, 128], strides = [1, 1]} : vector<256x128xf32> to vector<1x128xf32>
    %broadcast_in_dim3A_2744 = vector.shape_cast %slice3A_2743 : vector<1x128xf32> to vector<1x128xf32>
    %broadcast_in_dim3A_2745 = vector.broadcast %broadcast_in_dim3A_2744 : vector<1x128xf32> to vector<128x128xf32>
    %transpose3A_2746 = tpu.transpose %broadcast_in_dim3A_2745, [1, 0] : vector<128x128xf32> -> vector<128x128xf32>
    %sub3A_2747 = arith.subf %transpose3A_2746, %broadcast_in_dim3A_5 : vector<128x128xf32>
    %mul3A_2748 = arith.mulf %broadcast_in_dim3A_8, %sub3A_2747 : vector<128x128xf32>
    %mul3A_2749 = arith.mulf %mul3A_2748, %sub3A_2747 : vector<128x128xf32>
    %exp23A_2750 = math.exp2 %mul3A_2749 : vector<128x128xf32>
    %swap3A_2751 = arith.constant 31872 : index
    %swap3A_2752 = arith.constant 0 : index
    %swap3A_2753 = vector.load %arg3[%swap3A_2751, %swap3A_2752] : memref<32768x128xf32, #tpu.memory_space<vmem>>, vector<128x128xf32>
    tpu.vector_store %arg3[%swap3A_2751, %swap3A_2752], %exp23A_2750 {strides = array<i32>} : memref<32768x128xf32, #tpu.memory_space<vmem>>, vector<128x128xf32>,
    %slice3A_2754 = vector.extract_strided_slice %sqrt3A {offsets = [250, 0], sizes = [1, 128], strides = [1, 1]} : vector<256x128xf32> to vector<1x128xf32>
    %broadcast_in_dim3A_2755 = vector.shape_cast %slice3A_2754 : vector<1x128xf32> to vector<1x128xf32>
    %broadcast_in_dim3A_2756 = vector.broadcast %broadcast_in_dim3A_2755 : vector<1x128xf32> to vector<128x128xf32>
    %transpose3A_2757 = tpu.transpose %broadcast_in_dim3A_2756, [1, 0] : vector<128x128xf32> -> vector<128x128xf32>
    %sub3A_2758 = arith.subf %transpose3A_2757, %broadcast_in_dim3A_5 : vector<128x128xf32>
    %mul3A_2759 = arith.mulf %broadcast_in_dim3A_8, %sub3A_2758 : vector<128x128xf32>
    %mul3A_2760 = arith.mulf %mul3A_2759, %sub3A_2758 : vector<128x128xf32>
    %exp23A_2761 = math.exp2 %mul3A_2760 : vector<128x128xf32>
    %swap3A_2762 = arith.constant 32000 : index
    %swap3A_2763 = arith.constant 0 : index
    %swap3A_2764 = vector.load %arg3[%swap3A_2762, %swap3A_2763] : memref<32768x128xf32, #tpu.memory_space<vmem>>, vector<128x128xf32>
    tpu.vector_store %arg3[%swap3A_2762, %swap3A_2763], %exp23A_2761 {strides = array<i32>} : memref<32768x128xf32, #tpu.memory_space<vmem>>, vector<128x128xf32>,
    %slice3A_2765 = vector.extract_strided_slice %sqrt3A {offsets = [251, 0], sizes = [1, 128], strides = [1, 1]} : vector<256x128xf32> to vector<1x128xf32>
    %broadcast_in_dim3A_2766 = vector.shape_cast %slice3A_2765 : vector<1x128xf32> to vector<1x128xf32>
    %broadcast_in_dim3A_2767 = vector.broadcast %broadcast_in_dim3A_2766 : vector<1x128xf32> to vector<128x128xf32>
    %transpose3A_2768 = tpu.transpose %broadcast_in_dim3A_2767, [1, 0] : vector<128x128xf32> -> vector<128x128xf32>
    %sub3A_2769 = arith.subf %transpose3A_2768, %broadcast_in_dim3A_5 : vector<128x128xf32>
    %mul3A_2770 = arith.mulf %broadcast_in_dim3A_8, %sub3A_2769 : vector<128x128xf32>
    %mul3A_2771 = arith.mulf %mul3A_2770, %sub3A_2769 : vector<128x128xf32>
    %exp23A_2772 = math.exp2 %mul3A_2771 : vector<128x128xf32>
    %swap3A_2773 = arith.constant 32128 : index
    %swap3A_2774 = arith.constant 0 : index
    %swap3A_2775 = vector.load %arg3[%swap3A_2773, %swap3A_2774] : memref<32768x128xf32, #tpu.memory_space<vmem>>, vector<128x128xf32>
    tpu.vector_store %arg3[%swap3A_2773, %swap3A_2774], %exp23A_2772 {strides = array<i32>} : memref<32768x128xf32, #tpu.memory_space<vmem>>, vector<128x128xf32>,
    %slice3A_2776 = vector.extract_strided_slice %sqrt3A {offsets = [252, 0], sizes = [1, 128], strides = [1, 1]} : vector<256x128xf32> to vector<1x128xf32>
    %broadcast_in_dim3A_2777 = vector.shape_cast %slice3A_2776 : vector<1x128xf32> to vector<1x128xf32>
    %broadcast_in_dim3A_2778 = vector.broadcast %broadcast_in_dim3A_2777 : vector<1x128xf32> to vector<128x128xf32>
    %transpose3A_2779 = tpu.transpose %broadcast_in_dim3A_2778, [1, 0] : vector<128x128xf32> -> vector<128x128xf32>
    %sub3A_2780 = arith.subf %transpose3A_2779, %broadcast_in_dim3A_5 : vector<128x128xf32>
    %mul3A_2781 = arith.mulf %broadcast_in_dim3A_8, %sub3A_2780 : vector<128x128xf32>
    %mul3A_2782 = arith.mulf %mul3A_2781, %sub3A_2780 : vector<128x128xf32>
    %exp23A_2783 = math.exp2 %mul3A_2782 : vector<128x128xf32>
    %swap3A_2784 = arith.constant 32256 : index
    %swap3A_2785 = arith.constant 0 : index
    %swap3A_2786 = vector.load %arg3[%swap3A_2784, %swap3A_2785] : memref<32768x128xf32, #tpu.memory_space<vmem>>, vector<128x128xf32>
    tpu.vector_store %arg3[%swap3A_2784, %swap3A_2785], %exp23A_2783 {strides = array<i32>} : memref<32768x128xf32, #tpu.memory_space<vmem>>, vector<128x128xf32>,
    %slice3A_2787 = vector.extract_strided_slice %sqrt3A {offsets = [253, 0], sizes = [1, 128], strides = [1, 1]} : vector<256x128xf32> to vector<1x128xf32>
    %broadcast_in_dim3A_2788 = vector.shape_cast %slice3A_2787 : vector<1x128xf32> to vector<1x128xf32>
    %broadcast_in_dim3A_2789 = vector.broadcast %broadcast_in_dim3A_2788 : vector<1x128xf32> to vector<128x128xf32>
    %transpose3A_2790 = tpu.transpose %broadcast_in_dim3A_2789, [1, 0] : vector<128x128xf32> -> vector<128x128xf32>
    %sub3A_2791 = arith.subf %transpose3A_2790, %broadcast_in_dim3A_5 : vector<128x128xf32>
    %mul3A_2792 = arith.mulf %broadcast_in_dim3A_8, %sub3A_2791 : vector<128x128xf32>
    %mul3A_2793 = arith.mulf %mul3A_2792, %sub3A_2791 : vector<128x128xf32>
    %exp23A_2794 = math.exp2 %mul3A_2793 : vector<128x128xf32>
    %swap3A_2795 = arith.constant 32384 : index
    %swap3A_2796 = arith.constant 0 : index
    %swap3A_2797 = vector.load %arg3[%swap3A_2795, %swap3A_2796] : memref<32768x128xf32, #tpu.memory_space<vmem>>, vector<128x128xf32>
    tpu.vector_store %arg3[%swap3A_2795, %swap3A_2796], %exp23A_2794 {strides = array<i32>} : memref<32768x128xf32, #tpu.memory_space<vmem>>, vector<128x128xf32>,
    %slice3A_2798 = vector.extract_strided_slice %sqrt3A {offsets = [254, 0], sizes = [1, 128], strides = [1, 1]} : vector<256x128xf32> to vector<1x128xf32>
    %broadcast_in_dim3A_2799 = vector.shape_cast %slice3A_2798 : vector<1x128xf32> to vector<1x128xf32>
    %broadcast_in_dim3A_2800 = vector.broadcast %broadcast_in_dim3A_2799 : vector<1x128xf32> to vector<128x128xf32>
    %transpose3A_2801 = tpu.transpose %broadcast_in_dim3A_2800, [1, 0] : vector<128x128xf32> -> vector<128x128xf32>
    %sub3A_2802 = arith.subf %transpose3A_2801, %broadcast_in_dim3A_5 : vector<128x128xf32>
    %mul3A_2803 = arith.mulf %broadcast_in_dim3A_8, %sub3A_2802 : vector<128x128xf32>
    %mul3A_2804 = arith.mulf %mul3A_2803, %sub3A_2802 : vector<128x128xf32>
    %exp23A_2805 = math.exp2 %mul3A_2804 : vector<128x128xf32>
    %swap3A_2806 = arith.constant 32512 : index
    %swap3A_2807 = arith.constant 0 : index
    %swap3A_2808 = vector.load %arg3[%swap3A_2806, %swap3A_2807] : memref<32768x128xf32, #tpu.memory_space<vmem>>, vector<128x128xf32>
    tpu.vector_store %arg3[%swap3A_2806, %swap3A_2807], %exp23A_2805 {strides = array<i32>} : memref<32768x128xf32, #tpu.memory_space<vmem>>, vector<128x128xf32>,
    %slice3A_2809 = vector.extract_strided_slice %sqrt3A {offsets = [255, 0], sizes = [1, 128], strides = [1, 1]} : vector<256x128xf32> to vector<1x128xf32>
    %broadcast_in_dim3A_2810 = vector.shape_cast %slice3A_2809 : vector<1x128xf32> to vector<1x128xf32>
    %broadcast_in_dim3A_2811 = vector.broadcast %broadcast_in_dim3A_2810 : vector<1x128xf32> to vector<128x128xf32>
    %transpose3A_2812 = tpu.transpose %broadcast_in_dim3A_2811, [1, 0] : vector<128x128xf32> -> vector<128x128xf32>
    %sub3A_2813 = arith.subf %transpose3A_2812, %broadcast_in_dim3A_5 : vector<128x128xf32>
    %mul3A_2814 = arith.mulf %broadcast_in_dim3A_8, %sub3A_2813 : vector<128x128xf32>
    %mul3A_2815 = arith.mulf %mul3A_2814, %sub3A_2813 : vector<128x128xf32>
    %exp23A_2816 = math.exp2 %mul3A_2815 : vector<128x128xf32>
    %swap3A_2817 = arith.constant 32640 : index
    %swap3A_2818 = arith.constant 0 : index
    %swap3A_2819 = vector.load %arg3[%swap3A_2817, %swap3A_2818] : memref<32768x128xf32, #tpu.memory_space<vmem>>, vector<128x128xf32>
    tpu.vector_store %arg3[%swap3A_2817, %swap3A_2818], %exp23A_2816 {strides = array<i32>} : memref<32768x128xf32, #tpu.memory_space<vmem>>, vector<128x128xf32>,
    return
  }
  func.func @transform_0(%arg0: i32) -> (i32, i32) {
    %c0_i32 = arith.constant 0 : i32
    %c0_i32_0 = arith.constant 0 : i32
    return %arg0, %c0_i32 : i32, i32
  }
  func.func @transform_1(%arg0: i32) -> (i32, i32) {
    %c0_i32 = arith.constant 0 : i32
    %c0_i32_0 = arith.constant 0 : i32
    %c0_i32_1 = arith.constant 0 : i32
    return %c0_i32, %c0_i32_0 : i32, i32
  }
  func.func @transform_2(%arg0: i32) -> (i32, i32) {
    %c0_i32 = arith.constant 0 : i32
    %c0_i32_0 = arith.constant 0 : i32
    return %arg0, %c0_i32 : i32, i32
  }
}

</mosaic_0001>

<sc_bundles>
// kernel: kernel.4.cloned.1.call-start
scs
__scs_entry_jumppad:
0x0: {  	(pc) =	sbr.rel $0x88, $3  }
0x1: {  	(tag) =	ssettag $0x0;
	lr =	simm.s32 $0x1  }
0x2: {  	[smem:$0x3F9C] =	sst lr;
	_ =	strace $0xD0000000  }
0x3: {  	_ = 	snop  }
0x4: {  	_ = 	snop  }
0x5: {  	_ = 	snop  }
0x6: {  	_ = 	snop  }
0x7: {  	_ = 	snop  }
__scs_overlays_trampoline_lowered:
0x8: {  	[smem:$0x3FAB] =	sst s0  }
0x9: {  	[smem:$0x3FAC] =	sst s1  }
0xa: {  	[smem:$0x3FAD] =	sst s2  }
0xb: {  	[smem:$0x3FAE] =	sst s3  }
0xc: {  	[smem:$0x3FAF] =	sst s4  }
0xd: {  	[smem:$0x3FB0] =	sst s5  }
0xe: {  	[smem:$0x3FB1] =	sst s6  }
0xf: {  	[smem:$0x3FB2] =	sst s7  }
0x10: {  	[smem:$0x3FB3] =	sst s8  }
0x11: {  	[smem:$0x3FB4] =	sst s9;
	s0 =	simm.s32 @!p0 $0x0  }
0x12: {  	s1 =	sld [smem:$0x3F9A];
	s0 =	simm.s32 @p0 $0x1  }
0x13: {  	[smem:$0x3FB5] =	sst s0;
	s0 =	simm.s32 @!p1 $0x0  }
0x14: {  	s2 =	sld [smem:$0x3F99];
	s0 =	simm.s32 @p1 $0x1  }
0x15: {  	[smem:$0x3FB6] =	sst s0;
	s0 =	simm.s32 @!p2 $0x0  }
0x16: {  	s3 =	sld [smem:$0x3FDB];
	s0 =	simm.s32 @p2 $0x1  }
0x17: {  	s4 =	simm.s32 $0x1BF5;
	[smem:$0x3FB8] =	sst s0  }
0x18: {  	s0 =	sld [smem:$0x3F9B];
	_ =	swait.ge [sflag:s4], $0x0  }
0x19: {  	s7 =	sld [smem:$0x3F9C]  }
0x1a: {  	s8 =	sadd.s32 $0xFFFFE003, lr  }
0x1b: {  	s9 =	sadd.s32 $0xFFFFFEF7, lr;
	s5 =	simm.s32 $0xFFFFFFFF;
	p2 =	slt.u32 s8, $0xFFFFF086  }
0x1c: {  	p1 =	slt.u32 s9, $0xF7A;
	s5 =	simm.s32 @!p2 $0x0  }
0x1d: {  	s5 =	simm.s32 @p1 $0x1;
	p0 =	seq.s32 s7, s2  }
0x1e: {  	s7 =	smul.u32 @!p0 $0xF7A, s2;
	p2 =	seq.s32 @!p0 s5, $0x0  }
0x1f: {  	s9 =	smul.u32 $0xF7A, s1;
	s8 =	simm.s32 @!p0 $0x1BF5;
	p2 =	por !p2, p0  }
0x20: {  	[sflag:s8] =	ssyncset.s32 @!p0 $0xFFFFF086;
	s6 =	sadd.s32 @!p0 s3, s7;
	s7 =	simm.s32 @!p0 $0x108  }
0x21: {  	s3 =	sadd.s32 s3, s9;
	s6 =	sadd.s32 @!p0 $0x88, s6;
	s7 =	simm.s32 @p2 $0x1082  }
0x22: {  	[simem:s7], [sflag:s8] =	dma.local @!p0 [hbm:s6], $0xF7A  }
0x23: {  	s9 =	sor.u32 $0xD0000000, s2;
	s6 =	simm.s32 $0x108;
	_ =	swait.ge @!p0 [sflag:s8], $0x0  }
0x24: {  	s3 =	sadd.s32 $0x88, s3;
	s6 =	simm.s32 @!p1 $0x1082;
	[sflag:s4] =	ssyncset.s32 $0xFFFFF086  }
0x25: {  	[simem:s6], [sflag:s4] =	dma.local [hbm:s3], $0xF7A  }
0x26: {  	[smem:$0x3F9C] =	sst s1;
	(tag) =	ssettag s2;
	_ =	strace s9  }
0x27: {  	s1 =	sld [smem:$0x3FAC]  }
0x28: {  	s2 =	sld [smem:$0x3FAD]  }
0x29: {  	s4 =	sld [smem:$0x3FAF]  }
0x2a: {  	p0 =	seq.s32 s5, $0x0;
	s5 =	sld [smem:$0x3FB0]  }
0x2b: {  	s6 =	sld [smem:$0x3FB1]  }
0x2c: {  	s7 =	sld [smem:$0x3FB2]  }
0x2d: {  	s3 =	simm.s32 $0x108;
	s8 =	sld [smem:$0x3FB3]  }
0x2e: {  	s3 =	simm.s32 @!p0 $0x1082;
	s9 =	sld [smem:$0x3FB4]  }
0x2f: {  	lr =	sadd.s32 s0, s3;
	s0 =	sld [smem:$0x3FAB]  }
0x30: {  	s3 =	sld [smem:$0x3FAE]  }
0x31: {  	[smem:$0x3FB7] =	sst s10  }
0x32: {  	s10 =	sld [smem:$0x3FB5];
	_ =	sdelay $0x3  }
0x33: {  	p0 =	seq.s32 s10, $0x1;
	s10 =	sld [smem:$0x3FB7];
	_ =	sdelay $0x3  }
0x34: {  	[smem:$0x3FB7] =	sst s10  }
0x35: {  	s10 =	sld [smem:$0x3FB6];
	_ =	sdelay $0x3  }
0x36: {  	p1 =	seq.s32 s10, $0x1;
	s10 =	sld [smem:$0x3FB7];
	_ =	sdelay $0x3  }
0x37: {  	[smem:$0x3FB7] =	sst s10  }
0x38: {  	s10 =	sld [smem:$0x3FB8]  }
0x39: {  	_ = 	snop;
	(pc) =	sbr.ind lr, $3  }
0x3a: {  	_ = 	snop  }
0x3b: {  	_ = 	snop  }
0x3c: {  	p2 =	seq.s32 s10, $0x1;
	s10 =	sld [smem:$0x3FB7]  }
0x3d: {  	_ =	shalt  }
0x3e: {  	_ =	shalt  }
0x3f: {  	_ =	shalt  }
0x40: {  	_ =	shalt  }
0x41: {  	_ =	shalt  }
0x42: {  	_ =	shalt  }
0x43: {  	_ =	shalt  }
0x44: {  	_ =	shalt  }
0x45: {  	_ =	shalt  }
0x46: {  	_ =	shalt  }
0x47: {  	_ =	shalt  }
0x48: {  	_ =	shalt  }
0x49: {  	_ =	shalt  }
0x4a: {  	_ =	shalt  }
0x4b: {  	_ =	shalt  }
0x4c: {  	_ =	shalt  }
0x4d: {  	_ =	shalt  }
0x4e: {  	_ =	shalt  }
0x4f: {  	_ =	shalt  }
0x50: {  	_ =	shalt  }
0x51: {  	_ =	shalt  }
0x52: {  	_ =	shalt  }
0x53: {  	_ =	shalt  }
0x54: {  	_ =	shalt  }
0x55: {  	_ =	shalt  }
0x56: {  	_ =	shalt  }
0x57: {  	_ =	shalt  }
0x58: {  	_ =	shalt  }
0x59: {  	_ =	shalt  }
0x5a: {  	_ =	shalt  }
0x5b: {  	_ =	shalt  }
0x5c: {  	_ =	shalt  }
0x5d: {  	_ =	shalt  }
0x5e: {  	_ =	shalt  }
0x5f: {  	_ =	shalt  }
0x60: {  	_ =	shalt  }
0x61: {  	_ =	shalt  }
0x62: {  	_ =	shalt  }
0x63: {  	_ =	shalt  }
0x64: {  	_ =	shalt  }
0x65: {  	_ =	shalt  }
0x66: {  	_ =	shalt  }
0x67: {  	_ =	shalt  }
0x68: {  	_ =	shalt  }
0x69: {  	_ =	shalt  }
0x6a: {  	_ =	shalt  }
0x6b: {  	_ =	shalt  }
0x6c: {  	_ =	shalt  }
0x6d: {  	_ =	shalt  }
0x6e: {  	_ =	shalt  }
0x6f: {  	_ =	shalt  }
0x70: {  	_ =	shalt  }
0x71: {  	_ =	shalt  }
0x72: {  	_ =	shalt  }
0x73: {  	_ =	shalt  }
0x74: {  	_ =	shalt  }
0x75: {  	_ =	shalt  }
0x76: {  	_ =	shalt  }
0x77: {  	_ =	shalt  }
0x78: {  	_ =	shalt  }
0x79: {  	_ =	shalt  }
0x7a: {  	_ =	shalt  }
0x7b: {  	_ =	shalt  }
0x7c: {  	_ =	shalt  }
0x7d: {  	_ =	shalt  }
0x7e: {  	_ =	shalt  }
0x7f: {  	_ =	shalt  }
0x80: {  	_ =	shalt  }
0x81: {  	_ =	shalt  }
0x82: {  	_ =	shalt  }
0x83: {  	_ =	shalt  }
0x84: {  	_ =	shalt  }
0x85: {  	_ =	shalt  }
0x86: {  	_ =	shalt  }
0x87: {  	_ =	shalt  }
.Lfunc_end0:
.L_simem_size_0:
called_computation_lowered:
.L_overlay_start_0:
0x88: {  	s2 =	sld [smem:$0x3FD9]  }
0x89: {  	s3 =	sld [smem:$0x3FFE];
	_ =	sdelay $0x1  }
0x8a: {  	s1 =	srdreg.scid  }
0x8b: {  	s0 =	sand.u32 $0x1, s1  }
0x8c: {  	s17 =	sshll.u32 s0, $0xA;
	s2 =	sadd.s32 s3, s2  }
0x8d: {  	s2 =	sadd.s32 s2, s17  }
0x8e: {  	[smem:$0x3FC3] =	sst s2  }
0x8f: {  	_ = 	snop  }
0x90: {  	s2 =	sld [smem:$0x3FD0];
	(tm) =	ssettm $0x1  }
0x91: {  	s18 =	sld [smem:$0x3FFB];
	_ =	sdelay $0x3  }
0x92: {  	_ =	strace s18  }
0x93: {  	s3 =	sld [smem:$0x3FFC];
	_ =	sdelay $0x3  }
0x94: {  	_ =	strace s3  }
0x95: {  	s3 =	sld [smem:$0x3FFD];
	_ =	sdelay $0x3  }
0x96: {  	_ =	strace s3  }
0x97: {  	_ =	strace $0x8FFFFFFF  }
0x98: {  	s19 =	sld [smem:$0x3FDB];
	_ =	sdelay $0x1  }
0x99: {  	s4 =	simm.s32 $_scs_section_size  }
0x9a: {  	s5 =	simm.s32 $_size__tile_overlayer_lowered;
	s6 =	simm.s32 $_tile_overlayer_lowered  }
0x9b: {  	s22 =	simm.s32 $0x1BFF;
	s21 =	sshll.u32 s6, $0x1;
	s3 =	sadd.s32 s4, s19  }
0x9c: {  	s7 =	simm.s32 $0x0;
	s20 =	sshll.u32 s5, $0x1;
	s5 =	sadd.s32 s21, s3  }
0x9d: {  	[timem:s7], [sflag:s22] =	dma.local [hbm:s5], s20  }
0x9e: {  	_ =	swait.ge [sflag:s22], s20  }
0x9f: {  	s4 =	ssub.s32 $0x0, s20;
	[sflag:s22] =	ssyncset.done $0x0  }
0xa0: {  	[sflag:s22] =	ssyncadd.s32 s4;
	_ =	sdelay $0x1  }
0xa1: {  	s23 =	simm.s32 $0x1B8B  }
0xa2: {  	_ =	swait.ge [sflag:s23], $0x1  }
0xa3: {  	[sflag:s23] =	ssyncset.done $0x0  }
0xa4: {  	s25 =	simm.s32 $0x1B8E;
	s24 =	sld [smem:$0x3FFE];
	[sflag:s23] =	ssyncadd.s32 $0xFFFFFFFF  }
0xa5: {  	s26 =	simm.s32 $execute0_lowered;
	[smem:$0x3FD2] =	sst s25  }
0xa6: {  	s5 =	sshll.u32 s26, $0x1;
	_ =	strace $0x80000046;
	[dreg:$0x1] =	wrdreg $0xFFFFFFFF  }
0xa7: {  	s28 =	simm.s32 $_size_execute0_lowered;
	s3 =	sadd.s32 s3, s5;
	[dreg:$0x0] =	wrdreg $0x0  }
0xa8: {  	s5 =	sshll.u32 s28, $0x1;
	[dreg:$0x2] =	wrdreg s3  }
0xa9: {  	[dreg:$0x3] =	wrdreg s5  }
0xaa: {  	[dreg:$0x4] =	wrdreg $0xC0  }
0xab: {  	_ =	task [dreg:s7], $0x5FFFF  }
0xac: {  	[dreg:$0x1] =	wrdreg $0xFFFFFFFF  }
0xad: {  	[dreg:$0x0] =	wrdreg $0x60  }
0xae: {  	[dreg:$0x2] =	wrdreg s24  }
0xaf: {  	[dreg:$0x3] =	wrdreg s2  }
0xb0: {  	[dreg:$0x4] =	wrdreg $0x9  }
0xb1: {  	_ =	task.clear_ibuf [dreg:s7], $0x5FFFF;
	_ =	strace $0x90000046  }
0xb2: {  	s29 =	simm.s32 $0x9;
	_ =	strace $0x80000048  }
0xb3: {  	_ =	swait.ge [sflag:s29], $0x1  }
0xb4: {  	[sflag:s29] =	ssyncadd.s32 $0xFFFFFFFF  }
0xb5: {  	_ =	strace $0x90000048  }
0xb6: {  	_ =	sfence  }
0xb7: {  	s30 =	sld [smem:$0x0];
	_ =	sdelay $0x2  }
0xb8: {  	s31 =	sshll.u32 s1, $0xD;
	s1 =	sshrl.u32 s1, $0x2  }
0xb9: {  	s3 =	sand.u32 $0x4000, s31;
	s1 =	sadd.s32 s1, s30  }
0xba: {  	s0 =	sor.u32 s3, s0;
	s1 =	sshll.u32 s1, $0x11  }
0xbb: {  	s0 =	sor.u32 s1, s0  }
0xbc: {  	s0 =	sadd.s32 $0x8F2B, s0  }
0xbd: {  	[sflag:s0] =	ssyncadd.remote.s32 $0x1  }
0xbe: {  	_ =	sfence.sel $0xFFFF  }
0xbf: {  	[dreg:$0x0] =	wrdreg $0xFFFFFFFF;
	(pc) =	sbr.abs _section_cstart, $3  }
0xc0: {  	[dreg:$0x1] =	wrdreg $0xFFFFFFFF  }
0xc1: {  	_ =	task.clear_ibuf [dreg:s7], $0x2FFFF;
	_ =	strace $0x9FFFFFFF  }
0xc2: {  	(tm) =	ssettm $0x7FFFFFFF  }
0xc3: {  	_ =	shalt  }
tec
execute0_lowered:
.L_overlay_start_1:
0x0: {  	(tag) =	ssettag $0x1  }
0x1: {  	s4 =	rddreg [dreg:$0x0]  }
0x2: {  	s1 =	srdreg.scid;
	s0 =	stileid.u32  }
0x3: {  	s5 =	rddreg [dreg:$0x1];
	s2 =	simm.s32 $0x0;
	s10 =	simm.s32 $0x2  }
0x4: {  	s11 =	simm.s32 $0x3;
	s12 =	simm.s32 $0x1;
	s13 =	simm.s32 $0xEB80  }
0x5: {  	s14 =	simm.s32 $0x4;
	s6 =	sand.u32 $0x1, s1;
	s3 =	sshll.u32 s0, $0x1  }
0x6: {  	s15 =	simm.s32 $0x0;
	s1 =	rddreg [dreg:$0x2];
	s3 =	sor.u32 s6, s3  }
0x7: {  	[smem:$0x7FF] =	sst s2;
	s6 =	ssub.s32 $0x2, s6;
	s7 =	smul.u32 $0x2710, s3  }
0x8: {  	_ =	strace $0x80000047;
	s3 =	sadd.s32 $0x800, s4;
	s9 =	sshrl.u32 s6, $0x1  }
0x9: {  	s31 =	ssub.s32 s6, s9;
	s9 =	simm.s32 $0xC400;
	s7 =	sshrl.u32 s7, $0x3  }
0xa: {  	s8 =	sadd.s32 s7, s4;
	s4 =	sadd.s32 s5, s7;
	s7 =	smax.u32 s31, $0x1  }
0xb: {  	s5 =	sadd.s32 $0x9C40, s4;
	s6 =	sadd.s32 $0x1C00, s8;
	s8 =	simm.s32 $0x9C80  }
.LBB2_1:
0xc: {  	[tilespmem:s2], [sflag:$0x1] =	stream.linear.gather [hbm4b:s3+s2], $0x9C80, $0x38;
	[tilespmem:$0x11300] =	vst v63  }
0xd: {  	_ = 	snop  }
0xe: {  	[tilespmem:s8], [sflag:$0x2] =	stream.linear.gather [hbm4b:s4+s2], $0x2710, $0x38;
	[tilespmem:$0x11300] =	vst v63  }
0xf: {  	_ = 	snop  }
0x10: {  	[tilespmem:s9], [sflag:$0x3] =	stream.linear.gather [hbm4b:s5+s2], $0x2710, $0x38;
	[tilespmem:$0x11300] =	vst v63  }
0x11: {  	_ =	swait.ge [sflag:s10], $0x2710  }
0x12: {  	[sflag:s10] =	ssyncset.done $0x0  }
0x13: {  	[sflag:s10] =	ssyncadd.s32 $0xFFFFD8F0  }
0x14: {  	_ =	swait.ge [sflag:s11], $0x2710  }
0x15: {  	[sflag:s11] =	ssyncset.done $0x0  }
0x16: {  	[sflag:s11] =	ssyncadd.s32 $0xFFFFD8F0  }
0x17: {  	_ =	swait.ge [sflag:s12], $0x9C80  }
0x18: {  	[sflag:s12] =	ssyncset.done $0x0  }
0x19: {  	s17 =	simm.s32 $0x9D00;
	[sflag:s12] =	ssyncadd.s32 $0xFFFF6380  }
0x1a: {  	v0 =	vld [tilespmem:s17+$0x70];
	_ =	sdelay $0x4  }
0x1b: {  	s16 =	simm.s32 $0xC480;
	v0 =	vshll.u32 v0, $0x2  }
0x1c: {  	v1 =	vld [tilespmem:s16+$0x70]  }
0x1d: {  	v2 =	vld [tilespmem:s16+$0xFFFFFF80]  }
0x1e: {  	v3 =	vld [tilespmem:s17+$0xFFFFFF90]  }
0x1f: {  	v4 =	vld [tilespmem:s16+$0xFFFFFF90]  }
0x20: {  	v8 =	vor.u32 $0x1, v0;
	v12 =	vor.u32 $0x2, v0;
	v0 =	vld.idx.msk [tilespmem:v0+s2+$0x0], $0xffff  }
0x21: {  	v5 =	vld [tilespmem:s17+$0xFFFFFFA0];
	v1 =	vshll.u32 v1, $0x2  }
0x22: {  	v6 =	vld [tilespmem:s16+$0xFFFFFFA0]  }
0x23: {  	v7 =	vld [tilespmem:s17+$0xFFFFFFB0]  }
0x24: {  	v9 =	vld [tilespmem:s16+$0xFFFFFFB0]  }
0x25: {  	v11 =	vld [tilespmem:s17+$0xFFFFFFC0];
	[tilespmem:$0x1FF10] =	vst v0  }
0x26: {  	v10 =	vor.u32 $0x1, v1;
	v0 =	vor.u32 $0x2, v1;
	v1 =	vld.idx.msk [tilespmem:v1+s2+$0x0], $0xffff;
	_ =	sdelay $0x4  }
0x27: {  	[tilespmem:$0x1FF20] =	vst v1  }
0x28: {  	v1 =	vld.idx.msk [tilespmem:v8+s2+$0x0], $0xffff;
	_ =	sdelay $0x4  }
0x29: {  	[tilespmem:$0x1FF30] =	vst v1  }
0x2a: {  	v1 =	vld.idx.msk [tilespmem:v10+s2+$0x0], $0xffff;
	_ =	sdelay $0x4  }
0x2b: {  	[tilespmem:$0x1FF40] =	vst v1  }
0x2c: {  	v1 =	vld.idx.msk [tilespmem:v12+s2+$0x0], $0xffff;
	_ =	sdelay $0x4  }
0x2d: {  	[tilespmem:$0x1FF50] =	vst v1  }
0x2e: {  	v0 =	vld.idx.msk [tilespmem:v0+s2+$0x0], $0xffff;
	_ =	sdelay $0x4  }
0x2f: {  	[tilespmem:$0x1FF60] =	vst v0  }
0x30: {  	v0 =	vld [tilespmem:s16+$0xFFFFFFC0]  }
0x31: {  	v8 =	vld [tilespmem:s17+$0xFFFFFFD0]  }
0x32: {  	v10 =	vld [tilespmem:s16+$0xFFFFFFD0]  }
0x33: {  	v12 =	vld [tilespmem:s17+$0xFFFFFFE0]  }
0x34: {  	v13 =	vld [tilespmem:s16+$0xFFFFFFE0]  }
0x35: {  	v14 =	vld [tilespmem:s17+$0xFFFFFFF0]  }
0x36: {  	v15 =	vld [tilespmem:s16+$0xFFFFFFF0]  }
0x37: {  	v16 =	vld [tilespmem:s17+$0x0]  }
0x38: {  	v35 =	vld [tilespmem:s16+$0x0]  }
0x39: {  	v36 =	vld [tilespmem:s17+$0x10]  }
0x3a: {  	v37 =	vld [tilespmem:s16+$0x10]  }
0x3b: {  	v29 =	vshll.u32 v2, $0x2;
	v38 =	vld [tilespmem:s17+$0x20]  }
0x3c: {  	v1 =	vor.u32 $0x1, v29;
	v39 =	vld [tilespmem:s16+$0x20]  }
0x3d: {  	v40 =	vld [tilespmem:s17+$0x30]  }
0x3e: {  	v41 =	vld [tilespmem:s16+$0x30]  }
0x3f: {  	v42 =	vld [tilespmem:s17+$0x40]  }
0x40: {  	v2 =	vld [tilespmem:s16+$0x40]  }
0x41: {  	v27 =	vshll.u32 v3, $0x2;
	v1 =	vld.idx.msk [tilespmem:v1+s2+$0x0], $0xffff  }
0x42: {  	v25 =	vshll.u32 v4, $0x2;
	v4 =	vor.u32 $0x1, v27;
	v3 =	vld [tilespmem:s17+$0x50]  }
0x43: {  	v43 =	vld [tilespmem:s16+$0x50]  }
0x44: {  	v44 =	vld [tilespmem:s17+$0x60]  }
0x45: {  	v45 =	vld [tilespmem:s16+$0x60]  }
0x46: {  	v24 =	vshll.u32 v7, $0x2;
	v7 =	vld [tilespmem:s17+$0xFFFFFF80];
	[tilespmem:$0x1FFA0] =	vst v1  }
0x47: {  	v1 =	vld.idx.msk [tilespmem:v4+s2+$0x0], $0xffff  }
0x48: {  	v17 =	vor.u32 $0x1, v25;
	_ =	sdelay $0x3  }
0x49: {  	[tilespmem:$0x1FF70] =	vst v1  }
0x4a: {  	v26 =	vshll.u32 v5, $0x2;
	v28 =	vshll.u32 v0, $0x2;
	v0 =	vld.idx.msk [tilespmem:v17+s2+$0x0], $0xffff  }
0x4b: {  	v5 =	vor.u32 $0x1, v26;
	_ =	sdelay $0x3  }
0x4c: {  	[tilespmem:$0x1FF80] =	vst v0  }
0x4d: {  	v23 =	vshll.u32 v6, $0x2;
	v0 =	vld.idx.msk [tilespmem:v5+s2+$0x0], $0xffff  }
0x4e: {  	v6 =	vor.u32 $0x1, v23  }
0x4f: {  	v22 =	vshll.u32 v9, $0x2;
	v9 =	vor.u32 $0x1, v24  }
0x50: {  	v19 =	vshll.u32 v11, $0x2;
	v18 =	vor.u32 $0x1, v22  }
0x51: {  	v4 =	vor.u32 $0x1, v19  }
0x52: {  	v30 =	vshll.u32 v8, $0x2;
	v8 =	vor.u32 $0x1, v28;
	[tilespmem:$0x1FF90] =	vst v0  }
0x53: {  	v21 =	vshll.u32 v10, $0x2;
	v5 =	vor.u32 $0x1, v30;
	v51 =	vld.idx.msk [tilespmem:v6+s2+$0x0], $0xffff  }
0x54: {  	v50 =	vshll.u32 v7, $0x2;
	v7 =	vor.u32 $0x1, v21;
	v52 =	vld.idx.msk [tilespmem:v9+s2+$0x0], $0xffff  }
0x55: {  	v20 =	vshll.u32 v12, $0x2;
	v6 =	vor.u32 $0x1, v50;
	v53 =	vld.idx.msk [tilespmem:v18+s2+$0x0], $0xffff  }
0x56: {  	v17 =	vshll.u32 v14, $0x2;
	v9 =	vor.u32 $0x1, v20;
	v54 =	vld.idx.msk [tilespmem:v4+s2+$0x0], $0xffff  }
0x57: {  	v18 =	vshll.u32 v13, $0x2;
	v55 =	vld.idx.msk [tilespmem:v8+s2+$0x0], $0xffff;
	v8 =	vor.u32 $0x1, v17  }
0x58: {  	v31 =	vshll.u32 v15, $0x2;
	v56 =	vld.idx.msk [tilespmem:v5+s2+$0x0], $0xffff;
	v4 =	vor.u32 $0x1, v18  }
0x59: {  	v32 =	vshll.u32 v16, $0x2;
	v16 =	vshll.u32 v35, $0x2;
	v5 =	vor.u32 $0x1, v31;
	v35 =	vld.idx.msk [tilespmem:v7+s2+$0x0], $0xffff  }
0x5a: {  	v7 =	vor.u32 $0x1, v16;
	v57 =	vld.idx.msk [tilespmem:v6+s2+$0x0], $0xffff  }
0x5b: {  	v33 =	vshll.u32 v36, $0x2;
	v6 =	vor.u32 $0x1, v32;
	v36 =	vld.idx.msk [tilespmem:v9+s2+$0x0], $0xffff  }
0x5c: {  	v46 =	vshll.u32 v37, $0x2;
	v34 =	vshll.u32 v38, $0x2;
	v37 =	vor.u32 $0x1, v33;
	v38 =	vld.idx.msk [tilespmem:v8+s2+$0x0], $0xffff  }
0x5d: {  	v58 =	vld.idx.msk [tilespmem:v4+s2+$0x0], $0xffff;
	v4 =	vor.u32 $0x1, v46  }
0x5e: {  	v59 =	vld.idx.msk [tilespmem:v5+s2+$0x0], $0xffff  }
0x5f: {  	v48 =	vshll.u32 v39, $0x2;
	v39 =	vor.u32 $0x1, v34;
	v1 =	vshll.u32 v42, $0x2;
	v61 =	vld.idx.msk [tilespmem:v7+s2+$0x0], $0xffff  }
0x60: {  	v47 =	vshll.u32 v40, $0x2;
	v44 =	vshll.u32 v44, $0x2;
	v0 =	vshll.u32 v2, $0x2;
	v40 =	vld.idx.msk [tilespmem:v6+s2+$0x0], $0xffff;
	[tilespmem:$0x1FFB0] =	vst v1  }
0x61: {  	v42 =	vor.u32 $0x1, v1;
	v2 =	vor.u32 $0x1, v0;
	v1 =	vshll.u32 v3, $0x2;
	v37 =	vld.idx.msk [tilespmem:v37+s2+$0x0], $0xffff;
	[tilespmem:$0x1FFC0] =	vst v0  }
0x62: {  	v0 =	vshll.u32 v43, $0x2;
	v43 =	vor.u32 $0x1, v1;
	v63 =	vld.idx.msk [tilespmem:v4+s2+$0x0], $0xffff;
	[tilespmem:$0x1FFD0] =	vst v1;
	v1 =	vor.u32 $0x1, v44  }
0x63: {  	v45 =	vshll.u32 v45, $0x2;
	v7 =	vld [tilespmem:$0x1FF60]  }
0x64: {  	v3 =	vor.u32 $0x1, v0;
	v39 =	vld.idx.msk [tilespmem:v39+s2+$0x0], $0xffff;
	[tilespmem:$0x1FFE0] =	vst v0;
	v0 =	vor.u32 $0x1, v45  }
0x65: {  	v8 =	vld [tilespmem:$0x1FF80]  }
0x66: {  	v60 =	vor.u32 $0x1, v48;
	v52 =	vsub.f32 v52, v53;
	v53 =	vsub.f32 v54, v55;
	v55 =	vld [tilespmem:$0x1FFA0]  }
0x67: {  	v49 =	vshll.u32 v41, $0x2;
	v41 =	vor.u32 $0x1, v47;
	v15 =	vld.idx.msk [tilespmem:v1+s2+$0x0], $0xffff  }
0x68: {  	v1 =	vld [tilespmem:$0x1FF20]  }
0x69: {  	v14 =	vld.idx.msk [tilespmem:v0+s2+$0x0], $0xffff  }
0x6a: {  	v0 =	vld [tilespmem:$0x1FF10]  }
0x6b: {  	v62 =	vor.u32 $0x1, v49;
	v60 =	vld.idx.msk [tilespmem:v60+s2+$0x0], $0xffff  }
0x6c: {  	v41 =	vld.idx.msk [tilespmem:v41+s2+$0x0], $0xffff  }
0x6d: {  	v12 =	vld.idx.msk [tilespmem:v2+s2+$0x0], $0xffff  }
0x6e: {  	v2 =	vld [tilespmem:$0x1FF40]  }
0x6f: {  	v0 =	vsub.f32 v0, v1;
	v1 =	vld [tilespmem:$0x1FF30]  }
0x70: {  	v62 =	vld.idx.msk [tilespmem:v62+s2+$0x0], $0xffff  }
0x71: {  	v42 =	vld.idx.msk [tilespmem:v42+s2+$0x0], $0xffff  }
0x72: {  	v5 =	vld.idx.msk [tilespmem:v50+s2+$0x0], $0xffff  }
0x73: {  	v4 =	vld.idx.msk [tilespmem:v29+s2+$0x0], $0xffff  }
0x74: {  	v1 =	vsub.f32 v1, v2;
	v2 =	vld [tilespmem:$0x1FF50]  }
0x75: {  	v6 =	vld.idx.msk [tilespmem:v27+s2+$0x0], $0xffff  }
0x76: {  	v11 =	vld.idx.msk [tilespmem:v26+s2+$0x0], $0xffff  }
0x77: {  	v9 =	vld.idx.msk [tilespmem:v24+s2+$0x0], $0xffff  }
0x78: {  	v55 =	vsub.f32 v57, v55;
	v10 =	vld.idx.msk [tilespmem:v19+s2+$0x0], $0xffff;
	v4 =	vsub.f32 v5, v4  }
0x79: {  	v43 =	vld.idx.msk [tilespmem:v43+s2+$0x0], $0xffff;
	v0 =	vmul.f32 v0, v0;
	v1 =	vmul.f32 v1, v1;
	v2 =	vsub.f32 v2, v7  }
0x7a: {  	v55 =	vmul.f32 v55, v55;
	v13 =	vld.idx.msk [tilespmem:v3+s2+$0x0], $0xffff;
	v4 =	vmul.f32 v4, v4  }
0x7b: {  	v3 =	vld.idx.msk [tilespmem:v25+s2+$0x0], $0xffff;
	v0 =	vadd.f32 v1, v0;
	v1 =	vmul.f32 v2, v2  }
0x7c: {  	v4 =	vadd.f32 v55, v4;
	v55 =	vld [tilespmem:$0x1FFE0]  }
0x7d: {  	v7 =	vld.idx.msk [tilespmem:v23+s2+$0x0], $0xffff;
	v0 =	vadd.f32 v1, v0  }
0x7e: {  	v2 =	vld.idx.msk [tilespmem:v22+s2+$0x0], $0xffff  }
0x7f: {  	v1 =	vld [tilespmem:$0x1FF70];
	[tilespmem:$0x1FFF0] =	vst v0  }
0x80: {  	v0 =	vld.idx.msk [tilespmem:v28+s2+$0x0], $0xffff  }
0x81: {  	v54 =	vld.idx.msk [tilespmem:v21+s2+$0x0], $0xffff  }
0x82: {  	v35 =	vsub.f32 v56, v35;
	v56 =	vld.idx.msk [tilespmem:v20+s2+$0x0], $0xffff  }
0x83: {  	v57 =	vld.idx.msk [tilespmem:v18+s2+$0x0], $0xffff  }
0x84: {  	v36 =	vsub.f32 v36, v58;
	v3 =	vsub.f32 v6, v3;
	v58 =	vld.idx.msk [tilespmem:v17+s2+$0x0], $0xffff  }
0x85: {  	v5 =	vld.idx.msk [tilespmem:v31+s2+$0x0], $0xffff  }
0x86: {  	v39 =	vsub.f32 v39, v60;
	v12 =	vsub.f32 v42, v12;
	v60 =	vmul.f32 v3, v3;
	v6 =	vld.idx.msk [tilespmem:v32+s2+$0x0], $0xffff  }
0x87: {  	v3 =	vsub.f32 v15, v14;
	v15 =	vor.u32 $0x2, v29;
	v29 =	vor.u32 $0x2, v50;
	v42 =	vld.idx.msk [tilespmem:v16+s2+$0x0], $0xffff  }
0x88: {  	v38 =	vsub.f32 v38, v59;
	v59 =	vld.idx.msk [tilespmem:v33+s2+$0x0], $0xffff  }
0x89: {  	v14 =	vld.idx.msk [tilespmem:v46+s2+$0x0], $0xffff  }
0x8a: {  	v23 =	vor.u32 $0x2, v23;
	v2 =	vsub.f32 v9, v2;
	v9 =	vld.idx.msk [tilespmem:v48+s2+$0x0], $0xffff  }
0x8b: {  	v24 =	vor.u32 $0x2, v24;
	v50 =	vmul.f32 v52, v52;
	v52 =	vld.idx.msk [tilespmem:v49+s2+$0x0], $0xffff  }
0x8c: {  	v22 =	vor.u32 $0x2, v22;
	v29 =	vld.idx.msk [tilespmem:v29+s2+$0x0], $0xffff  }
0x8d: {  	v15 =	vld.idx.msk [tilespmem:v15+s2+$0x0], $0xffff  }
0x8e: {  	v1 =	vsub.f32 v1, v8;
	v8 =	vld [tilespmem:$0x1FF90]  }
0x8f: {  	v23 =	vld.idx.msk [tilespmem:v23+s2+$0x0], $0xffff  }
0x90: {  	v35 =	vmul.f32 v35, v35;
	v24 =	vld.idx.msk [tilespmem:v24+s2+$0x0], $0xffff  }
0x91: {  	v38 =	vmul.f32 v38, v38;
	v40 =	vsub.f32 v40, v61;
	v22 =	vld.idx.msk [tilespmem:v22+s2+$0x0], $0xffff;
	v1 =	vmul.f32 v1, v1  }
0x92: {  	v36 =	vmul.f32 v36, v36;
	v7 =	vsub.f32 v11, v7;
	v0 =	vsub.f32 v10, v0;
	v10 =	vld.idx.msk [tilespmem:v47+s2+$0x0], $0xffff  }
0x93: {  	v26 =	vor.u32 $0x2, v26;
	v11 =	vadd.f32 v1, v60;
	v1 =	vld.idx.msk [tilespmem:v34+s2+$0x0], $0xffff;
	v51 =	vsub.f32 v8, v51  }
0x94: {  	v25 =	vor.u32 $0x2, v25;
	v13 =	vsub.f32 v43, v13;
	v5 =	vsub.f32 v58, v5;
	v60 =	vld [tilespmem:$0x1FFB0]  }
0x95: {  	v43 =	vmul.f32 v51, v51;
	v51 =	vmul.f32 v53, v53;
	v53 =	vsub.f32 v56, v57;
	v56 =	vld [tilespmem:$0x1FFC0]  }
0x96: {  	v37 =	vsub.f32 v37, v63;
	v40 =	vmul.f32 v40, v40;
	v12 =	vmul.f32 v12, v12;
	v8 =	vld.idx.msk [tilespmem:v30+s2+$0x0], $0xffff  }
0x97: {  	v41 =	vsub.f32 v41, v62;
	v0 =	vmul.f32 v0, v0;
	v5 =	vmul.f32 v5, v5;
	v57 =	vld [tilespmem:$0x1FFD0]  }
0x98: {  	v13 =	vmul.f32 v13, v13;
	v7 =	vmul.f32 v7, v7;
	v6 =	vsub.f32 v6, v42;
	v42 =	vld.idx.msk [tilespmem:v45+s2+$0x0], $0xffff  }
0x99: {  	v38 =	vadd.f32 v38, v5;
	v5 =	vld.idx.msk [tilespmem:v25+s2+$0x0], $0xffff;
	v51 =	vadd.f32 v51, v0;
	v0 =	vor.u32 $0x2, v27  }
0x9a: {  	v21 =	vor.u32 $0x2, v21;
	v20 =	vor.u32 $0x2, v20;
	v18 =	vor.u32 $0x2, v18;
	v27 =	vld.idx.msk [tilespmem:v55+s2+$0x0], $0xffff  }
0x9b: {  	v16 =	vor.u32 $0x2, v16;
	v2 =	vmul.f32 v2, v2;
	v1 =	vsub.f32 v1, v9;
	v9 =	vld.idx.msk [tilespmem:v26+s2+$0x0], $0xffff  }
0x9c: {  	v15 =	vsub.f32 v29, v15;
	v6 =	vmul.f32 v6, v6;
	v8 =	vsub.f32 v8, v54;
	v54 =	vld.idx.msk [tilespmem:v60+s2+$0x0], $0xffff  }
0x9d: {  	v2 =	vadd.f32 v50, v2;
	v14 =	vsub.f32 v59, v14;
	v59 =	vor.u32 $0x2, v30;
	v61 =	vld.idx.msk [tilespmem:v56+s2+$0x0], $0xffff  }
0x9e: {  	v15 =	vmul.f32 v15, v15;
	v40 =	vadd.f32 v40, v6;
	v6 =	vor.u32 $0x2, v28;
	v50 =	vld.idx.msk [tilespmem:v0+s2+$0x0], $0xffff  }
0x9f: {  	v28 =	vmul.f32 v41, v41;
	v10 =	vsub.f32 v10, v52;
	v8 =	vmul.f32 v8, v8;
	v63 =	vld.idx.msk [tilespmem:v57+s2+$0x0], $0xffff  }
0xa0: {  	v21 =	vld.idx.msk [tilespmem:v21+s2+$0x0], $0xffff;
	v7 =	vadd.f32 v43, v7;
	v62 =	vmul.f32 v53, v53;
	v43 =	vor.u32 $0x2, v33  }
0xa1: {  	v20 =	vld.idx.msk [tilespmem:v20+s2+$0x0], $0xffff;
	v4 =	vadd.f32 v15, v4;
	v8 =	vadd.f32 v35, v8;
	v0 =	vor.u32 $0x2, v19  }
0xa2: {  	v10 =	vmul.f32 v10, v10;
	v35 =	vadd.f32 v36, v62;
	v36 =	vld.idx.msk [tilespmem:v44+s2+$0x0], $0xffff;
	v58 =	vsub.f32 v54, v61  }
0xa3: {  	v18 =	vld.idx.msk [tilespmem:v18+s2+$0x0], $0xffff;
	v1 =	vmul.f32 v1, v1;
	v9 =	vsub.f32 v9, v23;
	v61 =	vmul.f32 v39, v39  }
0xa4: {  	v6 =	vld.idx.msk [tilespmem:v6+s2+$0x0], $0xffff;
	v5 =	vsub.f32 v50, v5;
	v63 =	vsub.f32 v63, v27;
	v19 =	vmul.f32 v58, v58  }
0xa5: {  	v23 =	vld.idx.msk [tilespmem:v43+s2+$0x0], $0xffff;
	v30 =	vadd.f32 v61, v1;
	v1 =	vadd.f32 v28, v10;
	v10 =	vor.u32 $0x2, v17  }
0xa6: {  	v62 =	vld.idx.msk [tilespmem:v0+s2+$0x0], $0xffff;
	v17 =	vmul.f32 v63, v63;
	v0 =	vadd.f32 v12, v19;
	v12 =	vor.u32 $0x2, v31  }
0xa7: {  	v41 =	vsub.f32 v36, v42;
	v42 =	vor.u32 $0x2, v32;
	v39 =	vld.idx.msk [tilespmem:v59+s2+$0x0], $0xffff;
	v5 =	vmul.f32 v5, v5  }
0xa8: {  	v15 =	vsub.f32 v24, v22;
	v54 =	vld [tilespmem:$0x1FFF0];
	v29 =	vadd.f32 v13, v17;
	v13 =	vor.u32 $0x2, v46  }
0xa9: {  	v53 =	vor.u32 $0x2, v49;
	v9 =	vmul.f32 v9, v9;
	v5 =	vadd.f32 v5, v11;
	v11 =	vld.idx.msk [tilespmem:v16+s2+$0x0], $0xffff  }
0xaa: {  	v37 =	vmul.f32 v37, v37;
	v15 =	vmul.f32 v15, v15;
	v50 =	vor.u32 $0x2, v48;
	v10 =	vld.idx.msk [tilespmem:v10+s2+$0x0], $0xffff  }
0xab: {  	s17 =	simm.s32 $0xEC00;
	v7 =	vadd.f32 v9, v7;
	v46 =	vor.u32 $0x2, v34;
	v6 =	vsub.f32 v62, v6;
	v12 =	vld.idx.msk [tilespmem:v12+s2+$0x0], $0xffff  }
0xac: {  	v14 =	vmul.f32 v14, v14;
	v2 =	vadd.f32 v15, v2;
	[tilespmem:s17+$0xFFFFFF80] =	vst v4;
	v58 =	vor.u32 $0x2, v60;
	v52 =	vld.idx.msk [tilespmem:v42+s2+$0x0], $0xffff  }
0xad: {  	v9 =	vor.u32 $0x2, v47;
	[tilespmem:s17+$0xFFFFFFA0] =	vst v7;
	v19 =	vsub.f32 v39, v21;
	v6 =	vmul.f32 v6, v6;
	v13 =	vld.idx.msk [tilespmem:v13+s2+$0x0], $0xffff  }
0xae: {  	v14 =	vadd.f32 v37, v14;
	v18 =	vsub.f32 v20, v18;
	v59 =	vor.u32 $0x2, v57;
	[tilespmem:s17+$0xFFFFFFB0] =	vst v2;
	v16 =	vld.idx.msk [tilespmem:v53+s2+$0x0], $0xffff  }
0xaf: {  	v4 =	vor.u32 $0x2, v56;
	v60 =	vld.idx.msk [tilespmem:v50+s2+$0x0], $0xffff;
	[tilespmem:s17+$0xFFFFFF90] =	vst v5;
	v5 =	vmul.f32 v19, v19;
	v6 =	vadd.f32 v6, v51  }
0xb0: {  	v18 =	vmul.f32 v18, v18;
	[tilespmem:s17+$0x70] =	vst v54;
	v15 =	vld.idx.msk [tilespmem:v46+s2+$0x0], $0xffff;
	v7 =	vsub.f32 v10, v12;
	v10 =	vor.u32 $0x2, v55  }
0xb1: {  	v61 =	vor.u32 $0x2, v44;
	v62 =	vor.u32 $0x2, v45;
	v2 =	vld.idx.msk [tilespmem:v58+s2+$0x0], $0xffff;
	v5 =	vadd.f32 v5, v8;
	[tilespmem:s17+$0xFFFFFFC0] =	vst v6  }
0xb2: {  	v6 =	vsub.f32 v52, v11;
	v12 =	vld.idx.msk [tilespmem:v9+s2+$0x0], $0xffff;
	v9 =	vsub.f32 v23, v13;
	v7 =	vmul.f32 v7, v7  }
0xb3: {  	v8 =	vadd.f32 v18, v35;
	v11 =	vmul.f32 v3, v3;
	v3 =	vld.idx.msk [tilespmem:v59+s2+$0x0], $0xffff;
	[tilespmem:s17+$0xFFFFFFD0] =	vst v5  }
0xb4: {  	v5 =	vld.idx.msk [tilespmem:v4+s2+$0x0], $0xffff;
	v13 =	vmul.f32 v6, v6;
	v63 =	vmul.f32 v9, v9;
	v4 =	vadd.f32 v7, v38  }
0xb5: {  	[tilespmem:s17+$0xFFFFFFE0] =	vst v8;
	v15 =	vsub.f32 v15, v60;
	v7 =	vmul.f32 v41, v41;
	v6 =	vld.idx.msk [tilespmem:v10+s2+$0x0], $0xffff  }
0xb6: {  	v9 =	vadd.f32 v13, v40;
	v10 =	vadd.f32 v63, v14;
	[tilespmem:s17+$0xFFFFFFF0] =	vst v4;
	v4 =	vld.idx.msk [tilespmem:v61+s2+$0x0], $0xffff  }
0xb7: {  	s18 =	simm.s32 $0x0;
	s19 =	simm.s32 $0x9E00;
	v12 =	vsub.f32 v12, v16;
	v8 =	vadd.f32 v11, v7;
	v11 =	vmul.f32 v15, v15;
	v7 =	vld.idx.msk [tilespmem:v62+s2+$0x0], $0xffff  }
.LBB2_2:
0xb8: {  	v13 =	vld [tilespmem:s19+$0x70]  }
0xb9: {  	v18 =	vld [tilespmem:s19+$0xFFFFFFD0]  }
0xba: {  	s16 =	sadd.s32 $0x100, s16;
	v22 =	vld [tilespmem:s19+$0xFFFFFF80]  }
0xbb: {  	[tilespmem:s17+$0x0] =	vst v9;
	v9 =	vld [tilespmem:s16+$0x70]  }
0xbc: {  	[tilespmem:s17+$0x10] =	vst v10;
	v10 =	vadd.f32 v11, v30;
	v11 =	vmul.f32 v12, v12;
	v12 =	vld [tilespmem:s19+$0xFFFFFF90]  }
0xbd: {  	v17 =	vld [tilespmem:s16+$0xFFFFFFC0]  }
0xbe: {  	v54 =	vld [tilespmem:s19+$0x0]  }
0xbf: {  	[tilespmem:s17+$0x20] =	vst v10;
	v10 =	vld [tilespmem:s19+$0xFFFFFFA0]  }
0xc0: {  	v1 =	vadd.f32 v11, v1;
	v2 =	vsub.f32 v2, v5;
	v5 =	vld [tilespmem:s16+$0xFFFFFF80]  }
0xc1: {  	v3 =	vsub.f32 v3, v6;
	v6 =	vld [tilespmem:s16+$0xFFFFFF90]  }
0xc2: {  	[tilespmem:s17+$0x30] =	vst v1;
	v1 =	vsub.f32 v4, v7;
	v7 =	vld [tilespmem:s16+$0xFFFFFFB0]  }
0xc3: {  	v11 =	vshll.u32 v13, $0x2;
	v13 =	vmul.f32 v3, v3;
	v3 =	vld [tilespmem:s16+$0xFFFFFFA0]  }
0xc4: {  	v2 =	vmul.f32 v2, v2;
	v56 =	vld [tilespmem:s19+$0x30]  }
0xc5: {  	v58 =	vld [tilespmem:s16+$0x30]  }
0xc6: {  	v4 =	vshll.u32 v9, $0x2;
	v9 =	vmul.f32 v1, v1;
	v0 =	vadd.f32 v2, v0;
	v2 =	vld [tilespmem:s19+$0xFFFFFFB0]  }
0xc7: {  	v14 =	vor.u32 $0x2, v11;
	v32 =	vshll.u32 v6, $0x2;
	v6 =	vld [tilespmem:s19+$0xFFFFFFC0]  }
0xc8: {  	v13 =	vadd.f32 v13, v29;
	v15 =	vshll.u32 v5, $0x2;
	v8 =	vadd.f32 v9, v8;
	v9 =	vld [tilespmem:s16+$0xFFFFFFD0]  }
0xc9: {  	v33 =	vshll.u32 v10, $0x2;
	[tilespmem:$0x1FD60] =	vst v15;
	v10 =	vld.idx.msk [tilespmem:v11+s2+$0x0], $0xffff  }
0xca: {  	[tilespmem:s17+$0x50] =	vst v13;
	v13 =	vld [tilespmem:s19+$0xFFFFFFE0]  }
0xcb: {  	v55 =	vor.u32 $0x1, v15;
	[tilespmem:s17+$0x40] =	vst v0;
	v0 =	vor.u32 $0x2, v15;
	v15 =	vld.idx.msk [tilespmem:v4+s2+$0x0], $0xffff  }
0xcc: {  	v14 =	vld.idx.msk [tilespmem:v14+s2+$0x0], $0xffff  }
0xcd: {  	v59 =	vshll.u32 v12, $0x2;
	v12 =	vor.u32 $0x1, v4;
	[tilespmem:s17+$0x60] =	vst v8;
	v8 =	vld [tilespmem:s16+$0xFFFFFFE0]  }
0xce: {  	v38 =	vshll.u32 v18, $0x2;
	v18 =	vld [tilespmem:s19+$0x40]  }
0xcf: {  	v23 =	vld [tilespmem:s16+$0x40]  }
0xd0: {  	v5 =	vor.u32 $0x1, v11;
	v26 =	vld [tilespmem:s19+$0x50]  }
0xd1: {  	v45 =	vshll.u32 v54, $0x2;
	v54 =	vld [tilespmem:s16+$0x50]  }
0xd2: {  	v11 =	vor.u32 $0x2, v4;
	v12 =	vld.idx.msk [tilespmem:v12+s2+$0x0], $0xffff  }
0xd3: {  	v51 =	vshll.u32 v56, $0x2;
	v56 =	vld [tilespmem:s19+$0x60]  }
0xd4: {  	v57 =	vor.u32 $0x1, v32;
	v50 =	vshll.u32 v58, $0x2;
	v58 =	vld [tilespmem:s16+$0x60]  }
0xd5: {  	v16 =	vld.idx.msk [tilespmem:v5+s2+$0x0], $0xffff  }
0xd6: {  	v1 =	vor.u32 $0x1, v59;
	v35 =	vshll.u32 v2, $0x2;
	v2 =	vor.u32 $0x2, v32;
	v32 =	vld.idx.msk [tilespmem:v32+s2+$0x0], $0xffff  }
0xd7: {  	[tilespmem:$0x1FD70] =	vst v0;
	v34 =	vshll.u32 v3, $0x2;
	v0 =	vor.u32 $0x1, v33;
	v3 =	vor.u32 $0x2, v59;
	v11 =	vld.idx.msk [tilespmem:v11+s2+$0x0], $0xffff  }
0xd8: {  	[tilespmem:$0x1FD80] =	vst v3;
	v3 =	vor.u32 $0x1, v34;
	v41 =	vshll.u32 v13, $0x2;
	v13 =	vld [tilespmem:s16+$0x10]  }
0xd9: {  	v39 =	vshll.u32 v17, $0x2;
	v17 =	vor.u32 $0x1, v50;
	v5 =	vld.idx.msk [tilespmem:v57+s2+$0x0], $0xffff  }
0xda: {  	v61 =	vor.u32 $0x1, v38;
	v10 =	vsub.f32 v10, v15;
	v15 =	vld [tilespmem:s19+$0xFFFFFFF0]  }
0xdb: {  	v36 =	vshll.u32 v7, $0x2;
	[tilespmem:$0x1FD90] =	vst v2;
	v2 =	vor.u32 $0x1, v35;
	v40 =	vshll.u32 v8, $0x2;
	v8 =	vld.idx.msk [tilespmem:v1+s2+$0x0], $0xffff  }
0xdc: {  	v37 =	vshll.u32 v6, $0x2;
	v6 =	vshll.u32 v22, $0x2;
	[tilespmem:$0x1FD30] =	vst v2;
	v2 =	vor.u32 $0x2, v33;
	v7 =	vld.idx.msk [tilespmem:v0+s2+$0x0], $0xffff  }
0xdd: {  	[tilespmem:$0x1FDA0] =	vst v2;
	v2 =	vor.u32 $0x1, v36;
	v4 =	vld.idx.msk [tilespmem:v3+s2+$0x0], $0xffff  }
0xde: {  	v0 =	vor.u32 $0x2, v50;
	[tilespmem:$0x1FD40] =	vst v2;
	v57 =	vshll.u32 v56, $0x2;
	v56 =	vshll.u32 v58, $0x2;
	v17 =	vld.idx.msk [tilespmem:v17+s2+$0x0], $0xffff  }
0xdf: {  	v53 =	vshll.u32 v23, $0x2;
	v2 =	vor.u32 $0x2, v34;
	[tilespmem:$0x1FED0] =	vst v0;
	v34 =	vld.idx.msk [tilespmem:v34+s2+$0x0], $0xffff;
	v23 =	vor.u32 $0x2, v56  }
0xe0: {  	v60 =	vor.u32 $0x1, v39;
	[tilespmem:$0x1FF00] =	vst v23;
	v23 =	vld.idx.msk [tilespmem:v61+s2+$0x0], $0xffff  }
0xe1: {  	v0 =	vor.u32 $0x1, v6;
	v58 =	vor.u32 $0x2, v6;
	[tilespmem:$0x1FDB0] =	vst v2;
	v2 =	vor.u32 $0x2, v35;
	v6 =	vld.idx.msk [tilespmem:v6+s2+$0x0], $0xffff  }
0xe2: {  	v29 =	vshll.u32 v9, $0x2;
	[tilespmem:$0x1FDC0] =	vst v2;
	v2 =	vor.u32 $0x1, v37;
	v11 =	vsub.f32 v14, v11;
	v14 =	vld [tilespmem:s16+$0xFFFFFFF0]  }
0xe3: {  	v62 =	vor.u32 $0x1, v29;
	[tilespmem:$0x1FD50] =	vst v2;
	v2 =	vor.u32 $0x2, v36;
	v36 =	vld.idx.msk [tilespmem:v36+s2+$0x0], $0xffff  }
0xe4: {  	v42 =	vshll.u32 v15, $0x2;
	v15 =	vld [tilespmem:s16+$0x20]  }
0xe5: {  	v31 =	vor.u32 $0x1, v40;
	v12 =	vsub.f32 v16, v12;
	v5 =	vsub.f32 v8, v5;
	v8 =	vld.idx.msk [tilespmem:v60+s2+$0x0], $0xffff  }
0xe6: {  	[tilespmem:$0x1FDD0] =	vst v2;
	v2 =	vor.u32 $0x2, v37;
	v37 =	vld.idx.msk [tilespmem:v37+s2+$0x0], $0xffff  }
0xe7: {  	v10 =	vmul.f32 v10, v10;
	v12 =	vmul.f32 v12, v12;
	v0 =	vld.idx.msk [tilespmem:v0+s2+$0x0], $0xffff  }
0xe8: {  	v16 =	vor.u32 $0x1, v51;
	v4 =	vsub.f32 v7, v4;
	v7 =	vld.idx.msk [tilespmem:v62+s2+$0x0], $0xffff  }
0xe9: {  	v9 =	vadd.f32 v12, v10;
	v10 =	vmul.f32 v11, v11;
	v11 =	vld [tilespmem:s16+$0x0]  }
0xea: {  	v31 =	vld.idx.msk [tilespmem:v31+s2+$0x0], $0xffff  }
0xeb: {  	v46 =	vshll.u32 v13, $0x2;
	[tilespmem:$0x1FDE0] =	vst v2;
	v2 =	vor.u32 $0x2, v39;
	v39 =	vld.idx.msk [tilespmem:v39+s2+$0x0], $0xffff  }
0xec: {  	v24 =	vor.u32 $0x1, v46;
	v12 =	vld [tilespmem:s19+$0x10];
	[tilespmem:$0x1FDF0] =	vst v2;
	v2 =	vor.u32 $0x2, v38;
	v9 =	vadd.f32 v10, v9  }
0xed: {  	s17 =	sadd.s32 $0x100, s17;
	[tilespmem:$0x1FE00] =	vst v2;
	v16 =	vld.idx.msk [tilespmem:v16+s2+$0x0], $0xffff  }
0xee: {  	v27 =	vor.u32 $0x1, v45;
	v2 =	vor.u32 $0x2, v29;
	[tilespmem:s17+$0x70] =	vst v9;
	v9 =	vld.idx.msk [tilespmem:v55+s2+$0x0], $0xffff;
	v44 =	vshll.u32 v11, $0x2  }
0xef: {  	v43 =	vshll.u32 v14, $0x2;
	v14 =	vld [tilespmem:s19+$0x20];
	[tilespmem:$0x1FE10] =	vst v2;
	v2 =	vor.u32 $0x2, v41;
	v25 =	vor.u32 $0x1, v44  }
0xf0: {  	v63 =	vor.u32 $0x1, v41;
	v41 =	vld.idx.msk [tilespmem:v41+s2+$0x0], $0xffff;
	[tilespmem:$0x1FE20] =	vst v2;
	v2 =	vor.u32 $0x2, v40  }
0xf1: {  	v52 =	vshll.u32 v18, $0x2;
	v48 =	vshll.u32 v15, $0x2;
	v24 =	vld.idx.msk [tilespmem:v24+s2+$0x0], $0xffff;
	[tilespmem:$0x1FE30] =	vst v2;
	v2 =	vor.u32 $0x2, v42  }
0xf2: {  	v30 =	vor.u32 $0x1, v42;
	v10 =	vor.u32 $0x1, v56;
	v1 =	vor.u32 $0x2, v48;
	v42 =	vld.idx.msk [tilespmem:v42+s2+$0x0], $0xffff;
	[tilespmem:$0x1FE40] =	vst v2  }
0xf3: {  	v15 =	vor.u32 $0x1, v52;
	v2 =	vor.u32 $0x2, v43;
	[tilespmem:$0x1FEB0] =	vst v1;
	v0 =	vsub.f32 v0, v9;
	v9 =	vld.idx.msk [tilespmem:v27+s2+$0x0], $0xffff  }
0xf4: {  	v55 =	vshll.u32 v26, $0x2;
	v1 =	vor.u32 $0x2, v51;
	[tilespmem:$0x1FE50] =	vst v2;
	v25 =	vld.idx.msk [tilespmem:v25+s2+$0x0], $0xffff  }
0xf5: {  	v47 =	vshll.u32 v12, $0x2;
	v13 =	vor.u32 $0x1, v55;
	v2 =	vor.u32 $0x2, v45;
	[tilespmem:$0x1FEC0] =	vst v1;
	v1 =	vld [tilespmem:$0x1FD30]  }
0xf6: {  	v45 =	vld.idx.msk [tilespmem:v45+s2+$0x0], $0xffff;
	v49 =	vshll.u32 v14, $0x2;
	[tilespmem:$0x1FE60] =	vst v2;
	v2 =	vor.u32 $0x2, v44;
	v14 =	vor.u32 $0x1, v53  }
0xf7: {  	v10 =	vld.idx.msk [tilespmem:v10+s2+$0x0], $0xffff;
	[tilespmem:$0x1FE70] =	vst v2;
	v2 =	vor.u32 $0x2, v47  }
0xf8: {  	v15 =	vld.idx.msk [tilespmem:v15+s2+$0x0], $0xffff;
	[tilespmem:$0x1FE80] =	vst v2;
	v2 =	vor.u32 $0x2, v46  }
0xf9: {  	v54 =	vshll.u32 v54, $0x2;
	[tilespmem:$0x1FE90] =	vst v2;
	v2 =	vor.u32 $0x2, v49;
	v9 =	vsub.f32 v9, v25;
	v25 =	vld [tilespmem:$0x1FD60]  }
0xfa: {  	v12 =	vor.u32 $0x1, v54;
	v13 =	vld.idx.msk [tilespmem:v13+s2+$0x0], $0xffff;
	[tilespmem:$0x1FEA0] =	vst v2;
	v2 =	vor.u32 $0x2, v54  }
0xfb: {  	[tilespmem:$0x1FEE0] =	vst v2;
	v2 =	vor.u32 $0x2, v57;
	v14 =	vld.idx.msk [tilespmem:v14+s2+$0x0], $0xffff  }
0xfc: {  	[tilespmem:$0x1FEF0] =	vst v2;
	v2 =	vld [tilespmem:$0x1FD50]  }
0xfd: {  	v11 =	vor.u32 $0x1, v57;
	v3 =	vld.idx.msk [tilespmem:v1+s2+$0x0], $0xffff  }
0xfe: {  	v1 =	vld [tilespmem:$0x1FD40]  }
0xff: {  	v12 =	vld.idx.msk [tilespmem:v12+s2+$0x0], $0xffff  }
0x100: {  	v28 =	vor.u32 $0x1, v43;
	v43 =	vld.idx.msk [tilespmem:v43+s2+$0x0], $0xffff  }
0x101: {  	v16 =	vsub.f32 v16, v17;
	v17 =	vld.idx.msk [tilespmem:v25+s2+$0x0], $0xffff  }
0x102: {  	v11 =	vld.idx.msk [tilespmem:v11+s2+$0x0], $0xffff  }
0x103: {  	v14 =	vsub.f32 v15, v14;
	v15 =	vld.idx.msk [tilespmem:v59+s2+$0x0], $0xffff  }
0x104: {  	v12 =	vsub.f32 v13, v12;
	v13 =	vld.idx.msk [tilespmem:v33+s2+$0x0], $0xffff  }
0x105: {  	v2 =	vld.idx.msk [tilespmem:v2+s2+$0x0], $0xffff  }
0x106: {  	v1 =	vld.idx.msk [tilespmem:v1+s2+$0x0], $0xffff;
	v6 =	vsub.f32 v6, v17  }
0x107: {  	v5 =	vmul.f32 v5, v5;
	v10 =	vsub.f32 v11, v10;
	v11 =	vld.idx.msk [tilespmem:v35+s2+$0x0], $0xffff  }
0x108: {  	v28 =	vld.idx.msk [tilespmem:v28+s2+$0x0], $0xffff;
	v0 =	vmul.f32 v0, v0;
	v15 =	vsub.f32 v15, v32;
	v6 =	vmul.f32 v6, v6  }
0x109: {  	v20 =	vor.u32 $0x1, v48;
	v21 =	vor.u32 $0x1, v47;
	v27 =	vld.idx.msk [tilespmem:v38+s2+$0x0], $0xffff;
	v13 =	vsub.f32 v13, v34  }
0x10a: {  	v2 =	vsub.f32 v2, v8;
	v8 =	vld.idx.msk [tilespmem:v30+s2+$0x0], $0xffff;
	v6 =	vadd.f32 v0, v6;
	v0 =	vmul.f32 v15, v15  }
0x10b: {  	v4 =	vmul.f32 v4, v4;
	v19 =	vor.u32 $0x1, v49;
	v1 =	vsub.f32 v3, v1;
	v15 =	vld.idx.msk [tilespmem:v29+s2+$0x0], $0xffff  }
0x10c: {  	v11 =	vsub.f32 v11, v36;
	v3 =	vld.idx.msk [tilespmem:v63+s2+$0x0], $0xffff;
	v5 =	vadd.f32 v5, v0;
	v0 =	vmul.f32 v13, v13  }
0x10d: {  	v1 =	vmul.f32 v1, v1;
	v13 =	vld.idx.msk [tilespmem:v40+s2+$0x0], $0xffff  }
0x10e: {  	v20 =	vld.idx.msk [tilespmem:v20+s2+$0x0], $0xffff;
	v4 =	vadd.f32 v4, v0;
	v0 =	vmul.f32 v11, v11;
	v11 =	vsub.f32 v37, v39  }
0x10f: {  	v7 =	vsub.f32 v23, v7;
	v21 =	vld.idx.msk [tilespmem:v21+s2+$0x0], $0xffff;
	v2 =	vmul.f32 v2, v2;
	v8 =	vsub.f32 v8, v28  }
0x110: {  	v19 =	vld.idx.msk [tilespmem:v19+s2+$0x0], $0xffff;
	v28 =	vadd.f32 v1, v0;
	v0 =	vmul.f32 v11, v11;
	v1 =	vsub.f32 v27, v15  }
0x111: {  	v7 =	vmul.f32 v7, v7;
	v3 =	vsub.f32 v3, v31;
	v11 =	vld.idx.msk [tilespmem:v44+s2+$0x0], $0xffff  }
0x112: {  	v15 =	vld.idx.msk [tilespmem:v47+s2+$0x0], $0xffff;
	v2 =	vadd.f32 v2, v0;
	v0 =	vmul.f32 v1, v1;
	v1 =	vsub.f32 v41, v13  }
0x113: {  	v3 =	vmul.f32 v3, v3;
	v13 =	vld.idx.msk [tilespmem:v46+s2+$0x0], $0xffff  }
0x114: {  	v47 =	vld.idx.msk [tilespmem:v49+s2+$0x0], $0xffff;
	v7 =	vadd.f32 v7, v0;
	v0 =	vmul.f32 v1, v1;
	v1 =	vsub.f32 v42, v43  }
0x115: {  	v8 =	vmul.f32 v8, v8;
	v49 =	vld.idx.msk [tilespmem:v48+s2+$0x0], $0xffff  }
0x116: {  	v51 =	vld.idx.msk [tilespmem:v51+s2+$0x0], $0xffff;
	v3 =	vadd.f32 v3, v0;
	v0 =	vmul.f32 v1, v1;
	v1 =	vsub.f32 v45, v11  }
0x117: {  	v21 =	vsub.f32 v21, v24;
	v9 =	vmul.f32 v9, v9;
	v11 =	vld.idx.msk [tilespmem:v50+s2+$0x0], $0xffff  }
0x118: {  	v27 =	vadd.f32 v8, v0;
	v0 =	vmul.f32 v1, v1;
	v1 =	vsub.f32 v15, v13  }
0x119: {  	v21 =	vmul.f32 v21, v21;
	v19 =	vsub.f32 v19, v20  }
0x11a: {  	v9 =	vadd.f32 v9, v0;
	v0 =	vmul.f32 v1, v1;
	v1 =	vsub.f32 v47, v49  }
0x11b: {  	v19 =	vmul.f32 v19, v19  }
0x11c: {  	v21 =	vadd.f32 v21, v0;
	v0 =	vmul.f32 v1, v1;
	v1 =	vsub.f32 v51, v11;
	_ =	sdelay $0x1  }
0x11d: {  	v30 =	vadd.f32 v19, v0;
	v0 =	vmul.f32 v1, v1;
	v1 =	vld [tilespmem:$0x1FD80];
	_ =	sdelay $0x5  }
0x11e: {  	v15 =	vld.idx.msk [tilespmem:v54+s2+$0x0], $0xffff  }
0x11f: {  	v54 =	vld.idx.msk [tilespmem:v57+s2+$0x0], $0xffff  }
0x120: {  	v57 =	vld.idx.msk [tilespmem:v1+s2+$0x0], $0xffff  }
0x121: {  	v1 =	vld [tilespmem:$0x1FD90]  }
0x122: {  	v26 =	vor.u32 $0x2, v52;
	v52 =	vld.idx.msk [tilespmem:v52+s2+$0x0], $0xffff  }
0x123: {  	v8 =	vld.idx.msk [tilespmem:v53+s2+$0x0], $0xffff;
	_ =	sdelay $0x1  }
0x124: {  	v13 =	vld.idx.msk [tilespmem:v55+s2+$0x0], $0xffff  }
0x125: {  	v11 =	vld.idx.msk [tilespmem:v56+s2+$0x0], $0xffff  }
0x126: {  	v56 =	vld [tilespmem:$0x1FD70]  }
0x127: {  	v22 =	vor.u32 $0x2, v55;
	v16 =	vmul.f32 v16, v16;
	v55 =	vld.idx.msk [tilespmem:v58+s2+$0x0], $0xffff;
	v8 =	vsub.f32 v52, v8  }
0x128: {  	v58 =	vld.idx.msk [tilespmem:v1+s2+$0x0], $0xffff  }
0x129: {  	v1 =	vadd.f32 v16, v0;
	v0 =	vmul.f32 v8, v8;
	v8 =	vsub.f32 v13, v15;
	v13 =	vld [tilespmem:$0x1FDA0]  }
0x12a: {  	v14 =	vmul.f32 v14, v14;
	v15 =	vld [tilespmem:$0x1FDB0]  }
0x12b: {  	v60 =	vld [tilespmem:$0x1FDD0]  }
0x12c: {  	v0 =	vadd.f32 v14, v0;
	v14 =	vld [tilespmem:$0x1FDC0];
	_ =	sdelay $0x1  }
0x12d: {  	v24 =	vld.idx.msk [tilespmem:v56+s2+$0x0], $0xffff;
	_ =	sdelay $0x1  }
0x12e: {  	v62 =	vld [tilespmem:$0x1FDF0]  }
0x12f: {  	v13 =	vld.idx.msk [tilespmem:v13+s2+$0x0], $0xffff  }
0x130: {  	v12 =	vmul.f32 v12, v12;
	v8 =	vmul.f32 v8, v8;
	v15 =	vld.idx.msk [tilespmem:v15+s2+$0x0], $0xffff  }
0x131: {  	v17 =	vld.idx.msk [tilespmem:v60+s2+$0x0], $0xffff;
	v11 =	vsub.f32 v54, v11;
	v59 =	vsub.f32 v55, v24  }
0x132: {  	v29 =	vadd.f32 v12, v8;
	v14 =	vld.idx.msk [tilespmem:v14+s2+$0x0], $0xffff  }
0x133: {  	v8 =	vmul.f32 v11, v11;
	v11 =	vld [tilespmem:$0x1FDE0];
	v12 =	vmul.f32 v59, v59;
	v61 =	vsub.f32 v57, v58;
	_ =	sdelay $0x1  }
0x134: {  	v6 =	vadd.f32 v12, v6;
	v12 =	vmul.f32 v61, v61;
	v13 =	vsub.f32 v13, v15  }
0x135: {  	v63 =	vld [tilespmem:$0x1FE20]  }
0x136: {  	v5 =	vadd.f32 v12, v5;
	v12 =	vmul.f32 v13, v13;
	v13 =	vsub.f32 v14, v17;
	v14 =	vld [tilespmem:$0x1FE30]  }
0x137: {  	v10 =	vmul.f32 v10, v10  }
0x138: {  	v19 =	vld.idx.msk [tilespmem:v62+s2+$0x0], $0xffff  }
0x139: {  	v8 =	vadd.f32 v10, v8;
	v10 =	vld [tilespmem:$0x1FE00]  }
0x13a: {  	v11 =	vld.idx.msk [tilespmem:v11+s2+$0x0], $0xffff;
	_ =	sdelay $0x1  }
0x13b: {  	v15 =	vld [tilespmem:$0x1FE10]  }
0x13c: {  	v16 =	vld.idx.msk [tilespmem:v63+s2+$0x0], $0xffff  }
0x13d: {  	v14 =	vld.idx.msk [tilespmem:v14+s2+$0x0], $0xffff  }
0x13e: {  	v11 =	vsub.f32 v11, v19  }
0x13f: {  	[tilespmem:s17+$0xFFFFFF80] =	vst v6;
	v6 =	vld [tilespmem:$0x1FE40];
	v4 =	vadd.f32 v12, v4  }
0x140: {  	v10 =	vld.idx.msk [tilespmem:v10+s2+$0x0], $0xffff;
	v11 =	vmul.f32 v11, v11  }
0x141: {  	[tilespmem:s17+$0xFFFFFFA0] =	vst v4;
	v4 =	vld [tilespmem:$0x1FE80]  }
0x142: {  	v2 =	vadd.f32 v11, v2;
	v11 =	vsub.f32 v16, v14;
	v14 =	vld [tilespmem:$0x1FE90]  }
0x143: {  	v15 =	vld.idx.msk [tilespmem:v15+s2+$0x0], $0xffff;
	_ =	sdelay $0x1  }
0x144: {  	v12 =	vmul.f32 v13, v13;
	v13 =	vld [tilespmem:$0x1FE50]  }
0x145: {  	[tilespmem:s17+$0xFFFFFF90] =	vst v5;
	v5 =	vld [tilespmem:$0x1FE60];
	_ =	sdelay $0x1  }
0x146: {  	v10 =	vsub.f32 v10, v15;
	v15 =	vld [tilespmem:$0x1FE70]  }
0x147: {  	v4 =	vld.idx.msk [tilespmem:v4+s2+$0x0], $0xffff  }
0x148: {  	v14 =	vld.idx.msk [tilespmem:v14+s2+$0x0], $0xffff  }
0x149: {  	v6 =	vld.idx.msk [tilespmem:v6+s2+$0x0], $0xffff  }
0x14a: {  	[tilespmem:s17+$0xFFFFFFC0] =	vst v2;
	v2 =	vld [tilespmem:$0x1FEC0]  }
0x14b: {  	v12 =	vadd.f32 v12, v28;
	v13 =	vld.idx.msk [tilespmem:v13+s2+$0x0], $0xffff;
	v10 =	vmul.f32 v10, v10  }
0x14c: {  	v5 =	vld.idx.msk [tilespmem:v5+s2+$0x0], $0xffff  }
0x14d: {  	[tilespmem:s17+$0xFFFFFFB0] =	vst v12;
	v12 =	vld [tilespmem:$0x1FEA0];
	v7 =	vadd.f32 v10, v7;
	v10 =	vmul.f32 v11, v11;
	v4 =	vsub.f32 v4, v14  }
0x14e: {  	v15 =	vld.idx.msk [tilespmem:v15+s2+$0x0], $0xffff  }
0x14f: {  	v3 =	vadd.f32 v10, v3;
	v10 =	vmul.f32 v4, v4;
	v4 =	vld [tilespmem:$0x1FEE0]  }
0x150: {  	v6 =	vsub.f32 v6, v13  }
0x151: {  	v11 =	vld [tilespmem:$0x1FEB0]  }
0x152: {  	v13 =	vld.idx.msk [tilespmem:v2+s2+$0x0], $0xffff;
	v6 =	vmul.f32 v6, v6  }
0x153: {  	v2 =	vld [tilespmem:$0x1FED0];
	v5 =	vsub.f32 v5, v15  }
0x154: {  	[tilespmem:s17+$0xFFFFFFD0] =	vst v7;
	v7 =	vadd.f32 v6, v27  }
0x155: {  	v12 =	vld.idx.msk [tilespmem:v12+s2+$0x0], $0xffff;
	v6 =	vmul.f32 v5, v5  }
0x156: {  	[tilespmem:s17+$0xFFFFFFF0] =	vst v7;
	v7 =	vld [tilespmem:$0x1FF00]  }
0x157: {  	v9 =	vadd.f32 v6, v9;
	v6 =	vld.idx.msk [tilespmem:v4+s2+$0x0], $0xffff  }
0x158: {  	v4 =	vld [tilespmem:$0x1FEF0]  }
0x159: {  	v18 =	vor.u32 $0x2, v53;
	v11 =	vld.idx.msk [tilespmem:v11+s2+$0x0], $0xffff  }
0x15a: {  	s18 =	sadd.s32 $0x10, s18  }
0x15b: {  	p0 =	slt.u32 s18, $0x260;
	v15 =	vld.idx.msk [tilespmem:v2+s2+$0x0], $0xffff  }
.Ltmp0:
0x15c: {  	[tilespmem:s17+$0xFFFFFFE0] =	vst v3;
	v3 =	vld.idx.msk [tilespmem:v22+s2+$0x0], $0xffff;
	(pc) =	sbr.rel @p0 .LBB2_2-.Ltmp0, $4  }
0x15d: {  	v2 =	vld.idx.msk [tilespmem:v26+s2+$0x0], $0xffff  }
0x15e: {  	v5 =	vld.idx.msk [tilespmem:v18+s2+$0x0], $0xffff;
	v11 =	vsub.f32 v12, v11  }
0x15f: {  	v7 =	vld.idx.msk [tilespmem:v7+s2+$0x0], $0xffff  }
0x160: {  	s19 =	sadd.s32 $0x100, s19;
	v12 =	vsub.f32 v13, v15;
	v10 =	vadd.f32 v10, v21;
	v11 =	vmul.f32 v11, v11;
	v4 =	vld.idx.msk [tilespmem:v4+s2+$0x0], $0xffff  }
0x161: {  	_ =	sdelay $0x1  }
0x162: {  	v3 =	vsub.f32 v3, v6  }
0x163: {  	v52 =	vmul.f32 v12, v12;
	v2 =	vsub.f32 v2, v5  }
0x164: {  	[tilespmem:s17+$0x0] =	vst v9;
	v53 =	vadd.f32 v11, v30;
	v3 =	vmul.f32 v3, v3;
	v4 =	vsub.f32 v4, v7  }
0x165: {  	[tilespmem:s17+$0x10] =	vst v10;
	v1 =	vadd.f32 v52, v1;
	v2 =	vmul.f32 v2, v2  }
0x166: {  	[tilespmem:s17+$0x20] =	vst v53;
	v55 =	vadd.f32 v3, v29;
	v54 =	vmul.f32 v4, v4  }
0x167: {  	[tilespmem:s17+$0x30] =	vst v1;
	v0 =	vadd.f32 v2, v0  }
0x168: {  	[tilespmem:s17+$0x50] =	vst v55;
	v56 =	vadd.f32 v54, v8  }
0x169: {  	[tilespmem:s17+$0x40] =	vst v0  }
0x16a: {  	[tilespmem:s17+$0x60] =	vst v56  }
0x16b: {  	v0 =	vld [tilespmem:$0xC380]  }
0x16c: {  	v1 =	vld [tilespmem:$0xEB00];
	_ =	sdelay $0x3  }
0x16d: {  	v0 =	vshll.u32 v0, $0x2  }
0x16e: {  	v1 =	vshll.u32 v1, $0x2  }
0x16f: {  	v57 =	vor.u32 $0x1, v0  }
0x170: {  	v58 =	vor.u32 $0x1, v1  }
0x171: {  	v59 =	vor.u32 $0x2, v0  }
0x172: {  	v60 =	vor.u32 $0x2, v1;
	v0 =	vld.idx.msk [tilespmem:v0+s2+$0x0], $0xffff  }
0x173: {  	v1 =	vld.idx.msk [tilespmem:v1+s2+$0x0], $0xffff  }
0x174: {  	v2 =	vld.idx.msk [tilespmem:v57+s2+$0x0], $0xffff  }
0x175: {  	v3 =	vld.idx.msk [tilespmem:v58+s2+$0x0], $0xffff  }
0x176: {  	v4 =	vld.idx.msk [tilespmem:v59+s2+$0x0], $0xffff  }
0x177: {  	v5 =	vld.idx.msk [tilespmem:v60+s2+$0x0], $0xffff;
	_ =	sdelay $0x2  }
0x178: {  	v0 =	vsub.f32 v0, v1;
	v61 =	vsub.f32 v2, v3;
	_ =	sdelay $0x1  }
0x179: {  	v62 =	vsub.f32 v4, v5;
	v0 =	vmul.f32 v0, v0;
	v1 =	vmul.f32 v61, v61;
	_ =	sdelay $0x1  }
0x17a: {  	v63 =	vmul.f32 v62, v62;
	v0 =	vadd.f32 v1, v0;
	_ =	sdelay $0x1  }
0x17b: {  	s15 =	sadd.s32 $0x1, s15;
	v0 =	vadd.f32 v63, v0  }
0x17c: {  	p0 =	sne.s32 s15, s7  }
.Ltmp1:
0x17d: {  	[tilespmem:$0x11280] =	vst v0;
	(pc) =	sbr.rel @p0 .LBB2_1-.Ltmp1, $4  }
0x17e: {  	[hbm4b:s6+s2] =	stream.linear.scatter [tilespmem:s13], [sflag:$0x4], $0x2710, $0x38;
	[tilespmem:$0x11300] =	vst v63  }
0x17f: {  	_ =	swait.ge [sflag:s14], $0x2710  }
0x180: {  	[sflag:s14] =	ssyncset.done $0x0  }
0x181: {  	[sflag:s14] =	ssyncadd.s32 $0xFFFFD8F0  }
0x182: {  	_ =	sfence.sel $0x180000  }
0x183: {  	[bflag:$0x0] =	sbarrier.arrive $0xFFFF  }
0x184: {  	p0 =	sne.s32 s0, $0x0;
	_ =	strace $0x90000047  }
0x185: {  	s0 =	sadd.s32 @!p0 $0x100000, s1;
	[bflag:$0x2] =	sbarrier.arrive $0xFFFF  }
0x186: {  	[sflag:s0] =	ssyncadd.tile.s32 @!p0 $0x1;
	_ =	shalt  }
.Lfunc_end2:
_tile_overlayer_lowered:
.L_overlay_start_2:
0x187: {  	(tag) =	ssettag $0x2  }
0x188: {  	s0 =	rddreg [dreg:$0x0];
	s2 =	stileid.u32  }
0x189: {  	s1 =	rddreg [dreg:$0x1];
	p0 =	sne.s32 s2, $0x0  }
0x18a: {  	s3 =	rddreg [dreg:$0x2];
	[bflag:$0x3] =	sbarrier.arrive $0xFFFF;
	s2 =	simm.s32 @!p0 $0x1C04  }
0x18b: {  	[timem:s3], [sflag:s2] =	dma.local @!p0 [hbm:s0], s1  }
0x18c: {  	s0 =	simm.s32 @!p0 $0x4  }
0x18d: {  	_ =	swait.ge @!p0 [sflag:s0], s1  }
0x18e: {  	s1 =	ssub.s32 @!p0 $0x0, s1;
	[sflag:s0] =	ssyncset.done @!p0 $0x0  }
0x18f: {  	[sflag:s0] =	ssyncadd.s32 @!p0 s1  }
0x190: {  	[bflag:$0x3] =	sbarrier.arrive $0xFFFF  }
0x191: {  	_ =	shalt  }

</sc_bundles>
